<compile_context>
chip_gen: v7x
topology: tpu7x:2x2x1
jax: 0.10.2.dev20260603
libtpu: 0.0.44.dev20260713+nightly
codegen_flags: <defaults>
</compile_context>

<pallas_src>
import jax
import jax.numpy as jnp
from jax import lax
from jax.experimental import pallas as pl
from jax.experimental.pallas import tpu as pltpu
from jax.experimental.pallas import tpu_sc as plsc

V = 100000
D = 64
B = 4096
K = 50
NULL = V - 1

NC = 2
NS = 16
NW = NC * NS
BPW = B // NW
CB = 8
NCHUNK = BPW // CB
CIDX = CB * K
L = 16


def _sc_body(emb, bias, logp, rows, cols, rows2, cols2, pred_out, sums_out,
             colidx, colidx2, rowidx, rowidx2, embcol, erow, nullrow,
             biasrow, logprow, biascol, logpcol, outbuf, sumsbuf,
             sem_a, sem_b):
    wid = lax.axis_index("s") * NC + lax.axis_index("c")
    base = wid * BPW
    lanes = lax.iota(jnp.int32, 16)

    pltpu.sync_copy(rows.at[pl.ds(base, BPW)], rowidx)
    pltpu.sync_copy(rows2.at[pl.ds(base, BPW)], rowidx2)
    pltpu.sync_copy(cols.at[pl.ds(base * K, BPW * K)], colidx)
    pltpu.sync_copy(cols2.at[pl.ds(base * K, BPW * K)], colidx2)
    pltpu.sync_copy(emb.at[pl.ds(2 * NULL, 1)], nullrow)
    h1 = pltpu.async_copy(emb.at[rowidx2], erow, sem_a)
    h2 = pltpu.async_copy(bias.at[rowidx], biasrow, sem_a)
    h3 = pltpu.async_copy(logp.at[rowidx], logprow, sem_a)
    h1.wait()
    h2.wait()
    h3.wait()

    nvec = [nullrow[0, pl.ds(j * L, L)] for j in range(D // L)]

    rs = logprow[pl.ds(0, L)]
    for i in range(1, BPW // L):
        rs = rs + logprow[pl.ds(i * L, L)]
    sumsbuf[pl.ds(0, L)] = rs
    sumsbuf[pl.ds(L, L)] = jnp.zeros((L,), jnp.float32)

    def _fire(i, soff, sem):
        idxsl = colidx.at[pl.ds(i * CIDX, CIDX)]
        idxsl2 = colidx2.at[pl.ds(i * CIDX, CIDX)]
        pltpu.async_copy(emb.at[idxsl2], embcol.at[pl.ds(soff, CIDX)], sem)
        pltpu.async_copy(bias.at[idxsl], biascol.at[pl.ds(soff, CIDX)], sem)
        pltpu.async_copy(logp.at[idxsl], logpcol.at[pl.ds(soff, CIDX)], sem)

    def _drain(soff, sem):
        pltpu.make_async_copy(emb.at[pl.ds(0, CIDX)],
                              embcol.at[pl.ds(soff, CIDX)], sem).wait()
        pltpu.make_async_copy(bias.at[pl.ds(0, CIDX)],
                              biascol.at[pl.ds(soff, CIDX)], sem).wait()
        pltpu.make_async_copy(logp.at[pl.ds(0, CIDX)],
                              logpcol.at[pl.ds(soff, CIDX)], sem).wait()

    def _compute(c, soff):
        @pl.loop(0, CIDX // L)
        def _ls(i):
            plsc.addupdate(sumsbuf.at[pl.ds(L, L)],
                           logpcol[pl.ds(soff + i * L, L)])

        @pl.loop(0, CB)
        def _b(bi):
            bl = c * CB + bi
            blv = jnp.full((L,), bl, jnp.int32)
            avec = [erow[bl, pl.ds(j * L, L)] - nvec[j]
                    for j in range(D // L)]
            br = plsc.load_gather(biasrow, [blv])
            sbp = None
            for j in range(D // L):
                t = avec[j] * nvec[j]
                sbp = t if sbp is None else sbp + t
            sb = jnp.sum(sbp)
            cbase = jnp.full((L,), soff + bi * K, jnp.int32)
            for g in range(4):
                acc = jnp.zeros((L,), jnp.float32)
                for p in range(16):
                    k = g * 16 + p
                    if k >= K:
                        break
                    crow = soff + bi * K + k
                    prod = None
                    for j in range(D // L):
                        cj = embcol[crow, pl.ds(j * L, L)]
                        t = avec[j] * cj
                        prod = t if prod is None else prod + t
                    tot = jnp.sum(prod)
                    acc = jnp.where(lanes == p, tot, acc)
                kvec = lanes + g * 16
                kmask = kvec < K
                kcl = jnp.minimum(kvec, K - 1)
                bc = plsc.load_gather(biascol, [cbase + kcl])
                plsc.store_scatter(outbuf, [blv * K + kvec],
                                   acc - sb + br + bc, mask=kmask)

    _fire(0, 0, sem_a)

    @pl.loop(0, NCHUNK, step=2)
    def _c2(c):
        _fire(c + 1, CIDX, sem_b)
        _drain(0, sem_a)
        _compute(c, 0)

        @pl.when(c + 2 < NCHUNK)
        def _():
            _fire(c + 2, 0, sem_a)

        _drain(CIDX, sem_b)
        _compute(c + 1, CIDX)

    pltpu.sync_copy(outbuf, pred_out.at[pl.ds(base * K, BPW * K)])
    pltpu.sync_copy(sumsbuf, sums_out.at[pl.ds(wid * 32, 32)])


_RB = 2048
_RGRID = (V + _RB - 1) // _RB


def _repack_body(et_ref, out_ref):
    t = et_ref[...].T
    out_ref[...] = jnp.concatenate(
        [t, jnp.zeros((_RB, D), jnp.float32)], axis=1)


def _tc_body(logp_ref, sums_ref, out_ref):
    s_all = jnp.sum(logp_ref[...])
    lane = lax.broadcasted_iota(jnp.int32, (8, 128), 1)
    s = sums_ref[...]
    rowtot = jnp.sum(jnp.where((lane % 32) < 16, s, 0.0))
    coltot = jnp.sum(jnp.where((lane % 32) >= 16, s, 0.0))
    null_lp = logp_ref[NULL]
    val = 0.5 * (rowtot / B + coltot / (B * K) + null_lp + s_all / V)
    out_ref[...] = jnp.broadcast_to(val, (1, 1))


def kernel(emb, biases, logp, row_indices, col_matrix):
    bias_flat = biases.reshape(V)
    cols_flat = jnp.maximum(col_matrix.reshape(B * K), 0)
    rows = row_indices

    emb_wide = pl.pallas_call(
        _repack_body,
        grid=(_RGRID,),
        in_specs=[pl.BlockSpec((D, _RB), lambda g: (0, g))],
        out_specs=pl.BlockSpec((_RB, 2 * D), lambda g: (g, 0)),
        out_shape=jax.ShapeDtypeStruct((V, 2 * D), jnp.float32),
    )(emb.T)
    emb = emb_wide.reshape(2 * V, D)
    rows2 = rows + rows
    cols2_flat = cols_flat + cols_flat

    mesh = plsc.VectorSubcoreMesh(core_axis_name="c", subcore_axis_name="s",
                                  num_cores=NC, num_subcores=NS)
    predflat, sums = pl.kernel(
        _sc_body,
        out_type=(jax.ShapeDtypeStruct((B * K,), jnp.float32),
                  jax.ShapeDtypeStruct((NW * 32,), jnp.float32)),
        mesh=mesh,
        compiler_params=pltpu.CompilerParams(needs_layout_passes=False,
                                             use_tc_tiling_on_sc=False),
        scratch_types=[
            pltpu.VMEM((BPW * K,), jnp.int32),
            pltpu.VMEM((BPW * K,), jnp.int32),
            pltpu.VMEM((BPW,), jnp.int32),
            pltpu.VMEM((BPW,), jnp.int32),
            pltpu.VMEM((2 * CIDX, D), jnp.float32),
            pltpu.VMEM((BPW, D), jnp.float32),
            pltpu.VMEM((1, D), jnp.float32),
            pltpu.VMEM((BPW,), jnp.float32),
            pltpu.VMEM((BPW,), jnp.float32),
            pltpu.VMEM((2 * CIDX,), jnp.float32),
            pltpu.VMEM((2 * CIDX,), jnp.float32),
            pltpu.VMEM((BPW * K,), jnp.float32),
            pltpu.VMEM((32,), jnp.float32),
            pltpu.SemaphoreType.DMA,
            pltpu.SemaphoreType.DMA,
        ],
    )(emb, bias_flat, logp, rows, cols_flat, rows2, cols2_flat)

    sums2d = sums.reshape(8, 128)
    mscal = pl.pallas_call(
        _tc_body,
        out_shape=jax.ShapeDtypeStruct((1, 1), jnp.float32),
    )(logp, sums2d)
    return (predflat.reshape(B, K), mscal[0, 0])

# --- scband reference (transcript-rebuilt; emitter-appended) ---
"""Pipeline reference for scband-glove-model-798863917732 (READ-ONLY COPY).

The authoritative reference and input builder live on the scoring server;
editing this copy changes nothing except your own understanding.
"""

import jax, jax.numpy as jnp
import numpy as np

V = 100000
D = 64
B = 4096
K = 50
NULL = V - 1


def setup_inputs(seed: int = 0) -> dict:
    key = jax.random.key(seed)
    k1, k2, k3, k4, k5 = jax.random.split(key, 5)
    emb = jax.random.normal(k1, (V, D), dtype=jnp.float32)
    biases = jax.random.normal(k2, (V, 1), dtype=jnp.float32) * 0.01
    logp = jax.random.normal(k3, (V,), dtype=jnp.float32)
    row_indices = jax.random.randint(k4, (B,), 0, V)
    col_matrix = jax.random.randint(k5, (B, K), 0, V)
    return {
        'emb': emb,
        'biases': biases,
        'logp': logp,
        'row_indices': row_indices,
        'col_matrix': col_matrix,
    }


def reference(emb, biases, logp, row_indices, col_matrix):
    # graph_embedding(**paths_output) -> target_distances between row/col vertices
    e_row = jnp.take(emb, row_indices, axis=0)[:, None, :]          # [B,1,D]
    e_col = jnp.take(emb, col_matrix, axis=0)                        # [B,K,D]
    distances = jnp.sqrt(jnp.sum((e_row - e_col) ** 2, axis=-1) + 1e-12)  # [B,K]
    # logp_target_paths for the sampled paths (per-vertex log-prob gather)
    logp_paths = jnp.take(logp, row_indices)[:, None] + jnp.take(logp, col_matrix)  # [B,K]
    # bias embedding lookups (nn.Embedding(num_vertices, 1))
    row_bias = jnp.take(biases, row_indices, axis=0)                 # [B,1]
    col_bias = jnp.take(biases, col_matrix, axis=0)[..., 0]          # [B,K]
    # vertex_norms_output: distances from null_vertex to ALL vertices
    null_emb = emb[NULL]
    vertex_norms = jnp.sqrt(jnp.sum((emb - null_emb[None, :]) ** 2, axis=-1) + 1e-12)  # [V]
    logp_norms = logp[NULL] + logp                                   # [V]
    # DOT_PRODUCT co-occurrence mode
    row_norms = jnp.take(vertex_norms, row_indices)[:, None]         # [B,1]
    col_norms = jnp.take(vertex_norms, col_matrix)                   # [B,K]
    dot_products = 0.5 * (row_norms ** 2 + col_norms ** 2 - distances ** 2)
    mean_logp_paths = 0.5 * (jnp.mean(logp_paths) + jnp.mean(logp_norms))
    prediction = row_bias + col_bias + dot_products                  # [B,K]
    return (prediction, mean_logp_paths)

if __name__ == "__main__":
    import jax
    _d = setup_inputs()
    print(jax.jit(kernel)(*tuple(_d.values())))

</pallas_src>

<mosaic_0001>
#map = affine_map<(d0, d1) -> (0, 0)>
#map1 = affine_map<(d0, d1) -> (0)>
module attributes {stable_mosaic.version = 14 : i64} {
  func.func @_sc_body(%arg0: i32, %arg1: i32, %arg2: memref<200000x64xf32, #tpu.memory_space<hbm>>, %arg3: memref<100000xf32, #tpu.memory_space<hbm>>, %arg4: memref<100000xf32, #tpu.memory_space<hbm>>, %arg5: memref<4096xi32, #tpu.memory_space<hbm>>, %arg6: memref<204800xi32, #tpu.memory_space<hbm>>, %arg7: memref<4096xi32, #tpu.memory_space<hbm>>, %arg8: memref<204800xi32, #tpu.memory_space<hbm>>, %arg9: memref<204800xf32, #tpu.memory_space<hbm>>, %arg10: memref<1024xf32, #tpu.memory_space<hbm>>, %arg11: memref<6400xi32, #tpu.memory_space<vmem>>, %arg12: memref<6400xi32, #tpu.memory_space<vmem>>, %arg13: memref<128xi32, #tpu.memory_space<vmem>>, %arg14: memref<128xi32, #tpu.memory_space<vmem>>, %arg15: memref<800x64xf32, #tpu.memory_space<vmem>>, %arg16: memref<128x64xf32, #tpu.memory_space<vmem>>, %arg17: memref<1x64xf32, #tpu.memory_space<vmem>>, %arg18: memref<128xf32, #tpu.memory_space<vmem>>, %arg19: memref<128xf32, #tpu.memory_space<vmem>>, %arg20: memref<800xf32, #tpu.memory_space<vmem>>, %arg21: memref<800xf32, #tpu.memory_space<vmem>>, %arg22: memref<6400xf32, #tpu.memory_space<vmem>>, %arg23: memref<32xf32, #tpu.memory_space<vmem>>, %arg24: memref<!tpu.dma_semaphore, #tpu.memory_space<semaphore_mem>>, %arg25: memref<!tpu.dma_semaphore, #tpu.memory_space<semaphore_mem>>) attributes {dimension_semantics = [#tpu.dimension_semantics<core_parallel>, #tpu.dimension_semantics<subcore_parallel>], iteration_bounds = array<i64: 2, 16>, scalar_prefetch = 0 : i64, scratch_operands = 15 : i64, tpu.core_type = #tpu.core_type<sc_vector_subcore>, window_params = [{transform_indices = #map}, {transform_indices = #map1}, {transform_indices = #map1}, {transform_indices = #map1}, {transform_indices = #map1}, {transform_indices = #map1}, {transform_indices = #map1}, {transform_indices = #map1}, {transform_indices = #map1}]} {
    %mul3A = arith.constant 2 : i32
    %mul3A_0 = arith.muli %arg1, %mul3A : i32
    %add3A = arith.addi %mul3A_0, %arg0 : i32
    %mul3A_1 = arith.constant 128 : i32
    %mul3A_2 = arith.muli %add3A, %mul3A_1 : i32
    %iota3A = tpu.iota {dimensions = array<i32: 0>} : vector<16xi32>
    "tpu.region"() ({
      %run_scoped3A = tpu.sem_alloc : memref<!tpu.dma_semaphore, #tpu.memory_space<semaphore_mem>>
      %dma_start3A_89 = tpu.memref_slice %arg5[%mul3A_2] : memref<4096xi32, #tpu.memory_space<hbm>> -> memref<128xi32, #tpu.memory_space<hbm>>
      %dma_start3A_90 = tpu.memref_slice %arg5[%mul3A_2] : memref<4096xi32, #tpu.memory_space<hbm>> -> memref<128xi32, #tpu.memory_space<hbm>>
      tpu.enqueue_dma source(%dma_start3A_90 : memref<128xi32, #tpu.memory_space<hbm>>) target(%arg13 : memref<128xi32, #tpu.memory_space<vmem>>) target_semaphore(%run_scoped3A : memref<!tpu.dma_semaphore, #tpu.memory_space<semaphore_mem>>)
      %dma_wait3A_91 = tpu.memref_slice %arg5[%mul3A_2] : memref<4096xi32, #tpu.memory_space<hbm>> -> memref<128xi32, #tpu.memory_space<hbm>>
      %dma_wait3A_92 = tpu.memref_slice %arg5[%mul3A_2] : memref<4096xi32, #tpu.memory_space<hbm>> -> memref<128xi32, #tpu.memory_space<hbm>>
      tpu.wait_dma2 semaphore(%run_scoped3A : memref<!tpu.dma_semaphore, #tpu.memory_space<semaphore_mem>>) src(%dma_wait3A_92 : memref<128xi32, #tpu.memory_space<hbm>>) dst(%arg13 : memref<128xi32, #tpu.memory_space<vmem>>)
      tpu.yield
    }) : () -> ()
    "tpu.region"() ({
      %run_scoped3A = tpu.sem_alloc : memref<!tpu.dma_semaphore, #tpu.memory_space<semaphore_mem>>
      %dma_start3A_89 = tpu.memref_slice %arg7[%mul3A_2] : memref<4096xi32, #tpu.memory_space<hbm>> -> memref<128xi32, #tpu.memory_space<hbm>>
      %dma_start3A_90 = tpu.memref_slice %arg7[%mul3A_2] : memref<4096xi32, #tpu.memory_space<hbm>> -> memref<128xi32, #tpu.memory_space<hbm>>
      tpu.enqueue_dma source(%dma_start3A_90 : memref<128xi32, #tpu.memory_space<hbm>>) target(%arg14 : memref<128xi32, #tpu.memory_space<vmem>>) target_semaphore(%run_scoped3A : memref<!tpu.dma_semaphore, #tpu.memory_space<semaphore_mem>>)
      %dma_wait3A_91 = tpu.memref_slice %arg7[%mul3A_2] : memref<4096xi32, #tpu.memory_space<hbm>> -> memref<128xi32, #tpu.memory_space<hbm>>
      %dma_wait3A_92 = tpu.memref_slice %arg7[%mul3A_2] : memref<4096xi32, #tpu.memory_space<hbm>> -> memref<128xi32, #tpu.memory_space<hbm>>
      tpu.wait_dma2 semaphore(%run_scoped3A : memref<!tpu.dma_semaphore, #tpu.memory_space<semaphore_mem>>) src(%dma_wait3A_92 : memref<128xi32, #tpu.memory_space<hbm>>) dst(%arg14 : memref<128xi32, #tpu.memory_space<vmem>>)
      tpu.yield
    }) : () -> ()
    %mul3A_3 = arith.constant 50 : i32
    %mul3A_4 = arith.muli %mul3A_2, %mul3A_3 : i32
    "tpu.region"() ({
      %run_scoped3A = tpu.sem_alloc : memref<!tpu.dma_semaphore, #tpu.memory_space<semaphore_mem>>
      %dma_start3A_89 = tpu.memref_slice %arg6[%mul3A_4] : memref<204800xi32, #tpu.memory_space<hbm>> -> memref<6400xi32, #tpu.memory_space<hbm>>
      %dma_start3A_90 = tpu.memref_slice %arg6[%mul3A_4] : memref<204800xi32, #tpu.memory_space<hbm>> -> memref<6400xi32, #tpu.memory_space<hbm>>
      tpu.enqueue_dma source(%dma_start3A_90 : memref<6400xi32, #tpu.memory_space<hbm>>) target(%arg11 : memref<6400xi32, #tpu.memory_space<vmem>>) target_semaphore(%run_scoped3A : memref<!tpu.dma_semaphore, #tpu.memory_space<semaphore_mem>>)
      %dma_wait3A_91 = tpu.memref_slice %arg6[%mul3A_4] : memref<204800xi32, #tpu.memory_space<hbm>> -> memref<6400xi32, #tpu.memory_space<hbm>>
      %dma_wait3A_92 = tpu.memref_slice %arg6[%mul3A_4] : memref<204800xi32, #tpu.memory_space<hbm>> -> memref<6400xi32, #tpu.memory_space<hbm>>
      tpu.wait_dma2 semaphore(%run_scoped3A : memref<!tpu.dma_semaphore, #tpu.memory_space<semaphore_mem>>) src(%dma_wait3A_92 : memref<6400xi32, #tpu.memory_space<hbm>>) dst(%arg11 : memref<6400xi32, #tpu.memory_space<vmem>>)
      tpu.yield
    }) : () -> ()
    %mul3A_5 = arith.constant 50 : i32
    %mul3A_6 = arith.muli %mul3A_2, %mul3A_5 : i32
    "tpu.region"() ({
      %run_scoped3A = tpu.sem_alloc : memref<!tpu.dma_semaphore, #tpu.memory_space<semaphore_mem>>
      %dma_start3A_89 = tpu.memref_slice %arg8[%mul3A_6] : memref<204800xi32, #tpu.memory_space<hbm>> -> memref<6400xi32, #tpu.memory_space<hbm>>
      %dma_start3A_90 = tpu.memref_slice %arg8[%mul3A_6] : memref<204800xi32, #tpu.memory_space<hbm>> -> memref<6400xi32, #tpu.memory_space<hbm>>
      tpu.enqueue_dma source(%dma_start3A_90 : memref<6400xi32, #tpu.memory_space<hbm>>) target(%arg12 : memref<6400xi32, #tpu.memory_space<vmem>>) target_semaphore(%run_scoped3A : memref<!tpu.dma_semaphore, #tpu.memory_space<semaphore_mem>>)
      %dma_wait3A_91 = tpu.memref_slice %arg8[%mul3A_6] : memref<204800xi32, #tpu.memory_space<hbm>> -> memref<6400xi32, #tpu.memory_space<hbm>>
      %dma_wait3A_92 = tpu.memref_slice %arg8[%mul3A_6] : memref<204800xi32, #tpu.memory_space<hbm>> -> memref<6400xi32, #tpu.memory_space<hbm>>
      tpu.wait_dma2 semaphore(%run_scoped3A : memref<!tpu.dma_semaphore, #tpu.memory_space<semaphore_mem>>) src(%dma_wait3A_92 : memref<6400xi32, #tpu.memory_space<hbm>>) dst(%arg12 : memref<6400xi32, #tpu.memory_space<vmem>>)
      tpu.yield
    }) : () -> ()
    "tpu.region"() ({
      %run_scoped3A = tpu.sem_alloc : memref<!tpu.dma_semaphore, #tpu.memory_space<semaphore_mem>>
      %dma_start3A_89 = arith.constant 199998 : i32
      %dma_start3A_90 = arith.constant 0 : i32
      %dma_start3A_91 = tpu.memref_slice %arg2[%dma_start3A_89, %dma_start3A_90] : memref<200000x64xf32, #tpu.memory_space<hbm>> -> memref<1x64xf32, #tpu.memory_space<hbm>>
      %dma_start3A_92 = arith.constant 199998 : i32
      %dma_start3A_93 = arith.constant 0 : i32
      %dma_start3A_94 = tpu.memref_slice %arg2[%dma_start3A_92, %dma_start3A_93] : memref<200000x64xf32, #tpu.memory_space<hbm>> -> memref<1x64xf32, #tpu.memory_space<hbm>>
      tpu.enqueue_dma source(%dma_start3A_94 : memref<1x64xf32, #tpu.memory_space<hbm>>) target(%arg17 : memref<1x64xf32, #tpu.memory_space<vmem>>) target_semaphore(%run_scoped3A : memref<!tpu.dma_semaphore, #tpu.memory_space<semaphore_mem>>)
      %dma_wait3A_95 = arith.constant 199998 : i32
      %dma_wait3A_96 = arith.constant 0 : i32
      %dma_wait3A_97 = tpu.memref_slice %arg2[%dma_wait3A_95, %dma_wait3A_96] : memref<200000x64xf32, #tpu.memory_space<hbm>> -> memref<1x64xf32, #tpu.memory_space<hbm>>
      %dma_wait3A_98 = arith.constant 199998 : i32
      %dma_wait3A_99 = arith.constant 0 : i32
      %dma_wait3A_100 = tpu.memref_slice %arg2[%dma_wait3A_98, %dma_wait3A_99] : memref<200000x64xf32, #tpu.memory_space<hbm>> -> memref<1x64xf32, #tpu.memory_space<hbm>>
      tpu.wait_dma2 semaphore(%run_scoped3A : memref<!tpu.dma_semaphore, #tpu.memory_space<semaphore_mem>>) src(%dma_wait3A_100 : memref<1x64xf32, #tpu.memory_space<hbm>>) dst(%arg17 : memref<1x64xf32, #tpu.memory_space<vmem>>)
      tpu.yield
    }) : () -> ()
    %dma_start3A = arith.constant 0 : i32
    %dma_start3A_7 = arith.constant 0 : i32
    %dma_start3A_8 = tpu.memref_slice %arg2[%dma_start3A, %dma_start3A_7] : memref<200000x64xf32, #tpu.memory_space<hbm>> -> memref<200000x64xf32, #tpu.memory_space<hbm>>
    tpu.enqueue_indirect_dma source(%dma_start3A_8 : memref<200000x64xf32, #tpu.memory_space<hbm>>) target(%arg16 : memref<128x64xf32, #tpu.memory_space<vmem>>) offsets(%arg14 : memref<128xi32, #tpu.memory_space<vmem>>) semaphore(%arg24 : memref<!tpu.dma_semaphore, #tpu.memory_space<semaphore_mem>>)
    %dma_start3A_9 = arith.constant 0 : i32
    %dma_start3A_10 = tpu.memref_slice %arg3[%dma_start3A_9] : memref<100000xf32, #tpu.memory_space<hbm>> -> memref<100000xf32, #tpu.memory_space<hbm>>
    tpu.enqueue_indirect_dma source(%dma_start3A_10 : memref<100000xf32, #tpu.memory_space<hbm>>) target(%arg18 : memref<128xf32, #tpu.memory_space<vmem>>) offsets(%arg13 : memref<128xi32, #tpu.memory_space<vmem>>) semaphore(%arg24 : memref<!tpu.dma_semaphore, #tpu.memory_space<semaphore_mem>>)
    %dma_start3A_11 = arith.constant 0 : i32
    %dma_start3A_12 = tpu.memref_slice %arg4[%dma_start3A_11] : memref<100000xf32, #tpu.memory_space<hbm>> -> memref<100000xf32, #tpu.memory_space<hbm>>
    tpu.enqueue_indirect_dma source(%dma_start3A_12 : memref<100000xf32, #tpu.memory_space<hbm>>) target(%arg19 : memref<128xf32, #tpu.memory_space<vmem>>) offsets(%arg13 : memref<128xi32, #tpu.memory_space<vmem>>) semaphore(%arg24 : memref<!tpu.dma_semaphore, #tpu.memory_space<semaphore_mem>>)
    %dma_wait3A = arith.constant 0 : i32
    %dma_wait3A_13 = arith.constant 0 : i32
    %dma_wait3A_14 = tpu.memref_slice %arg2[%dma_wait3A, %dma_wait3A_13] : memref<200000x64xf32, #tpu.memory_space<hbm>> -> memref<200000x64xf32, #tpu.memory_space<hbm>>
    tpu.wait_indirect_dma semaphore(%arg24 : memref<!tpu.dma_semaphore, #tpu.memory_space<semaphore_mem>>) src(%dma_wait3A_14 : memref<200000x64xf32, #tpu.memory_space<hbm>>) dst(%arg16 : memref<128x64xf32, #tpu.memory_space<vmem>>)
    %dma_wait3A_15 = arith.constant 0 : i32
    %dma_wait3A_16 = tpu.memref_slice %arg3[%dma_wait3A_15] : memref<100000xf32, #tpu.memory_space<hbm>> -> memref<100000xf32, #tpu.memory_space<hbm>>
    tpu.wait_indirect_dma semaphore(%arg24 : memref<!tpu.dma_semaphore, #tpu.memory_space<semaphore_mem>>) src(%dma_wait3A_16 : memref<100000xf32, #tpu.memory_space<hbm>>) dst(%arg18 : memref<128xf32, #tpu.memory_space<vmem>>)
    %dma_wait3A_17 = arith.constant 0 : i32
    %dma_wait3A_18 = tpu.memref_slice %arg4[%dma_wait3A_17] : memref<100000xf32, #tpu.memory_space<hbm>> -> memref<100000xf32, #tpu.memory_space<hbm>>
    tpu.wait_indirect_dma semaphore(%arg24 : memref<!tpu.dma_semaphore, #tpu.memory_space<semaphore_mem>>) src(%dma_wait3A_18 : memref<100000xf32, #tpu.memory_space<hbm>>) dst(%arg19 : memref<128xf32, #tpu.memory_space<vmem>>)
    %get3A = arith.constant 0 : i32
    %get3A_19 = arith.index_cast %get3A : i32 to index
    %get3A_20 = arith.constant 0 : index
    %get3A_21 = tpu.vector_load %arg17[%get3A_19, %get3A_20] {strides = array<i32>} : memref<1x64xf32, #tpu.memory_space<vmem>>, vector<16xf32>,
    %get3A_22 = arith.constant 0 : i32
    %get3A_23 = arith.index_cast %get3A_22 : i32 to index
    %get3A_24 = arith.constant 16 : index
    %get3A_25 = tpu.vector_load %arg17[%get3A_23, %get3A_24] {strides = array<i32>} : memref<1x64xf32, #tpu.memory_space<vmem>>, vector<16xf32>,
    %get3A_26 = arith.constant 0 : i32
    %get3A_27 = arith.index_cast %get3A_26 : i32 to index
    %get3A_28 = arith.constant 32 : index
    %get3A_29 = tpu.vector_load %arg17[%get3A_27, %get3A_28] {strides = array<i32>} : memref<1x64xf32, #tpu.memory_space<vmem>>, vector<16xf32>,
    %get3A_30 = arith.constant 0 : i32
    %get3A_31 = arith.index_cast %get3A_30 : i32 to index
    %get3A_32 = arith.constant 48 : index
    %get3A_33 = tpu.vector_load %arg17[%get3A_31, %get3A_32] {strides = array<i32>} : memref<1x64xf32, #tpu.memory_space<vmem>>, vector<16xf32>,
    %get3A_34 = arith.constant 0 : index
    %get3A_35 = tpu.vector_load %arg19[%get3A_34] {strides = array<i32>} : memref<128xf32, #tpu.memory_space<vmem>>, vector<16xf32>,
    %get3A_36 = arith.constant 16 : index
    %get3A_37 = tpu.vector_load %arg19[%get3A_36] {strides = array<i32>} : memref<128xf32, #tpu.memory_space<vmem>>, vector<16xf32>,
    %add3A_38 = arith.addf %get3A_35, %get3A_37 : vector<16xf32>
    %get3A_39 = arith.constant 32 : index
    %get3A_40 = tpu.vector_load %arg19[%get3A_39] {strides = array<i32>} : memref<128xf32, #tpu.memory_space<vmem>>, vector<16xf32>,
    %add3A_41 = arith.addf %add3A_38, %get3A_40 : vector<16xf32>
    %get3A_42 = arith.constant 48 : index
    %get3A_43 = tpu.vector_load %arg19[%get3A_42] {strides = array<i32>} : memref<128xf32, #tpu.memory_space<vmem>>, vector<16xf32>,
    %add3A_44 = arith.addf %add3A_41, %get3A_43 : vector<16xf32>
    %get3A_45 = arith.constant 64 : index
    %get3A_46 = tpu.vector_load %arg19[%get3A_45] {strides = array<i32>} : memref<128xf32, #tpu.memory_space<vmem>>, vector<16xf32>,
    %add3A_47 = arith.addf %add3A_44, %get3A_46 : vector<16xf32>
    %get3A_48 = arith.constant 80 : index
    %get3A_49 = tpu.vector_load %arg19[%get3A_48] {strides = array<i32>} : memref<128xf32, #tpu.memory_space<vmem>>, vector<16xf32>,
    %add3A_50 = arith.addf %add3A_47, %get3A_49 : vector<16xf32>
    %get3A_51 = arith.constant 96 : index
    %get3A_52 = tpu.vector_load %arg19[%get3A_51] {strides = array<i32>} : memref<128xf32, #tpu.memory_space<vmem>>, vector<16xf32>,
    %add3A_53 = arith.addf %add3A_50, %get3A_52 : vector<16xf32>
    %get3A_54 = arith.constant 112 : index
    %get3A_55 = tpu.vector_load %arg19[%get3A_54] {strides = array<i32>} : memref<128xf32, #tpu.memory_space<vmem>>, vector<16xf32>,
    %add3A_56 = arith.addf %add3A_53, %get3A_55 : vector<16xf32>
    %swap3A = arith.constant 0 : index
    %swap3A_57 = tpu.vector_load %arg23[%swap3A] {strides = array<i32>} : memref<32xf32, #tpu.memory_space<vmem>>, vector<16xf32>,
    tpu.vector_store %arg23[%swap3A], %add3A_56 {strides = array<i32>} : memref<32xf32, #tpu.memory_space<vmem>>, vector<16xf32>,
    %broadcast_in_dim3A = arith.constant 0.000000e+00 : f32
    %broadcast_in_dim3A_58 = vector.broadcast %broadcast_in_dim3A : f32 to vector<16xf32>
    %swap3A_59 = arith.constant 16 : index
    %swap3A_60 = tpu.vector_load %arg23[%swap3A_59] {strides = array<i32>} : memref<32xf32, #tpu.memory_space<vmem>>, vector<16xf32>,
    tpu.vector_store %arg23[%swap3A_59], %broadcast_in_dim3A_58 {strides = array<i32>} : memref<32xf32, #tpu.memory_space<vmem>>, vector<16xf32>,
    %dma_start3A_61 = arith.constant 0 : i32
    %dma_start3A_62 = arith.constant 0 : i32
    %dma_start3A_63 = tpu.memref_slice %arg15[%dma_start3A_61, %dma_start3A_62] : memref<800x64xf32, #tpu.memory_space<vmem>> -> memref<400x64xf32, #tpu.memory_space<vmem>>
    %dma_start3A_64 = arith.constant 0 : i32
    %dma_start3A_65 = tpu.memref_slice %arg12[%dma_start3A_64] : memref<6400xi32, #tpu.memory_space<vmem>> -> memref<400xi32, #tpu.memory_space<vmem>>
    %dma_start3A_66 = arith.constant 0 : i32
    %dma_start3A_67 = arith.constant 0 : i32
    %dma_start3A_68 = tpu.memref_slice %arg2[%dma_start3A_66, %dma_start3A_67] : memref<200000x64xf32, #tpu.memory_space<hbm>> -> memref<200000x64xf32, #tpu.memory_space<hbm>>
    tpu.enqueue_indirect_dma source(%dma_start3A_68 : memref<200000x64xf32, #tpu.memory_space<hbm>>) target(%dma_start3A_63 : memref<400x64xf32, #tpu.memory_space<vmem>>) offsets(%dma_start3A_65 : memref<400xi32, #tpu.memory_space<vmem>>) semaphore(%arg24 : memref<!tpu.dma_semaphore, #tpu.memory_space<semaphore_mem>>)
    %dma_start3A_69 = arith.constant 0 : i32
    %dma_start3A_70 = tpu.memref_slice %arg20[%dma_start3A_69] : memref<800xf32, #tpu.memory_space<vmem>> -> memref<400xf32, #tpu.memory_space<vmem>>
    %dma_start3A_71 = arith.constant 0 : i32
    %dma_start3A_72 = tpu.memref_slice %arg11[%dma_start3A_71] : memref<6400xi32, #tpu.memory_space<vmem>> -> memref<400xi32, #tpu.memory_space<vmem>>
    %dma_start3A_73 = arith.constant 0 : i32
    %dma_start3A_74 = tpu.memref_slice %arg3[%dma_start3A_73] : memref<100000xf32, #tpu.memory_space<hbm>> -> memref<100000xf32, #tpu.memory_space<hbm>>
    tpu.enqueue_indirect_dma source(%dma_start3A_74 : memref<100000xf32, #tpu.memory_space<hbm>>) target(%dma_start3A_70 : memref<400xf32, #tpu.memory_space<vmem>>) offsets(%dma_start3A_72 : memref<400xi32, #tpu.memory_space<vmem>>) semaphore(%arg24 : memref<!tpu.dma_semaphore, #tpu.memory_space<semaphore_mem>>)
    %dma_start3A_75 = arith.constant 0 : i32
    %dma_start3A_76 = tpu.memref_slice %arg21[%dma_start3A_75] : memref<800xf32, #tpu.memory_space<vmem>> -> memref<400xf32, #tpu.memory_space<vmem>>
    %dma_start3A_77 = arith.constant 0 : i32
    %dma_start3A_78 = tpu.memref_slice %arg11[%dma_start3A_77] : memref<6400xi32, #tpu.memory_space<vmem>> -> memref<400xi32, #tpu.memory_space<vmem>>
    %dma_start3A_79 = arith.constant 0 : i32
    %dma_start3A_80 = tpu.memref_slice %arg4[%dma_start3A_79] : memref<100000xf32, #tpu.memory_space<hbm>> -> memref<100000xf32, #tpu.memory_space<hbm>>
    tpu.enqueue_indirect_dma source(%dma_start3A_80 : memref<100000xf32, #tpu.memory_space<hbm>>) target(%dma_start3A_76 : memref<400xf32, #tpu.memory_space<vmem>>) offsets(%dma_start3A_78 : memref<400xi32, #tpu.memory_space<vmem>>) semaphore(%arg24 : memref<!tpu.dma_semaphore, #tpu.memory_space<semaphore_mem>>)
    %scan3A = arith.constant 0 : i32
    %scan3A_81 = arith.constant 8 : i32
    %scan3A_82 = arith.addi %scan3A, %scan3A_81 : i32
    %scan3A_83 = arith.constant 1 : i32
    scf.for %scan3A_89 = %scan3A to %scan3A_82 step %scan3A_83  : i32 {
      %mul3A_90 = arith.constant 2 : i32
      %mul3A_91 = arith.muli %scan3A_89, %mul3A_90 : i32
      %add3A_92 = arith.constant 0 : i32
      %add3A_93 = arith.addi %add3A_92, %mul3A_91 : i32
      %add3A_94 = arith.constant 1 : i32
      %add3A_95 = arith.addi %add3A_93, %add3A_94 : i32
      %mul3A_96 = arith.constant 400 : i32
      %mul3A_97 = arith.muli %add3A_95, %mul3A_96 : i32
      %mul3A_98 = arith.constant 400 : i32
      %mul3A_99 = arith.muli %add3A_95, %mul3A_98 : i32
      %dma_start3A_100 = arith.constant 400 : i32
      %dma_start3A_101 = arith.constant 0 : i32
      %dma_start3A_102 = tpu.memref_slice %arg15[%dma_start3A_100, %dma_start3A_101] : memref<800x64xf32, #tpu.memory_space<vmem>> -> memref<400x64xf32, #tpu.memory_space<vmem>>
      %dma_start3A_103 = tpu.memref_slice %arg12[%mul3A_99] : memref<6400xi32, #tpu.memory_space<vmem>> -> memref<400xi32, #tpu.memory_space<vmem>>
      %dma_start3A_104 = arith.constant 0 : i32
      %dma_start3A_105 = arith.constant 0 : i32
      %dma_start3A_106 = tpu.memref_slice %arg2[%dma_start3A_104, %dma_start3A_105] : memref<200000x64xf32, #tpu.memory_space<hbm>> -> memref<200000x64xf32, #tpu.memory_space<hbm>>
      tpu.enqueue_indirect_dma source(%dma_start3A_106 : memref<200000x64xf32, #tpu.memory_space<hbm>>) target(%dma_start3A_102 : memref<400x64xf32, #tpu.memory_space<vmem>>) offsets(%dma_start3A_103 : memref<400xi32, #tpu.memory_space<vmem>>) semaphore(%arg25 : memref<!tpu.dma_semaphore, #tpu.memory_space<semaphore_mem>>)
      %dma_start3A_107 = arith.constant 400 : i32
      %dma_start3A_108 = tpu.memref_slice %arg20[%dma_start3A_107] : memref<800xf32, #tpu.memory_space<vmem>> -> memref<400xf32, #tpu.memory_space<vmem>>
      %dma_start3A_109 = tpu.memref_slice %arg11[%mul3A_97] : memref<6400xi32, #tpu.memory_space<vmem>> -> memref<400xi32, #tpu.memory_space<vmem>>
      %dma_start3A_110 = arith.constant 0 : i32
      %dma_start3A_111 = tpu.memref_slice %arg3[%dma_start3A_110] : memref<100000xf32, #tpu.memory_space<hbm>> -> memref<100000xf32, #tpu.memory_space<hbm>>
      tpu.enqueue_indirect_dma source(%dma_start3A_111 : memref<100000xf32, #tpu.memory_space<hbm>>) target(%dma_start3A_108 : memref<400xf32, #tpu.memory_space<vmem>>) offsets(%dma_start3A_109 : memref<400xi32, #tpu.memory_space<vmem>>) semaphore(%arg25 : memref<!tpu.dma_semaphore, #tpu.memory_space<semaphore_mem>>)
      %dma_start3A_112 = arith.constant 400 : i32
      %dma_start3A_113 = tpu.memref_slice %arg21[%dma_start3A_112] : memref<800xf32, #tpu.memory_space<vmem>> -> memref<400xf32, #tpu.memory_space<vmem>>
      %dma_start3A_114 = tpu.memref_slice %arg11[%mul3A_97] : memref<6400xi32, #tpu.memory_space<vmem>> -> memref<400xi32, #tpu.memory_space<vmem>>
      %dma_start3A_115 = arith.constant 0 : i32
      %dma_start3A_116 = tpu.memref_slice %arg4[%dma_start3A_115] : memref<100000xf32, #tpu.memory_space<hbm>> -> memref<100000xf32, #tpu.memory_space<hbm>>
      tpu.enqueue_indirect_dma source(%dma_start3A_116 : memref<100000xf32, #tpu.memory_space<hbm>>) target(%dma_start3A_113 : memref<400xf32, #tpu.memory_space<vmem>>) offsets(%dma_start3A_114 : memref<400xi32, #tpu.memory_space<vmem>>) semaphore(%arg25 : memref<!tpu.dma_semaphore, #tpu.memory_space<semaphore_mem>>)
      %dma_wait3A_117 = arith.constant 0 : i32
      %dma_wait3A_118 = arith.constant 0 : i32
      %dma_wait3A_119 = tpu.memref_slice %arg15[%dma_wait3A_117, %dma_wait3A_118] : memref<800x64xf32, #tpu.memory_space<vmem>> -> memref<400x64xf32, #tpu.memory_space<vmem>>
      %dma_wait3A_120 = arith.constant 0 : i32
      %dma_wait3A_121 = arith.constant 0 : i32
      %dma_wait3A_122 = tpu.memref_slice %arg2[%dma_wait3A_120, %dma_wait3A_121] : memref<200000x64xf32, #tpu.memory_space<hbm>> -> memref<400x64xf32, #tpu.memory_space<hbm>>
      %dma_wait3A_123 = arith.constant 0 : i32
      %dma_wait3A_124 = arith.constant 0 : i32
      %dma_wait3A_125 = tpu.memref_slice %arg15[%dma_wait3A_123, %dma_wait3A_124] : memref<800x64xf32, #tpu.memory_space<vmem>> -> memref<400x64xf32, #tpu.memory_space<vmem>>
      %dma_wait3A_126 = arith.constant 0 : i32
      %dma_wait3A_127 = arith.constant 0 : i32
      %dma_wait3A_128 = tpu.memref_slice %arg2[%dma_wait3A_126, %dma_wait3A_127] : memref<200000x64xf32, #tpu.memory_space<hbm>> -> memref<400x64xf32, #tpu.memory_space<hbm>>
      tpu.wait_dma2 semaphore(%arg24 : memref<!tpu.dma_semaphore, #tpu.memory_space<semaphore_mem>>) src(%dma_wait3A_128 : memref<400x64xf32, #tpu.memory_space<hbm>>) dst(%dma_wait3A_125 : memref<400x64xf32, #tpu.memory_space<vmem>>)
      %dma_wait3A_129 = arith.constant 0 : i32
      %dma_wait3A_130 = tpu.memref_slice %arg20[%dma_wait3A_129] : memref<800xf32, #tpu.memory_space<vmem>> -> memref<400xf32, #tpu.memory_space<vmem>>
      %dma_wait3A_131 = arith.constant 0 : i32
      %dma_wait3A_132 = tpu.memref_slice %arg3[%dma_wait3A_131] : memref<100000xf32, #tpu.memory_space<hbm>> -> memref<400xf32, #tpu.memory_space<hbm>>
      %dma_wait3A_133 = arith.constant 0 : i32
      %dma_wait3A_134 = tpu.memref_slice %arg20[%dma_wait3A_133] : memref<800xf32, #tpu.memory_space<vmem>> -> memref<400xf32, #tpu.memory_space<vmem>>
      %dma_wait3A_135 = arith.constant 0 : i32
      %dma_wait3A_136 = tpu.memref_slice %arg3[%dma_wait3A_135] : memref<100000xf32, #tpu.memory_space<hbm>> -> memref<400xf32, #tpu.memory_space<hbm>>
      tpu.wait_dma2 semaphore(%arg24 : memref<!tpu.dma_semaphore, #tpu.memory_space<semaphore_mem>>) src(%dma_wait3A_136 : memref<400xf32, #tpu.memory_space<hbm>>) dst(%dma_wait3A_134 : memref<400xf32, #tpu.memory_space<vmem>>)
      %dma_wait3A_137 = arith.constant 0 : i32
      %dma_wait3A_138 = tpu.memref_slice %arg21[%dma_wait3A_137] : memref<800xf32, #tpu.memory_space<vmem>> -> memref<400xf32, #tpu.memory_space<vmem>>
      %dma_wait3A_139 = arith.constant 0 : i32
      %dma_wait3A_140 = tpu.memref_slice %arg4[%dma_wait3A_139] : memref<100000xf32, #tpu.memory_space<hbm>> -> memref<400xf32, #tpu.memory_space<hbm>>
      %dma_wait3A_141 = arith.constant 0 : i32
      %dma_wait3A_142 = tpu.memref_slice %arg21[%dma_wait3A_141] : memref<800xf32, #tpu.memory_space<vmem>> -> memref<400xf32, #tpu.memory_space<vmem>>
      %dma_wait3A_143 = arith.constant 0 : i32
      %dma_wait3A_144 = tpu.memref_slice %arg4[%dma_wait3A_143] : memref<100000xf32, #tpu.memory_space<hbm>> -> memref<400xf32, #tpu.memory_space<hbm>>
      tpu.wait_dma2 semaphore(%arg24 : memref<!tpu.dma_semaphore, #tpu.memory_space<semaphore_mem>>) src(%dma_wait3A_144 : memref<400xf32, #tpu.memory_space<hbm>>) dst(%dma_wait3A_142 : memref<400xf32, #tpu.memory_space<vmem>>)
      %scan3A_145 = arith.constant 0 : i32
      %scan3A_146 = arith.constant 25 : i32
      %scan3A_147 = arith.addi %scan3A_145, %scan3A_146 : i32
      %scan3A_148 = arith.constant 1 : i32
      scf.for %scan3A_199 = %scan3A_145 to %scan3A_147 step %scan3A_148  : i32 {
        %mul3A_200 = arith.constant 1 : i32
        %mul3A_201 = arith.muli %scan3A_199, %mul3A_200 : i32
        %add3A_202 = arith.constant 0 : i32
        %add3A_203 = arith.addi %add3A_202, %mul3A_201 : i32
        %mul3A_204 = arith.constant 16 : i32
        %mul3A_205 = arith.muli %add3A_203, %mul3A_204 : i32
        %add3A_206 = arith.constant 0 : i32
        %add3A_207 = arith.addi %add3A_206, %mul3A_205 : i32
        %get3A_208 = arith.index_cast %add3A_207 : i32 to index
        %get3A_209 = tpu.vector_load %arg21[%get3A_208] {strides = array<i32>} : memref<800xf32, #tpu.memory_space<vmem>>, vector<16xf32>,
        %swap3A_210 = arith.constant 16 : index
        %swap3A_211 = tpu.vector_load %arg23[%swap3A_210] {strides = array<i32>} : memref<32xf32, #tpu.memory_space<vmem>>, vector<16xf32>,
        tpu.vector_store %arg23[%swap3A_210], %get3A_209 {add = true, strides = array<i32>} : memref<32xf32, #tpu.memory_space<vmem>>, vector<16xf32>,
      }
      %scan3A_149 = arith.constant 25 : i32
      %scan3A_150 = arith.constant 0 : i32
      %scan3A_151 = arith.constant 8 : i32
      %scan3A_152 = arith.addi %scan3A_150, %scan3A_151 : i32
      %scan3A_153 = arith.constant 1 : i32
      scf.for %scan3A_199 = %scan3A_150 to %scan3A_152 step %scan3A_153  : i32 {
        %mul3A_200 = arith.constant 1 : i32
        %mul3A_201 = arith.muli %scan3A_199, %mul3A_200 : i32
        %add3A_202 = arith.constant 0 : i32
        %add3A_203 = arith.addi %add3A_202, %mul3A_201 : i32
        %mul3A_204 = arith.constant 8 : i32
        %mul3A_205 = arith.muli %add3A_93, %mul3A_204 : i32
        %add3A_206 = arith.addi %mul3A_205, %add3A_203 : i32
        %broadcast_in_dim3A_207 = vector.broadcast %add3A_206 : i32 to vector<16xi32>
        %get3A_208 = arith.index_cast %add3A_206 : i32 to index
        %get3A_209 = arith.constant 0 : index
        %get3A_210 = tpu.vector_load %arg16[%get3A_208, %get3A_209] {strides = array<i32>} : memref<128x64xf32, #tpu.memory_space<vmem>>, vector<16xf32>,
        %sub3A = arith.subf %get3A_210, %get3A_21 : vector<16xf32>
        %get3A_211 = arith.index_cast %add3A_206 : i32 to index
        %get3A_212 = arith.constant 16 : index
        %get3A_213 = tpu.vector_load %arg16[%get3A_211, %get3A_212] {strides = array<i32>} : memref<128x64xf32, #tpu.memory_space<vmem>>, vector<16xf32>,
        %sub3A_214 = arith.subf %get3A_213, %get3A_25 : vector<16xf32>
        %get3A_215 = arith.index_cast %add3A_206 : i32 to index
        %get3A_216 = arith.constant 32 : index
        %get3A_217 = tpu.vector_load %arg16[%get3A_215, %get3A_216] {strides = array<i32>} : memref<128x64xf32, #tpu.memory_space<vmem>>, vector<16xf32>,
        %sub3A_218 = arith.subf %get3A_217, %get3A_29 : vector<16xf32>
        %get3A_219 = arith.index_cast %add3A_206 : i32 to index
        %get3A_220 = arith.constant 48 : index
        %get3A_221 = tpu.vector_load %arg16[%get3A_219, %get3A_220] {strides = array<i32>} : memref<128x64xf32, #tpu.memory_space<vmem>>, vector<16xf32>,
        %sub3A_222 = arith.subf %get3A_221, %get3A_33 : vector<16xf32>
        %gather3A = tpu.vector_load_idx %arg18[%broadcast_in_dim3A_207] : memref<128xf32, #tpu.memory_space<vmem>>[vector<16xi32>], vector<16xf32>,
        %mul3A_223 = arith.mulf %sub3A, %get3A_21 : vector<16xf32>
        %mul3A_224 = arith.mulf %sub3A_214, %get3A_25 : vector<16xf32>
        %add3A_225 = arith.addf %mul3A_223, %mul3A_224 : vector<16xf32>
        %mul3A_226 = arith.mulf %sub3A_218, %get3A_29 : vector<16xf32>
        %add3A_227 = arith.addf %add3A_225, %mul3A_226 : vector<16xf32>
        %mul3A_228 = arith.mulf %sub3A_222, %get3A_33 : vector<16xf32>
        %add3A_229 = arith.addf %add3A_227, %mul3A_228 : vector<16xf32>
        %reduce_sum3A = arith.constant true
        %reduce_sum3A_230 = vector.broadcast %reduce_sum3A : i1 to vector<16xi1>
        %reduce_sum3A_231 = tpu.scan <sum>, %add3A_229 masked %reduce_sum3A_230 : vector<16xf32>, vector<16xi1> -> vector<16xf32>
        %reduce_sum3A_232 = vector.extract %reduce_sum3A_231[15] : f32 from vector<16xf32>
        %mul3A_233 = arith.constant 50 : i32
        %mul3A_234 = arith.muli %add3A_203, %mul3A_233 : i32
        %add3A_235 = arith.constant 0 : i32
        %add3A_236 = arith.addi %add3A_235, %mul3A_234 : i32
        %broadcast_in_dim3A_237 = vector.broadcast %add3A_236 : i32 to vector<16xi32>
        %broadcast_in_dim3A_238 = arith.constant 0.000000e+00 : f32
        %broadcast_in_dim3A_239 = vector.broadcast %broadcast_in_dim3A_238 : f32 to vector<16xf32>
        %mul3A_240 = arith.constant 50 : i32
        %mul3A_241 = arith.muli %add3A_203, %mul3A_240 : i32
        %add3A_242 = arith.constant 0 : i32
        %add3A_243 = arith.addi %add3A_242, %mul3A_241 : i32
        %add3A_244 = arith.constant 0 : i32
        %add3A_245 = arith.addi %add3A_243, %add3A_244 : i32
        %get3A_246 = arith.index_cast %add3A_245 : i32 to index
        %get3A_247 = arith.constant 0 : index
        %get3A_248 = tpu.vector_load %arg15[%get3A_246, %get3A_247] {strides = array<i32>} : memref<800x64xf32, #tpu.memory_space<vmem>>, vector<16xf32>,
        %mul3A_249 = arith.mulf %sub3A, %get3A_248 : vector<16xf32>
        %get3A_250 = arith.index_cast %add3A_245 : i32 to index
        %get3A_251 = arith.constant 16 : index
        %get3A_252 = tpu.vector_load %arg15[%get3A_250, %get3A_251] {strides = array<i32>} : memref<800x64xf32, #tpu.memory_space<vmem>>, vector<16xf32>,
        %mul3A_253 = arith.mulf %sub3A_214, %get3A_252 : vector<16xf32>
        %add3A_254 = arith.addf %mul3A_249, %mul3A_253 : vector<16xf32>
        %get3A_255 = arith.index_cast %add3A_245 : i32 to index
        %get3A_256 = arith.constant 32 : index
        %get3A_257 = tpu.vector_load %arg15[%get3A_255, %get3A_256] {strides = array<i32>} : memref<800x64xf32, #tpu.memory_space<vmem>>, vector<16xf32>,
        %mul3A_258 = arith.mulf %sub3A_218, %get3A_257 : vector<16xf32>
        %add3A_259 = arith.addf %add3A_254, %mul3A_258 : vector<16xf32>
        %get3A_260 = arith.index_cast %add3A_245 : i32 to index
        %get3A_261 = arith.constant 48 : index
        %get3A_262 = tpu.vector_load %arg15[%get3A_260, %get3A_261] {strides = array<i32>} : memref<800x64xf32, #tpu.memory_space<vmem>>, vector<16xf32>,
        %mul3A_263 = arith.mulf %sub3A_222, %get3A_262 : vector<16xf32>
        %add3A_264 = arith.addf %add3A_259, %mul3A_263 : vector<16xf32>
        %reduce_sum3A_265 = arith.constant true
        %reduce_sum3A_266 = vector.broadcast %reduce_sum3A_265 : i1 to vector<16xi1>
        %reduce_sum3A_267 = tpu.scan <sum>, %add3A_264 masked %reduce_sum3A_266 : vector<16xf32>, vector<16xi1> -> vector<16xf32>
        %reduce_sum3A_268 = vector.extract %reduce_sum3A_267[15] : f32 from vector<16xf32>
        %eq3A = arith.constant 0 : i32
        %eq3A_269 = vector.broadcast %eq3A : i32 to vector<16xi32>
        %eq3A_270 = arith.cmpi eq, %iota3A, %eq3A_269 : vector<16xi32>
        %broadcast_in_dim3A_271 = vector.broadcast %reduce_sum3A_268 : f32 to vector<16xf32>
        %select_n3A = arith.select %eq3A_270, %broadcast_in_dim3A_271, %broadcast_in_dim3A_239 : vector<16xi1>, vector<16xf32>
        %mul3A_272 = arith.constant 50 : i32
        %mul3A_273 = arith.muli %add3A_203, %mul3A_272 : i32
        %add3A_274 = arith.constant 0 : i32
        %add3A_275 = arith.addi %add3A_274, %mul3A_273 : i32
        %add3A_276 = arith.constant 1 : i32
        %add3A_277 = arith.addi %add3A_275, %add3A_276 : i32
        %get3A_278 = arith.index_cast %add3A_277 : i32 to index
        %get3A_279 = arith.constant 0 : index
        %get3A_280 = tpu.vector_load %arg15[%get3A_278, %get3A_279] {strides = array<i32>} : memref<800x64xf32, #tpu.memory_space<vmem>>, vector<16xf32>,
        %mul3A_281 = arith.mulf %sub3A, %get3A_280 : vector<16xf32>
        %get3A_282 = arith.index_cast %add3A_277 : i32 to index
        %get3A_283 = arith.constant 16 : index
        %get3A_284 = tpu.vector_load %arg15[%get3A_282, %get3A_283] {strides = array<i32>} : memref<800x64xf32, #tpu.memory_space<vmem>>, vector<16xf32>,
        %mul3A_285 = arith.mulf %sub3A_214, %get3A_284 : vector<16xf32>
        %add3A_286 = arith.addf %mul3A_281, %mul3A_285 : vector<16xf32>
        %get3A_287 = arith.index_cast %add3A_277 : i32 to index
        %get3A_288 = arith.constant 32 : index
        %get3A_289 = tpu.vector_load %arg15[%get3A_287, %get3A_288] {strides = array<i32>} : memref<800x64xf32, #tpu.memory_space<vmem>>, vector<16xf32>,
        %mul3A_290 = arith.mulf %sub3A_218, %get3A_289 : vector<16xf32>
        %add3A_291 = arith.addf %add3A_286, %mul3A_290 : vector<16xf32>
        %get3A_292 = arith.index_cast %add3A_277 : i32 to index
        %get3A_293 = arith.constant 48 : index
        %get3A_294 = tpu.vector_load %arg15[%get3A_292, %get3A_293] {strides = array<i32>} : memref<800x64xf32, #tpu.memory_space<vmem>>, vector<16xf32>,
        %mul3A_295 = arith.mulf %sub3A_222, %get3A_294 : vector<16xf32>
        %add3A_296 = arith.addf %add3A_291, %mul3A_295 : vector<16xf32>
        %reduce_sum3A_297 = arith.constant true
        %reduce_sum3A_298 = vector.broadcast %reduce_sum3A_297 : i1 to vector<16xi1>
        %reduce_sum3A_299 = tpu.scan <sum>, %add3A_296 masked %reduce_sum3A_298 : vector<16xf32>, vector<16xi1> -> vector<16xf32>
        %reduce_sum3A_300 = vector.extract %reduce_sum3A_299[15] : f32 from vector<16xf32>
        %eq3A_301 = arith.constant 1 : i32
        %eq3A_302 = vector.broadcast %eq3A_301 : i32 to vector<16xi32>
        %eq3A_303 = arith.cmpi eq, %iota3A, %eq3A_302 : vector<16xi32>
        %broadcast_in_dim3A_304 = vector.broadcast %reduce_sum3A_300 : f32 to vector<16xf32>
        %select_n3A_305 = arith.select %eq3A_303, %broadcast_in_dim3A_304, %select_n3A : vector<16xi1>, vector<16xf32>
        %mul3A_306 = arith.constant 50 : i32
        %mul3A_307 = arith.muli %add3A_203, %mul3A_306 : i32
        %add3A_308 = arith.constant 0 : i32
        %add3A_309 = arith.addi %add3A_308, %mul3A_307 : i32
        %add3A_310 = arith.constant 2 : i32
        %add3A_311 = arith.addi %add3A_309, %add3A_310 : i32
        %get3A_312 = arith.index_cast %add3A_311 : i32 to index
        %get3A_313 = arith.constant 0 : index
        %get3A_314 = tpu.vector_load %arg15[%get3A_312, %get3A_313] {strides = array<i32>} : memref<800x64xf32, #tpu.memory_space<vmem>>, vector<16xf32>,
        %mul3A_315 = arith.mulf %sub3A, %get3A_314 : vector<16xf32>
        %get3A_316 = arith.index_cast %add3A_311 : i32 to index
        %get3A_317 = arith.constant 16 : index
        %get3A_318 = tpu.vector_load %arg15[%get3A_316, %get3A_317] {strides = array<i32>} : memref<800x64xf32, #tpu.memory_space<vmem>>, vector<16xf32>,
        %mul3A_319 = arith.mulf %sub3A_214, %get3A_318 : vector<16xf32>
        %add3A_320 = arith.addf %mul3A_315, %mul3A_319 : vector<16xf32>
        %get3A_321 = arith.index_cast %add3A_311 : i32 to index
        %get3A_322 = arith.constant 32 : index
        %get3A_323 = tpu.vector_load %arg15[%get3A_321, %get3A_322] {strides = array<i32>} : memref<800x64xf32, #tpu.memory_space<vmem>>, vector<16xf32>,
        %mul3A_324 = arith.mulf %sub3A_218, %get3A_323 : vector<16xf32>
        %add3A_325 = arith.addf %add3A_320, %mul3A_324 : vector<16xf32>
        %get3A_326 = arith.index_cast %add3A_311 : i32 to index
        %get3A_327 = arith.constant 48 : index
        %get3A_328 = tpu.vector_load %arg15[%get3A_326, %get3A_327] {strides = array<i32>} : memref<800x64xf32, #tpu.memory_space<vmem>>, vector<16xf32>,
        %mul3A_329 = arith.mulf %sub3A_222, %get3A_328 : vector<16xf32>
        %add3A_330 = arith.addf %add3A_325, %mul3A_329 : vector<16xf32>
        %reduce_sum3A_331 = arith.constant true
        %reduce_sum3A_332 = vector.broadcast %reduce_sum3A_331 : i1 to vector<16xi1>
        %reduce_sum3A_333 = tpu.scan <sum>, %add3A_330 masked %reduce_sum3A_332 : vector<16xf32>, vector<16xi1> -> vector<16xf32>
        %reduce_sum3A_334 = vector.extract %reduce_sum3A_333[15] : f32 from vector<16xf32>
        %eq3A_335 = arith.constant 2 : i32
        %eq3A_336 = vector.broadcast %eq3A_335 : i32 to vector<16xi32>
        %eq3A_337 = arith.cmpi eq, %iota3A, %eq3A_336 : vector<16xi32>
        %broadcast_in_dim3A_338 = vector.broadcast %reduce_sum3A_334 : f32 to vector<16xf32>
        %select_n3A_339 = arith.select %eq3A_337, %broadcast_in_dim3A_338, %select_n3A_305 : vector<16xi1>, vector<16xf32>
        %mul3A_340 = arith.constant 50 : i32
        %mul3A_341 = arith.muli %add3A_203, %mul3A_340 : i32
        %add3A_342 = arith.constant 0 : i32
        %add3A_343 = arith.addi %add3A_342, %mul3A_341 : i32
        %add3A_344 = arith.constant 3 : i32
        %add3A_345 = arith.addi %add3A_343, %add3A_344 : i32
        %get3A_346 = arith.index_cast %add3A_345 : i32 to index
        %get3A_347 = arith.constant 0 : index
        %get3A_348 = tpu.vector_load %arg15[%get3A_346, %get3A_347] {strides = array<i32>} : memref<800x64xf32, #tpu.memory_space<vmem>>, vector<16xf32>,
        %mul3A_349 = arith.mulf %sub3A, %get3A_348 : vector<16xf32>
        %get3A_350 = arith.index_cast %add3A_345 : i32 to index
        %get3A_351 = arith.constant 16 : index
        %get3A_352 = tpu.vector_load %arg15[%get3A_350, %get3A_351] {strides = array<i32>} : memref<800x64xf32, #tpu.memory_space<vmem>>, vector<16xf32>,
        %mul3A_353 = arith.mulf %sub3A_214, %get3A_352 : vector<16xf32>
        %add3A_354 = arith.addf %mul3A_349, %mul3A_353 : vector<16xf32>
        %get3A_355 = arith.index_cast %add3A_345 : i32 to index
        %get3A_356 = arith.constant 32 : index
        %get3A_357 = tpu.vector_load %arg15[%get3A_355, %get3A_356] {strides = array<i32>} : memref<800x64xf32, #tpu.memory_space<vmem>>, vector<16xf32>,
        %mul3A_358 = arith.mulf %sub3A_218, %get3A_357 : vector<16xf32>
        %add3A_359 = arith.addf %add3A_354, %mul3A_358 : vector<16xf32>
        %get3A_360 = arith.index_cast %add3A_345 : i32 to index
        %get3A_361 = arith.constant 48 : index
        %get3A_362 = tpu.vector_load %arg15[%get3A_360, %get3A_361] {strides = array<i32>} : memref<800x64xf32, #tpu.memory_space<vmem>>, vector<16xf32>,
        %mul3A_363 = arith.mulf %sub3A_222, %get3A_362 : vector<16xf32>
        %add3A_364 = arith.addf %add3A_359, %mul3A_363 : vector<16xf32>
        %reduce_sum3A_365 = arith.constant true
        %reduce_sum3A_366 = vector.broadcast %reduce_sum3A_365 : i1 to vector<16xi1>
        %reduce_sum3A_367 = tpu.scan <sum>, %add3A_364 masked %reduce_sum3A_366 : vector<16xf32>, vector<16xi1> -> vector<16xf32>
        %reduce_sum3A_368 = vector.extract %reduce_sum3A_367[15] : f32 from vector<16xf32>
        %eq3A_369 = arith.constant 3 : i32
        %eq3A_370 = vector.broadcast %eq3A_369 : i32 to vector<16xi32>
        %eq3A_371 = arith.cmpi eq, %iota3A, %eq3A_370 : vector<16xi32>
        %broadcast_in_dim3A_372 = vector.broadcast %reduce_sum3A_368 : f32 to vector<16xf32>
        %select_n3A_373 = arith.select %eq3A_371, %broadcast_in_dim3A_372, %select_n3A_339 : vector<16xi1>, vector<16xf32>
        %mul3A_374 = arith.constant 50 : i32
        %mul3A_375 = arith.muli %add3A_203, %mul3A_374 : i32
        %add3A_376 = arith.constant 0 : i32
        %add3A_377 = arith.addi %add3A_376, %mul3A_375 : i32
        %add3A_378 = arith.constant 4 : i32
        %add3A_379 = arith.addi %add3A_377, %add3A_378 : i32
        %get3A_380 = arith.index_cast %add3A_379 : i32 to index
        %get3A_381 = arith.constant 0 : index
        %get3A_382 = tpu.vector_load %arg15[%get3A_380, %get3A_381] {strides = array<i32>} : memref<800x64xf32, #tpu.memory_space<vmem>>, vector<16xf32>,
        %mul3A_383 = arith.mulf %sub3A, %get3A_382 : vector<16xf32>
        %get3A_384 = arith.index_cast %add3A_379 : i32 to index
        %get3A_385 = arith.constant 16 : index
        %get3A_386 = tpu.vector_load %arg15[%get3A_384, %get3A_385] {strides = array<i32>} : memref<800x64xf32, #tpu.memory_space<vmem>>, vector<16xf32>,
        %mul3A_387 = arith.mulf %sub3A_214, %get3A_386 : vector<16xf32>
        %add3A_388 = arith.addf %mul3A_383, %mul3A_387 : vector<16xf32>
        %get3A_389 = arith.index_cast %add3A_379 : i32 to index
        %get3A_390 = arith.constant 32 : index
        %get3A_391 = tpu.vector_load %arg15[%get3A_389, %get3A_390] {strides = array<i32>} : memref<800x64xf32, #tpu.memory_space<vmem>>, vector<16xf32>,
        %mul3A_392 = arith.mulf %sub3A_218, %get3A_391 : vector<16xf32>
        %add3A_393 = arith.addf %add3A_388, %mul3A_392 : vector<16xf32>
        %get3A_394 = arith.index_cast %add3A_379 : i32 to index
        %get3A_395 = arith.constant 48 : index
        %get3A_396 = tpu.vector_load %arg15[%get3A_394, %get3A_395] {strides = array<i32>} : memref<800x64xf32, #tpu.memory_space<vmem>>, vector<16xf32>,
        %mul3A_397 = arith.mulf %sub3A_222, %get3A_396 : vector<16xf32>
        %add3A_398 = arith.addf %add3A_393, %mul3A_397 : vector<16xf32>
        %reduce_sum3A_399 = arith.constant true
        %reduce_sum3A_400 = vector.broadcast %reduce_sum3A_399 : i1 to vector<16xi1>
        %reduce_sum3A_401 = tpu.scan <sum>, %add3A_398 masked %reduce_sum3A_400 : vector<16xf32>, vector<16xi1> -> vector<16xf32>
        %reduce_sum3A_402 = vector.extract %reduce_sum3A_401[15] : f32 from vector<16xf32>
        %eq3A_403 = arith.constant 4 : i32
        %eq3A_404 = vector.broadcast %eq3A_403 : i32 to vector<16xi32>
        %eq3A_405 = arith.cmpi eq, %iota3A, %eq3A_404 : vector<16xi32>
        %broadcast_in_dim3A_406 = vector.broadcast %reduce_sum3A_402 : f32 to vector<16xf32>
        %select_n3A_407 = arith.select %eq3A_405, %broadcast_in_dim3A_406, %select_n3A_373 : vector<16xi1>, vector<16xf32>
        %mul3A_408 = arith.constant 50 : i32
        %mul3A_409 = arith.muli %add3A_203, %mul3A_408 : i32
        %add3A_410 = arith.constant 0 : i32
        %add3A_411 = arith.addi %add3A_410, %mul3A_409 : i32
        %add3A_412 = arith.constant 5 : i32
        %add3A_413 = arith.addi %add3A_411, %add3A_412 : i32
        %get3A_414 = arith.index_cast %add3A_413 : i32 to index
        %get3A_415 = arith.constant 0 : index
        %get3A_416 = tpu.vector_load %arg15[%get3A_414, %get3A_415] {strides = array<i32>} : memref<800x64xf32, #tpu.memory_space<vmem>>, vector<16xf32>,
        %mul3A_417 = arith.mulf %sub3A, %get3A_416 : vector<16xf32>
        %get3A_418 = arith.index_cast %add3A_413 : i32 to index
        %get3A_419 = arith.constant 16 : index
        %get3A_420 = tpu.vector_load %arg15[%get3A_418, %get3A_419] {strides = array<i32>} : memref<800x64xf32, #tpu.memory_space<vmem>>, vector<16xf32>,
        %mul3A_421 = arith.mulf %sub3A_214, %get3A_420 : vector<16xf32>
        %add3A_422 = arith.addf %mul3A_417, %mul3A_421 : vector<16xf32>
        %get3A_423 = arith.index_cast %add3A_413 : i32 to index
        %get3A_424 = arith.constant 32 : index
        %get3A_425 = tpu.vector_load %arg15[%get3A_423, %get3A_424] {strides = array<i32>} : memref<800x64xf32, #tpu.memory_space<vmem>>, vector<16xf32>,
        %mul3A_426 = arith.mulf %sub3A_218, %get3A_425 : vector<16xf32>
        %add3A_427 = arith.addf %add3A_422, %mul3A_426 : vector<16xf32>
        %get3A_428 = arith.index_cast %add3A_413 : i32 to index
        %get3A_429 = arith.constant 48 : index
        %get3A_430 = tpu.vector_load %arg15[%get3A_428, %get3A_429] {strides = array<i32>} : memref<800x64xf32, #tpu.memory_space<vmem>>, vector<16xf32>,
        %mul3A_431 = arith.mulf %sub3A_222, %get3A_430 : vector<16xf32>
        %add3A_432 = arith.addf %add3A_427, %mul3A_431 : vector<16xf32>
        %reduce_sum3A_433 = arith.constant true
        %reduce_sum3A_434 = vector.broadcast %reduce_sum3A_433 : i1 to vector<16xi1>
        %reduce_sum3A_435 = tpu.scan <sum>, %add3A_432 masked %reduce_sum3A_434 : vector<16xf32>, vector<16xi1> -> vector<16xf32>
        %reduce_sum3A_436 = vector.extract %reduce_sum3A_435[15] : f32 from vector<16xf32>
        %eq3A_437 = arith.constant 5 : i32
        %eq3A_438 = vector.broadcast %eq3A_437 : i32 to vector<16xi32>
        %eq3A_439 = arith.cmpi eq, %iota3A, %eq3A_438 : vector<16xi32>
        %broadcast_in_dim3A_440 = vector.broadcast %reduce_sum3A_436 : f32 to vector<16xf32>
        %select_n3A_441 = arith.select %eq3A_439, %broadcast_in_dim3A_440, %select_n3A_407 : vector<16xi1>, vector<16xf32>
        %mul3A_442 = arith.constant 50 : i32
        %mul3A_443 = arith.muli %add3A_203, %mul3A_442 : i32
        %add3A_444 = arith.constant 0 : i32
        %add3A_445 = arith.addi %add3A_444, %mul3A_443 : i32
        %add3A_446 = arith.constant 6 : i32
        %add3A_447 = arith.addi %add3A_445, %add3A_446 : i32
        %get3A_448 = arith.index_cast %add3A_447 : i32 to index
        %get3A_449 = arith.constant 0 : index
        %get3A_450 = tpu.vector_load %arg15[%get3A_448, %get3A_449] {strides = array<i32>} : memref<800x64xf32, #tpu.memory_space<vmem>>, vector<16xf32>,
        %mul3A_451 = arith.mulf %sub3A, %get3A_450 : vector<16xf32>
        %get3A_452 = arith.index_cast %add3A_447 : i32 to index
        %get3A_453 = arith.constant 16 : index
        %get3A_454 = tpu.vector_load %arg15[%get3A_452, %get3A_453] {strides = array<i32>} : memref<800x64xf32, #tpu.memory_space<vmem>>, vector<16xf32>,
        %mul3A_455 = arith.mulf %sub3A_214, %get3A_454 : vector<16xf32>
        %add3A_456 = arith.addf %mul3A_451, %mul3A_455 : vector<16xf32>
        %get3A_457 = arith.index_cast %add3A_447 : i32 to index
        %get3A_458 = arith.constant 32 : index
        %get3A_459 = tpu.vector_load %arg15[%get3A_457, %get3A_458] {strides = array<i32>} : memref<800x64xf32, #tpu.memory_space<vmem>>, vector<16xf32>,
        %mul3A_460 = arith.mulf %sub3A_218, %get3A_459 : vector<16xf32>
        %add3A_461 = arith.addf %add3A_456, %mul3A_460 : vector<16xf32>
        %get3A_462 = arith.index_cast %add3A_447 : i32 to index
        %get3A_463 = arith.constant 48 : index
        %get3A_464 = tpu.vector_load %arg15[%get3A_462, %get3A_463] {strides = array<i32>} : memref<800x64xf32, #tpu.memory_space<vmem>>, vector<16xf32>,
        %mul3A_465 = arith.mulf %sub3A_222, %get3A_464 : vector<16xf32>
        %add3A_466 = arith.addf %add3A_461, %mul3A_465 : vector<16xf32>
        %reduce_sum3A_467 = arith.constant true
        %reduce_sum3A_468 = vector.broadcast %reduce_sum3A_467 : i1 to vector<16xi1>
        %reduce_sum3A_469 = tpu.scan <sum>, %add3A_466 masked %reduce_sum3A_468 : vector<16xf32>, vector<16xi1> -> vector<16xf32>
        %reduce_sum3A_470 = vector.extract %reduce_sum3A_469[15] : f32 from vector<16xf32>
        %eq3A_471 = arith.constant 6 : i32
        %eq3A_472 = vector.broadcast %eq3A_471 : i32 to vector<16xi32>
        %eq3A_473 = arith.cmpi eq, %iota3A, %eq3A_472 : vector<16xi32>
        %broadcast_in_dim3A_474 = vector.broadcast %reduce_sum3A_470 : f32 to vector<16xf32>
        %select_n3A_475 = arith.select %eq3A_473, %broadcast_in_dim3A_474, %select_n3A_441 : vector<16xi1>, vector<16xf32>
        %mul3A_476 = arith.constant 50 : i32
        %mul3A_477 = arith.muli %add3A_203, %mul3A_476 : i32
        %add3A_478 = arith.constant 0 : i32
        %add3A_479 = arith.addi %add3A_478, %mul3A_477 : i32
        %add3A_480 = arith.constant 7 : i32
        %add3A_481 = arith.addi %add3A_479, %add3A_480 : i32
        %get3A_482 = arith.index_cast %add3A_481 : i32 to index
        %get3A_483 = arith.constant 0 : index
        %get3A_484 = tpu.vector_load %arg15[%get3A_482, %get3A_483] {strides = array<i32>} : memref<800x64xf32, #tpu.memory_space<vmem>>, vector<16xf32>,
        %mul3A_485 = arith.mulf %sub3A, %get3A_484 : vector<16xf32>
        %get3A_486 = arith.index_cast %add3A_481 : i32 to index
        %get3A_487 = arith.constant 16 : index
        %get3A_488 = tpu.vector_load %arg15[%get3A_486, %get3A_487] {strides = array<i32>} : memref<800x64xf32, #tpu.memory_space<vmem>>, vector<16xf32>,
        %mul3A_489 = arith.mulf %sub3A_214, %get3A_488 : vector<16xf32>
        %add3A_490 = arith.addf %mul3A_485, %mul3A_489 : vector<16xf32>
        %get3A_491 = arith.index_cast %add3A_481 : i32 to index
        %get3A_492 = arith.constant 32 : index
        %get3A_493 = tpu.vector_load %arg15[%get3A_491, %get3A_492] {strides = array<i32>} : memref<800x64xf32, #tpu.memory_space<vmem>>, vector<16xf32>,
        %mul3A_494 = arith.mulf %sub3A_218, %get3A_493 : vector<16xf32>
        %add3A_495 = arith.addf %add3A_490, %mul3A_494 : vector<16xf32>
        %get3A_496 = arith.index_cast %add3A_481 : i32 to index
        %get3A_497 = arith.constant 48 : index
        %get3A_498 = tpu.vector_load %arg15[%get3A_496, %get3A_497] {strides = array<i32>} : memref<800x64xf32, #tpu.memory_space<vmem>>, vector<16xf32>,
        %mul3A_499 = arith.mulf %sub3A_222, %get3A_498 : vector<16xf32>
        %add3A_500 = arith.addf %add3A_495, %mul3A_499 : vector<16xf32>
        %reduce_sum3A_501 = arith.constant true
        %reduce_sum3A_502 = vector.broadcast %reduce_sum3A_501 : i1 to vector<16xi1>
        %reduce_sum3A_503 = tpu.scan <sum>, %add3A_500 masked %reduce_sum3A_502 : vector<16xf32>, vector<16xi1> -> vector<16xf32>
        %reduce_sum3A_504 = vector.extract %reduce_sum3A_503[15] : f32 from vector<16xf32>
        %eq3A_505 = arith.constant 7 : i32
        %eq3A_506 = vector.broadcast %eq3A_505 : i32 to vector<16xi32>
        %eq3A_507 = arith.cmpi eq, %iota3A, %eq3A_506 : vector<16xi32>
        %broadcast_in_dim3A_508 = vector.broadcast %reduce_sum3A_504 : f32 to vector<16xf32>
        %select_n3A_509 = arith.select %eq3A_507, %broadcast_in_dim3A_508, %select_n3A_475 : vector<16xi1>, vector<16xf32>
        %mul3A_510 = arith.constant 50 : i32
        %mul3A_511 = arith.muli %add3A_203, %mul3A_510 : i32
        %add3A_512 = arith.constant 0 : i32
        %add3A_513 = arith.addi %add3A_512, %mul3A_511 : i32
        %add3A_514 = arith.constant 8 : i32
        %add3A_515 = arith.addi %add3A_513, %add3A_514 : i32
        %get3A_516 = arith.index_cast %add3A_515 : i32 to index
        %get3A_517 = arith.constant 0 : index
        %get3A_518 = tpu.vector_load %arg15[%get3A_516, %get3A_517] {strides = array<i32>} : memref<800x64xf32, #tpu.memory_space<vmem>>, vector<16xf32>,
        %mul3A_519 = arith.mulf %sub3A, %get3A_518 : vector<16xf32>
        %get3A_520 = arith.index_cast %add3A_515 : i32 to index
        %get3A_521 = arith.constant 16 : index
        %get3A_522 = tpu.vector_load %arg15[%get3A_520, %get3A_521] {strides = array<i32>} : memref<800x64xf32, #tpu.memory_space<vmem>>, vector<16xf32>,
        %mul3A_523 = arith.mulf %sub3A_214, %get3A_522 : vector<16xf32>
        %add3A_524 = arith.addf %mul3A_519, %mul3A_523 : vector<16xf32>
        %get3A_525 = arith.index_cast %add3A_515 : i32 to index
        %get3A_526 = arith.constant 32 : index
        %get3A_527 = tpu.vector_load %arg15[%get3A_525, %get3A_526] {strides = array<i32>} : memref<800x64xf32, #tpu.memory_space<vmem>>, vector<16xf32>,
        %mul3A_528 = arith.mulf %sub3A_218, %get3A_527 : vector<16xf32>
        %add3A_529 = arith.addf %add3A_524, %mul3A_528 : vector<16xf32>
        %get3A_530 = arith.index_cast %add3A_515 : i32 to index
        %get3A_531 = arith.constant 48 : index
        %get3A_532 = tpu.vector_load %arg15[%get3A_530, %get3A_531] {strides = array<i32>} : memref<800x64xf32, #tpu.memory_space<vmem>>, vector<16xf32>,
        %mul3A_533 = arith.mulf %sub3A_222, %get3A_532 : vector<16xf32>
        %add3A_534 = arith.addf %add3A_529, %mul3A_533 : vector<16xf32>
        %reduce_sum3A_535 = arith.constant true
        %reduce_sum3A_536 = vector.broadcast %reduce_sum3A_535 : i1 to vector<16xi1>
        %reduce_sum3A_537 = tpu.scan <sum>, %add3A_534 masked %reduce_sum3A_536 : vector<16xf32>, vector<16xi1> -> vector<16xf32>
        %reduce_sum3A_538 = vector.extract %reduce_sum3A_537[15] : f32 from vector<16xf32>
        %eq3A_539 = arith.constant 8 : i32
        %eq3A_540 = vector.broadcast %eq3A_539 : i32 to vector<16xi32>
        %eq3A_541 = arith.cmpi eq, %iota3A, %eq3A_540 : vector<16xi32>
        %broadcast_in_dim3A_542 = vector.broadcast %reduce_sum3A_538 : f32 to vector<16xf32>
        %select_n3A_543 = arith.select %eq3A_541, %broadcast_in_dim3A_542, %select_n3A_509 : vector<16xi1>, vector<16xf32>
        %mul3A_544 = arith.constant 50 : i32
        %mul3A_545 = arith.muli %add3A_203, %mul3A_544 : i32
        %add3A_546 = arith.constant 0 : i32
        %add3A_547 = arith.addi %add3A_546, %mul3A_545 : i32
        %add3A_548 = arith.constant 9 : i32
        %add3A_549 = arith.addi %add3A_547, %add3A_548 : i32
        %get3A_550 = arith.index_cast %add3A_549 : i32 to index
        %get3A_551 = arith.constant 0 : index
        %get3A_552 = tpu.vector_load %arg15[%get3A_550, %get3A_551] {strides = array<i32>} : memref<800x64xf32, #tpu.memory_space<vmem>>, vector<16xf32>,
        %mul3A_553 = arith.mulf %sub3A, %get3A_552 : vector<16xf32>
        %get3A_554 = arith.index_cast %add3A_549 : i32 to index
        %get3A_555 = arith.constant 16 : index
        %get3A_556 = tpu.vector_load %arg15[%get3A_554, %get3A_555] {strides = array<i32>} : memref<800x64xf32, #tpu.memory_space<vmem>>, vector<16xf32>,
        %mul3A_557 = arith.mulf %sub3A_214, %get3A_556 : vector<16xf32>
        %add3A_558 = arith.addf %mul3A_553, %mul3A_557 : vector<16xf32>
        %get3A_559 = arith.index_cast %add3A_549 : i32 to index
        %get3A_560 = arith.constant 32 : index
        %get3A_561 = tpu.vector_load %arg15[%get3A_559, %get3A_560] {strides = array<i32>} : memref<800x64xf32, #tpu.memory_space<vmem>>, vector<16xf32>,
        %mul3A_562 = arith.mulf %sub3A_218, %get3A_561 : vector<16xf32>
        %add3A_563 = arith.addf %add3A_558, %mul3A_562 : vector<16xf32>
        %get3A_564 = arith.index_cast %add3A_549 : i32 to index
        %get3A_565 = arith.constant 48 : index
        %get3A_566 = tpu.vector_load %arg15[%get3A_564, %get3A_565] {strides = array<i32>} : memref<800x64xf32, #tpu.memory_space<vmem>>, vector<16xf32>,
        %mul3A_567 = arith.mulf %sub3A_222, %get3A_566 : vector<16xf32>
        %add3A_568 = arith.addf %add3A_563, %mul3A_567 : vector<16xf32>
        %reduce_sum3A_569 = arith.constant true
        %reduce_sum3A_570 = vector.broadcast %reduce_sum3A_569 : i1 to vector<16xi1>
        %reduce_sum3A_571 = tpu.scan <sum>, %add3A_568 masked %reduce_sum3A_570 : vector<16xf32>, vector<16xi1> -> vector<16xf32>
        %reduce_sum3A_572 = vector.extract %reduce_sum3A_571[15] : f32 from vector<16xf32>
        %eq3A_573 = arith.constant 9 : i32
        %eq3A_574 = vector.broadcast %eq3A_573 : i32 to vector<16xi32>
        %eq3A_575 = arith.cmpi eq, %iota3A, %eq3A_574 : vector<16xi32>
        %broadcast_in_dim3A_576 = vector.broadcast %reduce_sum3A_572 : f32 to vector<16xf32>
        %select_n3A_577 = arith.select %eq3A_575, %broadcast_in_dim3A_576, %select_n3A_543 : vector<16xi1>, vector<16xf32>
        %mul3A_578 = arith.constant 50 : i32
        %mul3A_579 = arith.muli %add3A_203, %mul3A_578 : i32
        %add3A_580 = arith.constant 0 : i32
        %add3A_581 = arith.addi %add3A_580, %mul3A_579 : i32
        %add3A_582 = arith.constant 10 : i32
        %add3A_583 = arith.addi %add3A_581, %add3A_582 : i32
        %get3A_584 = arith.index_cast %add3A_583 : i32 to index
        %get3A_585 = arith.constant 0 : index
        %get3A_586 = tpu.vector_load %arg15[%get3A_584, %get3A_585] {strides = array<i32>} : memref<800x64xf32, #tpu.memory_space<vmem>>, vector<16xf32>,
        %mul3A_587 = arith.mulf %sub3A, %get3A_586 : vector<16xf32>
        %get3A_588 = arith.index_cast %add3A_583 : i32 to index
        %get3A_589 = arith.constant 16 : index
        %get3A_590 = tpu.vector_load %arg15[%get3A_588, %get3A_589] {strides = array<i32>} : memref<800x64xf32, #tpu.memory_space<vmem>>, vector<16xf32>,
        %mul3A_591 = arith.mulf %sub3A_214, %get3A_590 : vector<16xf32>
        %add3A_592 = arith.addf %mul3A_587, %mul3A_591 : vector<16xf32>
        %get3A_593 = arith.index_cast %add3A_583 : i32 to index
        %get3A_594 = arith.constant 32 : index
        %get3A_595 = tpu.vector_load %arg15[%get3A_593, %get3A_594] {strides = array<i32>} : memref<800x64xf32, #tpu.memory_space<vmem>>, vector<16xf32>,
        %mul3A_596 = arith.mulf %sub3A_218, %get3A_595 : vector<16xf32>
        %add3A_597 = arith.addf %add3A_592, %mul3A_596 : vector<16xf32>
        %get3A_598 = arith.index_cast %add3A_583 : i32 to index
        %get3A_599 = arith.constant 48 : index
        %get3A_600 = tpu.vector_load %arg15[%get3A_598, %get3A_599] {strides = array<i32>} : memref<800x64xf32, #tpu.memory_space<vmem>>, vector<16xf32>,
        %mul3A_601 = arith.mulf %sub3A_222, %get3A_600 : vector<16xf32>
        %add3A_602 = arith.addf %add3A_597, %mul3A_601 : vector<16xf32>
        %reduce_sum3A_603 = arith.constant true
        %reduce_sum3A_604 = vector.broadcast %reduce_sum3A_603 : i1 to vector<16xi1>
        %reduce_sum3A_605 = tpu.scan <sum>, %add3A_602 masked %reduce_sum3A_604 : vector<16xf32>, vector<16xi1> -> vector<16xf32>
        %reduce_sum3A_606 = vector.extract %reduce_sum3A_605[15] : f32 from vector<16xf32>
        %eq3A_607 = arith.constant 10 : i32
        %eq3A_608 = vector.broadcast %eq3A_607 : i32 to vector<16xi32>
        %eq3A_609 = arith.cmpi eq, %iota3A, %eq3A_608 : vector<16xi32>
        %broadcast_in_dim3A_610 = vector.broadcast %reduce_sum3A_606 : f32 to vector<16xf32>
        %select_n3A_611 = arith.select %eq3A_609, %broadcast_in_dim3A_610, %select_n3A_577 : vector<16xi1>, vector<16xf32>
        %mul3A_612 = arith.constant 50 : i32
        %mul3A_613 = arith.muli %add3A_203, %mul3A_612 : i32
        %add3A_614 = arith.constant 0 : i32
        %add3A_615 = arith.addi %add3A_614, %mul3A_613 : i32
        %add3A_616 = arith.constant 11 : i32
        %add3A_617 = arith.addi %add3A_615, %add3A_616 : i32
        %get3A_618 = arith.index_cast %add3A_617 : i32 to index
        %get3A_619 = arith.constant 0 : index
        %get3A_620 = tpu.vector_load %arg15[%get3A_618, %get3A_619] {strides = array<i32>} : memref<800x64xf32, #tpu.memory_space<vmem>>, vector<16xf32>,
        %mul3A_621 = arith.mulf %sub3A, %get3A_620 : vector<16xf32>
        %get3A_622 = arith.index_cast %add3A_617 : i32 to index
        %get3A_623 = arith.constant 16 : index
        %get3A_624 = tpu.vector_load %arg15[%get3A_622, %get3A_623] {strides = array<i32>} : memref<800x64xf32, #tpu.memory_space<vmem>>, vector<16xf32>,
        %mul3A_625 = arith.mulf %sub3A_214, %get3A_624 : vector<16xf32>
        %add3A_626 = arith.addf %mul3A_621, %mul3A_625 : vector<16xf32>
        %get3A_627 = arith.index_cast %add3A_617 : i32 to index
        %get3A_628 = arith.constant 32 : index
        %get3A_629 = tpu.vector_load %arg15[%get3A_627, %get3A_628] {strides = array<i32>} : memref<800x64xf32, #tpu.memory_space<vmem>>, vector<16xf32>,
        %mul3A_630 = arith.mulf %sub3A_218, %get3A_629 : vector<16xf32>
        %add3A_631 = arith.addf %add3A_626, %mul3A_630 : vector<16xf32>
        %get3A_632 = arith.index_cast %add3A_617 : i32 to index
        %get3A_633 = arith.constant 48 : index
        %get3A_634 = tpu.vector_load %arg15[%get3A_632, %get3A_633] {strides = array<i32>} : memref<800x64xf32, #tpu.memory_space<vmem>>, vector<16xf32>,
        %mul3A_635 = arith.mulf %sub3A_222, %get3A_634 : vector<16xf32>
        %add3A_636 = arith.addf %add3A_631, %mul3A_635 : vector<16xf32>
        %reduce_sum3A_637 = arith.constant true
        %reduce_sum3A_638 = vector.broadcast %reduce_sum3A_637 : i1 to vector<16xi1>
        %reduce_sum3A_639 = tpu.scan <sum>, %add3A_636 masked %reduce_sum3A_638 : vector<16xf32>, vector<16xi1> -> vector<16xf32>
        %reduce_sum3A_640 = vector.extract %reduce_sum3A_639[15] : f32 from vector<16xf32>
        %eq3A_641 = arith.constant 11 : i32
        %eq3A_642 = vector.broadcast %eq3A_641 : i32 to vector<16xi32>
        %eq3A_643 = arith.cmpi eq, %iota3A, %eq3A_642 : vector<16xi32>
        %broadcast_in_dim3A_644 = vector.broadcast %reduce_sum3A_640 : f32 to vector<16xf32>
        %select_n3A_645 = arith.select %eq3A_643, %broadcast_in_dim3A_644, %select_n3A_611 : vector<16xi1>, vector<16xf32>
        %mul3A_646 = arith.constant 50 : i32
        %mul3A_647 = arith.muli %add3A_203, %mul3A_646 : i32
        %add3A_648 = arith.constant 0 : i32
        %add3A_649 = arith.addi %add3A_648, %mul3A_647 : i32
        %add3A_650 = arith.constant 12 : i32
        %add3A_651 = arith.addi %add3A_649, %add3A_650 : i32
        %get3A_652 = arith.index_cast %add3A_651 : i32 to index
        %get3A_653 = arith.constant 0 : index
        %get3A_654 = tpu.vector_load %arg15[%get3A_652, %get3A_653] {strides = array<i32>} : memref<800x64xf32, #tpu.memory_space<vmem>>, vector<16xf32>,
        %mul3A_655 = arith.mulf %sub3A, %get3A_654 : vector<16xf32>
        %get3A_656 = arith.index_cast %add3A_651 : i32 to index
        %get3A_657 = arith.constant 16 : index
        %get3A_658 = tpu.vector_load %arg15[%get3A_656, %get3A_657] {strides = array<i32>} : memref<800x64xf32, #tpu.memory_space<vmem>>, vector<16xf32>,
        %mul3A_659 = arith.mulf %sub3A_214, %get3A_658 : vector<16xf32>
        %add3A_660 = arith.addf %mul3A_655, %mul3A_659 : vector<16xf32>
        %get3A_661 = arith.index_cast %add3A_651 : i32 to index
        %get3A_662 = arith.constant 32 : index
        %get3A_663 = tpu.vector_load %arg15[%get3A_661, %get3A_662] {strides = array<i32>} : memref<800x64xf32, #tpu.memory_space<vmem>>, vector<16xf32>,
        %mul3A_664 = arith.mulf %sub3A_218, %get3A_663 : vector<16xf32>
        %add3A_665 = arith.addf %add3A_660, %mul3A_664 : vector<16xf32>
        %get3A_666 = arith.index_cast %add3A_651 : i32 to index
        %get3A_667 = arith.constant 48 : index
        %get3A_668 = tpu.vector_load %arg15[%get3A_666, %get3A_667] {strides = array<i32>} : memref<800x64xf32, #tpu.memory_space<vmem>>, vector<16xf32>,
        %mul3A_669 = arith.mulf %sub3A_222, %get3A_668 : vector<16xf32>
        %add3A_670 = arith.addf %add3A_665, %mul3A_669 : vector<16xf32>
        %reduce_sum3A_671 = arith.constant true
        %reduce_sum3A_672 = vector.broadcast %reduce_sum3A_671 : i1 to vector<16xi1>
        %reduce_sum3A_673 = tpu.scan <sum>, %add3A_670 masked %reduce_sum3A_672 : vector<16xf32>, vector<16xi1> -> vector<16xf32>
        %reduce_sum3A_674 = vector.extract %reduce_sum3A_673[15] : f32 from vector<16xf32>
        %eq3A_675 = arith.constant 12 : i32
        %eq3A_676 = vector.broadcast %eq3A_675 : i32 to vector<16xi32>
        %eq3A_677 = arith.cmpi eq, %iota3A, %eq3A_676 : vector<16xi32>
        %broadcast_in_dim3A_678 = vector.broadcast %reduce_sum3A_674 : f32 to vector<16xf32>
        %select_n3A_679 = arith.select %eq3A_677, %broadcast_in_dim3A_678, %select_n3A_645 : vector<16xi1>, vector<16xf32>
        %mul3A_680 = arith.constant 50 : i32
        %mul3A_681 = arith.muli %add3A_203, %mul3A_680 : i32
        %add3A_682 = arith.constant 0 : i32
        %add3A_683 = arith.addi %add3A_682, %mul3A_681 : i32
        %add3A_684 = arith.constant 13 : i32
        %add3A_685 = arith.addi %add3A_683, %add3A_684 : i32
        %get3A_686 = arith.index_cast %add3A_685 : i32 to index
        %get3A_687 = arith.constant 0 : index
        %get3A_688 = tpu.vector_load %arg15[%get3A_686, %get3A_687] {strides = array<i32>} : memref<800x64xf32, #tpu.memory_space<vmem>>, vector<16xf32>,
        %mul3A_689 = arith.mulf %sub3A, %get3A_688 : vector<16xf32>
        %get3A_690 = arith.index_cast %add3A_685 : i32 to index
        %get3A_691 = arith.constant 16 : index
        %get3A_692 = tpu.vector_load %arg15[%get3A_690, %get3A_691] {strides = array<i32>} : memref<800x64xf32, #tpu.memory_space<vmem>>, vector<16xf32>,
        %mul3A_693 = arith.mulf %sub3A_214, %get3A_692 : vector<16xf32>
        %add3A_694 = arith.addf %mul3A_689, %mul3A_693 : vector<16xf32>
        %get3A_695 = arith.index_cast %add3A_685 : i32 to index
        %get3A_696 = arith.constant 32 : index
        %get3A_697 = tpu.vector_load %arg15[%get3A_695, %get3A_696] {strides = array<i32>} : memref<800x64xf32, #tpu.memory_space<vmem>>, vector<16xf32>,
        %mul3A_698 = arith.mulf %sub3A_218, %get3A_697 : vector<16xf32>
        %add3A_699 = arith.addf %add3A_694, %mul3A_698 : vector<16xf32>
        %get3A_700 = arith.index_cast %add3A_685 : i32 to index
        %get3A_701 = arith.constant 48 : index
        %get3A_702 = tpu.vector_load %arg15[%get3A_700, %get3A_701] {strides = array<i32>} : memref<800x64xf32, #tpu.memory_space<vmem>>, vector<16xf32>,
        %mul3A_703 = arith.mulf %sub3A_222, %get3A_702 : vector<16xf32>
        %add3A_704 = arith.addf %add3A_699, %mul3A_703 : vector<16xf32>
        %reduce_sum3A_705 = arith.constant true
        %reduce_sum3A_706 = vector.broadcast %reduce_sum3A_705 : i1 to vector<16xi1>
        %reduce_sum3A_707 = tpu.scan <sum>, %add3A_704 masked %reduce_sum3A_706 : vector<16xf32>, vector<16xi1> -> vector<16xf32>
        %reduce_sum3A_708 = vector.extract %reduce_sum3A_707[15] : f32 from vector<16xf32>
        %eq3A_709 = arith.constant 13 : i32
        %eq3A_710 = vector.broadcast %eq3A_709 : i32 to vector<16xi32>
        %eq3A_711 = arith.cmpi eq, %iota3A, %eq3A_710 : vector<16xi32>
        %broadcast_in_dim3A_712 = vector.broadcast %reduce_sum3A_708 : f32 to vector<16xf32>
        %select_n3A_713 = arith.select %eq3A_711, %broadcast_in_dim3A_712, %select_n3A_679 : vector<16xi1>, vector<16xf32>
        %mul3A_714 = arith.constant 50 : i32
        %mul3A_715 = arith.muli %add3A_203, %mul3A_714 : i32
        %add3A_716 = arith.constant 0 : i32
        %add3A_717 = arith.addi %add3A_716, %mul3A_715 : i32
        %add3A_718 = arith.constant 14 : i32
        %add3A_719 = arith.addi %add3A_717, %add3A_718 : i32
        %get3A_720 = arith.index_cast %add3A_719 : i32 to index
        %get3A_721 = arith.constant 0 : index
        %get3A_722 = tpu.vector_load %arg15[%get3A_720, %get3A_721] {strides = array<i32>} : memref<800x64xf32, #tpu.memory_space<vmem>>, vector<16xf32>,
        %mul3A_723 = arith.mulf %sub3A, %get3A_722 : vector<16xf32>
        %get3A_724 = arith.index_cast %add3A_719 : i32 to index
        %get3A_725 = arith.constant 16 : index
        %get3A_726 = tpu.vector_load %arg15[%get3A_724, %get3A_725] {strides = array<i32>} : memref<800x64xf32, #tpu.memory_space<vmem>>, vector<16xf32>,
        %mul3A_727 = arith.mulf %sub3A_214, %get3A_726 : vector<16xf32>
        %add3A_728 = arith.addf %mul3A_723, %mul3A_727 : vector<16xf32>
        %get3A_729 = arith.index_cast %add3A_719 : i32 to index
        %get3A_730 = arith.constant 32 : index
        %get3A_731 = tpu.vector_load %arg15[%get3A_729, %get3A_730] {strides = array<i32>} : memref<800x64xf32, #tpu.memory_space<vmem>>, vector<16xf32>,
        %mul3A_732 = arith.mulf %sub3A_218, %get3A_731 : vector<16xf32>
        %add3A_733 = arith.addf %add3A_728, %mul3A_732 : vector<16xf32>
        %get3A_734 = arith.index_cast %add3A_719 : i32 to index
        %get3A_735 = arith.constant 48 : index
        %get3A_736 = tpu.vector_load %arg15[%get3A_734, %get3A_735] {strides = array<i32>} : memref<800x64xf32, #tpu.memory_space<vmem>>, vector<16xf32>,
        %mul3A_737 = arith.mulf %sub3A_222, %get3A_736 : vector<16xf32>
        %add3A_738 = arith.addf %add3A_733, %mul3A_737 : vector<16xf32>
        %reduce_sum3A_739 = arith.constant true
        %reduce_sum3A_740 = vector.broadcast %reduce_sum3A_739 : i1 to vector<16xi1>
        %reduce_sum3A_741 = tpu.scan <sum>, %add3A_738 masked %reduce_sum3A_740 : vector<16xf32>, vector<16xi1> -> vector<16xf32>
        %reduce_sum3A_742 = vector.extract %reduce_sum3A_741[15] : f32 from vector<16xf32>
        %eq3A_743 = arith.constant 14 : i32
        %eq3A_744 = vector.broadcast %eq3A_743 : i32 to vector<16xi32>
        %eq3A_745 = arith.cmpi eq, %iota3A, %eq3A_744 : vector<16xi32>
        %broadcast_in_dim3A_746 = vector.broadcast %reduce_sum3A_742 : f32 to vector<16xf32>
        %select_n3A_747 = arith.select %eq3A_745, %broadcast_in_dim3A_746, %select_n3A_713 : vector<16xi1>, vector<16xf32>
        %mul3A_748 = arith.constant 50 : i32
        %mul3A_749 = arith.muli %add3A_203, %mul3A_748 : i32
        %add3A_750 = arith.constant 0 : i32
        %add3A_751 = arith.addi %add3A_750, %mul3A_749 : i32
        %add3A_752 = arith.constant 15 : i32
        %add3A_753 = arith.addi %add3A_751, %add3A_752 : i32
        %get3A_754 = arith.index_cast %add3A_753 : i32 to index
        %get3A_755 = arith.constant 0 : index
        %get3A_756 = tpu.vector_load %arg15[%get3A_754, %get3A_755] {strides = array<i32>} : memref<800x64xf32, #tpu.memory_space<vmem>>, vector<16xf32>,
        %mul3A_757 = arith.mulf %sub3A, %get3A_756 : vector<16xf32>
        %get3A_758 = arith.index_cast %add3A_753 : i32 to index
        %get3A_759 = arith.constant 16 : index
        %get3A_760 = tpu.vector_load %arg15[%get3A_758, %get3A_759] {strides = array<i32>} : memref<800x64xf32, #tpu.memory_space<vmem>>, vector<16xf32>,
        %mul3A_761 = arith.mulf %sub3A_214, %get3A_760 : vector<16xf32>
        %add3A_762 = arith.addf %mul3A_757, %mul3A_761 : vector<16xf32>
        %get3A_763 = arith.index_cast %add3A_753 : i32 to index
        %get3A_764 = arith.constant 32 : index
        %get3A_765 = tpu.vector_load %arg15[%get3A_763, %get3A_764] {strides = array<i32>} : memref<800x64xf32, #tpu.memory_space<vmem>>, vector<16xf32>,
        %mul3A_766 = arith.mulf %sub3A_218, %get3A_765 : vector<16xf32>
        %add3A_767 = arith.addf %add3A_762, %mul3A_766 : vector<16xf32>
        %get3A_768 = arith.index_cast %add3A_753 : i32 to index
        %get3A_769 = arith.constant 48 : index
        %get3A_770 = tpu.vector_load %arg15[%get3A_768, %get3A_769] {strides = array<i32>} : memref<800x64xf32, #tpu.memory_space<vmem>>, vector<16xf32>,
        %mul3A_771 = arith.mulf %sub3A_222, %get3A_770 : vector<16xf32>
        %add3A_772 = arith.addf %add3A_767, %mul3A_771 : vector<16xf32>
        %reduce_sum3A_773 = arith.constant true
        %reduce_sum3A_774 = vector.broadcast %reduce_sum3A_773 : i1 to vector<16xi1>
        %reduce_sum3A_775 = tpu.scan <sum>, %add3A_772 masked %reduce_sum3A_774 : vector<16xf32>, vector<16xi1> -> vector<16xf32>
        %reduce_sum3A_776 = vector.extract %reduce_sum3A_775[15] : f32 from vector<16xf32>
        %eq3A_777 = arith.constant 15 : i32
        %eq3A_778 = vector.broadcast %eq3A_777 : i32 to vector<16xi32>
        %eq3A_779 = arith.cmpi eq, %iota3A, %eq3A_778 : vector<16xi32>
        %broadcast_in_dim3A_780 = vector.broadcast %reduce_sum3A_776 : f32 to vector<16xf32>
        %select_n3A_781 = arith.select %eq3A_779, %broadcast_in_dim3A_780, %select_n3A_747 : vector<16xi1>, vector<16xf32>
        %add3A_782 = arith.constant 0 : i32
        %add3A_783 = vector.broadcast %add3A_782 : i32 to vector<16xi32>
        %add3A_784 = arith.addi %iota3A, %add3A_783 : vector<16xi32>
        %lt3A_785 = arith.constant 50 : i32
        %lt3A_786 = vector.broadcast %lt3A_785 : i32 to vector<16xi32>
        %lt3A_787 = arith.cmpi slt, %add3A_784, %lt3A_786 : vector<16xi32>
        %min3A = arith.constant 49 : i32
        %min3A_788 = vector.broadcast %min3A : i32 to vector<16xi32>
        %min3A_789 = arith.minsi %add3A_784, %min3A_788 : vector<16xi32>
        %add3A_790 = arith.addi %broadcast_in_dim3A_237, %min3A_789 : vector<16xi32>
        %gather3A_791 = tpu.vector_load_idx %arg20[%add3A_790] : memref<800xf32, #tpu.memory_space<vmem>>[vector<16xi32>], vector<16xf32>,
        %mul3A_792 = arith.constant 50 : i32
        %mul3A_793 = vector.broadcast %mul3A_792 : i32 to vector<16xi32>
        %mul3A_794 = arith.muli %broadcast_in_dim3A_207, %mul3A_793 : vector<16xi32>
        %add3A_795 = arith.addi %mul3A_794, %add3A_784 : vector<16xi32>
        %sub3A_796 = vector.broadcast %reduce_sum3A_232 : f32 to vector<16xf32>
        %sub3A_797 = arith.subf %select_n3A_781, %sub3A_796 : vector<16xf32>
        %add3A_798 = arith.addf %sub3A_797, %gather3A : vector<16xf32>
        %add3A_799 = arith.addf %add3A_798, %gather3A_791 : vector<16xf32>
        tpu.vector_store_idx %arg22[%add3A_795], %add3A_799 masked %lt3A_787 : memref<6400xf32, #tpu.memory_space<vmem>>[vector<16xi32>], vector<16xf32>, vector<16xi1>
        %broadcast_in_dim3A_800 = arith.constant 0.000000e+00 : f32
        %broadcast_in_dim3A_801 = vector.broadcast %broadcast_in_dim3A_800 : f32 to vector<16xf32>
        %mul3A_802 = arith.constant 50 : i32
        %mul3A_803 = arith.muli %add3A_203, %mul3A_802 : i32
        %add3A_804 = arith.constant 0 : i32
        %add3A_805 = arith.addi %add3A_804, %mul3A_803 : i32
        %add3A_806 = arith.constant 16 : i32
        %add3A_807 = arith.addi %add3A_805, %add3A_806 : i32
        %get3A_808 = arith.index_cast %add3A_807 : i32 to index
        %get3A_809 = arith.constant 0 : index
        %get3A_810 = tpu.vector_load %arg15[%get3A_808, %get3A_809] {strides = array<i32>} : memref<800x64xf32, #tpu.memory_space<vmem>>, vector<16xf32>,
        %mul3A_811 = arith.mulf %sub3A, %get3A_810 : vector<16xf32>
        %get3A_812 = arith.index_cast %add3A_807 : i32 to index
        %get3A_813 = arith.constant 16 : index
        %get3A_814 = tpu.vector_load %arg15[%get3A_812, %get3A_813] {strides = array<i32>} : memref<800x64xf32, #tpu.memory_space<vmem>>, vector<16xf32>,
        %mul3A_815 = arith.mulf %sub3A_214, %get3A_814 : vector<16xf32>
        %add3A_816 = arith.addf %mul3A_811, %mul3A_815 : vector<16xf32>
        %get3A_817 = arith.index_cast %add3A_807 : i32 to index
        %get3A_818 = arith.constant 32 : index
        %get3A_819 = tpu.vector_load %arg15[%get3A_817, %get3A_818] {strides = array<i32>} : memref<800x64xf32, #tpu.memory_space<vmem>>, vector<16xf32>,
        %mul3A_820 = arith.mulf %sub3A_218, %get3A_819 : vector<16xf32>
        %add3A_821 = arith.addf %add3A_816, %mul3A_820 : vector<16xf32>
        %get3A_822 = arith.index_cast %add3A_807 : i32 to index
        %get3A_823 = arith.constant 48 : index
        %get3A_824 = tpu.vector_load %arg15[%get3A_822, %get3A_823] {strides = array<i32>} : memref<800x64xf32, #tpu.memory_space<vmem>>, vector<16xf32>,
        %mul3A_825 = arith.mulf %sub3A_222, %get3A_824 : vector<16xf32>
        %add3A_826 = arith.addf %add3A_821, %mul3A_825 : vector<16xf32>
        %reduce_sum3A_827 = arith.constant true
        %reduce_sum3A_828 = vector.broadcast %reduce_sum3A_827 : i1 to vector<16xi1>
        %reduce_sum3A_829 = tpu.scan <sum>, %add3A_826 masked %reduce_sum3A_828 : vector<16xf32>, vector<16xi1> -> vector<16xf32>
        %reduce_sum3A_830 = vector.extract %reduce_sum3A_829[15] : f32 from vector<16xf32>
        %eq3A_831 = arith.constant 0 : i32
        %eq3A_832 = vector.broadcast %eq3A_831 : i32 to vector<16xi32>
        %eq3A_833 = arith.cmpi eq, %iota3A, %eq3A_832 : vector<16xi32>
        %broadcast_in_dim3A_834 = vector.broadcast %reduce_sum3A_830 : f32 to vector<16xf32>
        %select_n3A_835 = arith.select %eq3A_833, %broadcast_in_dim3A_834, %broadcast_in_dim3A_801 : vector<16xi1>, vector<16xf32>
        %mul3A_836 = arith.constant 50 : i32
        %mul3A_837 = arith.muli %add3A_203, %mul3A_836 : i32
        %add3A_838 = arith.constant 0 : i32
        %add3A_839 = arith.addi %add3A_838, %mul3A_837 : i32
        %add3A_840 = arith.constant 17 : i32
        %add3A_841 = arith.addi %add3A_839, %add3A_840 : i32
        %get3A_842 = arith.index_cast %add3A_841 : i32 to index
        %get3A_843 = arith.constant 0 : index
        %get3A_844 = tpu.vector_load %arg15[%get3A_842, %get3A_843] {strides = array<i32>} : memref<800x64xf32, #tpu.memory_space<vmem>>, vector<16xf32>,
        %mul3A_845 = arith.mulf %sub3A, %get3A_844 : vector<16xf32>
        %get3A_846 = arith.index_cast %add3A_841 : i32 to index
        %get3A_847 = arith.constant 16 : index
        %get3A_848 = tpu.vector_load %arg15[%get3A_846, %get3A_847] {strides = array<i32>} : memref<800x64xf32, #tpu.memory_space<vmem>>, vector<16xf32>,
        %mul3A_849 = arith.mulf %sub3A_214, %get3A_848 : vector<16xf32>
        %add3A_850 = arith.addf %mul3A_845, %mul3A_849 : vector<16xf32>
        %get3A_851 = arith.index_cast %add3A_841 : i32 to index
        %get3A_852 = arith.constant 32 : index
        %get3A_853 = tpu.vector_load %arg15[%get3A_851, %get3A_852] {strides = array<i32>} : memref<800x64xf32, #tpu.memory_space<vmem>>, vector<16xf32>,
        %mul3A_854 = arith.mulf %sub3A_218, %get3A_853 : vector<16xf32>
        %add3A_855 = arith.addf %add3A_850, %mul3A_854 : vector<16xf32>
        %get3A_856 = arith.index_cast %add3A_841 : i32 to index
        %get3A_857 = arith.constant 48 : index
        %get3A_858 = tpu.vector_load %arg15[%get3A_856, %get3A_857] {strides = array<i32>} : memref<800x64xf32, #tpu.memory_space<vmem>>, vector<16xf32>,
        %mul3A_859 = arith.mulf %sub3A_222, %get3A_858 : vector<16xf32>
        %add3A_860 = arith.addf %add3A_855, %mul3A_859 : vector<16xf32>
        %reduce_sum3A_861 = arith.constant true
        %reduce_sum3A_862 = vector.broadcast %reduce_sum3A_861 : i1 to vector<16xi1>
        %reduce_sum3A_863 = tpu.scan <sum>, %add3A_860 masked %reduce_sum3A_862 : vector<16xf32>, vector<16xi1> -> vector<16xf32>
        %reduce_sum3A_864 = vector.extract %reduce_sum3A_863[15] : f32 from vector<16xf32>
        %eq3A_865 = arith.constant 1 : i32
        %eq3A_866 = vector.broadcast %eq3A_865 : i32 to vector<16xi32>
        %eq3A_867 = arith.cmpi eq, %iota3A, %eq3A_866 : vector<16xi32>
        %broadcast_in_dim3A_868 = vector.broadcast %reduce_sum3A_864 : f32 to vector<16xf32>
        %select_n3A_869 = arith.select %eq3A_867, %broadcast_in_dim3A_868, %select_n3A_835 : vector<16xi1>, vector<16xf32>
        %mul3A_870 = arith.constant 50 : i32
        %mul3A_871 = arith.muli %add3A_203, %mul3A_870 : i32
        %add3A_872 = arith.constant 0 : i32
        %add3A_873 = arith.addi %add3A_872, %mul3A_871 : i32
        %add3A_874 = arith.constant 18 : i32
        %add3A_875 = arith.addi %add3A_873, %add3A_874 : i32
        %get3A_876 = arith.index_cast %add3A_875 : i32 to index
        %get3A_877 = arith.constant 0 : index
        %get3A_878 = tpu.vector_load %arg15[%get3A_876, %get3A_877] {strides = array<i32>} : memref<800x64xf32, #tpu.memory_space<vmem>>, vector<16xf32>,
        %mul3A_879 = arith.mulf %sub3A, %get3A_878 : vector<16xf32>
        %get3A_880 = arith.index_cast %add3A_875 : i32 to index
        %get3A_881 = arith.constant 16 : index
        %get3A_882 = tpu.vector_load %arg15[%get3A_880, %get3A_881] {strides = array<i32>} : memref<800x64xf32, #tpu.memory_space<vmem>>, vector<16xf32>,
        %mul3A_883 = arith.mulf %sub3A_214, %get3A_882 : vector<16xf32>
        %add3A_884 = arith.addf %mul3A_879, %mul3A_883 : vector<16xf32>
        %get3A_885 = arith.index_cast %add3A_875 : i32 to index
        %get3A_886 = arith.constant 32 : index
        %get3A_887 = tpu.vector_load %arg15[%get3A_885, %get3A_886] {strides = array<i32>} : memref<800x64xf32, #tpu.memory_space<vmem>>, vector<16xf32>,
        %mul3A_888 = arith.mulf %sub3A_218, %get3A_887 : vector<16xf32>
        %add3A_889 = arith.addf %add3A_884, %mul3A_888 : vector<16xf32>
        %get3A_890 = arith.index_cast %add3A_875 : i32 to index
        %get3A_891 = arith.constant 48 : index
        %get3A_892 = tpu.vector_load %arg15[%get3A_890, %get3A_891] {strides = array<i32>} : memref<800x64xf32, #tpu.memory_space<vmem>>, vector<16xf32>,
        %mul3A_893 = arith.mulf %sub3A_222, %get3A_892 : vector<16xf32>
        %add3A_894 = arith.addf %add3A_889, %mul3A_893 : vector<16xf32>
        %reduce_sum3A_895 = arith.constant true
        %reduce_sum3A_896 = vector.broadcast %reduce_sum3A_895 : i1 to vector<16xi1>
        %reduce_sum3A_897 = tpu.scan <sum>, %add3A_894 masked %reduce_sum3A_896 : vector<16xf32>, vector<16xi1> -> vector<16xf32>
        %reduce_sum3A_898 = vector.extract %reduce_sum3A_897[15] : f32 from vector<16xf32>
        %eq3A_899 = arith.constant 2 : i32
        %eq3A_900 = vector.broadcast %eq3A_899 : i32 to vector<16xi32>
        %eq3A_901 = arith.cmpi eq, %iota3A, %eq3A_900 : vector<16xi32>
        %broadcast_in_dim3A_902 = vector.broadcast %reduce_sum3A_898 : f32 to vector<16xf32>
        %select_n3A_903 = arith.select %eq3A_901, %broadcast_in_dim3A_902, %select_n3A_869 : vector<16xi1>, vector<16xf32>
        %mul3A_904 = arith.constant 50 : i32
        %mul3A_905 = arith.muli %add3A_203, %mul3A_904 : i32
        %add3A_906 = arith.constant 0 : i32
        %add3A_907 = arith.addi %add3A_906, %mul3A_905 : i32
        %add3A_908 = arith.constant 19 : i32
        %add3A_909 = arith.addi %add3A_907, %add3A_908 : i32
        %get3A_910 = arith.index_cast %add3A_909 : i32 to index
        %get3A_911 = arith.constant 0 : index
        %get3A_912 = tpu.vector_load %arg15[%get3A_910, %get3A_911] {strides = array<i32>} : memref<800x64xf32, #tpu.memory_space<vmem>>, vector<16xf32>,
        %mul3A_913 = arith.mulf %sub3A, %get3A_912 : vector<16xf32>
        %get3A_914 = arith.index_cast %add3A_909 : i32 to index
        %get3A_915 = arith.constant 16 : index
        %get3A_916 = tpu.vector_load %arg15[%get3A_914, %get3A_915] {strides = array<i32>} : memref<800x64xf32, #tpu.memory_space<vmem>>, vector<16xf32>,
        %mul3A_917 = arith.mulf %sub3A_214, %get3A_916 : vector<16xf32>
        %add3A_918 = arith.addf %mul3A_913, %mul3A_917 : vector<16xf32>
        %get3A_919 = arith.index_cast %add3A_909 : i32 to index
        %get3A_920 = arith.constant 32 : index
        %get3A_921 = tpu.vector_load %arg15[%get3A_919, %get3A_920] {strides = array<i32>} : memref<800x64xf32, #tpu.memory_space<vmem>>, vector<16xf32>,
        %mul3A_922 = arith.mulf %sub3A_218, %get3A_921 : vector<16xf32>
        %add3A_923 = arith.addf %add3A_918, %mul3A_922 : vector<16xf32>
        %get3A_924 = arith.index_cast %add3A_909 : i32 to index
        %get3A_925 = arith.constant 48 : index
        %get3A_926 = tpu.vector_load %arg15[%get3A_924, %get3A_925] {strides = array<i32>} : memref<800x64xf32, #tpu.memory_space<vmem>>, vector<16xf32>,
        %mul3A_927 = arith.mulf %sub3A_222, %get3A_926 : vector<16xf32>
        %add3A_928 = arith.addf %add3A_923, %mul3A_927 : vector<16xf32>
        %reduce_sum3A_929 = arith.constant true
        %reduce_sum3A_930 = vector.broadcast %reduce_sum3A_929 : i1 to vector<16xi1>
        %reduce_sum3A_931 = tpu.scan <sum>, %add3A_928 masked %reduce_sum3A_930 : vector<16xf32>, vector<16xi1> -> vector<16xf32>
        %reduce_sum3A_932 = vector.extract %reduce_sum3A_931[15] : f32 from vector<16xf32>
        %eq3A_933 = arith.constant 3 : i32
        %eq3A_934 = vector.broadcast %eq3A_933 : i32 to vector<16xi32>
        %eq3A_935 = arith.cmpi eq, %iota3A, %eq3A_934 : vector<16xi32>
        %broadcast_in_dim3A_936 = vector.broadcast %reduce_sum3A_932 : f32 to vector<16xf32>
        %select_n3A_937 = arith.select %eq3A_935, %broadcast_in_dim3A_936, %select_n3A_903 : vector<16xi1>, vector<16xf32>
        %mul3A_938 = arith.constant 50 : i32
        %mul3A_939 = arith.muli %add3A_203, %mul3A_938 : i32
        %add3A_940 = arith.constant 0 : i32
        %add3A_941 = arith.addi %add3A_940, %mul3A_939 : i32
        %add3A_942 = arith.constant 20 : i32
        %add3A_943 = arith.addi %add3A_941, %add3A_942 : i32
        %get3A_944 = arith.index_cast %add3A_943 : i32 to index
        %get3A_945 = arith.constant 0 : index
        %get3A_946 = tpu.vector_load %arg15[%get3A_944, %get3A_945] {strides = array<i32>} : memref<800x64xf32, #tpu.memory_space<vmem>>, vector<16xf32>,
        %mul3A_947 = arith.mulf %sub3A, %get3A_946 : vector<16xf32>
        %get3A_948 = arith.index_cast %add3A_943 : i32 to index
        %get3A_949 = arith.constant 16 : index
        %get3A_950 = tpu.vector_load %arg15[%get3A_948, %get3A_949] {strides = array<i32>} : memref<800x64xf32, #tpu.memory_space<vmem>>, vector<16xf32>,
        %mul3A_951 = arith.mulf %sub3A_214, %get3A_950 : vector<16xf32>
        %add3A_952 = arith.addf %mul3A_947, %mul3A_951 : vector<16xf32>
        %get3A_953 = arith.index_cast %add3A_943 : i32 to index
        %get3A_954 = arith.constant 32 : index
        %get3A_955 = tpu.vector_load %arg15[%get3A_953, %get3A_954] {strides = array<i32>} : memref<800x64xf32, #tpu.memory_space<vmem>>, vector<16xf32>,
        %mul3A_956 = arith.mulf %sub3A_218, %get3A_955 : vector<16xf32>
        %add3A_957 = arith.addf %add3A_952, %mul3A_956 : vector<16xf32>
        %get3A_958 = arith.index_cast %add3A_943 : i32 to index
        %get3A_959 = arith.constant 48 : index
        %get3A_960 = tpu.vector_load %arg15[%get3A_958, %get3A_959] {strides = array<i32>} : memref<800x64xf32, #tpu.memory_space<vmem>>, vector<16xf32>,
        %mul3A_961 = arith.mulf %sub3A_222, %get3A_960 : vector<16xf32>
        %add3A_962 = arith.addf %add3A_957, %mul3A_961 : vector<16xf32>
        %reduce_sum3A_963 = arith.constant true
        %reduce_sum3A_964 = vector.broadcast %reduce_sum3A_963 : i1 to vector<16xi1>
        %reduce_sum3A_965 = tpu.scan <sum>, %add3A_962 masked %reduce_sum3A_964 : vector<16xf32>, vector<16xi1> -> vector<16xf32>
        %reduce_sum3A_966 = vector.extract %reduce_sum3A_965[15] : f32 from vector<16xf32>
        %eq3A_967 = arith.constant 4 : i32
        %eq3A_968 = vector.broadcast %eq3A_967 : i32 to vector<16xi32>
        %eq3A_969 = arith.cmpi eq, %iota3A, %eq3A_968 : vector<16xi32>
        %broadcast_in_dim3A_970 = vector.broadcast %reduce_sum3A_966 : f32 to vector<16xf32>
        %select_n3A_971 = arith.select %eq3A_969, %broadcast_in_dim3A_970, %select_n3A_937 : vector<16xi1>, vector<16xf32>
        %mul3A_972 = arith.constant 50 : i32
        %mul3A_973 = arith.muli %add3A_203, %mul3A_972 : i32
        %add3A_974 = arith.constant 0 : i32
        %add3A_975 = arith.addi %add3A_974, %mul3A_973 : i32
        %add3A_976 = arith.constant 21 : i32
        %add3A_977 = arith.addi %add3A_975, %add3A_976 : i32
        %get3A_978 = arith.index_cast %add3A_977 : i32 to index
        %get3A_979 = arith.constant 0 : index
        %get3A_980 = tpu.vector_load %arg15[%get3A_978, %get3A_979] {strides = array<i32>} : memref<800x64xf32, #tpu.memory_space<vmem>>, vector<16xf32>,
        %mul3A_981 = arith.mulf %sub3A, %get3A_980 : vector<16xf32>
        %get3A_982 = arith.index_cast %add3A_977 : i32 to index
        %get3A_983 = arith.constant 16 : index
        %get3A_984 = tpu.vector_load %arg15[%get3A_982, %get3A_983] {strides = array<i32>} : memref<800x64xf32, #tpu.memory_space<vmem>>, vector<16xf32>,
        %mul3A_985 = arith.mulf %sub3A_214, %get3A_984 : vector<16xf32>
        %add3A_986 = arith.addf %mul3A_981, %mul3A_985 : vector<16xf32>
        %get3A_987 = arith.index_cast %add3A_977 : i32 to index
        %get3A_988 = arith.constant 32 : index
        %get3A_989 = tpu.vector_load %arg15[%get3A_987, %get3A_988] {strides = array<i32>} : memref<800x64xf32, #tpu.memory_space<vmem>>, vector<16xf32>,
        %mul3A_990 = arith.mulf %sub3A_218, %get3A_989 : vector<16xf32>
        %add3A_991 = arith.addf %add3A_986, %mul3A_990 : vector<16xf32>
        %get3A_992 = arith.index_cast %add3A_977 : i32 to index
        %get3A_993 = arith.constant 48 : index
        %get3A_994 = tpu.vector_load %arg15[%get3A_992, %get3A_993] {strides = array<i32>} : memref<800x64xf32, #tpu.memory_space<vmem>>, vector<16xf32>,
        %mul3A_995 = arith.mulf %sub3A_222, %get3A_994 : vector<16xf32>
        %add3A_996 = arith.addf %add3A_991, %mul3A_995 : vector<16xf32>
        %reduce_sum3A_997 = arith.constant true
        %reduce_sum3A_998 = vector.broadcast %reduce_sum3A_997 : i1 to vector<16xi1>
        %reduce_sum3A_999 = tpu.scan <sum>, %add3A_996 masked %reduce_sum3A_998 : vector<16xf32>, vector<16xi1> -> vector<16xf32>
        %reduce_sum3A_1000 = vector.extract %reduce_sum3A_999[15] : f32 from vector<16xf32>
        %eq3A_1001 = arith.constant 5 : i32
        %eq3A_1002 = vector.broadcast %eq3A_1001 : i32 to vector<16xi32>
        %eq3A_1003 = arith.cmpi eq, %iota3A, %eq3A_1002 : vector<16xi32>
        %broadcast_in_dim3A_1004 = vector.broadcast %reduce_sum3A_1000 : f32 to vector<16xf32>
        %select_n3A_1005 = arith.select %eq3A_1003, %broadcast_in_dim3A_1004, %select_n3A_971 : vector<16xi1>, vector<16xf32>
        %mul3A_1006 = arith.constant 50 : i32
        %mul3A_1007 = arith.muli %add3A_203, %mul3A_1006 : i32
        %add3A_1008 = arith.constant 0 : i32
        %add3A_1009 = arith.addi %add3A_1008, %mul3A_1007 : i32
        %add3A_1010 = arith.constant 22 : i32
        %add3A_1011 = arith.addi %add3A_1009, %add3A_1010 : i32
        %get3A_1012 = arith.index_cast %add3A_1011 : i32 to index
        %get3A_1013 = arith.constant 0 : index
        %get3A_1014 = tpu.vector_load %arg15[%get3A_1012, %get3A_1013] {strides = array<i32>} : memref<800x64xf32, #tpu.memory_space<vmem>>, vector<16xf32>,
        %mul3A_1015 = arith.mulf %sub3A, %get3A_1014 : vector<16xf32>
        %get3A_1016 = arith.index_cast %add3A_1011 : i32 to index
        %get3A_1017 = arith.constant 16 : index
        %get3A_1018 = tpu.vector_load %arg15[%get3A_1016, %get3A_1017] {strides = array<i32>} : memref<800x64xf32, #tpu.memory_space<vmem>>, vector<16xf32>,
        %mul3A_1019 = arith.mulf %sub3A_214, %get3A_1018 : vector<16xf32>
        %add3A_1020 = arith.addf %mul3A_1015, %mul3A_1019 : vector<16xf32>
        %get3A_1021 = arith.index_cast %add3A_1011 : i32 to index
        %get3A_1022 = arith.constant 32 : index
        %get3A_1023 = tpu.vector_load %arg15[%get3A_1021, %get3A_1022] {strides = array<i32>} : memref<800x64xf32, #tpu.memory_space<vmem>>, vector<16xf32>,
        %mul3A_1024 = arith.mulf %sub3A_218, %get3A_1023 : vector<16xf32>
        %add3A_1025 = arith.addf %add3A_1020, %mul3A_1024 : vector<16xf32>
        %get3A_1026 = arith.index_cast %add3A_1011 : i32 to index
        %get3A_1027 = arith.constant 48 : index
        %get3A_1028 = tpu.vector_load %arg15[%get3A_1026, %get3A_1027] {strides = array<i32>} : memref<800x64xf32, #tpu.memory_space<vmem>>, vector<16xf32>,
        %mul3A_1029 = arith.mulf %sub3A_222, %get3A_1028 : vector<16xf32>
        %add3A_1030 = arith.addf %add3A_1025, %mul3A_1029 : vector<16xf32>
        %reduce_sum3A_1031 = arith.constant true
        %reduce_sum3A_1032 = vector.broadcast %reduce_sum3A_1031 : i1 to vector<16xi1>
        %reduce_sum3A_1033 = tpu.scan <sum>, %add3A_1030 masked %reduce_sum3A_1032 : vector<16xf32>, vector<16xi1> -> vector<16xf32>
        %reduce_sum3A_1034 = vector.extract %reduce_sum3A_1033[15] : f32 from vector<16xf32>
        %eq3A_1035 = arith.constant 6 : i32
        %eq3A_1036 = vector.broadcast %eq3A_1035 : i32 to vector<16xi32>
        %eq3A_1037 = arith.cmpi eq, %iota3A, %eq3A_1036 : vector<16xi32>
        %broadcast_in_dim3A_1038 = vector.broadcast %reduce_sum3A_1034 : f32 to vector<16xf32>
        %select_n3A_1039 = arith.select %eq3A_1037, %broadcast_in_dim3A_1038, %select_n3A_1005 : vector<16xi1>, vector<16xf32>
        %mul3A_1040 = arith.constant 50 : i32
        %mul3A_1041 = arith.muli %add3A_203, %mul3A_1040 : i32
        %add3A_1042 = arith.constant 0 : i32
        %add3A_1043 = arith.addi %add3A_1042, %mul3A_1041 : i32
        %add3A_1044 = arith.constant 23 : i32
        %add3A_1045 = arith.addi %add3A_1043, %add3A_1044 : i32
        %get3A_1046 = arith.index_cast %add3A_1045 : i32 to index
        %get3A_1047 = arith.constant 0 : index
        %get3A_1048 = tpu.vector_load %arg15[%get3A_1046, %get3A_1047] {strides = array<i32>} : memref<800x64xf32, #tpu.memory_space<vmem>>, vector<16xf32>,
        %mul3A_1049 = arith.mulf %sub3A, %get3A_1048 : vector<16xf32>
        %get3A_1050 = arith.index_cast %add3A_1045 : i32 to index
        %get3A_1051 = arith.constant 16 : index
        %get3A_1052 = tpu.vector_load %arg15[%get3A_1050, %get3A_1051] {strides = array<i32>} : memref<800x64xf32, #tpu.memory_space<vmem>>, vector<16xf32>,
        %mul3A_1053 = arith.mulf %sub3A_214, %get3A_1052 : vector<16xf32>
        %add3A_1054 = arith.addf %mul3A_1049, %mul3A_1053 : vector<16xf32>
        %get3A_1055 = arith.index_cast %add3A_1045 : i32 to index
        %get3A_1056 = arith.constant 32 : index
        %get3A_1057 = tpu.vector_load %arg15[%get3A_1055, %get3A_1056] {strides = array<i32>} : memref<800x64xf32, #tpu.memory_space<vmem>>, vector<16xf32>,
        %mul3A_1058 = arith.mulf %sub3A_218, %get3A_1057 : vector<16xf32>
        %add3A_1059 = arith.addf %add3A_1054, %mul3A_1058 : vector<16xf32>
        %get3A_1060 = arith.index_cast %add3A_1045 : i32 to index
        %get3A_1061 = arith.constant 48 : index
        %get3A_1062 = tpu.vector_load %arg15[%get3A_1060, %get3A_1061] {strides = array<i32>} : memref<800x64xf32, #tpu.memory_space<vmem>>, vector<16xf32>,
        %mul3A_1063 = arith.mulf %sub3A_222, %get3A_1062 : vector<16xf32>
        %add3A_1064 = arith.addf %add3A_1059, %mul3A_1063 : vector<16xf32>
        %reduce_sum3A_1065 = arith.constant true
        %reduce_sum3A_1066 = vector.broadcast %reduce_sum3A_1065 : i1 to vector<16xi1>
        %reduce_sum3A_1067 = tpu.scan <sum>, %add3A_1064 masked %reduce_sum3A_1066 : vector<16xf32>, vector<16xi1> -> vector<16xf32>
        %reduce_sum3A_1068 = vector.extract %reduce_sum3A_1067[15] : f32 from vector<16xf32>
        %eq3A_1069 = arith.constant 7 : i32
        %eq3A_1070 = vector.broadcast %eq3A_1069 : i32 to vector<16xi32>
        %eq3A_1071 = arith.cmpi eq, %iota3A, %eq3A_1070 : vector<16xi32>
        %broadcast_in_dim3A_1072 = vector.broadcast %reduce_sum3A_1068 : f32 to vector<16xf32>
        %select_n3A_1073 = arith.select %eq3A_1071, %broadcast_in_dim3A_1072, %select_n3A_1039 : vector<16xi1>, vector<16xf32>
        %mul3A_1074 = arith.constant 50 : i32
        %mul3A_1075 = arith.muli %add3A_203, %mul3A_1074 : i32
        %add3A_1076 = arith.constant 0 : i32
        %add3A_1077 = arith.addi %add3A_1076, %mul3A_1075 : i32
        %add3A_1078 = arith.constant 24 : i32
        %add3A_1079 = arith.addi %add3A_1077, %add3A_1078 : i32
        %get3A_1080 = arith.index_cast %add3A_1079 : i32 to index
        %get3A_1081 = arith.constant 0 : index
        %get3A_1082 = tpu.vector_load %arg15[%get3A_1080, %get3A_1081] {strides = array<i32>} : memref<800x64xf32, #tpu.memory_space<vmem>>, vector<16xf32>,
        %mul3A_1083 = arith.mulf %sub3A, %get3A_1082 : vector<16xf32>
        %get3A_1084 = arith.index_cast %add3A_1079 : i32 to index
        %get3A_1085 = arith.constant 16 : index
        %get3A_1086 = tpu.vector_load %arg15[%get3A_1084, %get3A_1085] {strides = array<i32>} : memref<800x64xf32, #tpu.memory_space<vmem>>, vector<16xf32>,
        %mul3A_1087 = arith.mulf %sub3A_214, %get3A_1086 : vector<16xf32>
        %add3A_1088 = arith.addf %mul3A_1083, %mul3A_1087 : vector<16xf32>
        %get3A_1089 = arith.index_cast %add3A_1079 : i32 to index
        %get3A_1090 = arith.constant 32 : index
        %get3A_1091 = tpu.vector_load %arg15[%get3A_1089, %get3A_1090] {strides = array<i32>} : memref<800x64xf32, #tpu.memory_space<vmem>>, vector<16xf32>,
        %mul3A_1092 = arith.mulf %sub3A_218, %get3A_1091 : vector<16xf32>
        %add3A_1093 = arith.addf %add3A_1088, %mul3A_1092 : vector<16xf32>
        %get3A_1094 = arith.index_cast %add3A_1079 : i32 to index
        %get3A_1095 = arith.constant 48 : index
        %get3A_1096 = tpu.vector_load %arg15[%get3A_1094, %get3A_1095] {strides = array<i32>} : memref<800x64xf32, #tpu.memory_space<vmem>>, vector<16xf32>,
        %mul3A_1097 = arith.mulf %sub3A_222, %get3A_1096 : vector<16xf32>
        %add3A_1098 = arith.addf %add3A_1093, %mul3A_1097 : vector<16xf32>
        %reduce_sum3A_1099 = arith.constant true
        %reduce_sum3A_1100 = vector.broadcast %reduce_sum3A_1099 : i1 to vector<16xi1>
        %reduce_sum3A_1101 = tpu.scan <sum>, %add3A_1098 masked %reduce_sum3A_1100 : vector<16xf32>, vector<16xi1> -> vector<16xf32>
        %reduce_sum3A_1102 = vector.extract %reduce_sum3A_1101[15] : f32 from vector<16xf32>
        %eq3A_1103 = arith.constant 8 : i32
        %eq3A_1104 = vector.broadcast %eq3A_1103 : i32 to vector<16xi32>
        %eq3A_1105 = arith.cmpi eq, %iota3A, %eq3A_1104 : vector<16xi32>
        %broadcast_in_dim3A_1106 = vector.broadcast %reduce_sum3A_1102 : f32 to vector<16xf32>
        %select_n3A_1107 = arith.select %eq3A_1105, %broadcast_in_dim3A_1106, %select_n3A_1073 : vector<16xi1>, vector<16xf32>
        %mul3A_1108 = arith.constant 50 : i32
        %mul3A_1109 = arith.muli %add3A_203, %mul3A_1108 : i32
        %add3A_1110 = arith.constant 0 : i32
        %add3A_1111 = arith.addi %add3A_1110, %mul3A_1109 : i32
        %add3A_1112 = arith.constant 25 : i32
        %add3A_1113 = arith.addi %add3A_1111, %add3A_1112 : i32
        %get3A_1114 = arith.index_cast %add3A_1113 : i32 to index
        %get3A_1115 = arith.constant 0 : index
        %get3A_1116 = tpu.vector_load %arg15[%get3A_1114, %get3A_1115] {strides = array<i32>} : memref<800x64xf32, #tpu.memory_space<vmem>>, vector<16xf32>,
        %mul3A_1117 = arith.mulf %sub3A, %get3A_1116 : vector<16xf32>
        %get3A_1118 = arith.index_cast %add3A_1113 : i32 to index
        %get3A_1119 = arith.constant 16 : index
        %get3A_1120 = tpu.vector_load %arg15[%get3A_1118, %get3A_1119] {strides = array<i32>} : memref<800x64xf32, #tpu.memory_space<vmem>>, vector<16xf32>,
        %mul3A_1121 = arith.mulf %sub3A_214, %get3A_1120 : vector<16xf32>
        %add3A_1122 = arith.addf %mul3A_1117, %mul3A_1121 : vector<16xf32>
        %get3A_1123 = arith.index_cast %add3A_1113 : i32 to index
        %get3A_1124 = arith.constant 32 : index
        %get3A_1125 = tpu.vector_load %arg15[%get3A_1123, %get3A_1124] {strides = array<i32>} : memref<800x64xf32, #tpu.memory_space<vmem>>, vector<16xf32>,
        %mul3A_1126 = arith.mulf %sub3A_218, %get3A_1125 : vector<16xf32>
        %add3A_1127 = arith.addf %add3A_1122, %mul3A_1126 : vector<16xf32>
        %get3A_1128 = arith.index_cast %add3A_1113 : i32 to index
        %get3A_1129 = arith.constant 48 : index
        %get3A_1130 = tpu.vector_load %arg15[%get3A_1128, %get3A_1129] {strides = array<i32>} : memref<800x64xf32, #tpu.memory_space<vmem>>, vector<16xf32>,
        %mul3A_1131 = arith.mulf %sub3A_222, %get3A_1130 : vector<16xf32>
        %add3A_1132 = arith.addf %add3A_1127, %mul3A_1131 : vector<16xf32>
        %reduce_sum3A_1133 = arith.constant true
        %reduce_sum3A_1134 = vector.broadcast %reduce_sum3A_1133 : i1 to vector<16xi1>
        %reduce_sum3A_1135 = tpu.scan <sum>, %add3A_1132 masked %reduce_sum3A_1134 : vector<16xf32>, vector<16xi1> -> vector<16xf32>
        %reduce_sum3A_1136 = vector.extract %reduce_sum3A_1135[15] : f32 from vector<16xf32>
        %eq3A_1137 = arith.constant 9 : i32
        %eq3A_1138 = vector.broadcast %eq3A_1137 : i32 to vector<16xi32>
        %eq3A_1139 = arith.cmpi eq, %iota3A, %eq3A_1138 : vector<16xi32>
        %broadcast_in_dim3A_1140 = vector.broadcast %reduce_sum3A_1136 : f32 to vector<16xf32>
        %select_n3A_1141 = arith.select %eq3A_1139, %broadcast_in_dim3A_1140, %select_n3A_1107 : vector<16xi1>, vector<16xf32>
        %mul3A_1142 = arith.constant 50 : i32
        %mul3A_1143 = arith.muli %add3A_203, %mul3A_1142 : i32
        %add3A_1144 = arith.constant 0 : i32
        %add3A_1145 = arith.addi %add3A_1144, %mul3A_1143 : i32
        %add3A_1146 = arith.constant 26 : i32
        %add3A_1147 = arith.addi %add3A_1145, %add3A_1146 : i32
        %get3A_1148 = arith.index_cast %add3A_1147 : i32 to index
        %get3A_1149 = arith.constant 0 : index
        %get3A_1150 = tpu.vector_load %arg15[%get3A_1148, %get3A_1149] {strides = array<i32>} : memref<800x64xf32, #tpu.memory_space<vmem>>, vector<16xf32>,
        %mul3A_1151 = arith.mulf %sub3A, %get3A_1150 : vector<16xf32>
        %get3A_1152 = arith.index_cast %add3A_1147 : i32 to index
        %get3A_1153 = arith.constant 16 : index
        %get3A_1154 = tpu.vector_load %arg15[%get3A_1152, %get3A_1153] {strides = array<i32>} : memref<800x64xf32, #tpu.memory_space<vmem>>, vector<16xf32>,
        %mul3A_1155 = arith.mulf %sub3A_214, %get3A_1154 : vector<16xf32>
        %add3A_1156 = arith.addf %mul3A_1151, %mul3A_1155 : vector<16xf32>
        %get3A_1157 = arith.index_cast %add3A_1147 : i32 to index
        %get3A_1158 = arith.constant 32 : index
        %get3A_1159 = tpu.vector_load %arg15[%get3A_1157, %get3A_1158] {strides = array<i32>} : memref<800x64xf32, #tpu.memory_space<vmem>>, vector<16xf32>,
        %mul3A_1160 = arith.mulf %sub3A_218, %get3A_1159 : vector<16xf32>
        %add3A_1161 = arith.addf %add3A_1156, %mul3A_1160 : vector<16xf32>
        %get3A_1162 = arith.index_cast %add3A_1147 : i32 to index
        %get3A_1163 = arith.constant 48 : index
        %get3A_1164 = tpu.vector_load %arg15[%get3A_1162, %get3A_1163] {strides = array<i32>} : memref<800x64xf32, #tpu.memory_space<vmem>>, vector<16xf32>,
        %mul3A_1165 = arith.mulf %sub3A_222, %get3A_1164 : vector<16xf32>
        %add3A_1166 = arith.addf %add3A_1161, %mul3A_1165 : vector<16xf32>
        %reduce_sum3A_1167 = arith.constant true
        %reduce_sum3A_1168 = vector.broadcast %reduce_sum3A_1167 : i1 to vector<16xi1>
        %reduce_sum3A_1169 = tpu.scan <sum>, %add3A_1166 masked %reduce_sum3A_1168 : vector<16xf32>, vector<16xi1> -> vector<16xf32>
        %reduce_sum3A_1170 = vector.extract %reduce_sum3A_1169[15] : f32 from vector<16xf32>
        %eq3A_1171 = arith.constant 10 : i32
        %eq3A_1172 = vector.broadcast %eq3A_1171 : i32 to vector<16xi32>
        %eq3A_1173 = arith.cmpi eq, %iota3A, %eq3A_1172 : vector<16xi32>
        %broadcast_in_dim3A_1174 = vector.broadcast %reduce_sum3A_1170 : f32 to vector<16xf32>
        %select_n3A_1175 = arith.select %eq3A_1173, %broadcast_in_dim3A_1174, %select_n3A_1141 : vector<16xi1>, vector<16xf32>
        %mul3A_1176 = arith.constant 50 : i32
        %mul3A_1177 = arith.muli %add3A_203, %mul3A_1176 : i32
        %add3A_1178 = arith.constant 0 : i32
        %add3A_1179 = arith.addi %add3A_1178, %mul3A_1177 : i32
        %add3A_1180 = arith.constant 27 : i32
        %add3A_1181 = arith.addi %add3A_1179, %add3A_1180 : i32
        %get3A_1182 = arith.index_cast %add3A_1181 : i32 to index
        %get3A_1183 = arith.constant 0 : index
        %get3A_1184 = tpu.vector_load %arg15[%get3A_1182, %get3A_1183] {strides = array<i32>} : memref<800x64xf32, #tpu.memory_space<vmem>>, vector<16xf32>,
        %mul3A_1185 = arith.mulf %sub3A, %get3A_1184 : vector<16xf32>
        %get3A_1186 = arith.index_cast %add3A_1181 : i32 to index
        %get3A_1187 = arith.constant 16 : index
        %get3A_1188 = tpu.vector_load %arg15[%get3A_1186, %get3A_1187] {strides = array<i32>} : memref<800x64xf32, #tpu.memory_space<vmem>>, vector<16xf32>,
        %mul3A_1189 = arith.mulf %sub3A_214, %get3A_1188 : vector<16xf32>
        %add3A_1190 = arith.addf %mul3A_1185, %mul3A_1189 : vector<16xf32>
        %get3A_1191 = arith.index_cast %add3A_1181 : i32 to index
        %get3A_1192 = arith.constant 32 : index
        %get3A_1193 = tpu.vector_load %arg15[%get3A_1191, %get3A_1192] {strides = array<i32>} : memref<800x64xf32, #tpu.memory_space<vmem>>, vector<16xf32>,
        %mul3A_1194 = arith.mulf %sub3A_218, %get3A_1193 : vector<16xf32>
        %add3A_1195 = arith.addf %add3A_1190, %mul3A_1194 : vector<16xf32>
        %get3A_1196 = arith.index_cast %add3A_1181 : i32 to index
        %get3A_1197 = arith.constant 48 : index
        %get3A_1198 = tpu.vector_load %arg15[%get3A_1196, %get3A_1197] {strides = array<i32>} : memref<800x64xf32, #tpu.memory_space<vmem>>, vector<16xf32>,
        %mul3A_1199 = arith.mulf %sub3A_222, %get3A_1198 : vector<16xf32>
        %add3A_1200 = arith.addf %add3A_1195, %mul3A_1199 : vector<16xf32>
        %reduce_sum3A_1201 = arith.constant true
        %reduce_sum3A_1202 = vector.broadcast %reduce_sum3A_1201 : i1 to vector<16xi1>
        %reduce_sum3A_1203 = tpu.scan <sum>, %add3A_1200 masked %reduce_sum3A_1202 : vector<16xf32>, vector<16xi1> -> vector<16xf32>
        %reduce_sum3A_1204 = vector.extract %reduce_sum3A_1203[15] : f32 from vector<16xf32>
        %eq3A_1205 = arith.constant 11 : i32
        %eq3A_1206 = vector.broadcast %eq3A_1205 : i32 to vector<16xi32>
        %eq3A_1207 = arith.cmpi eq, %iota3A, %eq3A_1206 : vector<16xi32>
        %broadcast_in_dim3A_1208 = vector.broadcast %reduce_sum3A_1204 : f32 to vector<16xf32>
        %select_n3A_1209 = arith.select %eq3A_1207, %broadcast_in_dim3A_1208, %select_n3A_1175 : vector<16xi1>, vector<16xf32>
        %mul3A_1210 = arith.constant 50 : i32
        %mul3A_1211 = arith.muli %add3A_203, %mul3A_1210 : i32
        %add3A_1212 = arith.constant 0 : i32
        %add3A_1213 = arith.addi %add3A_1212, %mul3A_1211 : i32
        %add3A_1214 = arith.constant 28 : i32
        %add3A_1215 = arith.addi %add3A_1213, %add3A_1214 : i32
        %get3A_1216 = arith.index_cast %add3A_1215 : i32 to index
        %get3A_1217 = arith.constant 0 : index
        %get3A_1218 = tpu.vector_load %arg15[%get3A_1216, %get3A_1217] {strides = array<i32>} : memref<800x64xf32, #tpu.memory_space<vmem>>, vector<16xf32>,
        %mul3A_1219 = arith.mulf %sub3A, %get3A_1218 : vector<16xf32>
        %get3A_1220 = arith.index_cast %add3A_1215 : i32 to index
        %get3A_1221 = arith.constant 16 : index
        %get3A_1222 = tpu.vector_load %arg15[%get3A_1220, %get3A_1221] {strides = array<i32>} : memref<800x64xf32, #tpu.memory_space<vmem>>, vector<16xf32>,
        %mul3A_1223 = arith.mulf %sub3A_214, %get3A_1222 : vector<16xf32>
        %add3A_1224 = arith.addf %mul3A_1219, %mul3A_1223 : vector<16xf32>
        %get3A_1225 = arith.index_cast %add3A_1215 : i32 to index
        %get3A_1226 = arith.constant 32 : index
        %get3A_1227 = tpu.vector_load %arg15[%get3A_1225, %get3A_1226] {strides = array<i32>} : memref<800x64xf32, #tpu.memory_space<vmem>>, vector<16xf32>,
        %mul3A_1228 = arith.mulf %sub3A_218, %get3A_1227 : vector<16xf32>
        %add3A_1229 = arith.addf %add3A_1224, %mul3A_1228 : vector<16xf32>
        %get3A_1230 = arith.index_cast %add3A_1215 : i32 to index
        %get3A_1231 = arith.constant 48 : index
        %get3A_1232 = tpu.vector_load %arg15[%get3A_1230, %get3A_1231] {strides = array<i32>} : memref<800x64xf32, #tpu.memory_space<vmem>>, vector<16xf32>,
        %mul3A_1233 = arith.mulf %sub3A_222, %get3A_1232 : vector<16xf32>
        %add3A_1234 = arith.addf %add3A_1229, %mul3A_1233 : vector<16xf32>
        %reduce_sum3A_1235 = arith.constant true
        %reduce_sum3A_1236 = vector.broadcast %reduce_sum3A_1235 : i1 to vector<16xi1>
        %reduce_sum3A_1237 = tpu.scan <sum>, %add3A_1234 masked %reduce_sum3A_1236 : vector<16xf32>, vector<16xi1> -> vector<16xf32>
        %reduce_sum3A_1238 = vector.extract %reduce_sum3A_1237[15] : f32 from vector<16xf32>
        %eq3A_1239 = arith.constant 12 : i32
        %eq3A_1240 = vector.broadcast %eq3A_1239 : i32 to vector<16xi32>
        %eq3A_1241 = arith.cmpi eq, %iota3A, %eq3A_1240 : vector<16xi32>
        %broadcast_in_dim3A_1242 = vector.broadcast %reduce_sum3A_1238 : f32 to vector<16xf32>
        %select_n3A_1243 = arith.select %eq3A_1241, %broadcast_in_dim3A_1242, %select_n3A_1209 : vector<16xi1>, vector<16xf32>
        %mul3A_1244 = arith.constant 50 : i32
        %mul3A_1245 = arith.muli %add3A_203, %mul3A_1244 : i32
        %add3A_1246 = arith.constant 0 : i32
        %add3A_1247 = arith.addi %add3A_1246, %mul3A_1245 : i32
        %add3A_1248 = arith.constant 29 : i32
        %add3A_1249 = arith.addi %add3A_1247, %add3A_1248 : i32
        %get3A_1250 = arith.index_cast %add3A_1249 : i32 to index
        %get3A_1251 = arith.constant 0 : index
        %get3A_1252 = tpu.vector_load %arg15[%get3A_1250, %get3A_1251] {strides = array<i32>} : memref<800x64xf32, #tpu.memory_space<vmem>>, vector<16xf32>,
        %mul3A_1253 = arith.mulf %sub3A, %get3A_1252 : vector<16xf32>
        %get3A_1254 = arith.index_cast %add3A_1249 : i32 to index
        %get3A_1255 = arith.constant 16 : index
        %get3A_1256 = tpu.vector_load %arg15[%get3A_1254, %get3A_1255] {strides = array<i32>} : memref<800x64xf32, #tpu.memory_space<vmem>>, vector<16xf32>,
        %mul3A_1257 = arith.mulf %sub3A_214, %get3A_1256 : vector<16xf32>
        %add3A_1258 = arith.addf %mul3A_1253, %mul3A_1257 : vector<16xf32>
        %get3A_1259 = arith.index_cast %add3A_1249 : i32 to index
        %get3A_1260 = arith.constant 32 : index
        %get3A_1261 = tpu.vector_load %arg15[%get3A_1259, %get3A_1260] {strides = array<i32>} : memref<800x64xf32, #tpu.memory_space<vmem>>, vector<16xf32>,
        %mul3A_1262 = arith.mulf %sub3A_218, %get3A_1261 : vector<16xf32>
        %add3A_1263 = arith.addf %add3A_1258, %mul3A_1262 : vector<16xf32>
        %get3A_1264 = arith.index_cast %add3A_1249 : i32 to index
        %get3A_1265 = arith.constant 48 : index
        %get3A_1266 = tpu.vector_load %arg15[%get3A_1264, %get3A_1265] {strides = array<i32>} : memref<800x64xf32, #tpu.memory_space<vmem>>, vector<16xf32>,
        %mul3A_1267 = arith.mulf %sub3A_222, %get3A_1266 : vector<16xf32>
        %add3A_1268 = arith.addf %add3A_1263, %mul3A_1267 : vector<16xf32>
        %reduce_sum3A_1269 = arith.constant true
        %reduce_sum3A_1270 = vector.broadcast %reduce_sum3A_1269 : i1 to vector<16xi1>
        %reduce_sum3A_1271 = tpu.scan <sum>, %add3A_1268 masked %reduce_sum3A_1270 : vector<16xf32>, vector<16xi1> -> vector<16xf32>
        %reduce_sum3A_1272 = vector.extract %reduce_sum3A_1271[15] : f32 from vector<16xf32>
        %eq3A_1273 = arith.constant 13 : i32
        %eq3A_1274 = vector.broadcast %eq3A_1273 : i32 to vector<16xi32>
        %eq3A_1275 = arith.cmpi eq, %iota3A, %eq3A_1274 : vector<16xi32>
        %broadcast_in_dim3A_1276 = vector.broadcast %reduce_sum3A_1272 : f32 to vector<16xf32>
        %select_n3A_1277 = arith.select %eq3A_1275, %broadcast_in_dim3A_1276, %select_n3A_1243 : vector<16xi1>, vector<16xf32>
        %mul3A_1278 = arith.constant 50 : i32
        %mul3A_1279 = arith.muli %add3A_203, %mul3A_1278 : i32
        %add3A_1280 = arith.constant 0 : i32
        %add3A_1281 = arith.addi %add3A_1280, %mul3A_1279 : i32
        %add3A_1282 = arith.constant 30 : i32
        %add3A_1283 = arith.addi %add3A_1281, %add3A_1282 : i32
        %get3A_1284 = arith.index_cast %add3A_1283 : i32 to index
        %get3A_1285 = arith.constant 0 : index
        %get3A_1286 = tpu.vector_load %arg15[%get3A_1284, %get3A_1285] {strides = array<i32>} : memref<800x64xf32, #tpu.memory_space<vmem>>, vector<16xf32>,
        %mul3A_1287 = arith.mulf %sub3A, %get3A_1286 : vector<16xf32>
        %get3A_1288 = arith.index_cast %add3A_1283 : i32 to index
        %get3A_1289 = arith.constant 16 : index
        %get3A_1290 = tpu.vector_load %arg15[%get3A_1288, %get3A_1289] {strides = array<i32>} : memref<800x64xf32, #tpu.memory_space<vmem>>, vector<16xf32>,
        %mul3A_1291 = arith.mulf %sub3A_214, %get3A_1290 : vector<16xf32>
        %add3A_1292 = arith.addf %mul3A_1287, %mul3A_1291 : vector<16xf32>
        %get3A_1293 = arith.index_cast %add3A_1283 : i32 to index
        %get3A_1294 = arith.constant 32 : index
        %get3A_1295 = tpu.vector_load %arg15[%get3A_1293, %get3A_1294] {strides = array<i32>} : memref<800x64xf32, #tpu.memory_space<vmem>>, vector<16xf32>,
        %mul3A_1296 = arith.mulf %sub3A_218, %get3A_1295 : vector<16xf32>
        %add3A_1297 = arith.addf %add3A_1292, %mul3A_1296 : vector<16xf32>
        %get3A_1298 = arith.index_cast %add3A_1283 : i32 to index
        %get3A_1299 = arith.constant 48 : index
        %get3A_1300 = tpu.vector_load %arg15[%get3A_1298, %get3A_1299] {strides = array<i32>} : memref<800x64xf32, #tpu.memory_space<vmem>>, vector<16xf32>,
        %mul3A_1301 = arith.mulf %sub3A_222, %get3A_1300 : vector<16xf32>
        %add3A_1302 = arith.addf %add3A_1297, %mul3A_1301 : vector<16xf32>
        %reduce_sum3A_1303 = arith.constant true
        %reduce_sum3A_1304 = vector.broadcast %reduce_sum3A_1303 : i1 to vector<16xi1>
        %reduce_sum3A_1305 = tpu.scan <sum>, %add3A_1302 masked %reduce_sum3A_1304 : vector<16xf32>, vector<16xi1> -> vector<16xf32>
        %reduce_sum3A_1306 = vector.extract %reduce_sum3A_1305[15] : f32 from vector<16xf32>
        %eq3A_1307 = arith.constant 14 : i32
        %eq3A_1308 = vector.broadcast %eq3A_1307 : i32 to vector<16xi32>
        %eq3A_1309 = arith.cmpi eq, %iota3A, %eq3A_1308 : vector<16xi32>
        %broadcast_in_dim3A_1310 = vector.broadcast %reduce_sum3A_1306 : f32 to vector<16xf32>
        %select_n3A_1311 = arith.select %eq3A_1309, %broadcast_in_dim3A_1310, %select_n3A_1277 : vector<16xi1>, vector<16xf32>
        %mul3A_1312 = arith.constant 50 : i32
        %mul3A_1313 = arith.muli %add3A_203, %mul3A_1312 : i32
        %add3A_1314 = arith.constant 0 : i32
        %add3A_1315 = arith.addi %add3A_1314, %mul3A_1313 : i32
        %add3A_1316 = arith.constant 31 : i32
        %add3A_1317 = arith.addi %add3A_1315, %add3A_1316 : i32
        %get3A_1318 = arith.index_cast %add3A_1317 : i32 to index
        %get3A_1319 = arith.constant 0 : index
        %get3A_1320 = tpu.vector_load %arg15[%get3A_1318, %get3A_1319] {strides = array<i32>} : memref<800x64xf32, #tpu.memory_space<vmem>>, vector<16xf32>,
        %mul3A_1321 = arith.mulf %sub3A, %get3A_1320 : vector<16xf32>
        %get3A_1322 = arith.index_cast %add3A_1317 : i32 to index
        %get3A_1323 = arith.constant 16 : index
        %get3A_1324 = tpu.vector_load %arg15[%get3A_1322, %get3A_1323] {strides = array<i32>} : memref<800x64xf32, #tpu.memory_space<vmem>>, vector<16xf32>,
        %mul3A_1325 = arith.mulf %sub3A_214, %get3A_1324 : vector<16xf32>
        %add3A_1326 = arith.addf %mul3A_1321, %mul3A_1325 : vector<16xf32>
        %get3A_1327 = arith.index_cast %add3A_1317 : i32 to index
        %get3A_1328 = arith.constant 32 : index
        %get3A_1329 = tpu.vector_load %arg15[%get3A_1327, %get3A_1328] {strides = array<i32>} : memref<800x64xf32, #tpu.memory_space<vmem>>, vector<16xf32>,
        %mul3A_1330 = arith.mulf %sub3A_218, %get3A_1329 : vector<16xf32>
        %add3A_1331 = arith.addf %add3A_1326, %mul3A_1330 : vector<16xf32>
        %get3A_1332 = arith.index_cast %add3A_1317 : i32 to index
        %get3A_1333 = arith.constant 48 : index
        %get3A_1334 = tpu.vector_load %arg15[%get3A_1332, %get3A_1333] {strides = array<i32>} : memref<800x64xf32, #tpu.memory_space<vmem>>, vector<16xf32>,
        %mul3A_1335 = arith.mulf %sub3A_222, %get3A_1334 : vector<16xf32>
        %add3A_1336 = arith.addf %add3A_1331, %mul3A_1335 : vector<16xf32>
        %reduce_sum3A_1337 = arith.constant true
        %reduce_sum3A_1338 = vector.broadcast %reduce_sum3A_1337 : i1 to vector<16xi1>
        %reduce_sum3A_1339 = tpu.scan <sum>, %add3A_1336 masked %reduce_sum3A_1338 : vector<16xf32>, vector<16xi1> -> vector<16xf32>
        %reduce_sum3A_1340 = vector.extract %reduce_sum3A_1339[15] : f32 from vector<16xf32>
        %eq3A_1341 = arith.constant 15 : i32
        %eq3A_1342 = vector.broadcast %eq3A_1341 : i32 to vector<16xi32>
        %eq3A_1343 = arith.cmpi eq, %iota3A, %eq3A_1342 : vector<16xi32>
        %broadcast_in_dim3A_1344 = vector.broadcast %reduce_sum3A_1340 : f32 to vector<16xf32>
        %select_n3A_1345 = arith.select %eq3A_1343, %broadcast_in_dim3A_1344, %select_n3A_1311 : vector<16xi1>, vector<16xf32>
        %add3A_1346 = arith.constant 16 : i32
        %add3A_1347 = vector.broadcast %add3A_1346 : i32 to vector<16xi32>
        %add3A_1348 = arith.addi %iota3A, %add3A_1347 : vector<16xi32>
        %lt3A_1349 = arith.constant 50 : i32
        %lt3A_1350 = vector.broadcast %lt3A_1349 : i32 to vector<16xi32>
        %lt3A_1351 = arith.cmpi slt, %add3A_1348, %lt3A_1350 : vector<16xi32>
        %min3A_1352 = arith.constant 49 : i32
        %min3A_1353 = vector.broadcast %min3A_1352 : i32 to vector<16xi32>
        %min3A_1354 = arith.minsi %add3A_1348, %min3A_1353 : vector<16xi32>
        %add3A_1355 = arith.addi %broadcast_in_dim3A_237, %min3A_1354 : vector<16xi32>
        %gather3A_1356 = tpu.vector_load_idx %arg20[%add3A_1355] : memref<800xf32, #tpu.memory_space<vmem>>[vector<16xi32>], vector<16xf32>,
        %mul3A_1357 = arith.constant 50 : i32
        %mul3A_1358 = vector.broadcast %mul3A_1357 : i32 to vector<16xi32>
        %mul3A_1359 = arith.muli %broadcast_in_dim3A_207, %mul3A_1358 : vector<16xi32>
        %add3A_1360 = arith.addi %mul3A_1359, %add3A_1348 : vector<16xi32>
        %sub3A_1361 = vector.broadcast %reduce_sum3A_232 : f32 to vector<16xf32>
        %sub3A_1362 = arith.subf %select_n3A_1345, %sub3A_1361 : vector<16xf32>
        %add3A_1363 = arith.addf %sub3A_1362, %gather3A : vector<16xf32>
        %add3A_1364 = arith.addf %add3A_1363, %gather3A_1356 : vector<16xf32>
        tpu.vector_store_idx %arg22[%add3A_1360], %add3A_1364 masked %lt3A_1351 : memref<6400xf32, #tpu.memory_space<vmem>>[vector<16xi32>], vector<16xf32>, vector<16xi1>
        %broadcast_in_dim3A_1365 = arith.constant 0.000000e+00 : f32
        %broadcast_in_dim3A_1366 = vector.broadcast %broadcast_in_dim3A_1365 : f32 to vector<16xf32>
        %mul3A_1367 = arith.constant 50 : i32
        %mul3A_1368 = arith.muli %add3A_203, %mul3A_1367 : i32
        %add3A_1369 = arith.constant 0 : i32
        %add3A_1370 = arith.addi %add3A_1369, %mul3A_1368 : i32
        %add3A_1371 = arith.constant 32 : i32
        %add3A_1372 = arith.addi %add3A_1370, %add3A_1371 : i32
        %get3A_1373 = arith.index_cast %add3A_1372 : i32 to index
        %get3A_1374 = arith.constant 0 : index
        %get3A_1375 = tpu.vector_load %arg15[%get3A_1373, %get3A_1374] {strides = array<i32>} : memref<800x64xf32, #tpu.memory_space<vmem>>, vector<16xf32>,
        %mul3A_1376 = arith.mulf %sub3A, %get3A_1375 : vector<16xf32>
        %get3A_1377 = arith.index_cast %add3A_1372 : i32 to index
        %get3A_1378 = arith.constant 16 : index
        %get3A_1379 = tpu.vector_load %arg15[%get3A_1377, %get3A_1378] {strides = array<i32>} : memref<800x64xf32, #tpu.memory_space<vmem>>, vector<16xf32>,
        %mul3A_1380 = arith.mulf %sub3A_214, %get3A_1379 : vector<16xf32>
        %add3A_1381 = arith.addf %mul3A_1376, %mul3A_1380 : vector<16xf32>
        %get3A_1382 = arith.index_cast %add3A_1372 : i32 to index
        %get3A_1383 = arith.constant 32 : index
        %get3A_1384 = tpu.vector_load %arg15[%get3A_1382, %get3A_1383] {strides = array<i32>} : memref<800x64xf32, #tpu.memory_space<vmem>>, vector<16xf32>,
        %mul3A_1385 = arith.mulf %sub3A_218, %get3A_1384 : vector<16xf32>
        %add3A_1386 = arith.addf %add3A_1381, %mul3A_1385 : vector<16xf32>
        %get3A_1387 = arith.index_cast %add3A_1372 : i32 to index
        %get3A_1388 = arith.constant 48 : index
        %get3A_1389 = tpu.vector_load %arg15[%get3A_1387, %get3A_1388] {strides = array<i32>} : memref<800x64xf32, #tpu.memory_space<vmem>>, vector<16xf32>,
        %mul3A_1390 = arith.mulf %sub3A_222, %get3A_1389 : vector<16xf32>
        %add3A_1391 = arith.addf %add3A_1386, %mul3A_1390 : vector<16xf32>
        %reduce_sum3A_1392 = arith.constant true
        %reduce_sum3A_1393 = vector.broadcast %reduce_sum3A_1392 : i1 to vector<16xi1>
        %reduce_sum3A_1394 = tpu.scan <sum>, %add3A_1391 masked %reduce_sum3A_1393 : vector<16xf32>, vector<16xi1> -> vector<16xf32>
        %reduce_sum3A_1395 = vector.extract %reduce_sum3A_1394[15] : f32 from vector<16xf32>
        %eq3A_1396 = arith.constant 0 : i32
        %eq3A_1397 = vector.broadcast %eq3A_1396 : i32 to vector<16xi32>
        %eq3A_1398 = arith.cmpi eq, %iota3A, %eq3A_1397 : vector<16xi32>
        %broadcast_in_dim3A_1399 = vector.broadcast %reduce_sum3A_1395 : f32 to vector<16xf32>
        %select_n3A_1400 = arith.select %eq3A_1398, %broadcast_in_dim3A_1399, %broadcast_in_dim3A_1366 : vector<16xi1>, vector<16xf32>
        %mul3A_1401 = arith.constant 50 : i32
        %mul3A_1402 = arith.muli %add3A_203, %mul3A_1401 : i32
        %add3A_1403 = arith.constant 0 : i32
        %add3A_1404 = arith.addi %add3A_1403, %mul3A_1402 : i32
        %add3A_1405 = arith.constant 33 : i32
        %add3A_1406 = arith.addi %add3A_1404, %add3A_1405 : i32
        %get3A_1407 = arith.index_cast %add3A_1406 : i32 to index
        %get3A_1408 = arith.constant 0 : index
        %get3A_1409 = tpu.vector_load %arg15[%get3A_1407, %get3A_1408] {strides = array<i32>} : memref<800x64xf32, #tpu.memory_space<vmem>>, vector<16xf32>,
        %mul3A_1410 = arith.mulf %sub3A, %get3A_1409 : vector<16xf32>
        %get3A_1411 = arith.index_cast %add3A_1406 : i32 to index
        %get3A_1412 = arith.constant 16 : index
        %get3A_1413 = tpu.vector_load %arg15[%get3A_1411, %get3A_1412] {strides = array<i32>} : memref<800x64xf32, #tpu.memory_space<vmem>>, vector<16xf32>,
        %mul3A_1414 = arith.mulf %sub3A_214, %get3A_1413 : vector<16xf32>
        %add3A_1415 = arith.addf %mul3A_1410, %mul3A_1414 : vector<16xf32>
        %get3A_1416 = arith.index_cast %add3A_1406 : i32 to index
        %get3A_1417 = arith.constant 32 : index
        %get3A_1418 = tpu.vector_load %arg15[%get3A_1416, %get3A_1417] {strides = array<i32>} : memref<800x64xf32, #tpu.memory_space<vmem>>, vector<16xf32>,
        %mul3A_1419 = arith.mulf %sub3A_218, %get3A_1418 : vector<16xf32>
        %add3A_1420 = arith.addf %add3A_1415, %mul3A_1419 : vector<16xf32>
        %get3A_1421 = arith.index_cast %add3A_1406 : i32 to index
        %get3A_1422 = arith.constant 48 : index
        %get3A_1423 = tpu.vector_load %arg15[%get3A_1421, %get3A_1422] {strides = array<i32>} : memref<800x64xf32, #tpu.memory_space<vmem>>, vector<16xf32>,
        %mul3A_1424 = arith.mulf %sub3A_222, %get3A_1423 : vector<16xf32>
        %add3A_1425 = arith.addf %add3A_1420, %mul3A_1424 : vector<16xf32>
        %reduce_sum3A_1426 = arith.constant true
        %reduce_sum3A_1427 = vector.broadcast %reduce_sum3A_1426 : i1 to vector<16xi1>
        %reduce_sum3A_1428 = tpu.scan <sum>, %add3A_1425 masked %reduce_sum3A_1427 : vector<16xf32>, vector<16xi1> -> vector<16xf32>
        %reduce_sum3A_1429 = vector.extract %reduce_sum3A_1428[15] : f32 from vector<16xf32>
        %eq3A_1430 = arith.constant 1 : i32
        %eq3A_1431 = vector.broadcast %eq3A_1430 : i32 to vector<16xi32>
        %eq3A_1432 = arith.cmpi eq, %iota3A, %eq3A_1431 : vector<16xi32>
        %broadcast_in_dim3A_1433 = vector.broadcast %reduce_sum3A_1429 : f32 to vector<16xf32>
        %select_n3A_1434 = arith.select %eq3A_1432, %broadcast_in_dim3A_1433, %select_n3A_1400 : vector<16xi1>, vector<16xf32>
        %mul3A_1435 = arith.constant 50 : i32
        %mul3A_1436 = arith.muli %add3A_203, %mul3A_1435 : i32
        %add3A_1437 = arith.constant 0 : i32
        %add3A_1438 = arith.addi %add3A_1437, %mul3A_1436 : i32
        %add3A_1439 = arith.constant 34 : i32
        %add3A_1440 = arith.addi %add3A_1438, %add3A_1439 : i32
        %get3A_1441 = arith.index_cast %add3A_1440 : i32 to index
        %get3A_1442 = arith.constant 0 : index
        %get3A_1443 = tpu.vector_load %arg15[%get3A_1441, %get3A_1442] {strides = array<i32>} : memref<800x64xf32, #tpu.memory_space<vmem>>, vector<16xf32>,
        %mul3A_1444 = arith.mulf %sub3A, %get3A_1443 : vector<16xf32>
        %get3A_1445 = arith.index_cast %add3A_1440 : i32 to index
        %get3A_1446 = arith.constant 16 : index
        %get3A_1447 = tpu.vector_load %arg15[%get3A_1445, %get3A_1446] {strides = array<i32>} : memref<800x64xf32, #tpu.memory_space<vmem>>, vector<16xf32>,
        %mul3A_1448 = arith.mulf %sub3A_214, %get3A_1447 : vector<16xf32>
        %add3A_1449 = arith.addf %mul3A_1444, %mul3A_1448 : vector<16xf32>
        %get3A_1450 = arith.index_cast %add3A_1440 : i32 to index
        %get3A_1451 = arith.constant 32 : index
        %get3A_1452 = tpu.vector_load %arg15[%get3A_1450, %get3A_1451] {strides = array<i32>} : memref<800x64xf32, #tpu.memory_space<vmem>>, vector<16xf32>,
        %mul3A_1453 = arith.mulf %sub3A_218, %get3A_1452 : vector<16xf32>
        %add3A_1454 = arith.addf %add3A_1449, %mul3A_1453 : vector<16xf32>
        %get3A_1455 = arith.index_cast %add3A_1440 : i32 to index
        %get3A_1456 = arith.constant 48 : index
        %get3A_1457 = tpu.vector_load %arg15[%get3A_1455, %get3A_1456] {strides = array<i32>} : memref<800x64xf32, #tpu.memory_space<vmem>>, vector<16xf32>,
        %mul3A_1458 = arith.mulf %sub3A_222, %get3A_1457 : vector<16xf32>
        %add3A_1459 = arith.addf %add3A_1454, %mul3A_1458 : vector<16xf32>
        %reduce_sum3A_1460 = arith.constant true
        %reduce_sum3A_1461 = vector.broadcast %reduce_sum3A_1460 : i1 to vector<16xi1>
        %reduce_sum3A_1462 = tpu.scan <sum>, %add3A_1459 masked %reduce_sum3A_1461 : vector<16xf32>, vector<16xi1> -> vector<16xf32>
        %reduce_sum3A_1463 = vector.extract %reduce_sum3A_1462[15] : f32 from vector<16xf32>
        %eq3A_1464 = arith.constant 2 : i32
        %eq3A_1465 = vector.broadcast %eq3A_1464 : i32 to vector<16xi32>
        %eq3A_1466 = arith.cmpi eq, %iota3A, %eq3A_1465 : vector<16xi32>
        %broadcast_in_dim3A_1467 = vector.broadcast %reduce_sum3A_1463 : f32 to vector<16xf32>
        %select_n3A_1468 = arith.select %eq3A_1466, %broadcast_in_dim3A_1467, %select_n3A_1434 : vector<16xi1>, vector<16xf32>
        %mul3A_1469 = arith.constant 50 : i32
        %mul3A_1470 = arith.muli %add3A_203, %mul3A_1469 : i32
        %add3A_1471 = arith.constant 0 : i32
        %add3A_1472 = arith.addi %add3A_1471, %mul3A_1470 : i32
        %add3A_1473 = arith.constant 35 : i32
        %add3A_1474 = arith.addi %add3A_1472, %add3A_1473 : i32
        %get3A_1475 = arith.index_cast %add3A_1474 : i32 to index
        %get3A_1476 = arith.constant 0 : index
        %get3A_1477 = tpu.vector_load %arg15[%get3A_1475, %get3A_1476] {strides = array<i32>} : memref<800x64xf32, #tpu.memory_space<vmem>>, vector<16xf32>,
        %mul3A_1478 = arith.mulf %sub3A, %get3A_1477 : vector<16xf32>
        %get3A_1479 = arith.index_cast %add3A_1474 : i32 to index
        %get3A_1480 = arith.constant 16 : index
        %get3A_1481 = tpu.vector_load %arg15[%get3A_1479, %get3A_1480] {strides = array<i32>} : memref<800x64xf32, #tpu.memory_space<vmem>>, vector<16xf32>,
        %mul3A_1482 = arith.mulf %sub3A_214, %get3A_1481 : vector<16xf32>
        %add3A_1483 = arith.addf %mul3A_1478, %mul3A_1482 : vector<16xf32>
        %get3A_1484 = arith.index_cast %add3A_1474 : i32 to index
        %get3A_1485 = arith.constant 32 : index
        %get3A_1486 = tpu.vector_load %arg15[%get3A_1484, %get3A_1485] {strides = array<i32>} : memref<800x64xf32, #tpu.memory_space<vmem>>, vector<16xf32>,
        %mul3A_1487 = arith.mulf %sub3A_218, %get3A_1486 : vector<16xf32>
        %add3A_1488 = arith.addf %add3A_1483, %mul3A_1487 : vector<16xf32>
        %get3A_1489 = arith.index_cast %add3A_1474 : i32 to index
        %get3A_1490 = arith.constant 48 : index
        %get3A_1491 = tpu.vector_load %arg15[%get3A_1489, %get3A_1490] {strides = array<i32>} : memref<800x64xf32, #tpu.memory_space<vmem>>, vector<16xf32>,
        %mul3A_1492 = arith.mulf %sub3A_222, %get3A_1491 : vector<16xf32>
        %add3A_1493 = arith.addf %add3A_1488, %mul3A_1492 : vector<16xf32>
        %reduce_sum3A_1494 = arith.constant true
        %reduce_sum3A_1495 = vector.broadcast %reduce_sum3A_1494 : i1 to vector<16xi1>
        %reduce_sum3A_1496 = tpu.scan <sum>, %add3A_1493 masked %reduce_sum3A_1495 : vector<16xf32>, vector<16xi1> -> vector<16xf32>
        %reduce_sum3A_1497 = vector.extract %reduce_sum3A_1496[15] : f32 from vector<16xf32>
        %eq3A_1498 = arith.constant 3 : i32
        %eq3A_1499 = vector.broadcast %eq3A_1498 : i32 to vector<16xi32>
        %eq3A_1500 = arith.cmpi eq, %iota3A, %eq3A_1499 : vector<16xi32>
        %broadcast_in_dim3A_1501 = vector.broadcast %reduce_sum3A_1497 : f32 to vector<16xf32>
        %select_n3A_1502 = arith.select %eq3A_1500, %broadcast_in_dim3A_1501, %select_n3A_1468 : vector<16xi1>, vector<16xf32>
        %mul3A_1503 = arith.constant 50 : i32
        %mul3A_1504 = arith.muli %add3A_203, %mul3A_1503 : i32
        %add3A_1505 = arith.constant 0 : i32
        %add3A_1506 = arith.addi %add3A_1505, %mul3A_1504 : i32
        %add3A_1507 = arith.constant 36 : i32
        %add3A_1508 = arith.addi %add3A_1506, %add3A_1507 : i32
        %get3A_1509 = arith.index_cast %add3A_1508 : i32 to index
        %get3A_1510 = arith.constant 0 : index
        %get3A_1511 = tpu.vector_load %arg15[%get3A_1509, %get3A_1510] {strides = array<i32>} : memref<800x64xf32, #tpu.memory_space<vmem>>, vector<16xf32>,
        %mul3A_1512 = arith.mulf %sub3A, %get3A_1511 : vector<16xf32>
        %get3A_1513 = arith.index_cast %add3A_1508 : i32 to index
        %get3A_1514 = arith.constant 16 : index
        %get3A_1515 = tpu.vector_load %arg15[%get3A_1513, %get3A_1514] {strides = array<i32>} : memref<800x64xf32, #tpu.memory_space<vmem>>, vector<16xf32>,
        %mul3A_1516 = arith.mulf %sub3A_214, %get3A_1515 : vector<16xf32>
        %add3A_1517 = arith.addf %mul3A_1512, %mul3A_1516 : vector<16xf32>
        %get3A_1518 = arith.index_cast %add3A_1508 : i32 to index
        %get3A_1519 = arith.constant 32 : index
        %get3A_1520 = tpu.vector_load %arg15[%get3A_1518, %get3A_1519] {strides = array<i32>} : memref<800x64xf32, #tpu.memory_space<vmem>>, vector<16xf32>,
        %mul3A_1521 = arith.mulf %sub3A_218, %get3A_1520 : vector<16xf32>
        %add3A_1522 = arith.addf %add3A_1517, %mul3A_1521 : vector<16xf32>
        %get3A_1523 = arith.index_cast %add3A_1508 : i32 to index
        %get3A_1524 = arith.constant 48 : index
        %get3A_1525 = tpu.vector_load %arg15[%get3A_1523, %get3A_1524] {strides = array<i32>} : memref<800x64xf32, #tpu.memory_space<vmem>>, vector<16xf32>,
        %mul3A_1526 = arith.mulf %sub3A_222, %get3A_1525 : vector<16xf32>
        %add3A_1527 = arith.addf %add3A_1522, %mul3A_1526 : vector<16xf32>
        %reduce_sum3A_1528 = arith.constant true
        %reduce_sum3A_1529 = vector.broadcast %reduce_sum3A_1528 : i1 to vector<16xi1>
        %reduce_sum3A_1530 = tpu.scan <sum>, %add3A_1527 masked %reduce_sum3A_1529 : vector<16xf32>, vector<16xi1> -> vector<16xf32>
        %reduce_sum3A_1531 = vector.extract %reduce_sum3A_1530[15] : f32 from vector<16xf32>
        %eq3A_1532 = arith.constant 4 : i32
        %eq3A_1533 = vector.broadcast %eq3A_1532 : i32 to vector<16xi32>
        %eq3A_1534 = arith.cmpi eq, %iota3A, %eq3A_1533 : vector<16xi32>
        %broadcast_in_dim3A_1535 = vector.broadcast %reduce_sum3A_1531 : f32 to vector<16xf32>
        %select_n3A_1536 = arith.select %eq3A_1534, %broadcast_in_dim3A_1535, %select_n3A_1502 : vector<16xi1>, vector<16xf32>
        %mul3A_1537 = arith.constant 50 : i32
        %mul3A_1538 = arith.muli %add3A_203, %mul3A_1537 : i32
        %add3A_1539 = arith.constant 0 : i32
        %add3A_1540 = arith.addi %add3A_1539, %mul3A_1538 : i32
        %add3A_1541 = arith.constant 37 : i32
        %add3A_1542 = arith.addi %add3A_1540, %add3A_1541 : i32
        %get3A_1543 = arith.index_cast %add3A_1542 : i32 to index
        %get3A_1544 = arith.constant 0 : index
        %get3A_1545 = tpu.vector_load %arg15[%get3A_1543, %get3A_1544] {strides = array<i32>} : memref<800x64xf32, #tpu.memory_space<vmem>>, vector<16xf32>,
        %mul3A_1546 = arith.mulf %sub3A, %get3A_1545 : vector<16xf32>
        %get3A_1547 = arith.index_cast %add3A_1542 : i32 to index
        %get3A_1548 = arith.constant 16 : index
        %get3A_1549 = tpu.vector_load %arg15[%get3A_1547, %get3A_1548] {strides = array<i32>} : memref<800x64xf32, #tpu.memory_space<vmem>>, vector<16xf32>,
        %mul3A_1550 = arith.mulf %sub3A_214, %get3A_1549 : vector<16xf32>
        %add3A_1551 = arith.addf %mul3A_1546, %mul3A_1550 : vector<16xf32>
        %get3A_1552 = arith.index_cast %add3A_1542 : i32 to index
        %get3A_1553 = arith.constant 32 : index
        %get3A_1554 = tpu.vector_load %arg15[%get3A_1552, %get3A_1553] {strides = array<i32>} : memref<800x64xf32, #tpu.memory_space<vmem>>, vector<16xf32>,
        %mul3A_1555 = arith.mulf %sub3A_218, %get3A_1554 : vector<16xf32>
        %add3A_1556 = arith.addf %add3A_1551, %mul3A_1555 : vector<16xf32>
        %get3A_1557 = arith.index_cast %add3A_1542 : i32 to index
        %get3A_1558 = arith.constant 48 : index
        %get3A_1559 = tpu.vector_load %arg15[%get3A_1557, %get3A_1558] {strides = array<i32>} : memref<800x64xf32, #tpu.memory_space<vmem>>, vector<16xf32>,
        %mul3A_1560 = arith.mulf %sub3A_222, %get3A_1559 : vector<16xf32>
        %add3A_1561 = arith.addf %add3A_1556, %mul3A_1560 : vector<16xf32>
        %reduce_sum3A_1562 = arith.constant true
        %reduce_sum3A_1563 = vector.broadcast %reduce_sum3A_1562 : i1 to vector<16xi1>
        %reduce_sum3A_1564 = tpu.scan <sum>, %add3A_1561 masked %reduce_sum3A_1563 : vector<16xf32>, vector<16xi1> -> vector<16xf32>
        %reduce_sum3A_1565 = vector.extract %reduce_sum3A_1564[15] : f32 from vector<16xf32>
        %eq3A_1566 = arith.constant 5 : i32
        %eq3A_1567 = vector.broadcast %eq3A_1566 : i32 to vector<16xi32>
        %eq3A_1568 = arith.cmpi eq, %iota3A, %eq3A_1567 : vector<16xi32>
        %broadcast_in_dim3A_1569 = vector.broadcast %reduce_sum3A_1565 : f32 to vector<16xf32>
        %select_n3A_1570 = arith.select %eq3A_1568, %broadcast_in_dim3A_1569, %select_n3A_1536 : vector<16xi1>, vector<16xf32>
        %mul3A_1571 = arith.constant 50 : i32
        %mul3A_1572 = arith.muli %add3A_203, %mul3A_1571 : i32
        %add3A_1573 = arith.constant 0 : i32
        %add3A_1574 = arith.addi %add3A_1573, %mul3A_1572 : i32
        %add3A_1575 = arith.constant 38 : i32
        %add3A_1576 = arith.addi %add3A_1574, %add3A_1575 : i32
        %get3A_1577 = arith.index_cast %add3A_1576 : i32 to index
        %get3A_1578 = arith.constant 0 : index
        %get3A_1579 = tpu.vector_load %arg15[%get3A_1577, %get3A_1578] {strides = array<i32>} : memref<800x64xf32, #tpu.memory_space<vmem>>, vector<16xf32>,
        %mul3A_1580 = arith.mulf %sub3A, %get3A_1579 : vector<16xf32>
        %get3A_1581 = arith.index_cast %add3A_1576 : i32 to index
        %get3A_1582 = arith.constant 16 : index
        %get3A_1583 = tpu.vector_load %arg15[%get3A_1581, %get3A_1582] {strides = array<i32>} : memref<800x64xf32, #tpu.memory_space<vmem>>, vector<16xf32>,
        %mul3A_1584 = arith.mulf %sub3A_214, %get3A_1583 : vector<16xf32>
        %add3A_1585 = arith.addf %mul3A_1580, %mul3A_1584 : vector<16xf32>
        %get3A_1586 = arith.index_cast %add3A_1576 : i32 to index
        %get3A_1587 = arith.constant 32 : index
        %get3A_1588 = tpu.vector_load %arg15[%get3A_1586, %get3A_1587] {strides = array<i32>} : memref<800x64xf32, #tpu.memory_space<vmem>>, vector<16xf32>,
        %mul3A_1589 = arith.mulf %sub3A_218, %get3A_1588 : vector<16xf32>
        %add3A_1590 = arith.addf %add3A_1585, %mul3A_1589 : vector<16xf32>
        %get3A_1591 = arith.index_cast %add3A_1576 : i32 to index
        %get3A_1592 = arith.constant 48 : index
        %get3A_1593 = tpu.vector_load %arg15[%get3A_1591, %get3A_1592] {strides = array<i32>} : memref<800x64xf32, #tpu.memory_space<vmem>>, vector<16xf32>,
        %mul3A_1594 = arith.mulf %sub3A_222, %get3A_1593 : vector<16xf32>
        %add3A_1595 = arith.addf %add3A_1590, %mul3A_1594 : vector<16xf32>
        %reduce_sum3A_1596 = arith.constant true
        %reduce_sum3A_1597 = vector.broadcast %reduce_sum3A_1596 : i1 to vector<16xi1>
        %reduce_sum3A_1598 = tpu.scan <sum>, %add3A_1595 masked %reduce_sum3A_1597 : vector<16xf32>, vector<16xi1> -> vector<16xf32>
        %reduce_sum3A_1599 = vector.extract %reduce_sum3A_1598[15] : f32 from vector<16xf32>
        %eq3A_1600 = arith.constant 6 : i32
        %eq3A_1601 = vector.broadcast %eq3A_1600 : i32 to vector<16xi32>
        %eq3A_1602 = arith.cmpi eq, %iota3A, %eq3A_1601 : vector<16xi32>
        %broadcast_in_dim3A_1603 = vector.broadcast %reduce_sum3A_1599 : f32 to vector<16xf32>
        %select_n3A_1604 = arith.select %eq3A_1602, %broadcast_in_dim3A_1603, %select_n3A_1570 : vector<16xi1>, vector<16xf32>
        %mul3A_1605 = arith.constant 50 : i32
        %mul3A_1606 = arith.muli %add3A_203, %mul3A_1605 : i32
        %add3A_1607 = arith.constant 0 : i32
        %add3A_1608 = arith.addi %add3A_1607, %mul3A_1606 : i32
        %add3A_1609 = arith.constant 39 : i32
        %add3A_1610 = arith.addi %add3A_1608, %add3A_1609 : i32
        %get3A_1611 = arith.index_cast %add3A_1610 : i32 to index
        %get3A_1612 = arith.constant 0 : index
        %get3A_1613 = tpu.vector_load %arg15[%get3A_1611, %get3A_1612] {strides = array<i32>} : memref<800x64xf32, #tpu.memory_space<vmem>>, vector<16xf32>,
        %mul3A_1614 = arith.mulf %sub3A, %get3A_1613 : vector<16xf32>
        %get3A_1615 = arith.index_cast %add3A_1610 : i32 to index
        %get3A_1616 = arith.constant 16 : index
        %get3A_1617 = tpu.vector_load %arg15[%get3A_1615, %get3A_1616] {strides = array<i32>} : memref<800x64xf32, #tpu.memory_space<vmem>>, vector<16xf32>,
        %mul3A_1618 = arith.mulf %sub3A_214, %get3A_1617 : vector<16xf32>
        %add3A_1619 = arith.addf %mul3A_1614, %mul3A_1618 : vector<16xf32>
        %get3A_1620 = arith.index_cast %add3A_1610 : i32 to index
        %get3A_1621 = arith.constant 32 : index
        %get3A_1622 = tpu.vector_load %arg15[%get3A_1620, %get3A_1621] {strides = array<i32>} : memref<800x64xf32, #tpu.memory_space<vmem>>, vector<16xf32>,
        %mul3A_1623 = arith.mulf %sub3A_218, %get3A_1622 : vector<16xf32>
        %add3A_1624 = arith.addf %add3A_1619, %mul3A_1623 : vector<16xf32>
        %get3A_1625 = arith.index_cast %add3A_1610 : i32 to index
        %get3A_1626 = arith.constant 48 : index
        %get3A_1627 = tpu.vector_load %arg15[%get3A_1625, %get3A_1626] {strides = array<i32>} : memref<800x64xf32, #tpu.memory_space<vmem>>, vector<16xf32>,
        %mul3A_1628 = arith.mulf %sub3A_222, %get3A_1627 : vector<16xf32>
        %add3A_1629 = arith.addf %add3A_1624, %mul3A_1628 : vector<16xf32>
        %reduce_sum3A_1630 = arith.constant true
        %reduce_sum3A_1631 = vector.broadcast %reduce_sum3A_1630 : i1 to vector<16xi1>
        %reduce_sum3A_1632 = tpu.scan <sum>, %add3A_1629 masked %reduce_sum3A_1631 : vector<16xf32>, vector<16xi1> -> vector<16xf32>
        %reduce_sum3A_1633 = vector.extract %reduce_sum3A_1632[15] : f32 from vector<16xf32>
        %eq3A_1634 = arith.constant 7 : i32
        %eq3A_1635 = vector.broadcast %eq3A_1634 : i32 to vector<16xi32>
        %eq3A_1636 = arith.cmpi eq, %iota3A, %eq3A_1635 : vector<16xi32>
        %broadcast_in_dim3A_1637 = vector.broadcast %reduce_sum3A_1633 : f32 to vector<16xf32>
        %select_n3A_1638 = arith.select %eq3A_1636, %broadcast_in_dim3A_1637, %select_n3A_1604 : vector<16xi1>, vector<16xf32>
        %mul3A_1639 = arith.constant 50 : i32
        %mul3A_1640 = arith.muli %add3A_203, %mul3A_1639 : i32
        %add3A_1641 = arith.constant 0 : i32
        %add3A_1642 = arith.addi %add3A_1641, %mul3A_1640 : i32
        %add3A_1643 = arith.constant 40 : i32
        %add3A_1644 = arith.addi %add3A_1642, %add3A_1643 : i32
        %get3A_1645 = arith.index_cast %add3A_1644 : i32 to index
        %get3A_1646 = arith.constant 0 : index
        %get3A_1647 = tpu.vector_load %arg15[%get3A_1645, %get3A_1646] {strides = array<i32>} : memref<800x64xf32, #tpu.memory_space<vmem>>, vector<16xf32>,
        %mul3A_1648 = arith.mulf %sub3A, %get3A_1647 : vector<16xf32>
        %get3A_1649 = arith.index_cast %add3A_1644 : i32 to index
        %get3A_1650 = arith.constant 16 : index
        %get3A_1651 = tpu.vector_load %arg15[%get3A_1649, %get3A_1650] {strides = array<i32>} : memref<800x64xf32, #tpu.memory_space<vmem>>, vector<16xf32>,
        %mul3A_1652 = arith.mulf %sub3A_214, %get3A_1651 : vector<16xf32>
        %add3A_1653 = arith.addf %mul3A_1648, %mul3A_1652 : vector<16xf32>
        %get3A_1654 = arith.index_cast %add3A_1644 : i32 to index
        %get3A_1655 = arith.constant 32 : index
        %get3A_1656 = tpu.vector_load %arg15[%get3A_1654, %get3A_1655] {strides = array<i32>} : memref<800x64xf32, #tpu.memory_space<vmem>>, vector<16xf32>,
        %mul3A_1657 = arith.mulf %sub3A_218, %get3A_1656 : vector<16xf32>
        %add3A_1658 = arith.addf %add3A_1653, %mul3A_1657 : vector<16xf32>
        %get3A_1659 = arith.index_cast %add3A_1644 : i32 to index
        %get3A_1660 = arith.constant 48 : index
        %get3A_1661 = tpu.vector_load %arg15[%get3A_1659, %get3A_1660] {strides = array<i32>} : memref<800x64xf32, #tpu.memory_space<vmem>>, vector<16xf32>,
        %mul3A_1662 = arith.mulf %sub3A_222, %get3A_1661 : vector<16xf32>
        %add3A_1663 = arith.addf %add3A_1658, %mul3A_1662 : vector<16xf32>
        %reduce_sum3A_1664 = arith.constant true
        %reduce_sum3A_1665 = vector.broadcast %reduce_sum3A_1664 : i1 to vector<16xi1>
        %reduce_sum3A_1666 = tpu.scan <sum>, %add3A_1663 masked %reduce_sum3A_1665 : vector<16xf32>, vector<16xi1> -> vector<16xf32>
        %reduce_sum3A_1667 = vector.extract %reduce_sum3A_1666[15] : f32 from vector<16xf32>
        %eq3A_1668 = arith.constant 8 : i32
        %eq3A_1669 = vector.broadcast %eq3A_1668 : i32 to vector<16xi32>
        %eq3A_1670 = arith.cmpi eq, %iota3A, %eq3A_1669 : vector<16xi32>
        %broadcast_in_dim3A_1671 = vector.broadcast %reduce_sum3A_1667 : f32 to vector<16xf32>
        %select_n3A_1672 = arith.select %eq3A_1670, %broadcast_in_dim3A_1671, %select_n3A_1638 : vector<16xi1>, vector<16xf32>
        %mul3A_1673 = arith.constant 50 : i32
        %mul3A_1674 = arith.muli %add3A_203, %mul3A_1673 : i32
        %add3A_1675 = arith.constant 0 : i32
        %add3A_1676 = arith.addi %add3A_1675, %mul3A_1674 : i32
        %add3A_1677 = arith.constant 41 : i32
        %add3A_1678 = arith.addi %add3A_1676, %add3A_1677 : i32
        %get3A_1679 = arith.index_cast %add3A_1678 : i32 to index
        %get3A_1680 = arith.constant 0 : index
        %get3A_1681 = tpu.vector_load %arg15[%get3A_1679, %get3A_1680] {strides = array<i32>} : memref<800x64xf32, #tpu.memory_space<vmem>>, vector<16xf32>,
        %mul3A_1682 = arith.mulf %sub3A, %get3A_1681 : vector<16xf32>
        %get3A_1683 = arith.index_cast %add3A_1678 : i32 to index
        %get3A_1684 = arith.constant 16 : index
        %get3A_1685 = tpu.vector_load %arg15[%get3A_1683, %get3A_1684] {strides = array<i32>} : memref<800x64xf32, #tpu.memory_space<vmem>>, vector<16xf32>,
        %mul3A_1686 = arith.mulf %sub3A_214, %get3A_1685 : vector<16xf32>
        %add3A_1687 = arith.addf %mul3A_1682, %mul3A_1686 : vector<16xf32>
        %get3A_1688 = arith.index_cast %add3A_1678 : i32 to index
        %get3A_1689 = arith.constant 32 : index
        %get3A_1690 = tpu.vector_load %arg15[%get3A_1688, %get3A_1689] {strides = array<i32>} : memref<800x64xf32, #tpu.memory_space<vmem>>, vector<16xf32>,
        %mul3A_1691 = arith.mulf %sub3A_218, %get3A_1690 : vector<16xf32>
        %add3A_1692 = arith.addf %add3A_1687, %mul3A_1691 : vector<16xf32>
        %get3A_1693 = arith.index_cast %add3A_1678 : i32 to index
        %get3A_1694 = arith.constant 48 : index
        %get3A_1695 = tpu.vector_load %arg15[%get3A_1693, %get3A_1694] {strides = array<i32>} : memref<800x64xf32, #tpu.memory_space<vmem>>, vector<16xf32>,
        %mul3A_1696 = arith.mulf %sub3A_222, %get3A_1695 : vector<16xf32>
        %add3A_1697 = arith.addf %add3A_1692, %mul3A_1696 : vector<16xf32>
        %reduce_sum3A_1698 = arith.constant true
        %reduce_sum3A_1699 = vector.broadcast %reduce_sum3A_1698 : i1 to vector<16xi1>
        %reduce_sum3A_1700 = tpu.scan <sum>, %add3A_1697 masked %reduce_sum3A_1699 : vector<16xf32>, vector<16xi1> -> vector<16xf32>
        %reduce_sum3A_1701 = vector.extract %reduce_sum3A_1700[15] : f32 from vector<16xf32>
        %eq3A_1702 = arith.constant 9 : i32
        %eq3A_1703 = vector.broadcast %eq3A_1702 : i32 to vector<16xi32>
        %eq3A_1704 = arith.cmpi eq, %iota3A, %eq3A_1703 : vector<16xi32>
        %broadcast_in_dim3A_1705 = vector.broadcast %reduce_sum3A_1701 : f32 to vector<16xf32>
        %select_n3A_1706 = arith.select %eq3A_1704, %broadcast_in_dim3A_1705, %select_n3A_1672 : vector<16xi1>, vector<16xf32>
        %mul3A_1707 = arith.constant 50 : i32
        %mul3A_1708 = arith.muli %add3A_203, %mul3A_1707 : i32
        %add3A_1709 = arith.constant 0 : i32
        %add3A_1710 = arith.addi %add3A_1709, %mul3A_1708 : i32
        %add3A_1711 = arith.constant 42 : i32
        %add3A_1712 = arith.addi %add3A_1710, %add3A_1711 : i32
        %get3A_1713 = arith.index_cast %add3A_1712 : i32 to index
        %get3A_1714 = arith.constant 0 : index
        %get3A_1715 = tpu.vector_load %arg15[%get3A_1713, %get3A_1714] {strides = array<i32>} : memref<800x64xf32, #tpu.memory_space<vmem>>, vector<16xf32>,
        %mul3A_1716 = arith.mulf %sub3A, %get3A_1715 : vector<16xf32>
        %get3A_1717 = arith.index_cast %add3A_1712 : i32 to index
        %get3A_1718 = arith.constant 16 : index
        %get3A_1719 = tpu.vector_load %arg15[%get3A_1717, %get3A_1718] {strides = array<i32>} : memref<800x64xf32, #tpu.memory_space<vmem>>, vector<16xf32>,
        %mul3A_1720 = arith.mulf %sub3A_214, %get3A_1719 : vector<16xf32>
        %add3A_1721 = arith.addf %mul3A_1716, %mul3A_1720 : vector<16xf32>
        %get3A_1722 = arith.index_cast %add3A_1712 : i32 to index
        %get3A_1723 = arith.constant 32 : index
        %get3A_1724 = tpu.vector_load %arg15[%get3A_1722, %get3A_1723] {strides = array<i32>} : memref<800x64xf32, #tpu.memory_space<vmem>>, vector<16xf32>,
        %mul3A_1725 = arith.mulf %sub3A_218, %get3A_1724 : vector<16xf32>
        %add3A_1726 = arith.addf %add3A_1721, %mul3A_1725 : vector<16xf32>
        %get3A_1727 = arith.index_cast %add3A_1712 : i32 to index
        %get3A_1728 = arith.constant 48 : index
        %get3A_1729 = tpu.vector_load %arg15[%get3A_1727, %get3A_1728] {strides = array<i32>} : memref<800x64xf32, #tpu.memory_space<vmem>>, vector<16xf32>,
        %mul3A_1730 = arith.mulf %sub3A_222, %get3A_1729 : vector<16xf32>
        %add3A_1731 = arith.addf %add3A_1726, %mul3A_1730 : vector<16xf32>
        %reduce_sum3A_1732 = arith.constant true
        %reduce_sum3A_1733 = vector.broadcast %reduce_sum3A_1732 : i1 to vector<16xi1>
        %reduce_sum3A_1734 = tpu.scan <sum>, %add3A_1731 masked %reduce_sum3A_1733 : vector<16xf32>, vector<16xi1> -> vector<16xf32>
        %reduce_sum3A_1735 = vector.extract %reduce_sum3A_1734[15] : f32 from vector<16xf32>
        %eq3A_1736 = arith.constant 10 : i32
        %eq3A_1737 = vector.broadcast %eq3A_1736 : i32 to vector<16xi32>
        %eq3A_1738 = arith.cmpi eq, %iota3A, %eq3A_1737 : vector<16xi32>
        %broadcast_in_dim3A_1739 = vector.broadcast %reduce_sum3A_1735 : f32 to vector<16xf32>
        %select_n3A_1740 = arith.select %eq3A_1738, %broadcast_in_dim3A_1739, %select_n3A_1706 : vector<16xi1>, vector<16xf32>
        %mul3A_1741 = arith.constant 50 : i32
        %mul3A_1742 = arith.muli %add3A_203, %mul3A_1741 : i32
        %add3A_1743 = arith.constant 0 : i32
        %add3A_1744 = arith.addi %add3A_1743, %mul3A_1742 : i32
        %add3A_1745 = arith.constant 43 : i32
        %add3A_1746 = arith.addi %add3A_1744, %add3A_1745 : i32
        %get3A_1747 = arith.index_cast %add3A_1746 : i32 to index
        %get3A_1748 = arith.constant 0 : index
        %get3A_1749 = tpu.vector_load %arg15[%get3A_1747, %get3A_1748] {strides = array<i32>} : memref<800x64xf32, #tpu.memory_space<vmem>>, vector<16xf32>,
        %mul3A_1750 = arith.mulf %sub3A, %get3A_1749 : vector<16xf32>
        %get3A_1751 = arith.index_cast %add3A_1746 : i32 to index
        %get3A_1752 = arith.constant 16 : index
        %get3A_1753 = tpu.vector_load %arg15[%get3A_1751, %get3A_1752] {strides = array<i32>} : memref<800x64xf32, #tpu.memory_space<vmem>>, vector<16xf32>,
        %mul3A_1754 = arith.mulf %sub3A_214, %get3A_1753 : vector<16xf32>
        %add3A_1755 = arith.addf %mul3A_1750, %mul3A_1754 : vector<16xf32>
        %get3A_1756 = arith.index_cast %add3A_1746 : i32 to index
        %get3A_1757 = arith.constant 32 : index
        %get3A_1758 = tpu.vector_load %arg15[%get3A_1756, %get3A_1757] {strides = array<i32>} : memref<800x64xf32, #tpu.memory_space<vmem>>, vector<16xf32>,
        %mul3A_1759 = arith.mulf %sub3A_218, %get3A_1758 : vector<16xf32>
        %add3A_1760 = arith.addf %add3A_1755, %mul3A_1759 : vector<16xf32>
        %get3A_1761 = arith.index_cast %add3A_1746 : i32 to index
        %get3A_1762 = arith.constant 48 : index
        %get3A_1763 = tpu.vector_load %arg15[%get3A_1761, %get3A_1762] {strides = array<i32>} : memref<800x64xf32, #tpu.memory_space<vmem>>, vector<16xf32>,
        %mul3A_1764 = arith.mulf %sub3A_222, %get3A_1763 : vector<16xf32>
        %add3A_1765 = arith.addf %add3A_1760, %mul3A_1764 : vector<16xf32>
        %reduce_sum3A_1766 = arith.constant true
        %reduce_sum3A_1767 = vector.broadcast %reduce_sum3A_1766 : i1 to vector<16xi1>
        %reduce_sum3A_1768 = tpu.scan <sum>, %add3A_1765 masked %reduce_sum3A_1767 : vector<16xf32>, vector<16xi1> -> vector<16xf32>
        %reduce_sum3A_1769 = vector.extract %reduce_sum3A_1768[15] : f32 from vector<16xf32>
        %eq3A_1770 = arith.constant 11 : i32
        %eq3A_1771 = vector.broadcast %eq3A_1770 : i32 to vector<16xi32>
        %eq3A_1772 = arith.cmpi eq, %iota3A, %eq3A_1771 : vector<16xi32>
        %broadcast_in_dim3A_1773 = vector.broadcast %reduce_sum3A_1769 : f32 to vector<16xf32>
        %select_n3A_1774 = arith.select %eq3A_1772, %broadcast_in_dim3A_1773, %select_n3A_1740 : vector<16xi1>, vector<16xf32>
        %mul3A_1775 = arith.constant 50 : i32
        %mul3A_1776 = arith.muli %add3A_203, %mul3A_1775 : i32
        %add3A_1777 = arith.constant 0 : i32
        %add3A_1778 = arith.addi %add3A_1777, %mul3A_1776 : i32
        %add3A_1779 = arith.constant 44 : i32
        %add3A_1780 = arith.addi %add3A_1778, %add3A_1779 : i32
        %get3A_1781 = arith.index_cast %add3A_1780 : i32 to index
        %get3A_1782 = arith.constant 0 : index
        %get3A_1783 = tpu.vector_load %arg15[%get3A_1781, %get3A_1782] {strides = array<i32>} : memref<800x64xf32, #tpu.memory_space<vmem>>, vector<16xf32>,
        %mul3A_1784 = arith.mulf %sub3A, %get3A_1783 : vector<16xf32>
        %get3A_1785 = arith.index_cast %add3A_1780 : i32 to index
        %get3A_1786 = arith.constant 16 : index
        %get3A_1787 = tpu.vector_load %arg15[%get3A_1785, %get3A_1786] {strides = array<i32>} : memref<800x64xf32, #tpu.memory_space<vmem>>, vector<16xf32>,
        %mul3A_1788 = arith.mulf %sub3A_214, %get3A_1787 : vector<16xf32>
        %add3A_1789 = arith.addf %mul3A_1784, %mul3A_1788 : vector<16xf32>
        %get3A_1790 = arith.index_cast %add3A_1780 : i32 to index
        %get3A_1791 = arith.constant 32 : index
        %get3A_1792 = tpu.vector_load %arg15[%get3A_1790, %get3A_1791] {strides = array<i32>} : memref<800x64xf32, #tpu.memory_space<vmem>>, vector<16xf32>,
        %mul3A_1793 = arith.mulf %sub3A_218, %get3A_1792 : vector<16xf32>
        %add3A_1794 = arith.addf %add3A_1789, %mul3A_1793 : vector<16xf32>
        %get3A_1795 = arith.index_cast %add3A_1780 : i32 to index
        %get3A_1796 = arith.constant 48 : index
        %get3A_1797 = tpu.vector_load %arg15[%get3A_1795, %get3A_1796] {strides = array<i32>} : memref<800x64xf32, #tpu.memory_space<vmem>>, vector<16xf32>,
        %mul3A_1798 = arith.mulf %sub3A_222, %get3A_1797 : vector<16xf32>
        %add3A_1799 = arith.addf %add3A_1794, %mul3A_1798 : vector<16xf32>
        %reduce_sum3A_1800 = arith.constant true
        %reduce_sum3A_1801 = vector.broadcast %reduce_sum3A_1800 : i1 to vector<16xi1>
        %reduce_sum3A_1802 = tpu.scan <sum>, %add3A_1799 masked %reduce_sum3A_1801 : vector<16xf32>, vector<16xi1> -> vector<16xf32>
        %reduce_sum3A_1803 = vector.extract %reduce_sum3A_1802[15] : f32 from vector<16xf32>
        %eq3A_1804 = arith.constant 12 : i32
        %eq3A_1805 = vector.broadcast %eq3A_1804 : i32 to vector<16xi32>
        %eq3A_1806 = arith.cmpi eq, %iota3A, %eq3A_1805 : vector<16xi32>
        %broadcast_in_dim3A_1807 = vector.broadcast %reduce_sum3A_1803 : f32 to vector<16xf32>
        %select_n3A_1808 = arith.select %eq3A_1806, %broadcast_in_dim3A_1807, %select_n3A_1774 : vector<16xi1>, vector<16xf32>
        %mul3A_1809 = arith.constant 50 : i32
        %mul3A_1810 = arith.muli %add3A_203, %mul3A_1809 : i32
        %add3A_1811 = arith.constant 0 : i32
        %add3A_1812 = arith.addi %add3A_1811, %mul3A_1810 : i32
        %add3A_1813 = arith.constant 45 : i32
        %add3A_1814 = arith.addi %add3A_1812, %add3A_1813 : i32
        %get3A_1815 = arith.index_cast %add3A_1814 : i32 to index
        %get3A_1816 = arith.constant 0 : index
        %get3A_1817 = tpu.vector_load %arg15[%get3A_1815, %get3A_1816] {strides = array<i32>} : memref<800x64xf32, #tpu.memory_space<vmem>>, vector<16xf32>,
        %mul3A_1818 = arith.mulf %sub3A, %get3A_1817 : vector<16xf32>
        %get3A_1819 = arith.index_cast %add3A_1814 : i32 to index
        %get3A_1820 = arith.constant 16 : index
        %get3A_1821 = tpu.vector_load %arg15[%get3A_1819, %get3A_1820] {strides = array<i32>} : memref<800x64xf32, #tpu.memory_space<vmem>>, vector<16xf32>,
        %mul3A_1822 = arith.mulf %sub3A_214, %get3A_1821 : vector<16xf32>
        %add3A_1823 = arith.addf %mul3A_1818, %mul3A_1822 : vector<16xf32>
        %get3A_1824 = arith.index_cast %add3A_1814 : i32 to index
        %get3A_1825 = arith.constant 32 : index
        %get3A_1826 = tpu.vector_load %arg15[%get3A_1824, %get3A_1825] {strides = array<i32>} : memref<800x64xf32, #tpu.memory_space<vmem>>, vector<16xf32>,
        %mul3A_1827 = arith.mulf %sub3A_218, %get3A_1826 : vector<16xf32>
        %add3A_1828 = arith.addf %add3A_1823, %mul3A_1827 : vector<16xf32>
        %get3A_1829 = arith.index_cast %add3A_1814 : i32 to index
        %get3A_1830 = arith.constant 48 : index
        %get3A_1831 = tpu.vector_load %arg15[%get3A_1829, %get3A_1830] {strides = array<i32>} : memref<800x64xf32, #tpu.memory_space<vmem>>, vector<16xf32>,
        %mul3A_1832 = arith.mulf %sub3A_222, %get3A_1831 : vector<16xf32>
        %add3A_1833 = arith.addf %add3A_1828, %mul3A_1832 : vector<16xf32>
        %reduce_sum3A_1834 = arith.constant true
        %reduce_sum3A_1835 = vector.broadcast %reduce_sum3A_1834 : i1 to vector<16xi1>
        %reduce_sum3A_1836 = tpu.scan <sum>, %add3A_1833 masked %reduce_sum3A_1835 : vector<16xf32>, vector<16xi1> -> vector<16xf32>
        %reduce_sum3A_1837 = vector.extract %reduce_sum3A_1836[15] : f32 from vector<16xf32>
        %eq3A_1838 = arith.constant 13 : i32
        %eq3A_1839 = vector.broadcast %eq3A_1838 : i32 to vector<16xi32>
        %eq3A_1840 = arith.cmpi eq, %iota3A, %eq3A_1839 : vector<16xi32>
        %broadcast_in_dim3A_1841 = vector.broadcast %reduce_sum3A_1837 : f32 to vector<16xf32>
        %select_n3A_1842 = arith.select %eq3A_1840, %broadcast_in_dim3A_1841, %select_n3A_1808 : vector<16xi1>, vector<16xf32>
        %mul3A_1843 = arith.constant 50 : i32
        %mul3A_1844 = arith.muli %add3A_203, %mul3A_1843 : i32
        %add3A_1845 = arith.constant 0 : i32
        %add3A_1846 = arith.addi %add3A_1845, %mul3A_1844 : i32
        %add3A_1847 = arith.constant 46 : i32
        %add3A_1848 = arith.addi %add3A_1846, %add3A_1847 : i32
        %get3A_1849 = arith.index_cast %add3A_1848 : i32 to index
        %get3A_1850 = arith.constant 0 : index
        %get3A_1851 = tpu.vector_load %arg15[%get3A_1849, %get3A_1850] {strides = array<i32>} : memref<800x64xf32, #tpu.memory_space<vmem>>, vector<16xf32>,
        %mul3A_1852 = arith.mulf %sub3A, %get3A_1851 : vector<16xf32>
        %get3A_1853 = arith.index_cast %add3A_1848 : i32 to index
        %get3A_1854 = arith.constant 16 : index
        %get3A_1855 = tpu.vector_load %arg15[%get3A_1853, %get3A_1854] {strides = array<i32>} : memref<800x64xf32, #tpu.memory_space<vmem>>, vector<16xf32>,
        %mul3A_1856 = arith.mulf %sub3A_214, %get3A_1855 : vector<16xf32>
        %add3A_1857 = arith.addf %mul3A_1852, %mul3A_1856 : vector<16xf32>
        %get3A_1858 = arith.index_cast %add3A_1848 : i32 to index
        %get3A_1859 = arith.constant 32 : index
        %get3A_1860 = tpu.vector_load %arg15[%get3A_1858, %get3A_1859] {strides = array<i32>} : memref<800x64xf32, #tpu.memory_space<vmem>>, vector<16xf32>,
        %mul3A_1861 = arith.mulf %sub3A_218, %get3A_1860 : vector<16xf32>
        %add3A_1862 = arith.addf %add3A_1857, %mul3A_1861 : vector<16xf32>
        %get3A_1863 = arith.index_cast %add3A_1848 : i32 to index
        %get3A_1864 = arith.constant 48 : index
        %get3A_1865 = tpu.vector_load %arg15[%get3A_1863, %get3A_1864] {strides = array<i32>} : memref<800x64xf32, #tpu.memory_space<vmem>>, vector<16xf32>,
        %mul3A_1866 = arith.mulf %sub3A_222, %get3A_1865 : vector<16xf32>
        %add3A_1867 = arith.addf %add3A_1862, %mul3A_1866 : vector<16xf32>
        %reduce_sum3A_1868 = arith.constant true
        %reduce_sum3A_1869 = vector.broadcast %reduce_sum3A_1868 : i1 to vector<16xi1>
        %reduce_sum3A_1870 = tpu.scan <sum>, %add3A_1867 masked %reduce_sum3A_1869 : vector<16xf32>, vector<16xi1> -> vector<16xf32>
        %reduce_sum3A_1871 = vector.extract %reduce_sum3A_1870[15] : f32 from vector<16xf32>
        %eq3A_1872 = arith.constant 14 : i32
        %eq3A_1873 = vector.broadcast %eq3A_1872 : i32 to vector<16xi32>
        %eq3A_1874 = arith.cmpi eq, %iota3A, %eq3A_1873 : vector<16xi32>
        %broadcast_in_dim3A_1875 = vector.broadcast %reduce_sum3A_1871 : f32 to vector<16xf32>
        %select_n3A_1876 = arith.select %eq3A_1874, %broadcast_in_dim3A_1875, %select_n3A_1842 : vector<16xi1>, vector<16xf32>
        %mul3A_1877 = arith.constant 50 : i32
        %mul3A_1878 = arith.muli %add3A_203, %mul3A_1877 : i32
        %add3A_1879 = arith.constant 0 : i32
        %add3A_1880 = arith.addi %add3A_1879, %mul3A_1878 : i32
        %add3A_1881 = arith.constant 47 : i32
        %add3A_1882 = arith.addi %add3A_1880, %add3A_1881 : i32
        %get3A_1883 = arith.index_cast %add3A_1882 : i32 to index
        %get3A_1884 = arith.constant 0 : index
        %get3A_1885 = tpu.vector_load %arg15[%get3A_1883, %get3A_1884] {strides = array<i32>} : memref<800x64xf32, #tpu.memory_space<vmem>>, vector<16xf32>,
        %mul3A_1886 = arith.mulf %sub3A, %get3A_1885 : vector<16xf32>
        %get3A_1887 = arith.index_cast %add3A_1882 : i32 to index
        %get3A_1888 = arith.constant 16 : index
        %get3A_1889 = tpu.vector_load %arg15[%get3A_1887, %get3A_1888] {strides = array<i32>} : memref<800x64xf32, #tpu.memory_space<vmem>>, vector<16xf32>,
        %mul3A_1890 = arith.mulf %sub3A_214, %get3A_1889 : vector<16xf32>
        %add3A_1891 = arith.addf %mul3A_1886, %mul3A_1890 : vector<16xf32>
        %get3A_1892 = arith.index_cast %add3A_1882 : i32 to index
        %get3A_1893 = arith.constant 32 : index
        %get3A_1894 = tpu.vector_load %arg15[%get3A_1892, %get3A_1893] {strides = array<i32>} : memref<800x64xf32, #tpu.memory_space<vmem>>, vector<16xf32>,
        %mul3A_1895 = arith.mulf %sub3A_218, %get3A_1894 : vector<16xf32>
        %add3A_1896 = arith.addf %add3A_1891, %mul3A_1895 : vector<16xf32>
        %get3A_1897 = arith.index_cast %add3A_1882 : i32 to index
        %get3A_1898 = arith.constant 48 : index
        %get3A_1899 = tpu.vector_load %arg15[%get3A_1897, %get3A_1898] {strides = array<i32>} : memref<800x64xf32, #tpu.memory_space<vmem>>, vector<16xf32>,
        %mul3A_1900 = arith.mulf %sub3A_222, %get3A_1899 : vector<16xf32>
        %add3A_1901 = arith.addf %add3A_1896, %mul3A_1900 : vector<16xf32>
        %reduce_sum3A_1902 = arith.constant true
        %reduce_sum3A_1903 = vector.broadcast %reduce_sum3A_1902 : i1 to vector<16xi1>
        %reduce_sum3A_1904 = tpu.scan <sum>, %add3A_1901 masked %reduce_sum3A_1903 : vector<16xf32>, vector<16xi1> -> vector<16xf32>
        %reduce_sum3A_1905 = vector.extract %reduce_sum3A_1904[15] : f32 from vector<16xf32>
        %eq3A_1906 = arith.constant 15 : i32
        %eq3A_1907 = vector.broadcast %eq3A_1906 : i32 to vector<16xi32>
        %eq3A_1908 = arith.cmpi eq, %iota3A, %eq3A_1907 : vector<16xi32>
        %broadcast_in_dim3A_1909 = vector.broadcast %reduce_sum3A_1905 : f32 to vector<16xf32>
        %select_n3A_1910 = arith.select %eq3A_1908, %broadcast_in_dim3A_1909, %select_n3A_1876 : vector<16xi1>, vector<16xf32>
        %add3A_1911 = arith.constant 32 : i32
        %add3A_1912 = vector.broadcast %add3A_1911 : i32 to vector<16xi32>
        %add3A_1913 = arith.addi %iota3A, %add3A_1912 : vector<16xi32>
        %lt3A_1914 = arith.constant 50 : i32
        %lt3A_1915 = vector.broadcast %lt3A_1914 : i32 to vector<16xi32>
        %lt3A_1916 = arith.cmpi slt, %add3A_1913, %lt3A_1915 : vector<16xi32>
        %min3A_1917 = arith.constant 49 : i32
        %min3A_1918 = vector.broadcast %min3A_1917 : i32 to vector<16xi32>
        %min3A_1919 = arith.minsi %add3A_1913, %min3A_1918 : vector<16xi32>
        %add3A_1920 = arith.addi %broadcast_in_dim3A_237, %min3A_1919 : vector<16xi32>
        %gather3A_1921 = tpu.vector_load_idx %arg20[%add3A_1920] : memref<800xf32, #tpu.memory_space<vmem>>[vector<16xi32>], vector<16xf32>,
        %mul3A_1922 = arith.constant 50 : i32
        %mul3A_1923 = vector.broadcast %mul3A_1922 : i32 to vector<16xi32>
        %mul3A_1924 = arith.muli %broadcast_in_dim3A_207, %mul3A_1923 : vector<16xi32>
        %add3A_1925 = arith.addi %mul3A_1924, %add3A_1913 : vector<16xi32>
        %sub3A_1926 = vector.broadcast %reduce_sum3A_232 : f32 to vector<16xf32>
        %sub3A_1927 = arith.subf %select_n3A_1910, %sub3A_1926 : vector<16xf32>
        %add3A_1928 = arith.addf %sub3A_1927, %gather3A : vector<16xf32>
        %add3A_1929 = arith.addf %add3A_1928, %gather3A_1921 : vector<16xf32>
        tpu.vector_store_idx %arg22[%add3A_1925], %add3A_1929 masked %lt3A_1916 : memref<6400xf32, #tpu.memory_space<vmem>>[vector<16xi32>], vector<16xf32>, vector<16xi1>
        %broadcast_in_dim3A_1930 = arith.constant 0.000000e+00 : f32
        %broadcast_in_dim3A_1931 = vector.broadcast %broadcast_in_dim3A_1930 : f32 to vector<16xf32>
        %mul3A_1932 = arith.constant 50 : i32
        %mul3A_1933 = arith.muli %add3A_203, %mul3A_1932 : i32
        %add3A_1934 = arith.constant 0 : i32
        %add3A_1935 = arith.addi %add3A_1934, %mul3A_1933 : i32
        %add3A_1936 = arith.constant 48 : i32
        %add3A_1937 = arith.addi %add3A_1935, %add3A_1936 : i32
        %get3A_1938 = arith.index_cast %add3A_1937 : i32 to index
        %get3A_1939 = arith.constant 0 : index
        %get3A_1940 = tpu.vector_load %arg15[%get3A_1938, %get3A_1939] {strides = array<i32>} : memref<800x64xf32, #tpu.memory_space<vmem>>, vector<16xf32>,
        %mul3A_1941 = arith.mulf %sub3A, %get3A_1940 : vector<16xf32>
        %get3A_1942 = arith.index_cast %add3A_1937 : i32 to index
        %get3A_1943 = arith.constant 16 : index
        %get3A_1944 = tpu.vector_load %arg15[%get3A_1942, %get3A_1943] {strides = array<i32>} : memref<800x64xf32, #tpu.memory_space<vmem>>, vector<16xf32>,
        %mul3A_1945 = arith.mulf %sub3A_214, %get3A_1944 : vector<16xf32>
        %add3A_1946 = arith.addf %mul3A_1941, %mul3A_1945 : vector<16xf32>
        %get3A_1947 = arith.index_cast %add3A_1937 : i32 to index
        %get3A_1948 = arith.constant 32 : index
        %get3A_1949 = tpu.vector_load %arg15[%get3A_1947, %get3A_1948] {strides = array<i32>} : memref<800x64xf32, #tpu.memory_space<vmem>>, vector<16xf32>,
        %mul3A_1950 = arith.mulf %sub3A_218, %get3A_1949 : vector<16xf32>
        %add3A_1951 = arith.addf %add3A_1946, %mul3A_1950 : vector<16xf32>
        %get3A_1952 = arith.index_cast %add3A_1937 : i32 to index
        %get3A_1953 = arith.constant 48 : index
        %get3A_1954 = tpu.vector_load %arg15[%get3A_1952, %get3A_1953] {strides = array<i32>} : memref<800x64xf32, #tpu.memory_space<vmem>>, vector<16xf32>,
        %mul3A_1955 = arith.mulf %sub3A_222, %get3A_1954 : vector<16xf32>
        %add3A_1956 = arith.addf %add3A_1951, %mul3A_1955 : vector<16xf32>
        %reduce_sum3A_1957 = arith.constant true
        %reduce_sum3A_1958 = vector.broadcast %reduce_sum3A_1957 : i1 to vector<16xi1>
        %reduce_sum3A_1959 = tpu.scan <sum>, %add3A_1956 masked %reduce_sum3A_1958 : vector<16xf32>, vector<16xi1> -> vector<16xf32>
        %reduce_sum3A_1960 = vector.extract %reduce_sum3A_1959[15] : f32 from vector<16xf32>
        %eq3A_1961 = arith.constant 0 : i32
        %eq3A_1962 = vector.broadcast %eq3A_1961 : i32 to vector<16xi32>
        %eq3A_1963 = arith.cmpi eq, %iota3A, %eq3A_1962 : vector<16xi32>
        %broadcast_in_dim3A_1964 = vector.broadcast %reduce_sum3A_1960 : f32 to vector<16xf32>
        %select_n3A_1965 = arith.select %eq3A_1963, %broadcast_in_dim3A_1964, %broadcast_in_dim3A_1931 : vector<16xi1>, vector<16xf32>
        %mul3A_1966 = arith.constant 50 : i32
        %mul3A_1967 = arith.muli %add3A_203, %mul3A_1966 : i32
        %add3A_1968 = arith.constant 0 : i32
        %add3A_1969 = arith.addi %add3A_1968, %mul3A_1967 : i32
        %add3A_1970 = arith.constant 49 : i32
        %add3A_1971 = arith.addi %add3A_1969, %add3A_1970 : i32
        %get3A_1972 = arith.index_cast %add3A_1971 : i32 to index
        %get3A_1973 = arith.constant 0 : index
        %get3A_1974 = tpu.vector_load %arg15[%get3A_1972, %get3A_1973] {strides = array<i32>} : memref<800x64xf32, #tpu.memory_space<vmem>>, vector<16xf32>,
        %mul3A_1975 = arith.mulf %sub3A, %get3A_1974 : vector<16xf32>
        %get3A_1976 = arith.index_cast %add3A_1971 : i32 to index
        %get3A_1977 = arith.constant 16 : index
        %get3A_1978 = tpu.vector_load %arg15[%get3A_1976, %get3A_1977] {strides = array<i32>} : memref<800x64xf32, #tpu.memory_space<vmem>>, vector<16xf32>,
        %mul3A_1979 = arith.mulf %sub3A_214, %get3A_1978 : vector<16xf32>
        %add3A_1980 = arith.addf %mul3A_1975, %mul3A_1979 : vector<16xf32>
        %get3A_1981 = arith.index_cast %add3A_1971 : i32 to index
        %get3A_1982 = arith.constant 32 : index
        %get3A_1983 = tpu.vector_load %arg15[%get3A_1981, %get3A_1982] {strides = array<i32>} : memref<800x64xf32, #tpu.memory_space<vmem>>, vector<16xf32>,
        %mul3A_1984 = arith.mulf %sub3A_218, %get3A_1983 : vector<16xf32>
        %add3A_1985 = arith.addf %add3A_1980, %mul3A_1984 : vector<16xf32>
        %get3A_1986 = arith.index_cast %add3A_1971 : i32 to index
        %get3A_1987 = arith.constant 48 : index
        %get3A_1988 = tpu.vector_load %arg15[%get3A_1986, %get3A_1987] {strides = array<i32>} : memref<800x64xf32, #tpu.memory_space<vmem>>, vector<16xf32>,
        %mul3A_1989 = arith.mulf %sub3A_222, %get3A_1988 : vector<16xf32>
        %add3A_1990 = arith.addf %add3A_1985, %mul3A_1989 : vector<16xf32>
        %reduce_sum3A_1991 = arith.constant true
        %reduce_sum3A_1992 = vector.broadcast %reduce_sum3A_1991 : i1 to vector<16xi1>
        %reduce_sum3A_1993 = tpu.scan <sum>, %add3A_1990 masked %reduce_sum3A_1992 : vector<16xf32>, vector<16xi1> -> vector<16xf32>
        %reduce_sum3A_1994 = vector.extract %reduce_sum3A_1993[15] : f32 from vector<16xf32>
        %eq3A_1995 = arith.constant 1 : i32
        %eq3A_1996 = vector.broadcast %eq3A_1995 : i32 to vector<16xi32>
        %eq3A_1997 = arith.cmpi eq, %iota3A, %eq3A_1996 : vector<16xi32>
        %broadcast_in_dim3A_1998 = vector.broadcast %reduce_sum3A_1994 : f32 to vector<16xf32>
        %select_n3A_1999 = arith.select %eq3A_1997, %broadcast_in_dim3A_1998, %select_n3A_1965 : vector<16xi1>, vector<16xf32>
        %add3A_2000 = arith.constant 48 : i32
        %add3A_2001 = vector.broadcast %add3A_2000 : i32 to vector<16xi32>
        %add3A_2002 = arith.addi %iota3A, %add3A_2001 : vector<16xi32>
        %lt3A_2003 = arith.constant 50 : i32
        %lt3A_2004 = vector.broadcast %lt3A_2003 : i32 to vector<16xi32>
        %lt3A_2005 = arith.cmpi slt, %add3A_2002, %lt3A_2004 : vector<16xi32>
        %min3A_2006 = arith.constant 49 : i32
        %min3A_2007 = vector.broadcast %min3A_2006 : i32 to vector<16xi32>
        %min3A_2008 = arith.minsi %add3A_2002, %min3A_2007 : vector<16xi32>
        %add3A_2009 = arith.addi %broadcast_in_dim3A_237, %min3A_2008 : vector<16xi32>
        %gather3A_2010 = tpu.vector_load_idx %arg20[%add3A_2009] : memref<800xf32, #tpu.memory_space<vmem>>[vector<16xi32>], vector<16xf32>,
        %mul3A_2011 = arith.constant 50 : i32
        %mul3A_2012 = vector.broadcast %mul3A_2011 : i32 to vector<16xi32>
        %mul3A_2013 = arith.muli %broadcast_in_dim3A_207, %mul3A_2012 : vector<16xi32>
        %add3A_2014 = arith.addi %mul3A_2013, %add3A_2002 : vector<16xi32>
        %sub3A_2015 = vector.broadcast %reduce_sum3A_232 : f32 to vector<16xf32>
        %sub3A_2016 = arith.subf %select_n3A_1999, %sub3A_2015 : vector<16xf32>
        %add3A_2017 = arith.addf %sub3A_2016, %gather3A : vector<16xf32>
        %add3A_2018 = arith.addf %add3A_2017, %gather3A_2010 : vector<16xf32>
        tpu.vector_store_idx %arg22[%add3A_2014], %add3A_2018 masked %lt3A_2005 : memref<6400xf32, #tpu.memory_space<vmem>>[vector<16xi32>], vector<16xf32>, vector<16xi1>
      }
      %scan3A_154 = arith.constant 8 : i32
      %add3A_155 = arith.constant 2 : i32
      %add3A_156 = arith.addi %add3A_93, %add3A_155 : i32
      %lt3A = arith.constant 16 : i32
      %lt3A_157 = arith.cmpi slt, %add3A_156, %lt3A : i32
      %convert_element_type3A = arith.extui %lt3A_157 : i1 to i32
      %cond3A = arith.constant 0 : i32
      %cond3A_158 = arith.cmpi ne, %convert_element_type3A, %cond3A : i32
      scf.if %cond3A_158 {
        %add3A_199 = arith.constant 2 : i32
        %add3A_200 = arith.addi %add3A_93, %add3A_199 : i32
        %mul3A_201 = arith.constant 400 : i32
        %mul3A_202 = arith.muli %add3A_200, %mul3A_201 : i32
        %mul3A_203 = arith.constant 400 : i32
        %mul3A_204 = arith.muli %add3A_200, %mul3A_203 : i32
        %dma_start3A_205 = arith.constant 0 : i32
        %dma_start3A_206 = arith.constant 0 : i32
        %dma_start3A_207 = tpu.memref_slice %arg15[%dma_start3A_205, %dma_start3A_206] : memref<800x64xf32, #tpu.memory_space<vmem>> -> memref<400x64xf32, #tpu.memory_space<vmem>>
        %dma_start3A_208 = tpu.memref_slice %arg12[%mul3A_204] : memref<6400xi32, #tpu.memory_space<vmem>> -> memref<400xi32, #tpu.memory_space<vmem>>
        %dma_start3A_209 = arith.constant 0 : i32
        %dma_start3A_210 = arith.constant 0 : i32
        %dma_start3A_211 = tpu.memref_slice %arg2[%dma_start3A_209, %dma_start3A_210] : memref<200000x64xf32, #tpu.memory_space<hbm>> -> memref<200000x64xf32, #tpu.memory_space<hbm>>
        tpu.enqueue_indirect_dma source(%dma_start3A_211 : memref<200000x64xf32, #tpu.memory_space<hbm>>) target(%dma_start3A_207 : memref<400x64xf32, #tpu.memory_space<vmem>>) offsets(%dma_start3A_208 : memref<400xi32, #tpu.memory_space<vmem>>) semaphore(%arg24 : memref<!tpu.dma_semaphore, #tpu.memory_space<semaphore_mem>>)
        %dma_start3A_212 = arith.constant 0 : i32
        %dma_start3A_213 = tpu.memref_slice %arg20[%dma_start3A_212] : memref<800xf32, #tpu.memory_space<vmem>> -> memref<400xf32, #tpu.memory_space<vmem>>
        %dma_start3A_214 = tpu.memref_slice %arg11[%mul3A_202] : memref<6400xi32, #tpu.memory_space<vmem>> -> memref<400xi32, #tpu.memory_space<vmem>>
        %dma_start3A_215 = arith.constant 0 : i32
        %dma_start3A_216 = tpu.memref_slice %arg3[%dma_start3A_215] : memref<100000xf32, #tpu.memory_space<hbm>> -> memref<100000xf32, #tpu.memory_space<hbm>>
        tpu.enqueue_indirect_dma source(%dma_start3A_216 : memref<100000xf32, #tpu.memory_space<hbm>>) target(%dma_start3A_213 : memref<400xf32, #tpu.memory_space<vmem>>) offsets(%dma_start3A_214 : memref<400xi32, #tpu.memory_space<vmem>>) semaphore(%arg24 : memref<!tpu.dma_semaphore, #tpu.memory_space<semaphore_mem>>)
        %dma_start3A_217 = arith.constant 0 : i32
        %dma_start3A_218 = tpu.memref_slice %arg21[%dma_start3A_217] : memref<800xf32, #tpu.memory_space<vmem>> -> memref<400xf32, #tpu.memory_space<vmem>>
        %dma_start3A_219 = tpu.memref_slice %arg11[%mul3A_202] : memref<6400xi32, #tpu.memory_space<vmem>> -> memref<400xi32, #tpu.memory_space<vmem>>
        %dma_start3A_220 = arith.constant 0 : i32
        %dma_start3A_221 = tpu.memref_slice %arg4[%dma_start3A_220] : memref<100000xf32, #tpu.memory_space<hbm>> -> memref<100000xf32, #tpu.memory_space<hbm>>
        tpu.enqueue_indirect_dma source(%dma_start3A_221 : memref<100000xf32, #tpu.memory_space<hbm>>) target(%dma_start3A_218 : memref<400xf32, #tpu.memory_space<vmem>>) offsets(%dma_start3A_219 : memref<400xi32, #tpu.memory_space<vmem>>) semaphore(%arg24 : memref<!tpu.dma_semaphore, #tpu.memory_space<semaphore_mem>>)
      } else {
      }
      %dma_wait3A_159 = arith.constant 400 : i32
      %dma_wait3A_160 = arith.constant 0 : i32
      %dma_wait3A_161 = tpu.memref_slice %arg15[%dma_wait3A_159, %dma_wait3A_160] : memref<800x64xf32, #tpu.memory_space<vmem>> -> memref<400x64xf32, #tpu.memory_space<vmem>>
      %dma_wait3A_162 = arith.constant 0 : i32
      %dma_wait3A_163 = arith.constant 0 : i32
      %dma_wait3A_164 = tpu.memref_slice %arg2[%dma_wait3A_162, %dma_wait3A_163] : memref<200000x64xf32, #tpu.memory_space<hbm>> -> memref<400x64xf32, #tpu.memory_space<hbm>>
      %dma_wait3A_165 = arith.constant 400 : i32
      %dma_wait3A_166 = arith.constant 0 : i32
      %dma_wait3A_167 = tpu.memref_slice %arg15[%dma_wait3A_165, %dma_wait3A_166] : memref<800x64xf32, #tpu.memory_space<vmem>> -> memref<400x64xf32, #tpu.memory_space<vmem>>
      %dma_wait3A_168 = arith.constant 0 : i32
      %dma_wait3A_169 = arith.constant 0 : i32
      %dma_wait3A_170 = tpu.memref_slice %arg2[%dma_wait3A_168, %dma_wait3A_169] : memref<200000x64xf32, #tpu.memory_space<hbm>> -> memref<400x64xf32, #tpu.memory_space<hbm>>
      tpu.wait_dma2 semaphore(%arg25 : memref<!tpu.dma_semaphore, #tpu.memory_space<semaphore_mem>>) src(%dma_wait3A_170 : memref<400x64xf32, #tpu.memory_space<hbm>>) dst(%dma_wait3A_167 : memref<400x64xf32, #tpu.memory_space<vmem>>)
      %dma_wait3A_171 = arith.constant 400 : i32
      %dma_wait3A_172 = tpu.memref_slice %arg20[%dma_wait3A_171] : memref<800xf32, #tpu.memory_space<vmem>> -> memref<400xf32, #tpu.memory_space<vmem>>
      %dma_wait3A_173 = arith.constant 0 : i32
      %dma_wait3A_174 = tpu.memref_slice %arg3[%dma_wait3A_173] : memref<100000xf32, #tpu.memory_space<hbm>> -> memref<400xf32, #tpu.memory_space<hbm>>
      %dma_wait3A_175 = arith.constant 400 : i32
      %dma_wait3A_176 = tpu.memref_slice %arg20[%dma_wait3A_175] : memref<800xf32, #tpu.memory_space<vmem>> -> memref<400xf32, #tpu.memory_space<vmem>>
      %dma_wait3A_177 = arith.constant 0 : i32
      %dma_wait3A_178 = tpu.memref_slice %arg3[%dma_wait3A_177] : memref<100000xf32, #tpu.memory_space<hbm>> -> memref<400xf32, #tpu.memory_space<hbm>>
      tpu.wait_dma2 semaphore(%arg25 : memref<!tpu.dma_semaphore, #tpu.memory_space<semaphore_mem>>) src(%dma_wait3A_178 : memref<400xf32, #tpu.memory_space<hbm>>) dst(%dma_wait3A_176 : memref<400xf32, #tpu.memory_space<vmem>>)
      %dma_wait3A_179 = arith.constant 400 : i32
      %dma_wait3A_180 = tpu.memref_slice %arg21[%dma_wait3A_179] : memref<800xf32, #tpu.memory_space<vmem>> -> memref<400xf32, #tpu.memory_space<vmem>>
      %dma_wait3A_181 = arith.constant 0 : i32
      %dma_wait3A_182 = tpu.memref_slice %arg4[%dma_wait3A_181] : memref<100000xf32, #tpu.memory_space<hbm>> -> memref<400xf32, #tpu.memory_space<hbm>>
      %dma_wait3A_183 = arith.constant 400 : i32
      %dma_wait3A_184 = tpu.memref_slice %arg21[%dma_wait3A_183] : memref<800xf32, #tpu.memory_space<vmem>> -> memref<400xf32, #tpu.memory_space<vmem>>
      %dma_wait3A_185 = arith.constant 0 : i32
      %dma_wait3A_186 = tpu.memref_slice %arg4[%dma_wait3A_185] : memref<100000xf32, #tpu.memory_space<hbm>> -> memref<400xf32, #tpu.memory_space<hbm>>
      tpu.wait_dma2 semaphore(%arg25 : memref<!tpu.dma_semaphore, #tpu.memory_space<semaphore_mem>>) src(%dma_wait3A_186 : memref<400xf32, #tpu.memory_space<hbm>>) dst(%dma_wait3A_184 : memref<400xf32, #tpu.memory_space<vmem>>)
      %add3A_187 = arith.constant 1 : i32
      %add3A_188 = arith.addi %add3A_93, %add3A_187 : i32
      %scan3A_189 = arith.constant 0 : i32
      %scan3A_190 = arith.constant 25 : i32
      %scan3A_191 = arith.addi %scan3A_189, %scan3A_190 : i32
      %scan3A_192 = arith.constant 1 : i32
      scf.for %scan3A_199 = %scan3A_189 to %scan3A_191 step %scan3A_192  : i32 {
        %mul3A_200 = arith.constant 1 : i32
        %mul3A_201 = arith.muli %scan3A_199, %mul3A_200 : i32
        %add3A_202 = arith.constant 0 : i32
        %add3A_203 = arith.addi %add3A_202, %mul3A_201 : i32
        %mul3A_204 = arith.constant 16 : i32
        %mul3A_205 = arith.muli %add3A_203, %mul3A_204 : i32
        %add3A_206 = arith.constant 400 : i32
        %add3A_207 = arith.addi %add3A_206, %mul3A_205 : i32
        %get3A_208 = arith.index_cast %add3A_207 : i32 to index
        %get3A_209 = tpu.vector_load %arg21[%get3A_208] {strides = array<i32>} : memref<800xf32, #tpu.memory_space<vmem>>, vector<16xf32>,
        %swap3A_210 = arith.constant 16 : index
        %swap3A_211 = tpu.vector_load %arg23[%swap3A_210] {strides = array<i32>} : memref<32xf32, #tpu.memory_space<vmem>>, vector<16xf32>,
        tpu.vector_store %arg23[%swap3A_210], %get3A_209 {add = true, strides = array<i32>} : memref<32xf32, #tpu.memory_space<vmem>>, vector<16xf32>,
      }
      %scan3A_193 = arith.constant 25 : i32
      %scan3A_194 = arith.constant 0 : i32
      %scan3A_195 = arith.constant 8 : i32
      %scan3A_196 = arith.addi %scan3A_194, %scan3A_195 : i32
      %scan3A_197 = arith.constant 1 : i32
      scf.for %scan3A_199 = %scan3A_194 to %scan3A_196 step %scan3A_197  : i32 {
        %mul3A_200 = arith.constant 1 : i32
        %mul3A_201 = arith.muli %scan3A_199, %mul3A_200 : i32
        %add3A_202 = arith.constant 0 : i32
        %add3A_203 = arith.addi %add3A_202, %mul3A_201 : i32
        %mul3A_204 = arith.constant 8 : i32
        %mul3A_205 = arith.muli %add3A_188, %mul3A_204 : i32
        %add3A_206 = arith.addi %mul3A_205, %add3A_203 : i32
        %broadcast_in_dim3A_207 = vector.broadcast %add3A_206 : i32 to vector<16xi32>
        %get3A_208 = arith.index_cast %add3A_206 : i32 to index
        %get3A_209 = arith.constant 0 : index
        %get3A_210 = tpu.vector_load %arg16[%get3A_208, %get3A_209] {strides = array<i32>} : memref<128x64xf32, #tpu.memory_space<vmem>>, vector<16xf32>,
        %sub3A = arith.subf %get3A_210, %get3A_21 : vector<16xf32>
        %get3A_211 = arith.index_cast %add3A_206 : i32 to index
        %get3A_212 = arith.constant 16 : index
        %get3A_213 = tpu.vector_load %arg16[%get3A_211, %get3A_212] {strides = array<i32>} : memref<128x64xf32, #tpu.memory_space<vmem>>, vector<16xf32>,
        %sub3A_214 = arith.subf %get3A_213, %get3A_25 : vector<16xf32>
        %get3A_215 = arith.index_cast %add3A_206 : i32 to index
        %get3A_216 = arith.constant 32 : index
        %get3A_217 = tpu.vector_load %arg16[%get3A_215, %get3A_216] {strides = array<i32>} : memref<128x64xf32, #tpu.memory_space<vmem>>, vector<16xf32>,
        %sub3A_218 = arith.subf %get3A_217, %get3A_29 : vector<16xf32>
        %get3A_219 = arith.index_cast %add3A_206 : i32 to index
        %get3A_220 = arith.constant 48 : index
        %get3A_221 = tpu.vector_load %arg16[%get3A_219, %get3A_220] {strides = array<i32>} : memref<128x64xf32, #tpu.memory_space<vmem>>, vector<16xf32>,
        %sub3A_222 = arith.subf %get3A_221, %get3A_33 : vector<16xf32>
        %gather3A = tpu.vector_load_idx %arg18[%broadcast_in_dim3A_207] : memref<128xf32, #tpu.memory_space<vmem>>[vector<16xi32>], vector<16xf32>,
        %mul3A_223 = arith.mulf %sub3A, %get3A_21 : vector<16xf32>
        %mul3A_224 = arith.mulf %sub3A_214, %get3A_25 : vector<16xf32>
        %add3A_225 = arith.addf %mul3A_223, %mul3A_224 : vector<16xf32>
        %mul3A_226 = arith.mulf %sub3A_218, %get3A_29 : vector<16xf32>
        %add3A_227 = arith.addf %add3A_225, %mul3A_226 : vector<16xf32>
        %mul3A_228 = arith.mulf %sub3A_222, %get3A_33 : vector<16xf32>
        %add3A_229 = arith.addf %add3A_227, %mul3A_228 : vector<16xf32>
        %reduce_sum3A = arith.constant true
        %reduce_sum3A_230 = vector.broadcast %reduce_sum3A : i1 to vector<16xi1>
        %reduce_sum3A_231 = tpu.scan <sum>, %add3A_229 masked %reduce_sum3A_230 : vector<16xf32>, vector<16xi1> -> vector<16xf32>
        %reduce_sum3A_232 = vector.extract %reduce_sum3A_231[15] : f32 from vector<16xf32>
        %mul3A_233 = arith.constant 50 : i32
        %mul3A_234 = arith.muli %add3A_203, %mul3A_233 : i32
        %add3A_235 = arith.constant 400 : i32
        %add3A_236 = arith.addi %add3A_235, %mul3A_234 : i32
        %broadcast_in_dim3A_237 = vector.broadcast %add3A_236 : i32 to vector<16xi32>
        %broadcast_in_dim3A_238 = arith.constant 0.000000e+00 : f32
        %broadcast_in_dim3A_239 = vector.broadcast %broadcast_in_dim3A_238 : f32 to vector<16xf32>
        %mul3A_240 = arith.constant 50 : i32
        %mul3A_241 = arith.muli %add3A_203, %mul3A_240 : i32
        %add3A_242 = arith.constant 400 : i32
        %add3A_243 = arith.addi %add3A_242, %mul3A_241 : i32
        %add3A_244 = arith.constant 0 : i32
        %add3A_245 = arith.addi %add3A_243, %add3A_244 : i32
        %get3A_246 = arith.index_cast %add3A_245 : i32 to index
        %get3A_247 = arith.constant 0 : index
        %get3A_248 = tpu.vector_load %arg15[%get3A_246, %get3A_247] {strides = array<i32>} : memref<800x64xf32, #tpu.memory_space<vmem>>, vector<16xf32>,
        %mul3A_249 = arith.mulf %sub3A, %get3A_248 : vector<16xf32>
        %get3A_250 = arith.index_cast %add3A_245 : i32 to index
        %get3A_251 = arith.constant 16 : index
        %get3A_252 = tpu.vector_load %arg15[%get3A_250, %get3A_251] {strides = array<i32>} : memref<800x64xf32, #tpu.memory_space<vmem>>, vector<16xf32>,
        %mul3A_253 = arith.mulf %sub3A_214, %get3A_252 : vector<16xf32>
        %add3A_254 = arith.addf %mul3A_249, %mul3A_253 : vector<16xf32>
        %get3A_255 = arith.index_cast %add3A_245 : i32 to index
        %get3A_256 = arith.constant 32 : index
        %get3A_257 = tpu.vector_load %arg15[%get3A_255, %get3A_256] {strides = array<i32>} : memref<800x64xf32, #tpu.memory_space<vmem>>, vector<16xf32>,
        %mul3A_258 = arith.mulf %sub3A_218, %get3A_257 : vector<16xf32>
        %add3A_259 = arith.addf %add3A_254, %mul3A_258 : vector<16xf32>
        %get3A_260 = arith.index_cast %add3A_245 : i32 to index
        %get3A_261 = arith.constant 48 : index
        %get3A_262 = tpu.vector_load %arg15[%get3A_260, %get3A_261] {strides = array<i32>} : memref<800x64xf32, #tpu.memory_space<vmem>>, vector<16xf32>,
        %mul3A_263 = arith.mulf %sub3A_222, %get3A_262 : vector<16xf32>
        %add3A_264 = arith.addf %add3A_259, %mul3A_263 : vector<16xf32>
        %reduce_sum3A_265 = arith.constant true
        %reduce_sum3A_266 = vector.broadcast %reduce_sum3A_265 : i1 to vector<16xi1>
        %reduce_sum3A_267 = tpu.scan <sum>, %add3A_264 masked %reduce_sum3A_266 : vector<16xf32>, vector<16xi1> -> vector<16xf32>
        %reduce_sum3A_268 = vector.extract %reduce_sum3A_267[15] : f32 from vector<16xf32>
        %eq3A = arith.constant 0 : i32
        %eq3A_269 = vector.broadcast %eq3A : i32 to vector<16xi32>
        %eq3A_270 = arith.cmpi eq, %iota3A, %eq3A_269 : vector<16xi32>
        %broadcast_in_dim3A_271 = vector.broadcast %reduce_sum3A_268 : f32 to vector<16xf32>
        %select_n3A = arith.select %eq3A_270, %broadcast_in_dim3A_271, %broadcast_in_dim3A_239 : vector<16xi1>, vector<16xf32>
        %mul3A_272 = arith.constant 50 : i32
        %mul3A_273 = arith.muli %add3A_203, %mul3A_272 : i32
        %add3A_274 = arith.constant 400 : i32
        %add3A_275 = arith.addi %add3A_274, %mul3A_273 : i32
        %add3A_276 = arith.constant 1 : i32
        %add3A_277 = arith.addi %add3A_275, %add3A_276 : i32
        %get3A_278 = arith.index_cast %add3A_277 : i32 to index
        %get3A_279 = arith.constant 0 : index
        %get3A_280 = tpu.vector_load %arg15[%get3A_278, %get3A_279] {strides = array<i32>} : memref<800x64xf32, #tpu.memory_space<vmem>>, vector<16xf32>,
        %mul3A_281 = arith.mulf %sub3A, %get3A_280 : vector<16xf32>
        %get3A_282 = arith.index_cast %add3A_277 : i32 to index
        %get3A_283 = arith.constant 16 : index
        %get3A_284 = tpu.vector_load %arg15[%get3A_282, %get3A_283] {strides = array<i32>} : memref<800x64xf32, #tpu.memory_space<vmem>>, vector<16xf32>,
        %mul3A_285 = arith.mulf %sub3A_214, %get3A_284 : vector<16xf32>
        %add3A_286 = arith.addf %mul3A_281, %mul3A_285 : vector<16xf32>
        %get3A_287 = arith.index_cast %add3A_277 : i32 to index
        %get3A_288 = arith.constant 32 : index
        %get3A_289 = tpu.vector_load %arg15[%get3A_287, %get3A_288] {strides = array<i32>} : memref<800x64xf32, #tpu.memory_space<vmem>>, vector<16xf32>,
        %mul3A_290 = arith.mulf %sub3A_218, %get3A_289 : vector<16xf32>
        %add3A_291 = arith.addf %add3A_286, %mul3A_290 : vector<16xf32>
        %get3A_292 = arith.index_cast %add3A_277 : i32 to index
        %get3A_293 = arith.constant 48 : index
        %get3A_294 = tpu.vector_load %arg15[%get3A_292, %get3A_293] {strides = array<i32>} : memref<800x64xf32, #tpu.memory_space<vmem>>, vector<16xf32>,
        %mul3A_295 = arith.mulf %sub3A_222, %get3A_294 : vector<16xf32>
        %add3A_296 = arith.addf %add3A_291, %mul3A_295 : vector<16xf32>
        %reduce_sum3A_297 = arith.constant true
        %reduce_sum3A_298 = vector.broadcast %reduce_sum3A_297 : i1 to vector<16xi1>
        %reduce_sum3A_299 = tpu.scan <sum>, %add3A_296 masked %reduce_sum3A_298 : vector<16xf32>, vector<16xi1> -> vector<16xf32>
        %reduce_sum3A_300 = vector.extract %reduce_sum3A_299[15] : f32 from vector<16xf32>
        %eq3A_301 = arith.constant 1 : i32
        %eq3A_302 = vector.broadcast %eq3A_301 : i32 to vector<16xi32>
        %eq3A_303 = arith.cmpi eq, %iota3A, %eq3A_302 : vector<16xi32>
        %broadcast_in_dim3A_304 = vector.broadcast %reduce_sum3A_300 : f32 to vector<16xf32>
        %select_n3A_305 = arith.select %eq3A_303, %broadcast_in_dim3A_304, %select_n3A : vector<16xi1>, vector<16xf32>
        %mul3A_306 = arith.constant 50 : i32
        %mul3A_307 = arith.muli %add3A_203, %mul3A_306 : i32
        %add3A_308 = arith.constant 400 : i32
        %add3A_309 = arith.addi %add3A_308, %mul3A_307 : i32
        %add3A_310 = arith.constant 2 : i32
        %add3A_311 = arith.addi %add3A_309, %add3A_310 : i32
        %get3A_312 = arith.index_cast %add3A_311 : i32 to index
        %get3A_313 = arith.constant 0 : index
        %get3A_314 = tpu.vector_load %arg15[%get3A_312, %get3A_313] {strides = array<i32>} : memref<800x64xf32, #tpu.memory_space<vmem>>, vector<16xf32>,
        %mul3A_315 = arith.mulf %sub3A, %get3A_314 : vector<16xf32>
        %get3A_316 = arith.index_cast %add3A_311 : i32 to index
        %get3A_317 = arith.constant 16 : index
        %get3A_318 = tpu.vector_load %arg15[%get3A_316, %get3A_317] {strides = array<i32>} : memref<800x64xf32, #tpu.memory_space<vmem>>, vector<16xf32>,
        %mul3A_319 = arith.mulf %sub3A_214, %get3A_318 : vector<16xf32>
        %add3A_320 = arith.addf %mul3A_315, %mul3A_319 : vector<16xf32>
        %get3A_321 = arith.index_cast %add3A_311 : i32 to index
        %get3A_322 = arith.constant 32 : index
        %get3A_323 = tpu.vector_load %arg15[%get3A_321, %get3A_322] {strides = array<i32>} : memref<800x64xf32, #tpu.memory_space<vmem>>, vector<16xf32>,
        %mul3A_324 = arith.mulf %sub3A_218, %get3A_323 : vector<16xf32>
        %add3A_325 = arith.addf %add3A_320, %mul3A_324 : vector<16xf32>
        %get3A_326 = arith.index_cast %add3A_311 : i32 to index
        %get3A_327 = arith.constant 48 : index
        %get3A_328 = tpu.vector_load %arg15[%get3A_326, %get3A_327] {strides = array<i32>} : memref<800x64xf32, #tpu.memory_space<vmem>>, vector<16xf32>,
        %mul3A_329 = arith.mulf %sub3A_222, %get3A_328 : vector<16xf32>
        %add3A_330 = arith.addf %add3A_325, %mul3A_329 : vector<16xf32>
        %reduce_sum3A_331 = arith.constant true
        %reduce_sum3A_332 = vector.broadcast %reduce_sum3A_331 : i1 to vector<16xi1>
        %reduce_sum3A_333 = tpu.scan <sum>, %add3A_330 masked %reduce_sum3A_332 : vector<16xf32>, vector<16xi1> -> vector<16xf32>
        %reduce_sum3A_334 = vector.extract %reduce_sum3A_333[15] : f32 from vector<16xf32>
        %eq3A_335 = arith.constant 2 : i32
        %eq3A_336 = vector.broadcast %eq3A_335 : i32 to vector<16xi32>
        %eq3A_337 = arith.cmpi eq, %iota3A, %eq3A_336 : vector<16xi32>
        %broadcast_in_dim3A_338 = vector.broadcast %reduce_sum3A_334 : f32 to vector<16xf32>
        %select_n3A_339 = arith.select %eq3A_337, %broadcast_in_dim3A_338, %select_n3A_305 : vector<16xi1>, vector<16xf32>
        %mul3A_340 = arith.constant 50 : i32
        %mul3A_341 = arith.muli %add3A_203, %mul3A_340 : i32
        %add3A_342 = arith.constant 400 : i32
        %add3A_343 = arith.addi %add3A_342, %mul3A_341 : i32
        %add3A_344 = arith.constant 3 : i32
        %add3A_345 = arith.addi %add3A_343, %add3A_344 : i32
        %get3A_346 = arith.index_cast %add3A_345 : i32 to index
        %get3A_347 = arith.constant 0 : index
        %get3A_348 = tpu.vector_load %arg15[%get3A_346, %get3A_347] {strides = array<i32>} : memref<800x64xf32, #tpu.memory_space<vmem>>, vector<16xf32>,
        %mul3A_349 = arith.mulf %sub3A, %get3A_348 : vector<16xf32>
        %get3A_350 = arith.index_cast %add3A_345 : i32 to index
        %get3A_351 = arith.constant 16 : index
        %get3A_352 = tpu.vector_load %arg15[%get3A_350, %get3A_351] {strides = array<i32>} : memref<800x64xf32, #tpu.memory_space<vmem>>, vector<16xf32>,
        %mul3A_353 = arith.mulf %sub3A_214, %get3A_352 : vector<16xf32>
        %add3A_354 = arith.addf %mul3A_349, %mul3A_353 : vector<16xf32>
        %get3A_355 = arith.index_cast %add3A_345 : i32 to index
        %get3A_356 = arith.constant 32 : index
        %get3A_357 = tpu.vector_load %arg15[%get3A_355, %get3A_356] {strides = array<i32>} : memref<800x64xf32, #tpu.memory_space<vmem>>, vector<16xf32>,
        %mul3A_358 = arith.mulf %sub3A_218, %get3A_357 : vector<16xf32>
        %add3A_359 = arith.addf %add3A_354, %mul3A_358 : vector<16xf32>
        %get3A_360 = arith.index_cast %add3A_345 : i32 to index
        %get3A_361 = arith.constant 48 : index
        %get3A_362 = tpu.vector_load %arg15[%get3A_360, %get3A_361] {strides = array<i32>} : memref<800x64xf32, #tpu.memory_space<vmem>>, vector<16xf32>,
        %mul3A_363 = arith.mulf %sub3A_222, %get3A_362 : vector<16xf32>
        %add3A_364 = arith.addf %add3A_359, %mul3A_363 : vector<16xf32>
        %reduce_sum3A_365 = arith.constant true
        %reduce_sum3A_366 = vector.broadcast %reduce_sum3A_365 : i1 to vector<16xi1>
        %reduce_sum3A_367 = tpu.scan <sum>, %add3A_364 masked %reduce_sum3A_366 : vector<16xf32>, vector<16xi1> -> vector<16xf32>
        %reduce_sum3A_368 = vector.extract %reduce_sum3A_367[15] : f32 from vector<16xf32>
        %eq3A_369 = arith.constant 3 : i32
        %eq3A_370 = vector.broadcast %eq3A_369 : i32 to vector<16xi32>
        %eq3A_371 = arith.cmpi eq, %iota3A, %eq3A_370 : vector<16xi32>
        %broadcast_in_dim3A_372 = vector.broadcast %reduce_sum3A_368 : f32 to vector<16xf32>
        %select_n3A_373 = arith.select %eq3A_371, %broadcast_in_dim3A_372, %select_n3A_339 : vector<16xi1>, vector<16xf32>
        %mul3A_374 = arith.constant 50 : i32
        %mul3A_375 = arith.muli %add3A_203, %mul3A_374 : i32
        %add3A_376 = arith.constant 400 : i32
        %add3A_377 = arith.addi %add3A_376, %mul3A_375 : i32
        %add3A_378 = arith.constant 4 : i32
        %add3A_379 = arith.addi %add3A_377, %add3A_378 : i32
        %get3A_380 = arith.index_cast %add3A_379 : i32 to index
        %get3A_381 = arith.constant 0 : index
        %get3A_382 = tpu.vector_load %arg15[%get3A_380, %get3A_381] {strides = array<i32>} : memref<800x64xf32, #tpu.memory_space<vmem>>, vector<16xf32>,
        %mul3A_383 = arith.mulf %sub3A, %get3A_382 : vector<16xf32>
        %get3A_384 = arith.index_cast %add3A_379 : i32 to index
        %get3A_385 = arith.constant 16 : index
        %get3A_386 = tpu.vector_load %arg15[%get3A_384, %get3A_385] {strides = array<i32>} : memref<800x64xf32, #tpu.memory_space<vmem>>, vector<16xf32>,
        %mul3A_387 = arith.mulf %sub3A_214, %get3A_386 : vector<16xf32>
        %add3A_388 = arith.addf %mul3A_383, %mul3A_387 : vector<16xf32>
        %get3A_389 = arith.index_cast %add3A_379 : i32 to index
        %get3A_390 = arith.constant 32 : index
        %get3A_391 = tpu.vector_load %arg15[%get3A_389, %get3A_390] {strides = array<i32>} : memref<800x64xf32, #tpu.memory_space<vmem>>, vector<16xf32>,
        %mul3A_392 = arith.mulf %sub3A_218, %get3A_391 : vector<16xf32>
        %add3A_393 = arith.addf %add3A_388, %mul3A_392 : vector<16xf32>
        %get3A_394 = arith.index_cast %add3A_379 : i32 to index
        %get3A_395 = arith.constant 48 : index
        %get3A_396 = tpu.vector_load %arg15[%get3A_394, %get3A_395] {strides = array<i32>} : memref<800x64xf32, #tpu.memory_space<vmem>>, vector<16xf32>,
        %mul3A_397 = arith.mulf %sub3A_222, %get3A_396 : vector<16xf32>
        %add3A_398 = arith.addf %add3A_393, %mul3A_397 : vector<16xf32>
        %reduce_sum3A_399 = arith.constant true
        %reduce_sum3A_400 = vector.broadcast %reduce_sum3A_399 : i1 to vector<16xi1>
        %reduce_sum3A_401 = tpu.scan <sum>, %add3A_398 masked %reduce_sum3A_400 : vector<16xf32>, vector<16xi1> -> vector<16xf32>
        %reduce_sum3A_402 = vector.extract %reduce_sum3A_401[15] : f32 from vector<16xf32>
        %eq3A_403 = arith.constant 4 : i32
        %eq3A_404 = vector.broadcast %eq3A_403 : i32 to vector<16xi32>
        %eq3A_405 = arith.cmpi eq, %iota3A, %eq3A_404 : vector<16xi32>
        %broadcast_in_dim3A_406 = vector.broadcast %reduce_sum3A_402 : f32 to vector<16xf32>
        %select_n3A_407 = arith.select %eq3A_405, %broadcast_in_dim3A_406, %select_n3A_373 : vector<16xi1>, vector<16xf32>
        %mul3A_408 = arith.constant 50 : i32
        %mul3A_409 = arith.muli %add3A_203, %mul3A_408 : i32
        %add3A_410 = arith.constant 400 : i32
        %add3A_411 = arith.addi %add3A_410, %mul3A_409 : i32
        %add3A_412 = arith.constant 5 : i32
        %add3A_413 = arith.addi %add3A_411, %add3A_412 : i32
        %get3A_414 = arith.index_cast %add3A_413 : i32 to index
        %get3A_415 = arith.constant 0 : index
        %get3A_416 = tpu.vector_load %arg15[%get3A_414, %get3A_415] {strides = array<i32>} : memref<800x64xf32, #tpu.memory_space<vmem>>, vector<16xf32>,
        %mul3A_417 = arith.mulf %sub3A, %get3A_416 : vector<16xf32>
        %get3A_418 = arith.index_cast %add3A_413 : i32 to index
        %get3A_419 = arith.constant 16 : index
        %get3A_420 = tpu.vector_load %arg15[%get3A_418, %get3A_419] {strides = array<i32>} : memref<800x64xf32, #tpu.memory_space<vmem>>, vector<16xf32>,
        %mul3A_421 = arith.mulf %sub3A_214, %get3A_420 : vector<16xf32>
        %add3A_422 = arith.addf %mul3A_417, %mul3A_421 : vector<16xf32>
        %get3A_423 = arith.index_cast %add3A_413 : i32 to index
        %get3A_424 = arith.constant 32 : index
        %get3A_425 = tpu.vector_load %arg15[%get3A_423, %get3A_424] {strides = array<i32>} : memref<800x64xf32, #tpu.memory_space<vmem>>, vector<16xf32>,
        %mul3A_426 = arith.mulf %sub3A_218, %get3A_425 : vector<16xf32>
        %add3A_427 = arith.addf %add3A_422, %mul3A_426 : vector<16xf32>
        %get3A_428 = arith.index_cast %add3A_413 : i32 to index
        %get3A_429 = arith.constant 48 : index
        %get3A_430 = tpu.vector_load %arg15[%get3A_428, %get3A_429] {strides = array<i32>} : memref<800x64xf32, #tpu.memory_space<vmem>>, vector<16xf32>,
        %mul3A_431 = arith.mulf %sub3A_222, %get3A_430 : vector<16xf32>
        %add3A_432 = arith.addf %add3A_427, %mul3A_431 : vector<16xf32>
        %reduce_sum3A_433 = arith.constant true
        %reduce_sum3A_434 = vector.broadcast %reduce_sum3A_433 : i1 to vector<16xi1>
        %reduce_sum3A_435 = tpu.scan <sum>, %add3A_432 masked %reduce_sum3A_434 : vector<16xf32>, vector<16xi1> -> vector<16xf32>
        %reduce_sum3A_436 = vector.extract %reduce_sum3A_435[15] : f32 from vector<16xf32>
        %eq3A_437 = arith.constant 5 : i32
        %eq3A_438 = vector.broadcast %eq3A_437 : i32 to vector<16xi32>
        %eq3A_439 = arith.cmpi eq, %iota3A, %eq3A_438 : vector<16xi32>
        %broadcast_in_dim3A_440 = vector.broadcast %reduce_sum3A_436 : f32 to vector<16xf32>
        %select_n3A_441 = arith.select %eq3A_439, %broadcast_in_dim3A_440, %select_n3A_407 : vector<16xi1>, vector<16xf32>
        %mul3A_442 = arith.constant 50 : i32
        %mul3A_443 = arith.muli %add3A_203, %mul3A_442 : i32
        %add3A_444 = arith.constant 400 : i32
        %add3A_445 = arith.addi %add3A_444, %mul3A_443 : i32
        %add3A_446 = arith.constant 6 : i32
        %add3A_447 = arith.addi %add3A_445, %add3A_446 : i32
        %get3A_448 = arith.index_cast %add3A_447 : i32 to index
        %get3A_449 = arith.constant 0 : index
        %get3A_450 = tpu.vector_load %arg15[%get3A_448, %get3A_449] {strides = array<i32>} : memref<800x64xf32, #tpu.memory_space<vmem>>, vector<16xf32>,
        %mul3A_451 = arith.mulf %sub3A, %get3A_450 : vector<16xf32>
        %get3A_452 = arith.index_cast %add3A_447 : i32 to index
        %get3A_453 = arith.constant 16 : index
        %get3A_454 = tpu.vector_load %arg15[%get3A_452, %get3A_453] {strides = array<i32>} : memref<800x64xf32, #tpu.memory_space<vmem>>, vector<16xf32>,
        %mul3A_455 = arith.mulf %sub3A_214, %get3A_454 : vector<16xf32>
        %add3A_456 = arith.addf %mul3A_451, %mul3A_455 : vector<16xf32>
        %get3A_457 = arith.index_cast %add3A_447 : i32 to index
        %get3A_458 = arith.constant 32 : index
        %get3A_459 = tpu.vector_load %arg15[%get3A_457, %get3A_458] {strides = array<i32>} : memref<800x64xf32, #tpu.memory_space<vmem>>, vector<16xf32>,
        %mul3A_460 = arith.mulf %sub3A_218, %get3A_459 : vector<16xf32>
        %add3A_461 = arith.addf %add3A_456, %mul3A_460 : vector<16xf32>
        %get3A_462 = arith.index_cast %add3A_447 : i32 to index
        %get3A_463 = arith.constant 48 : index
        %get3A_464 = tpu.vector_load %arg15[%get3A_462, %get3A_463] {strides = array<i32>} : memref<800x64xf32, #tpu.memory_space<vmem>>, vector<16xf32>,
        %mul3A_465 = arith.mulf %sub3A_222, %get3A_464 : vector<16xf32>
        %add3A_466 = arith.addf %add3A_461, %mul3A_465 : vector<16xf32>
        %reduce_sum3A_467 = arith.constant true
        %reduce_sum3A_468 = vector.broadcast %reduce_sum3A_467 : i1 to vector<16xi1>
        %reduce_sum3A_469 = tpu.scan <sum>, %add3A_466 masked %reduce_sum3A_468 : vector<16xf32>, vector<16xi1> -> vector<16xf32>
        %reduce_sum3A_470 = vector.extract %reduce_sum3A_469[15] : f32 from vector<16xf32>
        %eq3A_471 = arith.constant 6 : i32
        %eq3A_472 = vector.broadcast %eq3A_471 : i32 to vector<16xi32>
        %eq3A_473 = arith.cmpi eq, %iota3A, %eq3A_472 : vector<16xi32>
        %broadcast_in_dim3A_474 = vector.broadcast %reduce_sum3A_470 : f32 to vector<16xf32>
        %select_n3A_475 = arith.select %eq3A_473, %broadcast_in_dim3A_474, %select_n3A_441 : vector<16xi1>, vector<16xf32>
        %mul3A_476 = arith.constant 50 : i32
        %mul3A_477 = arith.muli %add3A_203, %mul3A_476 : i32
        %add3A_478 = arith.constant 400 : i32
        %add3A_479 = arith.addi %add3A_478, %mul3A_477 : i32
        %add3A_480 = arith.constant 7 : i32
        %add3A_481 = arith.addi %add3A_479, %add3A_480 : i32
        %get3A_482 = arith.index_cast %add3A_481 : i32 to index
        %get3A_483 = arith.constant 0 : index
        %get3A_484 = tpu.vector_load %arg15[%get3A_482, %get3A_483] {strides = array<i32>} : memref<800x64xf32, #tpu.memory_space<vmem>>, vector<16xf32>,
        %mul3A_485 = arith.mulf %sub3A, %get3A_484 : vector<16xf32>
        %get3A_486 = arith.index_cast %add3A_481 : i32 to index
        %get3A_487 = arith.constant 16 : index
        %get3A_488 = tpu.vector_load %arg15[%get3A_486, %get3A_487] {strides = array<i32>} : memref<800x64xf32, #tpu.memory_space<vmem>>, vector<16xf32>,
        %mul3A_489 = arith.mulf %sub3A_214, %get3A_488 : vector<16xf32>
        %add3A_490 = arith.addf %mul3A_485, %mul3A_489 : vector<16xf32>
        %get3A_491 = arith.index_cast %add3A_481 : i32 to index
        %get3A_492 = arith.constant 32 : index
        %get3A_493 = tpu.vector_load %arg15[%get3A_491, %get3A_492] {strides = array<i32>} : memref<800x64xf32, #tpu.memory_space<vmem>>, vector<16xf32>,
        %mul3A_494 = arith.mulf %sub3A_218, %get3A_493 : vector<16xf32>
        %add3A_495 = arith.addf %add3A_490, %mul3A_494 : vector<16xf32>
        %get3A_496 = arith.index_cast %add3A_481 : i32 to index
        %get3A_497 = arith.constant 48 : index
        %get3A_498 = tpu.vector_load %arg15[%get3A_496, %get3A_497] {strides = array<i32>} : memref<800x64xf32, #tpu.memory_space<vmem>>, vector<16xf32>,
        %mul3A_499 = arith.mulf %sub3A_222, %get3A_498 : vector<16xf32>
        %add3A_500 = arith.addf %add3A_495, %mul3A_499 : vector<16xf32>
        %reduce_sum3A_501 = arith.constant true
        %reduce_sum3A_502 = vector.broadcast %reduce_sum3A_501 : i1 to vector<16xi1>
        %reduce_sum3A_503 = tpu.scan <sum>, %add3A_500 masked %reduce_sum3A_502 : vector<16xf32>, vector<16xi1> -> vector<16xf32>
        %reduce_sum3A_504 = vector.extract %reduce_sum3A_503[15] : f32 from vector<16xf32>
        %eq3A_505 = arith.constant 7 : i32
        %eq3A_506 = vector.broadcast %eq3A_505 : i32 to vector<16xi32>
        %eq3A_507 = arith.cmpi eq, %iota3A, %eq3A_506 : vector<16xi32>
        %broadcast_in_dim3A_508 = vector.broadcast %reduce_sum3A_504 : f32 to vector<16xf32>
        %select_n3A_509 = arith.select %eq3A_507, %broadcast_in_dim3A_508, %select_n3A_475 : vector<16xi1>, vector<16xf32>
        %mul3A_510 = arith.constant 50 : i32
        %mul3A_511 = arith.muli %add3A_203, %mul3A_510 : i32
        %add3A_512 = arith.constant 400 : i32
        %add3A_513 = arith.addi %add3A_512, %mul3A_511 : i32
        %add3A_514 = arith.constant 8 : i32
        %add3A_515 = arith.addi %add3A_513, %add3A_514 : i32
        %get3A_516 = arith.index_cast %add3A_515 : i32 to index
        %get3A_517 = arith.constant 0 : index
        %get3A_518 = tpu.vector_load %arg15[%get3A_516, %get3A_517] {strides = array<i32>} : memref<800x64xf32, #tpu.memory_space<vmem>>, vector<16xf32>,
        %mul3A_519 = arith.mulf %sub3A, %get3A_518 : vector<16xf32>
        %get3A_520 = arith.index_cast %add3A_515 : i32 to index
        %get3A_521 = arith.constant 16 : index
        %get3A_522 = tpu.vector_load %arg15[%get3A_520, %get3A_521] {strides = array<i32>} : memref<800x64xf32, #tpu.memory_space<vmem>>, vector<16xf32>,
        %mul3A_523 = arith.mulf %sub3A_214, %get3A_522 : vector<16xf32>
        %add3A_524 = arith.addf %mul3A_519, %mul3A_523 : vector<16xf32>
        %get3A_525 = arith.index_cast %add3A_515 : i32 to index
        %get3A_526 = arith.constant 32 : index
        %get3A_527 = tpu.vector_load %arg15[%get3A_525, %get3A_526] {strides = array<i32>} : memref<800x64xf32, #tpu.memory_space<vmem>>, vector<16xf32>,
        %mul3A_528 = arith.mulf %sub3A_218, %get3A_527 : vector<16xf32>
        %add3A_529 = arith.addf %add3A_524, %mul3A_528 : vector<16xf32>
        %get3A_530 = arith.index_cast %add3A_515 : i32 to index
        %get3A_531 = arith.constant 48 : index
        %get3A_532 = tpu.vector_load %arg15[%get3A_530, %get3A_531] {strides = array<i32>} : memref<800x64xf32, #tpu.memory_space<vmem>>, vector<16xf32>,
        %mul3A_533 = arith.mulf %sub3A_222, %get3A_532 : vector<16xf32>
        %add3A_534 = arith.addf %add3A_529, %mul3A_533 : vector<16xf32>
        %reduce_sum3A_535 = arith.constant true
        %reduce_sum3A_536 = vector.broadcast %reduce_sum3A_535 : i1 to vector<16xi1>
        %reduce_sum3A_537 = tpu.scan <sum>, %add3A_534 masked %reduce_sum3A_536 : vector<16xf32>, vector<16xi1> -> vector<16xf32>
        %reduce_sum3A_538 = vector.extract %reduce_sum3A_537[15] : f32 from vector<16xf32>
        %eq3A_539 = arith.constant 8 : i32
        %eq3A_540 = vector.broadcast %eq3A_539 : i32 to vector<16xi32>
        %eq3A_541 = arith.cmpi eq, %iota3A, %eq3A_540 : vector<16xi32>
        %broadcast_in_dim3A_542 = vector.broadcast %reduce_sum3A_538 : f32 to vector<16xf32>
        %select_n3A_543 = arith.select %eq3A_541, %broadcast_in_dim3A_542, %select_n3A_509 : vector<16xi1>, vector<16xf32>
        %mul3A_544 = arith.constant 50 : i32
        %mul3A_545 = arith.muli %add3A_203, %mul3A_544 : i32
        %add3A_546 = arith.constant 400 : i32
        %add3A_547 = arith.addi %add3A_546, %mul3A_545 : i32
        %add3A_548 = arith.constant 9 : i32
        %add3A_549 = arith.addi %add3A_547, %add3A_548 : i32
        %get3A_550 = arith.index_cast %add3A_549 : i32 to index
        %get3A_551 = arith.constant 0 : index
        %get3A_552 = tpu.vector_load %arg15[%get3A_550, %get3A_551] {strides = array<i32>} : memref<800x64xf32, #tpu.memory_space<vmem>>, vector<16xf32>,
        %mul3A_553 = arith.mulf %sub3A, %get3A_552 : vector<16xf32>
        %get3A_554 = arith.index_cast %add3A_549 : i32 to index
        %get3A_555 = arith.constant 16 : index
        %get3A_556 = tpu.vector_load %arg15[%get3A_554, %get3A_555] {strides = array<i32>} : memref<800x64xf32, #tpu.memory_space<vmem>>, vector<16xf32>,
        %mul3A_557 = arith.mulf %sub3A_214, %get3A_556 : vector<16xf32>
        %add3A_558 = arith.addf %mul3A_553, %mul3A_557 : vector<16xf32>
        %get3A_559 = arith.index_cast %add3A_549 : i32 to index
        %get3A_560 = arith.constant 32 : index
        %get3A_561 = tpu.vector_load %arg15[%get3A_559, %get3A_560] {strides = array<i32>} : memref<800x64xf32, #tpu.memory_space<vmem>>, vector<16xf32>,
        %mul3A_562 = arith.mulf %sub3A_218, %get3A_561 : vector<16xf32>
        %add3A_563 = arith.addf %add3A_558, %mul3A_562 : vector<16xf32>
        %get3A_564 = arith.index_cast %add3A_549 : i32 to index
        %get3A_565 = arith.constant 48 : index
        %get3A_566 = tpu.vector_load %arg15[%get3A_564, %get3A_565] {strides = array<i32>} : memref<800x64xf32, #tpu.memory_space<vmem>>, vector<16xf32>,
        %mul3A_567 = arith.mulf %sub3A_222, %get3A_566 : vector<16xf32>
        %add3A_568 = arith.addf %add3A_563, %mul3A_567 : vector<16xf32>
        %reduce_sum3A_569 = arith.constant true
        %reduce_sum3A_570 = vector.broadcast %reduce_sum3A_569 : i1 to vector<16xi1>
        %reduce_sum3A_571 = tpu.scan <sum>, %add3A_568 masked %reduce_sum3A_570 : vector<16xf32>, vector<16xi1> -> vector<16xf32>
        %reduce_sum3A_572 = vector.extract %reduce_sum3A_571[15] : f32 from vector<16xf32>
        %eq3A_573 = arith.constant 9 : i32
        %eq3A_574 = vector.broadcast %eq3A_573 : i32 to vector<16xi32>
        %eq3A_575 = arith.cmpi eq, %iota3A, %eq3A_574 : vector<16xi32>
        %broadcast_in_dim3A_576 = vector.broadcast %reduce_sum3A_572 : f32 to vector<16xf32>
        %select_n3A_577 = arith.select %eq3A_575, %broadcast_in_dim3A_576, %select_n3A_543 : vector<16xi1>, vector<16xf32>
        %mul3A_578 = arith.constant 50 : i32
        %mul3A_579 = arith.muli %add3A_203, %mul3A_578 : i32
        %add3A_580 = arith.constant 400 : i32
        %add3A_581 = arith.addi %add3A_580, %mul3A_579 : i32
        %add3A_582 = arith.constant 10 : i32
        %add3A_583 = arith.addi %add3A_581, %add3A_582 : i32
        %get3A_584 = arith.index_cast %add3A_583 : i32 to index
        %get3A_585 = arith.constant 0 : index
        %get3A_586 = tpu.vector_load %arg15[%get3A_584, %get3A_585] {strides = array<i32>} : memref<800x64xf32, #tpu.memory_space<vmem>>, vector<16xf32>,
        %mul3A_587 = arith.mulf %sub3A, %get3A_586 : vector<16xf32>
        %get3A_588 = arith.index_cast %add3A_583 : i32 to index
        %get3A_589 = arith.constant 16 : index
        %get3A_590 = tpu.vector_load %arg15[%get3A_588, %get3A_589] {strides = array<i32>} : memref<800x64xf32, #tpu.memory_space<vmem>>, vector<16xf32>,
        %mul3A_591 = arith.mulf %sub3A_214, %get3A_590 : vector<16xf32>
        %add3A_592 = arith.addf %mul3A_587, %mul3A_591 : vector<16xf32>
        %get3A_593 = arith.index_cast %add3A_583 : i32 to index
        %get3A_594 = arith.constant 32 : index
        %get3A_595 = tpu.vector_load %arg15[%get3A_593, %get3A_594] {strides = array<i32>} : memref<800x64xf32, #tpu.memory_space<vmem>>, vector<16xf32>,
        %mul3A_596 = arith.mulf %sub3A_218, %get3A_595 : vector<16xf32>
        %add3A_597 = arith.addf %add3A_592, %mul3A_596 : vector<16xf32>
        %get3A_598 = arith.index_cast %add3A_583 : i32 to index
        %get3A_599 = arith.constant 48 : index
        %get3A_600 = tpu.vector_load %arg15[%get3A_598, %get3A_599] {strides = array<i32>} : memref<800x64xf32, #tpu.memory_space<vmem>>, vector<16xf32>,
        %mul3A_601 = arith.mulf %sub3A_222, %get3A_600 : vector<16xf32>
        %add3A_602 = arith.addf %add3A_597, %mul3A_601 : vector<16xf32>
        %reduce_sum3A_603 = arith.constant true
        %reduce_sum3A_604 = vector.broadcast %reduce_sum3A_603 : i1 to vector<16xi1>
        %reduce_sum3A_605 = tpu.scan <sum>, %add3A_602 masked %reduce_sum3A_604 : vector<16xf32>, vector<16xi1> -> vector<16xf32>
        %reduce_sum3A_606 = vector.extract %reduce_sum3A_605[15] : f32 from vector<16xf32>
        %eq3A_607 = arith.constant 10 : i32
        %eq3A_608 = vector.broadcast %eq3A_607 : i32 to vector<16xi32>
        %eq3A_609 = arith.cmpi eq, %iota3A, %eq3A_608 : vector<16xi32>
        %broadcast_in_dim3A_610 = vector.broadcast %reduce_sum3A_606 : f32 to vector<16xf32>
        %select_n3A_611 = arith.select %eq3A_609, %broadcast_in_dim3A_610, %select_n3A_577 : vector<16xi1>, vector<16xf32>
        %mul3A_612 = arith.constant 50 : i32
        %mul3A_613 = arith.muli %add3A_203, %mul3A_612 : i32
        %add3A_614 = arith.constant 400 : i32
        %add3A_615 = arith.addi %add3A_614, %mul3A_613 : i32
        %add3A_616 = arith.constant 11 : i32
        %add3A_617 = arith.addi %add3A_615, %add3A_616 : i32
        %get3A_618 = arith.index_cast %add3A_617 : i32 to index
        %get3A_619 = arith.constant 0 : index
        %get3A_620 = tpu.vector_load %arg15[%get3A_618, %get3A_619] {strides = array<i32>} : memref<800x64xf32, #tpu.memory_space<vmem>>, vector<16xf32>,
        %mul3A_621 = arith.mulf %sub3A, %get3A_620 : vector<16xf32>
        %get3A_622 = arith.index_cast %add3A_617 : i32 to index
        %get3A_623 = arith.constant 16 : index
        %get3A_624 = tpu.vector_load %arg15[%get3A_622, %get3A_623] {strides = array<i32>} : memref<800x64xf32, #tpu.memory_space<vmem>>, vector<16xf32>,
        %mul3A_625 = arith.mulf %sub3A_214, %get3A_624 : vector<16xf32>
        %add3A_626 = arith.addf %mul3A_621, %mul3A_625 : vector<16xf32>
        %get3A_627 = arith.index_cast %add3A_617 : i32 to index
        %get3A_628 = arith.constant 32 : index
        %get3A_629 = tpu.vector_load %arg15[%get3A_627, %get3A_628] {strides = array<i32>} : memref<800x64xf32, #tpu.memory_space<vmem>>, vector<16xf32>,
        %mul3A_630 = arith.mulf %sub3A_218, %get3A_629 : vector<16xf32>
        %add3A_631 = arith.addf %add3A_626, %mul3A_630 : vector<16xf32>
        %get3A_632 = arith.index_cast %add3A_617 : i32 to index
        %get3A_633 = arith.constant 48 : index
        %get3A_634 = tpu.vector_load %arg15[%get3A_632, %get3A_633] {strides = array<i32>} : memref<800x64xf32, #tpu.memory_space<vmem>>, vector<16xf32>,
        %mul3A_635 = arith.mulf %sub3A_222, %get3A_634 : vector<16xf32>
        %add3A_636 = arith.addf %add3A_631, %mul3A_635 : vector<16xf32>
        %reduce_sum3A_637 = arith.constant true
        %reduce_sum3A_638 = vector.broadcast %reduce_sum3A_637 : i1 to vector<16xi1>
        %reduce_sum3A_639 = tpu.scan <sum>, %add3A_636 masked %reduce_sum3A_638 : vector<16xf32>, vector<16xi1> -> vector<16xf32>
        %reduce_sum3A_640 = vector.extract %reduce_sum3A_639[15] : f32 from vector<16xf32>
        %eq3A_641 = arith.constant 11 : i32
        %eq3A_642 = vector.broadcast %eq3A_641 : i32 to vector<16xi32>
        %eq3A_643 = arith.cmpi eq, %iota3A, %eq3A_642 : vector<16xi32>
        %broadcast_in_dim3A_644 = vector.broadcast %reduce_sum3A_640 : f32 to vector<16xf32>
        %select_n3A_645 = arith.select %eq3A_643, %broadcast_in_dim3A_644, %select_n3A_611 : vector<16xi1>, vector<16xf32>
        %mul3A_646 = arith.constant 50 : i32
        %mul3A_647 = arith.muli %add3A_203, %mul3A_646 : i32
        %add3A_648 = arith.constant 400 : i32
        %add3A_649 = arith.addi %add3A_648, %mul3A_647 : i32
        %add3A_650 = arith.constant 12 : i32
        %add3A_651 = arith.addi %add3A_649, %add3A_650 : i32
        %get3A_652 = arith.index_cast %add3A_651 : i32 to index
        %get3A_653 = arith.constant 0 : index
        %get3A_654 = tpu.vector_load %arg15[%get3A_652, %get3A_653] {strides = array<i32>} : memref<800x64xf32, #tpu.memory_space<vmem>>, vector<16xf32>,
        %mul3A_655 = arith.mulf %sub3A, %get3A_654 : vector<16xf32>
        %get3A_656 = arith.index_cast %add3A_651 : i32 to index
        %get3A_657 = arith.constant 16 : index
        %get3A_658 = tpu.vector_load %arg15[%get3A_656, %get3A_657] {strides = array<i32>} : memref<800x64xf32, #tpu.memory_space<vmem>>, vector<16xf32>,
        %mul3A_659 = arith.mulf %sub3A_214, %get3A_658 : vector<16xf32>
        %add3A_660 = arith.addf %mul3A_655, %mul3A_659 : vector<16xf32>
        %get3A_661 = arith.index_cast %add3A_651 : i32 to index
        %get3A_662 = arith.constant 32 : index
        %get3A_663 = tpu.vector_load %arg15[%get3A_661, %get3A_662] {strides = array<i32>} : memref<800x64xf32, #tpu.memory_space<vmem>>, vector<16xf32>,
        %mul3A_664 = arith.mulf %sub3A_218, %get3A_663 : vector<16xf32>
        %add3A_665 = arith.addf %add3A_660, %mul3A_664 : vector<16xf32>
        %get3A_666 = arith.index_cast %add3A_651 : i32 to index
        %get3A_667 = arith.constant 48 : index
        %get3A_668 = tpu.vector_load %arg15[%get3A_666, %get3A_667] {strides = array<i32>} : memref<800x64xf32, #tpu.memory_space<vmem>>, vector<16xf32>,
        %mul3A_669 = arith.mulf %sub3A_222, %get3A_668 : vector<16xf32>
        %add3A_670 = arith.addf %add3A_665, %mul3A_669 : vector<16xf32>
        %reduce_sum3A_671 = arith.constant true
        %reduce_sum3A_672 = vector.broadcast %reduce_sum3A_671 : i1 to vector<16xi1>
        %reduce_sum3A_673 = tpu.scan <sum>, %add3A_670 masked %reduce_sum3A_672 : vector<16xf32>, vector<16xi1> -> vector<16xf32>
        %reduce_sum3A_674 = vector.extract %reduce_sum3A_673[15] : f32 from vector<16xf32>
        %eq3A_675 = arith.constant 12 : i32
        %eq3A_676 = vector.broadcast %eq3A_675 : i32 to vector<16xi32>
        %eq3A_677 = arith.cmpi eq, %iota3A, %eq3A_676 : vector<16xi32>
        %broadcast_in_dim3A_678 = vector.broadcast %reduce_sum3A_674 : f32 to vector<16xf32>
        %select_n3A_679 = arith.select %eq3A_677, %broadcast_in_dim3A_678, %select_n3A_645 : vector<16xi1>, vector<16xf32>
        %mul3A_680 = arith.constant 50 : i32
        %mul3A_681 = arith.muli %add3A_203, %mul3A_680 : i32
        %add3A_682 = arith.constant 400 : i32
        %add3A_683 = arith.addi %add3A_682, %mul3A_681 : i32
        %add3A_684 = arith.constant 13 : i32
        %add3A_685 = arith.addi %add3A_683, %add3A_684 : i32
        %get3A_686 = arith.index_cast %add3A_685 : i32 to index
        %get3A_687 = arith.constant 0 : index
        %get3A_688 = tpu.vector_load %arg15[%get3A_686, %get3A_687] {strides = array<i32>} : memref<800x64xf32, #tpu.memory_space<vmem>>, vector<16xf32>,
        %mul3A_689 = arith.mulf %sub3A, %get3A_688 : vector<16xf32>
        %get3A_690 = arith.index_cast %add3A_685 : i32 to index
        %get3A_691 = arith.constant 16 : index
        %get3A_692 = tpu.vector_load %arg15[%get3A_690, %get3A_691] {strides = array<i32>} : memref<800x64xf32, #tpu.memory_space<vmem>>, vector<16xf32>,
        %mul3A_693 = arith.mulf %sub3A_214, %get3A_692 : vector<16xf32>
        %add3A_694 = arith.addf %mul3A_689, %mul3A_693 : vector<16xf32>
        %get3A_695 = arith.index_cast %add3A_685 : i32 to index
        %get3A_696 = arith.constant 32 : index
        %get3A_697 = tpu.vector_load %arg15[%get3A_695, %get3A_696] {strides = array<i32>} : memref<800x64xf32, #tpu.memory_space<vmem>>, vector<16xf32>,
        %mul3A_698 = arith.mulf %sub3A_218, %get3A_697 : vector<16xf32>
        %add3A_699 = arith.addf %add3A_694, %mul3A_698 : vector<16xf32>
        %get3A_700 = arith.index_cast %add3A_685 : i32 to index
        %get3A_701 = arith.constant 48 : index
        %get3A_702 = tpu.vector_load %arg15[%get3A_700, %get3A_701] {strides = array<i32>} : memref<800x64xf32, #tpu.memory_space<vmem>>, vector<16xf32>,
        %mul3A_703 = arith.mulf %sub3A_222, %get3A_702 : vector<16xf32>
        %add3A_704 = arith.addf %add3A_699, %mul3A_703 : vector<16xf32>
        %reduce_sum3A_705 = arith.constant true
        %reduce_sum3A_706 = vector.broadcast %reduce_sum3A_705 : i1 to vector<16xi1>
        %reduce_sum3A_707 = tpu.scan <sum>, %add3A_704 masked %reduce_sum3A_706 : vector<16xf32>, vector<16xi1> -> vector<16xf32>
        %reduce_sum3A_708 = vector.extract %reduce_sum3A_707[15] : f32 from vector<16xf32>
        %eq3A_709 = arith.constant 13 : i32
        %eq3A_710 = vector.broadcast %eq3A_709 : i32 to vector<16xi32>
        %eq3A_711 = arith.cmpi eq, %iota3A, %eq3A_710 : vector<16xi32>
        %broadcast_in_dim3A_712 = vector.broadcast %reduce_sum3A_708 : f32 to vector<16xf32>
        %select_n3A_713 = arith.select %eq3A_711, %broadcast_in_dim3A_712, %select_n3A_679 : vector<16xi1>, vector<16xf32>
        %mul3A_714 = arith.constant 50 : i32
        %mul3A_715 = arith.muli %add3A_203, %mul3A_714 : i32
        %add3A_716 = arith.constant 400 : i32
        %add3A_717 = arith.addi %add3A_716, %mul3A_715 : i32
        %add3A_718 = arith.constant 14 : i32
        %add3A_719 = arith.addi %add3A_717, %add3A_718 : i32
        %get3A_720 = arith.index_cast %add3A_719 : i32 to index
        %get3A_721 = arith.constant 0 : index
        %get3A_722 = tpu.vector_load %arg15[%get3A_720, %get3A_721] {strides = array<i32>} : memref<800x64xf32, #tpu.memory_space<vmem>>, vector<16xf32>,
        %mul3A_723 = arith.mulf %sub3A, %get3A_722 : vector<16xf32>
        %get3A_724 = arith.index_cast %add3A_719 : i32 to index
        %get3A_725 = arith.constant 16 : index
        %get3A_726 = tpu.vector_load %arg15[%get3A_724, %get3A_725] {strides = array<i32>} : memref<800x64xf32, #tpu.memory_space<vmem>>, vector<16xf32>,
        %mul3A_727 = arith.mulf %sub3A_214, %get3A_726 : vector<16xf32>
        %add3A_728 = arith.addf %mul3A_723, %mul3A_727 : vector<16xf32>
        %get3A_729 = arith.index_cast %add3A_719 : i32 to index
        %get3A_730 = arith.constant 32 : index
        %get3A_731 = tpu.vector_load %arg15[%get3A_729, %get3A_730] {strides = array<i32>} : memref<800x64xf32, #tpu.memory_space<vmem>>, vector<16xf32>,
        %mul3A_732 = arith.mulf %sub3A_218, %get3A_731 : vector<16xf32>
        %add3A_733 = arith.addf %add3A_728, %mul3A_732 : vector<16xf32>
        %get3A_734 = arith.index_cast %add3A_719 : i32 to index
        %get3A_735 = arith.constant 48 : index
        %get3A_736 = tpu.vector_load %arg15[%get3A_734, %get3A_735] {strides = array<i32>} : memref<800x64xf32, #tpu.memory_space<vmem>>, vector<16xf32>,
        %mul3A_737 = arith.mulf %sub3A_222, %get3A_736 : vector<16xf32>
        %add3A_738 = arith.addf %add3A_733, %mul3A_737 : vector<16xf32>
        %reduce_sum3A_739 = arith.constant true
        %reduce_sum3A_740 = vector.broadcast %reduce_sum3A_739 : i1 to vector<16xi1>
        %reduce_sum3A_741 = tpu.scan <sum>, %add3A_738 masked %reduce_sum3A_740 : vector<16xf32>, vector<16xi1> -> vector<16xf32>
        %reduce_sum3A_742 = vector.extract %reduce_sum3A_741[15] : f32 from vector<16xf32>
        %eq3A_743 = arith.constant 14 : i32
        %eq3A_744 = vector.broadcast %eq3A_743 : i32 to vector<16xi32>
        %eq3A_745 = arith.cmpi eq, %iota3A, %eq3A_744 : vector<16xi32>
        %broadcast_in_dim3A_746 = vector.broadcast %reduce_sum3A_742 : f32 to vector<16xf32>
        %select_n3A_747 = arith.select %eq3A_745, %broadcast_in_dim3A_746, %select_n3A_713 : vector<16xi1>, vector<16xf32>
        %mul3A_748 = arith.constant 50 : i32
        %mul3A_749 = arith.muli %add3A_203, %mul3A_748 : i32
        %add3A_750 = arith.constant 400 : i32
        %add3A_751 = arith.addi %add3A_750, %mul3A_749 : i32
        %add3A_752 = arith.constant 15 : i32
        %add3A_753 = arith.addi %add3A_751, %add3A_752 : i32
        %get3A_754 = arith.index_cast %add3A_753 : i32 to index
        %get3A_755 = arith.constant 0 : index
        %get3A_756 = tpu.vector_load %arg15[%get3A_754, %get3A_755] {strides = array<i32>} : memref<800x64xf32, #tpu.memory_space<vmem>>, vector<16xf32>,
        %mul3A_757 = arith.mulf %sub3A, %get3A_756 : vector<16xf32>
        %get3A_758 = arith.index_cast %add3A_753 : i32 to index
        %get3A_759 = arith.constant 16 : index
        %get3A_760 = tpu.vector_load %arg15[%get3A_758, %get3A_759] {strides = array<i32>} : memref<800x64xf32, #tpu.memory_space<vmem>>, vector<16xf32>,
        %mul3A_761 = arith.mulf %sub3A_214, %get3A_760 : vector<16xf32>
        %add3A_762 = arith.addf %mul3A_757, %mul3A_761 : vector<16xf32>
        %get3A_763 = arith.index_cast %add3A_753 : i32 to index
        %get3A_764 = arith.constant 32 : index
        %get3A_765 = tpu.vector_load %arg15[%get3A_763, %get3A_764] {strides = array<i32>} : memref<800x64xf32, #tpu.memory_space<vmem>>, vector<16xf32>,
        %mul3A_766 = arith.mulf %sub3A_218, %get3A_765 : vector<16xf32>
        %add3A_767 = arith.addf %add3A_762, %mul3A_766 : vector<16xf32>
        %get3A_768 = arith.index_cast %add3A_753 : i32 to index
        %get3A_769 = arith.constant 48 : index
        %get3A_770 = tpu.vector_load %arg15[%get3A_768, %get3A_769] {strides = array<i32>} : memref<800x64xf32, #tpu.memory_space<vmem>>, vector<16xf32>,
        %mul3A_771 = arith.mulf %sub3A_222, %get3A_770 : vector<16xf32>
        %add3A_772 = arith.addf %add3A_767, %mul3A_771 : vector<16xf32>
        %reduce_sum3A_773 = arith.constant true
        %reduce_sum3A_774 = vector.broadcast %reduce_sum3A_773 : i1 to vector<16xi1>
        %reduce_sum3A_775 = tpu.scan <sum>, %add3A_772 masked %reduce_sum3A_774 : vector<16xf32>, vector<16xi1> -> vector<16xf32>
        %reduce_sum3A_776 = vector.extract %reduce_sum3A_775[15] : f32 from vector<16xf32>
        %eq3A_777 = arith.constant 15 : i32
        %eq3A_778 = vector.broadcast %eq3A_777 : i32 to vector<16xi32>
        %eq3A_779 = arith.cmpi eq, %iota3A, %eq3A_778 : vector<16xi32>
        %broadcast_in_dim3A_780 = vector.broadcast %reduce_sum3A_776 : f32 to vector<16xf32>
        %select_n3A_781 = arith.select %eq3A_779, %broadcast_in_dim3A_780, %select_n3A_747 : vector<16xi1>, vector<16xf32>
        %add3A_782 = arith.constant 0 : i32
        %add3A_783 = vector.broadcast %add3A_782 : i32 to vector<16xi32>
        %add3A_784 = arith.addi %iota3A, %add3A_783 : vector<16xi32>
        %lt3A_785 = arith.constant 50 : i32
        %lt3A_786 = vector.broadcast %lt3A_785 : i32 to vector<16xi32>
        %lt3A_787 = arith.cmpi slt, %add3A_784, %lt3A_786 : vector<16xi32>
        %min3A = arith.constant 49 : i32
        %min3A_788 = vector.broadcast %min3A : i32 to vector<16xi32>
        %min3A_789 = arith.minsi %add3A_784, %min3A_788 : vector<16xi32>
        %add3A_790 = arith.addi %broadcast_in_dim3A_237, %min3A_789 : vector<16xi32>
        %gather3A_791 = tpu.vector_load_idx %arg20[%add3A_790] : memref<800xf32, #tpu.memory_space<vmem>>[vector<16xi32>], vector<16xf32>,
        %mul3A_792 = arith.constant 50 : i32
        %mul3A_793 = vector.broadcast %mul3A_792 : i32 to vector<16xi32>
        %mul3A_794 = arith.muli %broadcast_in_dim3A_207, %mul3A_793 : vector<16xi32>
        %add3A_795 = arith.addi %mul3A_794, %add3A_784 : vector<16xi32>
        %sub3A_796 = vector.broadcast %reduce_sum3A_232 : f32 to vector<16xf32>
        %sub3A_797 = arith.subf %select_n3A_781, %sub3A_796 : vector<16xf32>
        %add3A_798 = arith.addf %sub3A_797, %gather3A : vector<16xf32>
        %add3A_799 = arith.addf %add3A_798, %gather3A_791 : vector<16xf32>
        tpu.vector_store_idx %arg22[%add3A_795], %add3A_799 masked %lt3A_787 : memref<6400xf32, #tpu.memory_space<vmem>>[vector<16xi32>], vector<16xf32>, vector<16xi1>
        %broadcast_in_dim3A_800 = arith.constant 0.000000e+00 : f32
        %broadcast_in_dim3A_801 = vector.broadcast %broadcast_in_dim3A_800 : f32 to vector<16xf32>
        %mul3A_802 = arith.constant 50 : i32
        %mul3A_803 = arith.muli %add3A_203, %mul3A_802 : i32
        %add3A_804 = arith.constant 400 : i32
        %add3A_805 = arith.addi %add3A_804, %mul3A_803 : i32
        %add3A_806 = arith.constant 16 : i32
        %add3A_807 = arith.addi %add3A_805, %add3A_806 : i32
        %get3A_808 = arith.index_cast %add3A_807 : i32 to index
        %get3A_809 = arith.constant 0 : index
        %get3A_810 = tpu.vector_load %arg15[%get3A_808, %get3A_809] {strides = array<i32>} : memref<800x64xf32, #tpu.memory_space<vmem>>, vector<16xf32>,
        %mul3A_811 = arith.mulf %sub3A, %get3A_810 : vector<16xf32>
        %get3A_812 = arith.index_cast %add3A_807 : i32 to index
        %get3A_813 = arith.constant 16 : index
        %get3A_814 = tpu.vector_load %arg15[%get3A_812, %get3A_813] {strides = array<i32>} : memref<800x64xf32, #tpu.memory_space<vmem>>, vector<16xf32>,
        %mul3A_815 = arith.mulf %sub3A_214, %get3A_814 : vector<16xf32>
        %add3A_816 = arith.addf %mul3A_811, %mul3A_815 : vector<16xf32>
        %get3A_817 = arith.index_cast %add3A_807 : i32 to index
        %get3A_818 = arith.constant 32 : index
        %get3A_819 = tpu.vector_load %arg15[%get3A_817, %get3A_818] {strides = array<i32>} : memref<800x64xf32, #tpu.memory_space<vmem>>, vector<16xf32>,
        %mul3A_820 = arith.mulf %sub3A_218, %get3A_819 : vector<16xf32>
        %add3A_821 = arith.addf %add3A_816, %mul3A_820 : vector<16xf32>
        %get3A_822 = arith.index_cast %add3A_807 : i32 to index
        %get3A_823 = arith.constant 48 : index
        %get3A_824 = tpu.vector_load %arg15[%get3A_822, %get3A_823] {strides = array<i32>} : memref<800x64xf32, #tpu.memory_space<vmem>>, vector<16xf32>,
        %mul3A_825 = arith.mulf %sub3A_222, %get3A_824 : vector<16xf32>
        %add3A_826 = arith.addf %add3A_821, %mul3A_825 : vector<16xf32>
        %reduce_sum3A_827 = arith.constant true
        %reduce_sum3A_828 = vector.broadcast %reduce_sum3A_827 : i1 to vector<16xi1>
        %reduce_sum3A_829 = tpu.scan <sum>, %add3A_826 masked %reduce_sum3A_828 : vector<16xf32>, vector<16xi1> -> vector<16xf32>
        %reduce_sum3A_830 = vector.extract %reduce_sum3A_829[15] : f32 from vector<16xf32>
        %eq3A_831 = arith.constant 0 : i32
        %eq3A_832 = vector.broadcast %eq3A_831 : i32 to vector<16xi32>
        %eq3A_833 = arith.cmpi eq, %iota3A, %eq3A_832 : vector<16xi32>
        %broadcast_in_dim3A_834 = vector.broadcast %reduce_sum3A_830 : f32 to vector<16xf32>
        %select_n3A_835 = arith.select %eq3A_833, %broadcast_in_dim3A_834, %broadcast_in_dim3A_801 : vector<16xi1>, vector<16xf32>
        %mul3A_836 = arith.constant 50 : i32
        %mul3A_837 = arith.muli %add3A_203, %mul3A_836 : i32
        %add3A_838 = arith.constant 400 : i32
        %add3A_839 = arith.addi %add3A_838, %mul3A_837 : i32
        %add3A_840 = arith.constant 17 : i32
        %add3A_841 = arith.addi %add3A_839, %add3A_840 : i32
        %get3A_842 = arith.index_cast %add3A_841 : i32 to index
        %get3A_843 = arith.constant 0 : index
        %get3A_844 = tpu.vector_load %arg15[%get3A_842, %get3A_843] {strides = array<i32>} : memref<800x64xf32, #tpu.memory_space<vmem>>, vector<16xf32>,
        %mul3A_845 = arith.mulf %sub3A, %get3A_844 : vector<16xf32>
        %get3A_846 = arith.index_cast %add3A_841 : i32 to index
        %get3A_847 = arith.constant 16 : index
        %get3A_848 = tpu.vector_load %arg15[%get3A_846, %get3A_847] {strides = array<i32>} : memref<800x64xf32, #tpu.memory_space<vmem>>, vector<16xf32>,
        %mul3A_849 = arith.mulf %sub3A_214, %get3A_848 : vector<16xf32>
        %add3A_850 = arith.addf %mul3A_845, %mul3A_849 : vector<16xf32>
        %get3A_851 = arith.index_cast %add3A_841 : i32 to index
        %get3A_852 = arith.constant 32 : index
        %get3A_853 = tpu.vector_load %arg15[%get3A_851, %get3A_852] {strides = array<i32>} : memref<800x64xf32, #tpu.memory_space<vmem>>, vector<16xf32>,
        %mul3A_854 = arith.mulf %sub3A_218, %get3A_853 : vector<16xf32>
        %add3A_855 = arith.addf %add3A_850, %mul3A_854 : vector<16xf32>
        %get3A_856 = arith.index_cast %add3A_841 : i32 to index
        %get3A_857 = arith.constant 48 : index
        %get3A_858 = tpu.vector_load %arg15[%get3A_856, %get3A_857] {strides = array<i32>} : memref<800x64xf32, #tpu.memory_space<vmem>>, vector<16xf32>,
        %mul3A_859 = arith.mulf %sub3A_222, %get3A_858 : vector<16xf32>
        %add3A_860 = arith.addf %add3A_855, %mul3A_859 : vector<16xf32>
        %reduce_sum3A_861 = arith.constant true
        %reduce_sum3A_862 = vector.broadcast %reduce_sum3A_861 : i1 to vector<16xi1>
        %reduce_sum3A_863 = tpu.scan <sum>, %add3A_860 masked %reduce_sum3A_862 : vector<16xf32>, vector<16xi1> -> vector<16xf32>
        %reduce_sum3A_864 = vector.extract %reduce_sum3A_863[15] : f32 from vector<16xf32>
        %eq3A_865 = arith.constant 1 : i32
        %eq3A_866 = vector.broadcast %eq3A_865 : i32 to vector<16xi32>
        %eq3A_867 = arith.cmpi eq, %iota3A, %eq3A_866 : vector<16xi32>
        %broadcast_in_dim3A_868 = vector.broadcast %reduce_sum3A_864 : f32 to vector<16xf32>
        %select_n3A_869 = arith.select %eq3A_867, %broadcast_in_dim3A_868, %select_n3A_835 : vector<16xi1>, vector<16xf32>
        %mul3A_870 = arith.constant 50 : i32
        %mul3A_871 = arith.muli %add3A_203, %mul3A_870 : i32
        %add3A_872 = arith.constant 400 : i32
        %add3A_873 = arith.addi %add3A_872, %mul3A_871 : i32
        %add3A_874 = arith.constant 18 : i32
        %add3A_875 = arith.addi %add3A_873, %add3A_874 : i32
        %get3A_876 = arith.index_cast %add3A_875 : i32 to index
        %get3A_877 = arith.constant 0 : index
        %get3A_878 = tpu.vector_load %arg15[%get3A_876, %get3A_877] {strides = array<i32>} : memref<800x64xf32, #tpu.memory_space<vmem>>, vector<16xf32>,
        %mul3A_879 = arith.mulf %sub3A, %get3A_878 : vector<16xf32>
        %get3A_880 = arith.index_cast %add3A_875 : i32 to index
        %get3A_881 = arith.constant 16 : index
        %get3A_882 = tpu.vector_load %arg15[%get3A_880, %get3A_881] {strides = array<i32>} : memref<800x64xf32, #tpu.memory_space<vmem>>, vector<16xf32>,
        %mul3A_883 = arith.mulf %sub3A_214, %get3A_882 : vector<16xf32>
        %add3A_884 = arith.addf %mul3A_879, %mul3A_883 : vector<16xf32>
        %get3A_885 = arith.index_cast %add3A_875 : i32 to index
        %get3A_886 = arith.constant 32 : index
        %get3A_887 = tpu.vector_load %arg15[%get3A_885, %get3A_886] {strides = array<i32>} : memref<800x64xf32, #tpu.memory_space<vmem>>, vector<16xf32>,
        %mul3A_888 = arith.mulf %sub3A_218, %get3A_887 : vector<16xf32>
        %add3A_889 = arith.addf %add3A_884, %mul3A_888 : vector<16xf32>
        %get3A_890 = arith.index_cast %add3A_875 : i32 to index
        %get3A_891 = arith.constant 48 : index
        %get3A_892 = tpu.vector_load %arg15[%get3A_890, %get3A_891] {strides = array<i32>} : memref<800x64xf32, #tpu.memory_space<vmem>>, vector<16xf32>,
        %mul3A_893 = arith.mulf %sub3A_222, %get3A_892 : vector<16xf32>
        %add3A_894 = arith.addf %add3A_889, %mul3A_893 : vector<16xf32>
        %reduce_sum3A_895 = arith.constant true
        %reduce_sum3A_896 = vector.broadcast %reduce_sum3A_895 : i1 to vector<16xi1>
        %reduce_sum3A_897 = tpu.scan <sum>, %add3A_894 masked %reduce_sum3A_896 : vector<16xf32>, vector<16xi1> -> vector<16xf32>
        %reduce_sum3A_898 = vector.extract %reduce_sum3A_897[15] : f32 from vector<16xf32>
        %eq3A_899 = arith.constant 2 : i32
        %eq3A_900 = vector.broadcast %eq3A_899 : i32 to vector<16xi32>
        %eq3A_901 = arith.cmpi eq, %iota3A, %eq3A_900 : vector<16xi32>
        %broadcast_in_dim3A_902 = vector.broadcast %reduce_sum3A_898 : f32 to vector<16xf32>
        %select_n3A_903 = arith.select %eq3A_901, %broadcast_in_dim3A_902, %select_n3A_869 : vector<16xi1>, vector<16xf32>
        %mul3A_904 = arith.constant 50 : i32
        %mul3A_905 = arith.muli %add3A_203, %mul3A_904 : i32
        %add3A_906 = arith.constant 400 : i32
        %add3A_907 = arith.addi %add3A_906, %mul3A_905 : i32
        %add3A_908 = arith.constant 19 : i32
        %add3A_909 = arith.addi %add3A_907, %add3A_908 : i32
        %get3A_910 = arith.index_cast %add3A_909 : i32 to index
        %get3A_911 = arith.constant 0 : index
        %get3A_912 = tpu.vector_load %arg15[%get3A_910, %get3A_911] {strides = array<i32>} : memref<800x64xf32, #tpu.memory_space<vmem>>, vector<16xf32>,
        %mul3A_913 = arith.mulf %sub3A, %get3A_912 : vector<16xf32>
        %get3A_914 = arith.index_cast %add3A_909 : i32 to index
        %get3A_915 = arith.constant 16 : index
        %get3A_916 = tpu.vector_load %arg15[%get3A_914, %get3A_915] {strides = array<i32>} : memref<800x64xf32, #tpu.memory_space<vmem>>, vector<16xf32>,
        %mul3A_917 = arith.mulf %sub3A_214, %get3A_916 : vector<16xf32>
        %add3A_918 = arith.addf %mul3A_913, %mul3A_917 : vector<16xf32>
        %get3A_919 = arith.index_cast %add3A_909 : i32 to index
        %get3A_920 = arith.constant 32 : index
        %get3A_921 = tpu.vector_load %arg15[%get3A_919, %get3A_920] {strides = array<i32>} : memref<800x64xf32, #tpu.memory_space<vmem>>, vector<16xf32>,
        %mul3A_922 = arith.mulf %sub3A_218, %get3A_921 : vector<16xf32>
        %add3A_923 = arith.addf %add3A_918, %mul3A_922 : vector<16xf32>
        %get3A_924 = arith.index_cast %add3A_909 : i32 to index
        %get3A_925 = arith.constant 48 : index
        %get3A_926 = tpu.vector_load %arg15[%get3A_924, %get3A_925] {strides = array<i32>} : memref<800x64xf32, #tpu.memory_space<vmem>>, vector<16xf32>,
        %mul3A_927 = arith.mulf %sub3A_222, %get3A_926 : vector<16xf32>
        %add3A_928 = arith.addf %add3A_923, %mul3A_927 : vector<16xf32>
        %reduce_sum3A_929 = arith.constant true
        %reduce_sum3A_930 = vector.broadcast %reduce_sum3A_929 : i1 to vector<16xi1>
        %reduce_sum3A_931 = tpu.scan <sum>, %add3A_928 masked %reduce_sum3A_930 : vector<16xf32>, vector<16xi1> -> vector<16xf32>
        %reduce_sum3A_932 = vector.extract %reduce_sum3A_931[15] : f32 from vector<16xf32>
        %eq3A_933 = arith.constant 3 : i32
        %eq3A_934 = vector.broadcast %eq3A_933 : i32 to vector<16xi32>
        %eq3A_935 = arith.cmpi eq, %iota3A, %eq3A_934 : vector<16xi32>
        %broadcast_in_dim3A_936 = vector.broadcast %reduce_sum3A_932 : f32 to vector<16xf32>
        %select_n3A_937 = arith.select %eq3A_935, %broadcast_in_dim3A_936, %select_n3A_903 : vector<16xi1>, vector<16xf32>
        %mul3A_938 = arith.constant 50 : i32
        %mul3A_939 = arith.muli %add3A_203, %mul3A_938 : i32
        %add3A_940 = arith.constant 400 : i32
        %add3A_941 = arith.addi %add3A_940, %mul3A_939 : i32
        %add3A_942 = arith.constant 20 : i32
        %add3A_943 = arith.addi %add3A_941, %add3A_942 : i32
        %get3A_944 = arith.index_cast %add3A_943 : i32 to index
        %get3A_945 = arith.constant 0 : index
        %get3A_946 = tpu.vector_load %arg15[%get3A_944, %get3A_945] {strides = array<i32>} : memref<800x64xf32, #tpu.memory_space<vmem>>, vector<16xf32>,
        %mul3A_947 = arith.mulf %sub3A, %get3A_946 : vector<16xf32>
        %get3A_948 = arith.index_cast %add3A_943 : i32 to index
        %get3A_949 = arith.constant 16 : index
        %get3A_950 = tpu.vector_load %arg15[%get3A_948, %get3A_949] {strides = array<i32>} : memref<800x64xf32, #tpu.memory_space<vmem>>, vector<16xf32>,
        %mul3A_951 = arith.mulf %sub3A_214, %get3A_950 : vector<16xf32>
        %add3A_952 = arith.addf %mul3A_947, %mul3A_951 : vector<16xf32>
        %get3A_953 = arith.index_cast %add3A_943 : i32 to index
        %get3A_954 = arith.constant 32 : index
        %get3A_955 = tpu.vector_load %arg15[%get3A_953, %get3A_954] {strides = array<i32>} : memref<800x64xf32, #tpu.memory_space<vmem>>, vector<16xf32>,
        %mul3A_956 = arith.mulf %sub3A_218, %get3A_955 : vector<16xf32>
        %add3A_957 = arith.addf %add3A_952, %mul3A_956 : vector<16xf32>
        %get3A_958 = arith.index_cast %add3A_943 : i32 to index
        %get3A_959 = arith.constant 48 : index
        %get3A_960 = tpu.vector_load %arg15[%get3A_958, %get3A_959] {strides = array<i32>} : memref<800x64xf32, #tpu.memory_space<vmem>>, vector<16xf32>,
        %mul3A_961 = arith.mulf %sub3A_222, %get3A_960 : vector<16xf32>
        %add3A_962 = arith.addf %add3A_957, %mul3A_961 : vector<16xf32>
        %reduce_sum3A_963 = arith.constant true
        %reduce_sum3A_964 = vector.broadcast %reduce_sum3A_963 : i1 to vector<16xi1>
        %reduce_sum3A_965 = tpu.scan <sum>, %add3A_962 masked %reduce_sum3A_964 : vector<16xf32>, vector<16xi1> -> vector<16xf32>
        %reduce_sum3A_966 = vector.extract %reduce_sum3A_965[15] : f32 from vector<16xf32>
        %eq3A_967 = arith.constant 4 : i32
        %eq3A_968 = vector.broadcast %eq3A_967 : i32 to vector<16xi32>
        %eq3A_969 = arith.cmpi eq, %iota3A, %eq3A_968 : vector<16xi32>
        %broadcast_in_dim3A_970 = vector.broadcast %reduce_sum3A_966 : f32 to vector<16xf32>
        %select_n3A_971 = arith.select %eq3A_969, %broadcast_in_dim3A_970, %select_n3A_937 : vector<16xi1>, vector<16xf32>
        %mul3A_972 = arith.constant 50 : i32
        %mul3A_973 = arith.muli %add3A_203, %mul3A_972 : i32
        %add3A_974 = arith.constant 400 : i32
        %add3A_975 = arith.addi %add3A_974, %mul3A_973 : i32
        %add3A_976 = arith.constant 21 : i32
        %add3A_977 = arith.addi %add3A_975, %add3A_976 : i32
        %get3A_978 = arith.index_cast %add3A_977 : i32 to index
        %get3A_979 = arith.constant 0 : index
        %get3A_980 = tpu.vector_load %arg15[%get3A_978, %get3A_979] {strides = array<i32>} : memref<800x64xf32, #tpu.memory_space<vmem>>, vector<16xf32>,
        %mul3A_981 = arith.mulf %sub3A, %get3A_980 : vector<16xf32>
        %get3A_982 = arith.index_cast %add3A_977 : i32 to index
        %get3A_983 = arith.constant 16 : index
        %get3A_984 = tpu.vector_load %arg15[%get3A_982, %get3A_983] {strides = array<i32>} : memref<800x64xf32, #tpu.memory_space<vmem>>, vector<16xf32>,
        %mul3A_985 = arith.mulf %sub3A_214, %get3A_984 : vector<16xf32>
        %add3A_986 = arith.addf %mul3A_981, %mul3A_985 : vector<16xf32>
        %get3A_987 = arith.index_cast %add3A_977 : i32 to index
        %get3A_988 = arith.constant 32 : index
        %get3A_989 = tpu.vector_load %arg15[%get3A_987, %get3A_988] {strides = array<i32>} : memref<800x64xf32, #tpu.memory_space<vmem>>, vector<16xf32>,
        %mul3A_990 = arith.mulf %sub3A_218, %get3A_989 : vector<16xf32>
        %add3A_991 = arith.addf %add3A_986, %mul3A_990 : vector<16xf32>
        %get3A_992 = arith.index_cast %add3A_977 : i32 to index
        %get3A_993 = arith.constant 48 : index
        %get3A_994 = tpu.vector_load %arg15[%get3A_992, %get3A_993] {strides = array<i32>} : memref<800x64xf32, #tpu.memory_space<vmem>>, vector<16xf32>,
        %mul3A_995 = arith.mulf %sub3A_222, %get3A_994 : vector<16xf32>
        %add3A_996 = arith.addf %add3A_991, %mul3A_995 : vector<16xf32>
        %reduce_sum3A_997 = arith.constant true
        %reduce_sum3A_998 = vector.broadcast %reduce_sum3A_997 : i1 to vector<16xi1>
        %reduce_sum3A_999 = tpu.scan <sum>, %add3A_996 masked %reduce_sum3A_998 : vector<16xf32>, vector<16xi1> -> vector<16xf32>
        %reduce_sum3A_1000 = vector.extract %reduce_sum3A_999[15] : f32 from vector<16xf32>
        %eq3A_1001 = arith.constant 5 : i32
        %eq3A_1002 = vector.broadcast %eq3A_1001 : i32 to vector<16xi32>
        %eq3A_1003 = arith.cmpi eq, %iota3A, %eq3A_1002 : vector<16xi32>
        %broadcast_in_dim3A_1004 = vector.broadcast %reduce_sum3A_1000 : f32 to vector<16xf32>
        %select_n3A_1005 = arith.select %eq3A_1003, %broadcast_in_dim3A_1004, %select_n3A_971 : vector<16xi1>, vector<16xf32>
        %mul3A_1006 = arith.constant 50 : i32
        %mul3A_1007 = arith.muli %add3A_203, %mul3A_1006 : i32
        %add3A_1008 = arith.constant 400 : i32
        %add3A_1009 = arith.addi %add3A_1008, %mul3A_1007 : i32
        %add3A_1010 = arith.constant 22 : i32
        %add3A_1011 = arith.addi %add3A_1009, %add3A_1010 : i32
        %get3A_1012 = arith.index_cast %add3A_1011 : i32 to index
        %get3A_1013 = arith.constant 0 : index
        %get3A_1014 = tpu.vector_load %arg15[%get3A_1012, %get3A_1013] {strides = array<i32>} : memref<800x64xf32, #tpu.memory_space<vmem>>, vector<16xf32>,
        %mul3A_1015 = arith.mulf %sub3A, %get3A_1014 : vector<16xf32>
        %get3A_1016 = arith.index_cast %add3A_1011 : i32 to index
        %get3A_1017 = arith.constant 16 : index
        %get3A_1018 = tpu.vector_load %arg15[%get3A_1016, %get3A_1017] {strides = array<i32>} : memref<800x64xf32, #tpu.memory_space<vmem>>, vector<16xf32>,
        %mul3A_1019 = arith.mulf %sub3A_214, %get3A_1018 : vector<16xf32>
        %add3A_1020 = arith.addf %mul3A_1015, %mul3A_1019 : vector<16xf32>
        %get3A_1021 = arith.index_cast %add3A_1011 : i32 to index
        %get3A_1022 = arith.constant 32 : index
        %get3A_1023 = tpu.vector_load %arg15[%get3A_1021, %get3A_1022] {strides = array<i32>} : memref<800x64xf32, #tpu.memory_space<vmem>>, vector<16xf32>,
        %mul3A_1024 = arith.mulf %sub3A_218, %get3A_1023 : vector<16xf32>
        %add3A_1025 = arith.addf %add3A_1020, %mul3A_1024 : vector<16xf32>
        %get3A_1026 = arith.index_cast %add3A_1011 : i32 to index
        %get3A_1027 = arith.constant 48 : index
        %get3A_1028 = tpu.vector_load %arg15[%get3A_1026, %get3A_1027] {strides = array<i32>} : memref<800x64xf32, #tpu.memory_space<vmem>>, vector<16xf32>,
        %mul3A_1029 = arith.mulf %sub3A_222, %get3A_1028 : vector<16xf32>
        %add3A_1030 = arith.addf %add3A_1025, %mul3A_1029 : vector<16xf32>
        %reduce_sum3A_1031 = arith.constant true
        %reduce_sum3A_1032 = vector.broadcast %reduce_sum3A_1031 : i1 to vector<16xi1>
        %reduce_sum3A_1033 = tpu.scan <sum>, %add3A_1030 masked %reduce_sum3A_1032 : vector<16xf32>, vector<16xi1> -> vector<16xf32>
        %reduce_sum3A_1034 = vector.extract %reduce_sum3A_1033[15] : f32 from vector<16xf32>
        %eq3A_1035 = arith.constant 6 : i32
        %eq3A_1036 = vector.broadcast %eq3A_1035 : i32 to vector<16xi32>
        %eq3A_1037 = arith.cmpi eq, %iota3A, %eq3A_1036 : vector<16xi32>
        %broadcast_in_dim3A_1038 = vector.broadcast %reduce_sum3A_1034 : f32 to vector<16xf32>
        %select_n3A_1039 = arith.select %eq3A_1037, %broadcast_in_dim3A_1038, %select_n3A_1005 : vector<16xi1>, vector<16xf32>
        %mul3A_1040 = arith.constant 50 : i32
        %mul3A_1041 = arith.muli %add3A_203, %mul3A_1040 : i32
        %add3A_1042 = arith.constant 400 : i32
        %add3A_1043 = arith.addi %add3A_1042, %mul3A_1041 : i32
        %add3A_1044 = arith.constant 23 : i32
        %add3A_1045 = arith.addi %add3A_1043, %add3A_1044 : i32
        %get3A_1046 = arith.index_cast %add3A_1045 : i32 to index
        %get3A_1047 = arith.constant 0 : index
        %get3A_1048 = tpu.vector_load %arg15[%get3A_1046, %get3A_1047] {strides = array<i32>} : memref<800x64xf32, #tpu.memory_space<vmem>>, vector<16xf32>,
        %mul3A_1049 = arith.mulf %sub3A, %get3A_1048 : vector<16xf32>
        %get3A_1050 = arith.index_cast %add3A_1045 : i32 to index
        %get3A_1051 = arith.constant 16 : index
        %get3A_1052 = tpu.vector_load %arg15[%get3A_1050, %get3A_1051] {strides = array<i32>} : memref<800x64xf32, #tpu.memory_space<vmem>>, vector<16xf32>,
        %mul3A_1053 = arith.mulf %sub3A_214, %get3A_1052 : vector<16xf32>
        %add3A_1054 = arith.addf %mul3A_1049, %mul3A_1053 : vector<16xf32>
        %get3A_1055 = arith.index_cast %add3A_1045 : i32 to index
        %get3A_1056 = arith.constant 32 : index
        %get3A_1057 = tpu.vector_load %arg15[%get3A_1055, %get3A_1056] {strides = array<i32>} : memref<800x64xf32, #tpu.memory_space<vmem>>, vector<16xf32>,
        %mul3A_1058 = arith.mulf %sub3A_218, %get3A_1057 : vector<16xf32>
        %add3A_1059 = arith.addf %add3A_1054, %mul3A_1058 : vector<16xf32>
        %get3A_1060 = arith.index_cast %add3A_1045 : i32 to index
        %get3A_1061 = arith.constant 48 : index
        %get3A_1062 = tpu.vector_load %arg15[%get3A_1060, %get3A_1061] {strides = array<i32>} : memref<800x64xf32, #tpu.memory_space<vmem>>, vector<16xf32>,
        %mul3A_1063 = arith.mulf %sub3A_222, %get3A_1062 : vector<16xf32>
        %add3A_1064 = arith.addf %add3A_1059, %mul3A_1063 : vector<16xf32>
        %reduce_sum3A_1065 = arith.constant true
        %reduce_sum3A_1066 = vector.broadcast %reduce_sum3A_1065 : i1 to vector<16xi1>
        %reduce_sum3A_1067 = tpu.scan <sum>, %add3A_1064 masked %reduce_sum3A_1066 : vector<16xf32>, vector<16xi1> -> vector<16xf32>
        %reduce_sum3A_1068 = vector.extract %reduce_sum3A_1067[15] : f32 from vector<16xf32>
        %eq3A_1069 = arith.constant 7 : i32
        %eq3A_1070 = vector.broadcast %eq3A_1069 : i32 to vector<16xi32>
        %eq3A_1071 = arith.cmpi eq, %iota3A, %eq3A_1070 : vector<16xi32>
        %broadcast_in_dim3A_1072 = vector.broadcast %reduce_sum3A_1068 : f32 to vector<16xf32>
        %select_n3A_1073 = arith.select %eq3A_1071, %broadcast_in_dim3A_1072, %select_n3A_1039 : vector<16xi1>, vector<16xf32>
        %mul3A_1074 = arith.constant 50 : i32
        %mul3A_1075 = arith.muli %add3A_203, %mul3A_1074 : i32
        %add3A_1076 = arith.constant 400 : i32
        %add3A_1077 = arith.addi %add3A_1076, %mul3A_1075 : i32
        %add3A_1078 = arith.constant 24 : i32
        %add3A_1079 = arith.addi %add3A_1077, %add3A_1078 : i32
        %get3A_1080 = arith.index_cast %add3A_1079 : i32 to index
        %get3A_1081 = arith.constant 0 : index
        %get3A_1082 = tpu.vector_load %arg15[%get3A_1080, %get3A_1081] {strides = array<i32>} : memref<800x64xf32, #tpu.memory_space<vmem>>, vector<16xf32>,
        %mul3A_1083 = arith.mulf %sub3A, %get3A_1082 : vector<16xf32>
        %get3A_1084 = arith.index_cast %add3A_1079 : i32 to index
        %get3A_1085 = arith.constant 16 : index
        %get3A_1086 = tpu.vector_load %arg15[%get3A_1084, %get3A_1085] {strides = array<i32>} : memref<800x64xf32, #tpu.memory_space<vmem>>, vector<16xf32>,
        %mul3A_1087 = arith.mulf %sub3A_214, %get3A_1086 : vector<16xf32>
        %add3A_1088 = arith.addf %mul3A_1083, %mul3A_1087 : vector<16xf32>
        %get3A_1089 = arith.index_cast %add3A_1079 : i32 to index
        %get3A_1090 = arith.constant 32 : index
        %get3A_1091 = tpu.vector_load %arg15[%get3A_1089, %get3A_1090] {strides = array<i32>} : memref<800x64xf32, #tpu.memory_space<vmem>>, vector<16xf32>,
        %mul3A_1092 = arith.mulf %sub3A_218, %get3A_1091 : vector<16xf32>
        %add3A_1093 = arith.addf %add3A_1088, %mul3A_1092 : vector<16xf32>
        %get3A_1094 = arith.index_cast %add3A_1079 : i32 to index
        %get3A_1095 = arith.constant 48 : index
        %get3A_1096 = tpu.vector_load %arg15[%get3A_1094, %get3A_1095] {strides = array<i32>} : memref<800x64xf32, #tpu.memory_space<vmem>>, vector<16xf32>,
        %mul3A_1097 = arith.mulf %sub3A_222, %get3A_1096 : vector<16xf32>
        %add3A_1098 = arith.addf %add3A_1093, %mul3A_1097 : vector<16xf32>
        %reduce_sum3A_1099 = arith.constant true
        %reduce_sum3A_1100 = vector.broadcast %reduce_sum3A_1099 : i1 to vector<16xi1>
        %reduce_sum3A_1101 = tpu.scan <sum>, %add3A_1098 masked %reduce_sum3A_1100 : vector<16xf32>, vector<16xi1> -> vector<16xf32>
        %reduce_sum3A_1102 = vector.extract %reduce_sum3A_1101[15] : f32 from vector<16xf32>
        %eq3A_1103 = arith.constant 8 : i32
        %eq3A_1104 = vector.broadcast %eq3A_1103 : i32 to vector<16xi32>
        %eq3A_1105 = arith.cmpi eq, %iota3A, %eq3A_1104 : vector<16xi32>
        %broadcast_in_dim3A_1106 = vector.broadcast %reduce_sum3A_1102 : f32 to vector<16xf32>
        %select_n3A_1107 = arith.select %eq3A_1105, %broadcast_in_dim3A_1106, %select_n3A_1073 : vector<16xi1>, vector<16xf32>
        %mul3A_1108 = arith.constant 50 : i32
        %mul3A_1109 = arith.muli %add3A_203, %mul3A_1108 : i32
        %add3A_1110 = arith.constant 400 : i32
        %add3A_1111 = arith.addi %add3A_1110, %mul3A_1109 : i32
        %add3A_1112 = arith.constant 25 : i32
        %add3A_1113 = arith.addi %add3A_1111, %add3A_1112 : i32
        %get3A_1114 = arith.index_cast %add3A_1113 : i32 to index
        %get3A_1115 = arith.constant 0 : index
        %get3A_1116 = tpu.vector_load %arg15[%get3A_1114, %get3A_1115] {strides = array<i32>} : memref<800x64xf32, #tpu.memory_space<vmem>>, vector<16xf32>,
        %mul3A_1117 = arith.mulf %sub3A, %get3A_1116 : vector<16xf32>
        %get3A_1118 = arith.index_cast %add3A_1113 : i32 to index
        %get3A_1119 = arith.constant 16 : index
        %get3A_1120 = tpu.vector_load %arg15[%get3A_1118, %get3A_1119] {strides = array<i32>} : memref<800x64xf32, #tpu.memory_space<vmem>>, vector<16xf32>,
        %mul3A_1121 = arith.mulf %sub3A_214, %get3A_1120 : vector<16xf32>
        %add3A_1122 = arith.addf %mul3A_1117, %mul3A_1121 : vector<16xf32>
        %get3A_1123 = arith.index_cast %add3A_1113 : i32 to index
        %get3A_1124 = arith.constant 32 : index
        %get3A_1125 = tpu.vector_load %arg15[%get3A_1123, %get3A_1124] {strides = array<i32>} : memref<800x64xf32, #tpu.memory_space<vmem>>, vector<16xf32>,
        %mul3A_1126 = arith.mulf %sub3A_218, %get3A_1125 : vector<16xf32>
        %add3A_1127 = arith.addf %add3A_1122, %mul3A_1126 : vector<16xf32>
        %get3A_1128 = arith.index_cast %add3A_1113 : i32 to index
        %get3A_1129 = arith.constant 48 : index
        %get3A_1130 = tpu.vector_load %arg15[%get3A_1128, %get3A_1129] {strides = array<i32>} : memref<800x64xf32, #tpu.memory_space<vmem>>, vector<16xf32>,
        %mul3A_1131 = arith.mulf %sub3A_222, %get3A_1130 : vector<16xf32>
        %add3A_1132 = arith.addf %add3A_1127, %mul3A_1131 : vector<16xf32>
        %reduce_sum3A_1133 = arith.constant true
        %reduce_sum3A_1134 = vector.broadcast %reduce_sum3A_1133 : i1 to vector<16xi1>
        %reduce_sum3A_1135 = tpu.scan <sum>, %add3A_1132 masked %reduce_sum3A_1134 : vector<16xf32>, vector<16xi1> -> vector<16xf32>
        %reduce_sum3A_1136 = vector.extract %reduce_sum3A_1135[15] : f32 from vector<16xf32>
        %eq3A_1137 = arith.constant 9 : i32
        %eq3A_1138 = vector.broadcast %eq3A_1137 : i32 to vector<16xi32>
        %eq3A_1139 = arith.cmpi eq, %iota3A, %eq3A_1138 : vector<16xi32>
        %broadcast_in_dim3A_1140 = vector.broadcast %reduce_sum3A_1136 : f32 to vector<16xf32>
        %select_n3A_1141 = arith.select %eq3A_1139, %broadcast_in_dim3A_1140, %select_n3A_1107 : vector<16xi1>, vector<16xf32>
        %mul3A_1142 = arith.constant 50 : i32
        %mul3A_1143 = arith.muli %add3A_203, %mul3A_1142 : i32
        %add3A_1144 = arith.constant 400 : i32
        %add3A_1145 = arith.addi %add3A_1144, %mul3A_1143 : i32
        %add3A_1146 = arith.constant 26 : i32
        %add3A_1147 = arith.addi %add3A_1145, %add3A_1146 : i32
        %get3A_1148 = arith.index_cast %add3A_1147 : i32 to index
        %get3A_1149 = arith.constant 0 : index
        %get3A_1150 = tpu.vector_load %arg15[%get3A_1148, %get3A_1149] {strides = array<i32>} : memref<800x64xf32, #tpu.memory_space<vmem>>, vector<16xf32>,
        %mul3A_1151 = arith.mulf %sub3A, %get3A_1150 : vector<16xf32>
        %get3A_1152 = arith.index_cast %add3A_1147 : i32 to index
        %get3A_1153 = arith.constant 16 : index
        %get3A_1154 = tpu.vector_load %arg15[%get3A_1152, %get3A_1153] {strides = array<i32>} : memref<800x64xf32, #tpu.memory_space<vmem>>, vector<16xf32>,
        %mul3A_1155 = arith.mulf %sub3A_214, %get3A_1154 : vector<16xf32>
        %add3A_1156 = arith.addf %mul3A_1151, %mul3A_1155 : vector<16xf32>
        %get3A_1157 = arith.index_cast %add3A_1147 : i32 to index
        %get3A_1158 = arith.constant 32 : index
        %get3A_1159 = tpu.vector_load %arg15[%get3A_1157, %get3A_1158] {strides = array<i32>} : memref<800x64xf32, #tpu.memory_space<vmem>>, vector<16xf32>,
        %mul3A_1160 = arith.mulf %sub3A_218, %get3A_1159 : vector<16xf32>
        %add3A_1161 = arith.addf %add3A_1156, %mul3A_1160 : vector<16xf32>
        %get3A_1162 = arith.index_cast %add3A_1147 : i32 to index
        %get3A_1163 = arith.constant 48 : index
        %get3A_1164 = tpu.vector_load %arg15[%get3A_1162, %get3A_1163] {strides = array<i32>} : memref<800x64xf32, #tpu.memory_space<vmem>>, vector<16xf32>,
        %mul3A_1165 = arith.mulf %sub3A_222, %get3A_1164 : vector<16xf32>
        %add3A_1166 = arith.addf %add3A_1161, %mul3A_1165 : vector<16xf32>
        %reduce_sum3A_1167 = arith.constant true
        %reduce_sum3A_1168 = vector.broadcast %reduce_sum3A_1167 : i1 to vector<16xi1>
        %reduce_sum3A_1169 = tpu.scan <sum>, %add3A_1166 masked %reduce_sum3A_1168 : vector<16xf32>, vector<16xi1> -> vector<16xf32>
        %reduce_sum3A_1170 = vector.extract %reduce_sum3A_1169[15] : f32 from vector<16xf32>
        %eq3A_1171 = arith.constant 10 : i32
        %eq3A_1172 = vector.broadcast %eq3A_1171 : i32 to vector<16xi32>
        %eq3A_1173 = arith.cmpi eq, %iota3A, %eq3A_1172 : vector<16xi32>
        %broadcast_in_dim3A_1174 = vector.broadcast %reduce_sum3A_1170 : f32 to vector<16xf32>
        %select_n3A_1175 = arith.select %eq3A_1173, %broadcast_in_dim3A_1174, %select_n3A_1141 : vector<16xi1>, vector<16xf32>
        %mul3A_1176 = arith.constant 50 : i32
        %mul3A_1177 = arith.muli %add3A_203, %mul3A_1176 : i32
        %add3A_1178 = arith.constant 400 : i32
        %add3A_1179 = arith.addi %add3A_1178, %mul3A_1177 : i32
        %add3A_1180 = arith.constant 27 : i32
        %add3A_1181 = arith.addi %add3A_1179, %add3A_1180 : i32
        %get3A_1182 = arith.index_cast %add3A_1181 : i32 to index
        %get3A_1183 = arith.constant 0 : index
        %get3A_1184 = tpu.vector_load %arg15[%get3A_1182, %get3A_1183] {strides = array<i32>} : memref<800x64xf32, #tpu.memory_space<vmem>>, vector<16xf32>,
        %mul3A_1185 = arith.mulf %sub3A, %get3A_1184 : vector<16xf32>
        %get3A_1186 = arith.index_cast %add3A_1181 : i32 to index
        %get3A_1187 = arith.constant 16 : index
        %get3A_1188 = tpu.vector_load %arg15[%get3A_1186, %get3A_1187] {strides = array<i32>} : memref<800x64xf32, #tpu.memory_space<vmem>>, vector<16xf32>,
        %mul3A_1189 = arith.mulf %sub3A_214, %get3A_1188 : vector<16xf32>
        %add3A_1190 = arith.addf %mul3A_1185, %mul3A_1189 : vector<16xf32>
        %get3A_1191 = arith.index_cast %add3A_1181 : i32 to index
        %get3A_1192 = arith.constant 32 : index
        %get3A_1193 = tpu.vector_load %arg15[%get3A_1191, %get3A_1192] {strides = array<i32>} : memref<800x64xf32, #tpu.memory_space<vmem>>, vector<16xf32>,
        %mul3A_1194 = arith.mulf %sub3A_218, %get3A_1193 : vector<16xf32>
        %add3A_1195 = arith.addf %add3A_1190, %mul3A_1194 : vector<16xf32>
        %get3A_1196 = arith.index_cast %add3A_1181 : i32 to index
        %get3A_1197 = arith.constant 48 : index
        %get3A_1198 = tpu.vector_load %arg15[%get3A_1196, %get3A_1197] {strides = array<i32>} : memref<800x64xf32, #tpu.memory_space<vmem>>, vector<16xf32>,
        %mul3A_1199 = arith.mulf %sub3A_222, %get3A_1198 : vector<16xf32>
        %add3A_1200 = arith.addf %add3A_1195, %mul3A_1199 : vector<16xf32>
        %reduce_sum3A_1201 = arith.constant true
        %reduce_sum3A_1202 = vector.broadcast %reduce_sum3A_1201 : i1 to vector<16xi1>
        %reduce_sum3A_1203 = tpu.scan <sum>, %add3A_1200 masked %reduce_sum3A_1202 : vector<16xf32>, vector<16xi1> -> vector<16xf32>
        %reduce_sum3A_1204 = vector.extract %reduce_sum3A_1203[15] : f32 from vector<16xf32>
        %eq3A_1205 = arith.constant 11 : i32
        %eq3A_1206 = vector.broadcast %eq3A_1205 : i32 to vector<16xi32>
        %eq3A_1207 = arith.cmpi eq, %iota3A, %eq3A_1206 : vector<16xi32>
        %broadcast_in_dim3A_1208 = vector.broadcast %reduce_sum3A_1204 : f32 to vector<16xf32>
        %select_n3A_1209 = arith.select %eq3A_1207, %broadcast_in_dim3A_1208, %select_n3A_1175 : vector<16xi1>, vector<16xf32>
        %mul3A_1210 = arith.constant 50 : i32
        %mul3A_1211 = arith.muli %add3A_203, %mul3A_1210 : i32
        %add3A_1212 = arith.constant 400 : i32
        %add3A_1213 = arith.addi %add3A_1212, %mul3A_1211 : i32
        %add3A_1214 = arith.constant 28 : i32
        %add3A_1215 = arith.addi %add3A_1213, %add3A_1214 : i32
        %get3A_1216 = arith.index_cast %add3A_1215 : i32 to index
        %get3A_1217 = arith.constant 0 : index
        %get3A_1218 = tpu.vector_load %arg15[%get3A_1216, %get3A_1217] {strides = array<i32>} : memref<800x64xf32, #tpu.memory_space<vmem>>, vector<16xf32>,
        %mul3A_1219 = arith.mulf %sub3A, %get3A_1218 : vector<16xf32>
        %get3A_1220 = arith.index_cast %add3A_1215 : i32 to index
        %get3A_1221 = arith.constant 16 : index
        %get3A_1222 = tpu.vector_load %arg15[%get3A_1220, %get3A_1221] {strides = array<i32>} : memref<800x64xf32, #tpu.memory_space<vmem>>, vector<16xf32>,
        %mul3A_1223 = arith.mulf %sub3A_214, %get3A_1222 : vector<16xf32>
        %add3A_1224 = arith.addf %mul3A_1219, %mul3A_1223 : vector<16xf32>
        %get3A_1225 = arith.index_cast %add3A_1215 : i32 to index
        %get3A_1226 = arith.constant 32 : index
        %get3A_1227 = tpu.vector_load %arg15[%get3A_1225, %get3A_1226] {strides = array<i32>} : memref<800x64xf32, #tpu.memory_space<vmem>>, vector<16xf32>,
        %mul3A_1228 = arith.mulf %sub3A_218, %get3A_1227 : vector<16xf32>
        %add3A_1229 = arith.addf %add3A_1224, %mul3A_1228 : vector<16xf32>
        %get3A_1230 = arith.index_cast %add3A_1215 : i32 to index
        %get3A_1231 = arith.constant 48 : index
        %get3A_1232 = tpu.vector_load %arg15[%get3A_1230, %get3A_1231] {strides = array<i32>} : memref<800x64xf32, #tpu.memory_space<vmem>>, vector<16xf32>,
        %mul3A_1233 = arith.mulf %sub3A_222, %get3A_1232 : vector<16xf32>
        %add3A_1234 = arith.addf %add3A_1229, %mul3A_1233 : vector<16xf32>
        %reduce_sum3A_1235 = arith.constant true
        %reduce_sum3A_1236 = vector.broadcast %reduce_sum3A_1235 : i1 to vector<16xi1>
        %reduce_sum3A_1237 = tpu.scan <sum>, %add3A_1234 masked %reduce_sum3A_1236 : vector<16xf32>, vector<16xi1> -> vector<16xf32>
        %reduce_sum3A_1238 = vector.extract %reduce_sum3A_1237[15] : f32 from vector<16xf32>
        %eq3A_1239 = arith.constant 12 : i32
        %eq3A_1240 = vector.broadcast %eq3A_1239 : i32 to vector<16xi32>
        %eq3A_1241 = arith.cmpi eq, %iota3A, %eq3A_1240 : vector<16xi32>
        %broadcast_in_dim3A_1242 = vector.broadcast %reduce_sum3A_1238 : f32 to vector<16xf32>
        %select_n3A_1243 = arith.select %eq3A_1241, %broadcast_in_dim3A_1242, %select_n3A_1209 : vector<16xi1>, vector<16xf32>
        %mul3A_1244 = arith.constant 50 : i32
        %mul3A_1245 = arith.muli %add3A_203, %mul3A_1244 : i32
        %add3A_1246 = arith.constant 400 : i32
        %add3A_1247 = arith.addi %add3A_1246, %mul3A_1245 : i32
        %add3A_1248 = arith.constant 29 : i32
        %add3A_1249 = arith.addi %add3A_1247, %add3A_1248 : i32
        %get3A_1250 = arith.index_cast %add3A_1249 : i32 to index
        %get3A_1251 = arith.constant 0 : index
        %get3A_1252 = tpu.vector_load %arg15[%get3A_1250, %get3A_1251] {strides = array<i32>} : memref<800x64xf32, #tpu.memory_space<vmem>>, vector<16xf32>,
        %mul3A_1253 = arith.mulf %sub3A, %get3A_1252 : vector<16xf32>
        %get3A_1254 = arith.index_cast %add3A_1249 : i32 to index
        %get3A_1255 = arith.constant 16 : index
        %get3A_1256 = tpu.vector_load %arg15[%get3A_1254, %get3A_1255] {strides = array<i32>} : memref<800x64xf32, #tpu.memory_space<vmem>>, vector<16xf32>,
        %mul3A_1257 = arith.mulf %sub3A_214, %get3A_1256 : vector<16xf32>
        %add3A_1258 = arith.addf %mul3A_1253, %mul3A_1257 : vector<16xf32>
        %get3A_1259 = arith.index_cast %add3A_1249 : i32 to index
        %get3A_1260 = arith.constant 32 : index
        %get3A_1261 = tpu.vector_load %arg15[%get3A_1259, %get3A_1260] {strides = array<i32>} : memref<800x64xf32, #tpu.memory_space<vmem>>, vector<16xf32>,
        %mul3A_1262 = arith.mulf %sub3A_218, %get3A_1261 : vector<16xf32>
        %add3A_1263 = arith.addf %add3A_1258, %mul3A_1262 : vector<16xf32>
        %get3A_1264 = arith.index_cast %add3A_1249 : i32 to index
        %get3A_1265 = arith.constant 48 : index
        %get3A_1266 = tpu.vector_load %arg15[%get3A_1264, %get3A_1265] {strides = array<i32>} : memref<800x64xf32, #tpu.memory_space<vmem>>, vector<16xf32>,
        %mul3A_1267 = arith.mulf %sub3A_222, %get3A_1266 : vector<16xf32>
        %add3A_1268 = arith.addf %add3A_1263, %mul3A_1267 : vector<16xf32>
        %reduce_sum3A_1269 = arith.constant true
        %reduce_sum3A_1270 = vector.broadcast %reduce_sum3A_1269 : i1 to vector<16xi1>
        %reduce_sum3A_1271 = tpu.scan <sum>, %add3A_1268 masked %reduce_sum3A_1270 : vector<16xf32>, vector<16xi1> -> vector<16xf32>
        %reduce_sum3A_1272 = vector.extract %reduce_sum3A_1271[15] : f32 from vector<16xf32>
        %eq3A_1273 = arith.constant 13 : i32
        %eq3A_1274 = vector.broadcast %eq3A_1273 : i32 to vector<16xi32>
        %eq3A_1275 = arith.cmpi eq, %iota3A, %eq3A_1274 : vector<16xi32>
        %broadcast_in_dim3A_1276 = vector.broadcast %reduce_sum3A_1272 : f32 to vector<16xf32>
        %select_n3A_1277 = arith.select %eq3A_1275, %broadcast_in_dim3A_1276, %select_n3A_1243 : vector<16xi1>, vector<16xf32>
        %mul3A_1278 = arith.constant 50 : i32
        %mul3A_1279 = arith.muli %add3A_203, %mul3A_1278 : i32
        %add3A_1280 = arith.constant 400 : i32
        %add3A_1281 = arith.addi %add3A_1280, %mul3A_1279 : i32
        %add3A_1282 = arith.constant 30 : i32
        %add3A_1283 = arith.addi %add3A_1281, %add3A_1282 : i32
        %get3A_1284 = arith.index_cast %add3A_1283 : i32 to index
        %get3A_1285 = arith.constant 0 : index
        %get3A_1286 = tpu.vector_load %arg15[%get3A_1284, %get3A_1285] {strides = array<i32>} : memref<800x64xf32, #tpu.memory_space<vmem>>, vector<16xf32>,
        %mul3A_1287 = arith.mulf %sub3A, %get3A_1286 : vector<16xf32>
        %get3A_1288 = arith.index_cast %add3A_1283 : i32 to index
        %get3A_1289 = arith.constant 16 : index
        %get3A_1290 = tpu.vector_load %arg15[%get3A_1288, %get3A_1289] {strides = array<i32>} : memref<800x64xf32, #tpu.memory_space<vmem>>, vector<16xf32>,
        %mul3A_1291 = arith.mulf %sub3A_214, %get3A_1290 : vector<16xf32>
        %add3A_1292 = arith.addf %mul3A_1287, %mul3A_1291 : vector<16xf32>
        %get3A_1293 = arith.index_cast %add3A_1283 : i32 to index
        %get3A_1294 = arith.constant 32 : index
        %get3A_1295 = tpu.vector_load %arg15[%get3A_1293, %get3A_1294] {strides = array<i32>} : memref<800x64xf32, #tpu.memory_space<vmem>>, vector<16xf32>,
        %mul3A_1296 = arith.mulf %sub3A_218, %get3A_1295 : vector<16xf32>
        %add3A_1297 = arith.addf %add3A_1292, %mul3A_1296 : vector<16xf32>
        %get3A_1298 = arith.index_cast %add3A_1283 : i32 to index
        %get3A_1299 = arith.constant 48 : index
        %get3A_1300 = tpu.vector_load %arg15[%get3A_1298, %get3A_1299] {strides = array<i32>} : memref<800x64xf32, #tpu.memory_space<vmem>>, vector<16xf32>,
        %mul3A_1301 = arith.mulf %sub3A_222, %get3A_1300 : vector<16xf32>
        %add3A_1302 = arith.addf %add3A_1297, %mul3A_1301 : vector<16xf32>
        %reduce_sum3A_1303 = arith.constant true
        %reduce_sum3A_1304 = vector.broadcast %reduce_sum3A_1303 : i1 to vector<16xi1>
        %reduce_sum3A_1305 = tpu.scan <sum>, %add3A_1302 masked %reduce_sum3A_1304 : vector<16xf32>, vector<16xi1> -> vector<16xf32>
        %reduce_sum3A_1306 = vector.extract %reduce_sum3A_1305[15] : f32 from vector<16xf32>
        %eq3A_1307 = arith.constant 14 : i32
        %eq3A_1308 = vector.broadcast %eq3A_1307 : i32 to vector<16xi32>
        %eq3A_1309 = arith.cmpi eq, %iota3A, %eq3A_1308 : vector<16xi32>
        %broadcast_in_dim3A_1310 = vector.broadcast %reduce_sum3A_1306 : f32 to vector<16xf32>
        %select_n3A_1311 = arith.select %eq3A_1309, %broadcast_in_dim3A_1310, %select_n3A_1277 : vector<16xi1>, vector<16xf32>
        %mul3A_1312 = arith.constant 50 : i32
        %mul3A_1313 = arith.muli %add3A_203, %mul3A_1312 : i32
        %add3A_1314 = arith.constant 400 : i32
        %add3A_1315 = arith.addi %add3A_1314, %mul3A_1313 : i32
        %add3A_1316 = arith.constant 31 : i32
        %add3A_1317 = arith.addi %add3A_1315, %add3A_1316 : i32
        %get3A_1318 = arith.index_cast %add3A_1317 : i32 to index
        %get3A_1319 = arith.constant 0 : index
        %get3A_1320 = tpu.vector_load %arg15[%get3A_1318, %get3A_1319] {strides = array<i32>} : memref<800x64xf32, #tpu.memory_space<vmem>>, vector<16xf32>,
        %mul3A_1321 = arith.mulf %sub3A, %get3A_1320 : vector<16xf32>
        %get3A_1322 = arith.index_cast %add3A_1317 : i32 to index
        %get3A_1323 = arith.constant 16 : index
        %get3A_1324 = tpu.vector_load %arg15[%get3A_1322, %get3A_1323] {strides = array<i32>} : memref<800x64xf32, #tpu.memory_space<vmem>>, vector<16xf32>,
        %mul3A_1325 = arith.mulf %sub3A_214, %get3A_1324 : vector<16xf32>
        %add3A_1326 = arith.addf %mul3A_1321, %mul3A_1325 : vector<16xf32>
        %get3A_1327 = arith.index_cast %add3A_1317 : i32 to index
        %get3A_1328 = arith.constant 32 : index
        %get3A_1329 = tpu.vector_load %arg15[%get3A_1327, %get3A_1328] {strides = array<i32>} : memref<800x64xf32, #tpu.memory_space<vmem>>, vector<16xf32>,
        %mul3A_1330 = arith.mulf %sub3A_218, %get3A_1329 : vector<16xf32>
        %add3A_1331 = arith.addf %add3A_1326, %mul3A_1330 : vector<16xf32>
        %get3A_1332 = arith.index_cast %add3A_1317 : i32 to index
        %get3A_1333 = arith.constant 48 : index
        %get3A_1334 = tpu.vector_load %arg15[%get3A_1332, %get3A_1333] {strides = array<i32>} : memref<800x64xf32, #tpu.memory_space<vmem>>, vector<16xf32>,
        %mul3A_1335 = arith.mulf %sub3A_222, %get3A_1334 : vector<16xf32>
        %add3A_1336 = arith.addf %add3A_1331, %mul3A_1335 : vector<16xf32>
        %reduce_sum3A_1337 = arith.constant true
        %reduce_sum3A_1338 = vector.broadcast %reduce_sum3A_1337 : i1 to vector<16xi1>
        %reduce_sum3A_1339 = tpu.scan <sum>, %add3A_1336 masked %reduce_sum3A_1338 : vector<16xf32>, vector<16xi1> -> vector<16xf32>
        %reduce_sum3A_1340 = vector.extract %reduce_sum3A_1339[15] : f32 from vector<16xf32>
        %eq3A_1341 = arith.constant 15 : i32
        %eq3A_1342 = vector.broadcast %eq3A_1341 : i32 to vector<16xi32>
        %eq3A_1343 = arith.cmpi eq, %iota3A, %eq3A_1342 : vector<16xi32>
        %broadcast_in_dim3A_1344 = vector.broadcast %reduce_sum3A_1340 : f32 to vector<16xf32>
        %select_n3A_1345 = arith.select %eq3A_1343, %broadcast_in_dim3A_1344, %select_n3A_1311 : vector<16xi1>, vector<16xf32>
        %add3A_1346 = arith.constant 16 : i32
        %add3A_1347 = vector.broadcast %add3A_1346 : i32 to vector<16xi32>
        %add3A_1348 = arith.addi %iota3A, %add3A_1347 : vector<16xi32>
        %lt3A_1349 = arith.constant 50 : i32
        %lt3A_1350 = vector.broadcast %lt3A_1349 : i32 to vector<16xi32>
        %lt3A_1351 = arith.cmpi slt, %add3A_1348, %lt3A_1350 : vector<16xi32>
        %min3A_1352 = arith.constant 49 : i32
        %min3A_1353 = vector.broadcast %min3A_1352 : i32 to vector<16xi32>
        %min3A_1354 = arith.minsi %add3A_1348, %min3A_1353 : vector<16xi32>
        %add3A_1355 = arith.addi %broadcast_in_dim3A_237, %min3A_1354 : vector<16xi32>
        %gather3A_1356 = tpu.vector_load_idx %arg20[%add3A_1355] : memref<800xf32, #tpu.memory_space<vmem>>[vector<16xi32>], vector<16xf32>,
        %mul3A_1357 = arith.constant 50 : i32
        %mul3A_1358 = vector.broadcast %mul3A_1357 : i32 to vector<16xi32>
        %mul3A_1359 = arith.muli %broadcast_in_dim3A_207, %mul3A_1358 : vector<16xi32>
        %add3A_1360 = arith.addi %mul3A_1359, %add3A_1348 : vector<16xi32>
        %sub3A_1361 = vector.broadcast %reduce_sum3A_232 : f32 to vector<16xf32>
        %sub3A_1362 = arith.subf %select_n3A_1345, %sub3A_1361 : vector<16xf32>
        %add3A_1363 = arith.addf %sub3A_1362, %gather3A : vector<16xf32>
        %add3A_1364 = arith.addf %add3A_1363, %gather3A_1356 : vector<16xf32>
        tpu.vector_store_idx %arg22[%add3A_1360], %add3A_1364 masked %lt3A_1351 : memref<6400xf32, #tpu.memory_space<vmem>>[vector<16xi32>], vector<16xf32>, vector<16xi1>
        %broadcast_in_dim3A_1365 = arith.constant 0.000000e+00 : f32
        %broadcast_in_dim3A_1366 = vector.broadcast %broadcast_in_dim3A_1365 : f32 to vector<16xf32>
        %mul3A_1367 = arith.constant 50 : i32
        %mul3A_1368 = arith.muli %add3A_203, %mul3A_1367 : i32
        %add3A_1369 = arith.constant 400 : i32
        %add3A_1370 = arith.addi %add3A_1369, %mul3A_1368 : i32
        %add3A_1371 = arith.constant 32 : i32
        %add3A_1372 = arith.addi %add3A_1370, %add3A_1371 : i32
        %get3A_1373 = arith.index_cast %add3A_1372 : i32 to index
        %get3A_1374 = arith.constant 0 : index
        %get3A_1375 = tpu.vector_load %arg15[%get3A_1373, %get3A_1374] {strides = array<i32>} : memref<800x64xf32, #tpu.memory_space<vmem>>, vector<16xf32>,
        %mul3A_1376 = arith.mulf %sub3A, %get3A_1375 : vector<16xf32>
        %get3A_1377 = arith.index_cast %add3A_1372 : i32 to index
        %get3A_1378 = arith.constant 16 : index
        %get3A_1379 = tpu.vector_load %arg15[%get3A_1377, %get3A_1378] {strides = array<i32>} : memref<800x64xf32, #tpu.memory_space<vmem>>, vector<16xf32>,
        %mul3A_1380 = arith.mulf %sub3A_214, %get3A_1379 : vector<16xf32>
        %add3A_1381 = arith.addf %mul3A_1376, %mul3A_1380 : vector<16xf32>
        %get3A_1382 = arith.index_cast %add3A_1372 : i32 to index
        %get3A_1383 = arith.constant 32 : index
        %get3A_1384 = tpu.vector_load %arg15[%get3A_1382, %get3A_1383] {strides = array<i32>} : memref<800x64xf32, #tpu.memory_space<vmem>>, vector<16xf32>,
        %mul3A_1385 = arith.mulf %sub3A_218, %get3A_1384 : vector<16xf32>
        %add3A_1386 = arith.addf %add3A_1381, %mul3A_1385 : vector<16xf32>
        %get3A_1387 = arith.index_cast %add3A_1372 : i32 to index
        %get3A_1388 = arith.constant 48 : index
        %get3A_1389 = tpu.vector_load %arg15[%get3A_1387, %get3A_1388] {strides = array<i32>} : memref<800x64xf32, #tpu.memory_space<vmem>>, vector<16xf32>,
        %mul3A_1390 = arith.mulf %sub3A_222, %get3A_1389 : vector<16xf32>
        %add3A_1391 = arith.addf %add3A_1386, %mul3A_1390 : vector<16xf32>
        %reduce_sum3A_1392 = arith.constant true
        %reduce_sum3A_1393 = vector.broadcast %reduce_sum3A_1392 : i1 to vector<16xi1>
        %reduce_sum3A_1394 = tpu.scan <sum>, %add3A_1391 masked %reduce_sum3A_1393 : vector<16xf32>, vector<16xi1> -> vector<16xf32>
        %reduce_sum3A_1395 = vector.extract %reduce_sum3A_1394[15] : f32 from vector<16xf32>
        %eq3A_1396 = arith.constant 0 : i32
        %eq3A_1397 = vector.broadcast %eq3A_1396 : i32 to vector<16xi32>
        %eq3A_1398 = arith.cmpi eq, %iota3A, %eq3A_1397 : vector<16xi32>
        %broadcast_in_dim3A_1399 = vector.broadcast %reduce_sum3A_1395 : f32 to vector<16xf32>
        %select_n3A_1400 = arith.select %eq3A_1398, %broadcast_in_dim3A_1399, %broadcast_in_dim3A_1366 : vector<16xi1>, vector<16xf32>
        %mul3A_1401 = arith.constant 50 : i32
        %mul3A_1402 = arith.muli %add3A_203, %mul3A_1401 : i32
        %add3A_1403 = arith.constant 400 : i32
        %add3A_1404 = arith.addi %add3A_1403, %mul3A_1402 : i32
        %add3A_1405 = arith.constant 33 : i32
        %add3A_1406 = arith.addi %add3A_1404, %add3A_1405 : i32
        %get3A_1407 = arith.index_cast %add3A_1406 : i32 to index
        %get3A_1408 = arith.constant 0 : index
        %get3A_1409 = tpu.vector_load %arg15[%get3A_1407, %get3A_1408] {strides = array<i32>} : memref<800x64xf32, #tpu.memory_space<vmem>>, vector<16xf32>,
        %mul3A_1410 = arith.mulf %sub3A, %get3A_1409 : vector<16xf32>
        %get3A_1411 = arith.index_cast %add3A_1406 : i32 to index
        %get3A_1412 = arith.constant 16 : index
        %get3A_1413 = tpu.vector_load %arg15[%get3A_1411, %get3A_1412] {strides = array<i32>} : memref<800x64xf32, #tpu.memory_space<vmem>>, vector<16xf32>,
        %mul3A_1414 = arith.mulf %sub3A_214, %get3A_1413 : vector<16xf32>
        %add3A_1415 = arith.addf %mul3A_1410, %mul3A_1414 : vector<16xf32>
        %get3A_1416 = arith.index_cast %add3A_1406 : i32 to index
        %get3A_1417 = arith.constant 32 : index
        %get3A_1418 = tpu.vector_load %arg15[%get3A_1416, %get3A_1417] {strides = array<i32>} : memref<800x64xf32, #tpu.memory_space<vmem>>, vector<16xf32>,
        %mul3A_1419 = arith.mulf %sub3A_218, %get3A_1418 : vector<16xf32>
        %add3A_1420 = arith.addf %add3A_1415, %mul3A_1419 : vector<16xf32>
        %get3A_1421 = arith.index_cast %add3A_1406 : i32 to index
        %get3A_1422 = arith.constant 48 : index
        %get3A_1423 = tpu.vector_load %arg15[%get3A_1421, %get3A_1422] {strides = array<i32>} : memref<800x64xf32, #tpu.memory_space<vmem>>, vector<16xf32>,
        %mul3A_1424 = arith.mulf %sub3A_222, %get3A_1423 : vector<16xf32>
        %add3A_1425 = arith.addf %add3A_1420, %mul3A_1424 : vector<16xf32>
        %reduce_sum3A_1426 = arith.constant true
        %reduce_sum3A_1427 = vector.broadcast %reduce_sum3A_1426 : i1 to vector<16xi1>
        %reduce_sum3A_1428 = tpu.scan <sum>, %add3A_1425 masked %reduce_sum3A_1427 : vector<16xf32>, vector<16xi1> -> vector<16xf32>
        %reduce_sum3A_1429 = vector.extract %reduce_sum3A_1428[15] : f32 from vector<16xf32>
        %eq3A_1430 = arith.constant 1 : i32
        %eq3A_1431 = vector.broadcast %eq3A_1430 : i32 to vector<16xi32>
        %eq3A_1432 = arith.cmpi eq, %iota3A, %eq3A_1431 : vector<16xi32>
        %broadcast_in_dim3A_1433 = vector.broadcast %reduce_sum3A_1429 : f32 to vector<16xf32>
        %select_n3A_1434 = arith.select %eq3A_1432, %broadcast_in_dim3A_1433, %select_n3A_1400 : vector<16xi1>, vector<16xf32>
        %mul3A_1435 = arith.constant 50 : i32
        %mul3A_1436 = arith.muli %add3A_203, %mul3A_1435 : i32
        %add3A_1437 = arith.constant 400 : i32
        %add3A_1438 = arith.addi %add3A_1437, %mul3A_1436 : i32
        %add3A_1439 = arith.constant 34 : i32
        %add3A_1440 = arith.addi %add3A_1438, %add3A_1439 : i32
        %get3A_1441 = arith.index_cast %add3A_1440 : i32 to index
        %get3A_1442 = arith.constant 0 : index
        %get3A_1443 = tpu.vector_load %arg15[%get3A_1441, %get3A_1442] {strides = array<i32>} : memref<800x64xf32, #tpu.memory_space<vmem>>, vector<16xf32>,
        %mul3A_1444 = arith.mulf %sub3A, %get3A_1443 : vector<16xf32>
        %get3A_1445 = arith.index_cast %add3A_1440 : i32 to index
        %get3A_1446 = arith.constant 16 : index
        %get3A_1447 = tpu.vector_load %arg15[%get3A_1445, %get3A_1446] {strides = array<i32>} : memref<800x64xf32, #tpu.memory_space<vmem>>, vector<16xf32>,
        %mul3A_1448 = arith.mulf %sub3A_214, %get3A_1447 : vector<16xf32>
        %add3A_1449 = arith.addf %mul3A_1444, %mul3A_1448 : vector<16xf32>
        %get3A_1450 = arith.index_cast %add3A_1440 : i32 to index
        %get3A_1451 = arith.constant 32 : index
        %get3A_1452 = tpu.vector_load %arg15[%get3A_1450, %get3A_1451] {strides = array<i32>} : memref<800x64xf32, #tpu.memory_space<vmem>>, vector<16xf32>,
        %mul3A_1453 = arith.mulf %sub3A_218, %get3A_1452 : vector<16xf32>
        %add3A_1454 = arith.addf %add3A_1449, %mul3A_1453 : vector<16xf32>
        %get3A_1455 = arith.index_cast %add3A_1440 : i32 to index
        %get3A_1456 = arith.constant 48 : index
        %get3A_1457 = tpu.vector_load %arg15[%get3A_1455, %get3A_1456] {strides = array<i32>} : memref<800x64xf32, #tpu.memory_space<vmem>>, vector<16xf32>,
        %mul3A_1458 = arith.mulf %sub3A_222, %get3A_1457 : vector<16xf32>
        %add3A_1459 = arith.addf %add3A_1454, %mul3A_1458 : vector<16xf32>
        %reduce_sum3A_1460 = arith.constant true
        %reduce_sum3A_1461 = vector.broadcast %reduce_sum3A_1460 : i1 to vector<16xi1>
        %reduce_sum3A_1462 = tpu.scan <sum>, %add3A_1459 masked %reduce_sum3A_1461 : vector<16xf32>, vector<16xi1> -> vector<16xf32>
        %reduce_sum3A_1463 = vector.extract %reduce_sum3A_1462[15] : f32 from vector<16xf32>
        %eq3A_1464 = arith.constant 2 : i32
        %eq3A_1465 = vector.broadcast %eq3A_1464 : i32 to vector<16xi32>
        %eq3A_1466 = arith.cmpi eq, %iota3A, %eq3A_1465 : vector<16xi32>
        %broadcast_in_dim3A_1467 = vector.broadcast %reduce_sum3A_1463 : f32 to vector<16xf32>
        %select_n3A_1468 = arith.select %eq3A_1466, %broadcast_in_dim3A_1467, %select_n3A_1434 : vector<16xi1>, vector<16xf32>
        %mul3A_1469 = arith.constant 50 : i32
        %mul3A_1470 = arith.muli %add3A_203, %mul3A_1469 : i32
        %add3A_1471 = arith.constant 400 : i32
        %add3A_1472 = arith.addi %add3A_1471, %mul3A_1470 : i32
        %add3A_1473 = arith.constant 35 : i32
        %add3A_1474 = arith.addi %add3A_1472, %add3A_1473 : i32
        %get3A_1475 = arith.index_cast %add3A_1474 : i32 to index
        %get3A_1476 = arith.constant 0 : index
        %get3A_1477 = tpu.vector_load %arg15[%get3A_1475, %get3A_1476] {strides = array<i32>} : memref<800x64xf32, #tpu.memory_space<vmem>>, vector<16xf32>,
        %mul3A_1478 = arith.mulf %sub3A, %get3A_1477 : vector<16xf32>
        %get3A_1479 = arith.index_cast %add3A_1474 : i32 to index
        %get3A_1480 = arith.constant 16 : index
        %get3A_1481 = tpu.vector_load %arg15[%get3A_1479, %get3A_1480] {strides = array<i32>} : memref<800x64xf32, #tpu.memory_space<vmem>>, vector<16xf32>,
        %mul3A_1482 = arith.mulf %sub3A_214, %get3A_1481 : vector<16xf32>
        %add3A_1483 = arith.addf %mul3A_1478, %mul3A_1482 : vector<16xf32>
        %get3A_1484 = arith.index_cast %add3A_1474 : i32 to index
        %get3A_1485 = arith.constant 32 : index
        %get3A_1486 = tpu.vector_load %arg15[%get3A_1484, %get3A_1485] {strides = array<i32>} : memref<800x64xf32, #tpu.memory_space<vmem>>, vector<16xf32>,
        %mul3A_1487 = arith.mulf %sub3A_218, %get3A_1486 : vector<16xf32>
        %add3A_1488 = arith.addf %add3A_1483, %mul3A_1487 : vector<16xf32>
        %get3A_1489 = arith.index_cast %add3A_1474 : i32 to index
        %get3A_1490 = arith.constant 48 : index
        %get3A_1491 = tpu.vector_load %arg15[%get3A_1489, %get3A_1490] {strides = array<i32>} : memref<800x64xf32, #tpu.memory_space<vmem>>, vector<16xf32>,
        %mul3A_1492 = arith.mulf %sub3A_222, %get3A_1491 : vector<16xf32>
        %add3A_1493 = arith.addf %add3A_1488, %mul3A_1492 : vector<16xf32>
        %reduce_sum3A_1494 = arith.constant true
        %reduce_sum3A_1495 = vector.broadcast %reduce_sum3A_1494 : i1 to vector<16xi1>
        %reduce_sum3A_1496 = tpu.scan <sum>, %add3A_1493 masked %reduce_sum3A_1495 : vector<16xf32>, vector<16xi1> -> vector<16xf32>
        %reduce_sum3A_1497 = vector.extract %reduce_sum3A_1496[15] : f32 from vector<16xf32>
        %eq3A_1498 = arith.constant 3 : i32
        %eq3A_1499 = vector.broadcast %eq3A_1498 : i32 to vector<16xi32>
        %eq3A_1500 = arith.cmpi eq, %iota3A, %eq3A_1499 : vector<16xi32>
        %broadcast_in_dim3A_1501 = vector.broadcast %reduce_sum3A_1497 : f32 to vector<16xf32>
        %select_n3A_1502 = arith.select %eq3A_1500, %broadcast_in_dim3A_1501, %select_n3A_1468 : vector<16xi1>, vector<16xf32>
        %mul3A_1503 = arith.constant 50 : i32
        %mul3A_1504 = arith.muli %add3A_203, %mul3A_1503 : i32
        %add3A_1505 = arith.constant 400 : i32
        %add3A_1506 = arith.addi %add3A_1505, %mul3A_1504 : i32
        %add3A_1507 = arith.constant 36 : i32
        %add3A_1508 = arith.addi %add3A_1506, %add3A_1507 : i32
        %get3A_1509 = arith.index_cast %add3A_1508 : i32 to index
        %get3A_1510 = arith.constant 0 : index
        %get3A_1511 = tpu.vector_load %arg15[%get3A_1509, %get3A_1510] {strides = array<i32>} : memref<800x64xf32, #tpu.memory_space<vmem>>, vector<16xf32>,
        %mul3A_1512 = arith.mulf %sub3A, %get3A_1511 : vector<16xf32>
        %get3A_1513 = arith.index_cast %add3A_1508 : i32 to index
        %get3A_1514 = arith.constant 16 : index
        %get3A_1515 = tpu.vector_load %arg15[%get3A_1513, %get3A_1514] {strides = array<i32>} : memref<800x64xf32, #tpu.memory_space<vmem>>, vector<16xf32>,
        %mul3A_1516 = arith.mulf %sub3A_214, %get3A_1515 : vector<16xf32>
        %add3A_1517 = arith.addf %mul3A_1512, %mul3A_1516 : vector<16xf32>
        %get3A_1518 = arith.index_cast %add3A_1508 : i32 to index
        %get3A_1519 = arith.constant 32 : index
        %get3A_1520 = tpu.vector_load %arg15[%get3A_1518, %get3A_1519] {strides = array<i32>} : memref<800x64xf32, #tpu.memory_space<vmem>>, vector<16xf32>,
        %mul3A_1521 = arith.mulf %sub3A_218, %get3A_1520 : vector<16xf32>
        %add3A_1522 = arith.addf %add3A_1517, %mul3A_1521 : vector<16xf32>
        %get3A_1523 = arith.index_cast %add3A_1508 : i32 to index
        %get3A_1524 = arith.constant 48 : index
        %get3A_1525 = tpu.vector_load %arg15[%get3A_1523, %get3A_1524] {strides = array<i32>} : memref<800x64xf32, #tpu.memory_space<vmem>>, vector<16xf32>,
        %mul3A_1526 = arith.mulf %sub3A_222, %get3A_1525 : vector<16xf32>
        %add3A_1527 = arith.addf %add3A_1522, %mul3A_1526 : vector<16xf32>
        %reduce_sum3A_1528 = arith.constant true
        %reduce_sum3A_1529 = vector.broadcast %reduce_sum3A_1528 : i1 to vector<16xi1>
        %reduce_sum3A_1530 = tpu.scan <sum>, %add3A_1527 masked %reduce_sum3A_1529 : vector<16xf32>, vector<16xi1> -> vector<16xf32>
        %reduce_sum3A_1531 = vector.extract %reduce_sum3A_1530[15] : f32 from vector<16xf32>
        %eq3A_1532 = arith.constant 4 : i32
        %eq3A_1533 = vector.broadcast %eq3A_1532 : i32 to vector<16xi32>
        %eq3A_1534 = arith.cmpi eq, %iota3A, %eq3A_1533 : vector<16xi32>
        %broadcast_in_dim3A_1535 = vector.broadcast %reduce_sum3A_1531 : f32 to vector<16xf32>
        %select_n3A_1536 = arith.select %eq3A_1534, %broadcast_in_dim3A_1535, %select_n3A_1502 : vector<16xi1>, vector<16xf32>
        %mul3A_1537 = arith.constant 50 : i32
        %mul3A_1538 = arith.muli %add3A_203, %mul3A_1537 : i32
        %add3A_1539 = arith.constant 400 : i32
        %add3A_1540 = arith.addi %add3A_1539, %mul3A_1538 : i32
        %add3A_1541 = arith.constant 37 : i32
        %add3A_1542 = arith.addi %add3A_1540, %add3A_1541 : i32
        %get3A_1543 = arith.index_cast %add3A_1542 : i32 to index
        %get3A_1544 = arith.constant 0 : index
        %get3A_1545 = tpu.vector_load %arg15[%get3A_1543, %get3A_1544] {strides = array<i32>} : memref<800x64xf32, #tpu.memory_space<vmem>>, vector<16xf32>,
        %mul3A_1546 = arith.mulf %sub3A, %get3A_1545 : vector<16xf32>
        %get3A_1547 = arith.index_cast %add3A_1542 : i32 to index
        %get3A_1548 = arith.constant 16 : index
        %get3A_1549 = tpu.vector_load %arg15[%get3A_1547, %get3A_1548] {strides = array<i32>} : memref<800x64xf32, #tpu.memory_space<vmem>>, vector<16xf32>,
        %mul3A_1550 = arith.mulf %sub3A_214, %get3A_1549 : vector<16xf32>
        %add3A_1551 = arith.addf %mul3A_1546, %mul3A_1550 : vector<16xf32>
        %get3A_1552 = arith.index_cast %add3A_1542 : i32 to index
        %get3A_1553 = arith.constant 32 : index
        %get3A_1554 = tpu.vector_load %arg15[%get3A_1552, %get3A_1553] {strides = array<i32>} : memref<800x64xf32, #tpu.memory_space<vmem>>, vector<16xf32>,
        %mul3A_1555 = arith.mulf %sub3A_218, %get3A_1554 : vector<16xf32>
        %add3A_1556 = arith.addf %add3A_1551, %mul3A_1555 : vector<16xf32>
        %get3A_1557 = arith.index_cast %add3A_1542 : i32 to index
        %get3A_1558 = arith.constant 48 : index
        %get3A_1559 = tpu.vector_load %arg15[%get3A_1557, %get3A_1558] {strides = array<i32>} : memref<800x64xf32, #tpu.memory_space<vmem>>, vector<16xf32>,
        %mul3A_1560 = arith.mulf %sub3A_222, %get3A_1559 : vector<16xf32>
        %add3A_1561 = arith.addf %add3A_1556, %mul3A_1560 : vector<16xf32>
        %reduce_sum3A_1562 = arith.constant true
        %reduce_sum3A_1563 = vector.broadcast %reduce_sum3A_1562 : i1 to vector<16xi1>
        %reduce_sum3A_1564 = tpu.scan <sum>, %add3A_1561 masked %reduce_sum3A_1563 : vector<16xf32>, vector<16xi1> -> vector<16xf32>
        %reduce_sum3A_1565 = vector.extract %reduce_sum3A_1564[15] : f32 from vector<16xf32>
        %eq3A_1566 = arith.constant 5 : i32
        %eq3A_1567 = vector.broadcast %eq3A_1566 : i32 to vector<16xi32>
        %eq3A_1568 = arith.cmpi eq, %iota3A, %eq3A_1567 : vector<16xi32>
        %broadcast_in_dim3A_1569 = vector.broadcast %reduce_sum3A_1565 : f32 to vector<16xf32>
        %select_n3A_1570 = arith.select %eq3A_1568, %broadcast_in_dim3A_1569, %select_n3A_1536 : vector<16xi1>, vector<16xf32>
        %mul3A_1571 = arith.constant 50 : i32
        %mul3A_1572 = arith.muli %add3A_203, %mul3A_1571 : i32
        %add3A_1573 = arith.constant 400 : i32
        %add3A_1574 = arith.addi %add3A_1573, %mul3A_1572 : i32
        %add3A_1575 = arith.constant 38 : i32
        %add3A_1576 = arith.addi %add3A_1574, %add3A_1575 : i32
        %get3A_1577 = arith.index_cast %add3A_1576 : i32 to index
        %get3A_1578 = arith.constant 0 : index
        %get3A_1579 = tpu.vector_load %arg15[%get3A_1577, %get3A_1578] {strides = array<i32>} : memref<800x64xf32, #tpu.memory_space<vmem>>, vector<16xf32>,
        %mul3A_1580 = arith.mulf %sub3A, %get3A_1579 : vector<16xf32>
        %get3A_1581 = arith.index_cast %add3A_1576 : i32 to index
        %get3A_1582 = arith.constant 16 : index
        %get3A_1583 = tpu.vector_load %arg15[%get3A_1581, %get3A_1582] {strides = array<i32>} : memref<800x64xf32, #tpu.memory_space<vmem>>, vector<16xf32>,
        %mul3A_1584 = arith.mulf %sub3A_214, %get3A_1583 : vector<16xf32>
        %add3A_1585 = arith.addf %mul3A_1580, %mul3A_1584 : vector<16xf32>
        %get3A_1586 = arith.index_cast %add3A_1576 : i32 to index
        %get3A_1587 = arith.constant 32 : index
        %get3A_1588 = tpu.vector_load %arg15[%get3A_1586, %get3A_1587] {strides = array<i32>} : memref<800x64xf32, #tpu.memory_space<vmem>>, vector<16xf32>,
        %mul3A_1589 = arith.mulf %sub3A_218, %get3A_1588 : vector<16xf32>
        %add3A_1590 = arith.addf %add3A_1585, %mul3A_1589 : vector<16xf32>
        %get3A_1591 = arith.index_cast %add3A_1576 : i32 to index
        %get3A_1592 = arith.constant 48 : index
        %get3A_1593 = tpu.vector_load %arg15[%get3A_1591, %get3A_1592] {strides = array<i32>} : memref<800x64xf32, #tpu.memory_space<vmem>>, vector<16xf32>,
        %mul3A_1594 = arith.mulf %sub3A_222, %get3A_1593 : vector<16xf32>
        %add3A_1595 = arith.addf %add3A_1590, %mul3A_1594 : vector<16xf32>
        %reduce_sum3A_1596 = arith.constant true
        %reduce_sum3A_1597 = vector.broadcast %reduce_sum3A_1596 : i1 to vector<16xi1>
        %reduce_sum3A_1598 = tpu.scan <sum>, %add3A_1595 masked %reduce_sum3A_1597 : vector<16xf32>, vector<16xi1> -> vector<16xf32>
        %reduce_sum3A_1599 = vector.extract %reduce_sum3A_1598[15] : f32 from vector<16xf32>
        %eq3A_1600 = arith.constant 6 : i32
        %eq3A_1601 = vector.broadcast %eq3A_1600 : i32 to vector<16xi32>
        %eq3A_1602 = arith.cmpi eq, %iota3A, %eq3A_1601 : vector<16xi32>
        %broadcast_in_dim3A_1603 = vector.broadcast %reduce_sum3A_1599 : f32 to vector<16xf32>
        %select_n3A_1604 = arith.select %eq3A_1602, %broadcast_in_dim3A_1603, %select_n3A_1570 : vector<16xi1>, vector<16xf32>
        %mul3A_1605 = arith.constant 50 : i32
        %mul3A_1606 = arith.muli %add3A_203, %mul3A_1605 : i32
        %add3A_1607 = arith.constant 400 : i32
        %add3A_1608 = arith.addi %add3A_1607, %mul3A_1606 : i32
        %add3A_1609 = arith.constant 39 : i32
        %add3A_1610 = arith.addi %add3A_1608, %add3A_1609 : i32
        %get3A_1611 = arith.index_cast %add3A_1610 : i32 to index
        %get3A_1612 = arith.constant 0 : index
        %get3A_1613 = tpu.vector_load %arg15[%get3A_1611, %get3A_1612] {strides = array<i32>} : memref<800x64xf32, #tpu.memory_space<vmem>>, vector<16xf32>,
        %mul3A_1614 = arith.mulf %sub3A, %get3A_1613 : vector<16xf32>
        %get3A_1615 = arith.index_cast %add3A_1610 : i32 to index
        %get3A_1616 = arith.constant 16 : index
        %get3A_1617 = tpu.vector_load %arg15[%get3A_1615, %get3A_1616] {strides = array<i32>} : memref<800x64xf32, #tpu.memory_space<vmem>>, vector<16xf32>,
        %mul3A_1618 = arith.mulf %sub3A_214, %get3A_1617 : vector<16xf32>
        %add3A_1619 = arith.addf %mul3A_1614, %mul3A_1618 : vector<16xf32>
        %get3A_1620 = arith.index_cast %add3A_1610 : i32 to index
        %get3A_1621 = arith.constant 32 : index
        %get3A_1622 = tpu.vector_load %arg15[%get3A_1620, %get3A_1621] {strides = array<i32>} : memref<800x64xf32, #tpu.memory_space<vmem>>, vector<16xf32>,
        %mul3A_1623 = arith.mulf %sub3A_218, %get3A_1622 : vector<16xf32>
        %add3A_1624 = arith.addf %add3A_1619, %mul3A_1623 : vector<16xf32>
        %get3A_1625 = arith.index_cast %add3A_1610 : i32 to index
        %get3A_1626 = arith.constant 48 : index
        %get3A_1627 = tpu.vector_load %arg15[%get3A_1625, %get3A_1626] {strides = array<i32>} : memref<800x64xf32, #tpu.memory_space<vmem>>, vector<16xf32>,
        %mul3A_1628 = arith.mulf %sub3A_222, %get3A_1627 : vector<16xf32>
        %add3A_1629 = arith.addf %add3A_1624, %mul3A_1628 : vector<16xf32>
        %reduce_sum3A_1630 = arith.constant true
        %reduce_sum3A_1631 = vector.broadcast %reduce_sum3A_1630 : i1 to vector<16xi1>
        %reduce_sum3A_1632 = tpu.scan <sum>, %add3A_1629 masked %reduce_sum3A_1631 : vector<16xf32>, vector<16xi1> -> vector<16xf32>
        %reduce_sum3A_1633 = vector.extract %reduce_sum3A_1632[15] : f32 from vector<16xf32>
        %eq3A_1634 = arith.constant 7 : i32
        %eq3A_1635 = vector.broadcast %eq3A_1634 : i32 to vector<16xi32>
        %eq3A_1636 = arith.cmpi eq, %iota3A, %eq3A_1635 : vector<16xi32>
        %broadcast_in_dim3A_1637 = vector.broadcast %reduce_sum3A_1633 : f32 to vector<16xf32>
        %select_n3A_1638 = arith.select %eq3A_1636, %broadcast_in_dim3A_1637, %select_n3A_1604 : vector<16xi1>, vector<16xf32>
        %mul3A_1639 = arith.constant 50 : i32
        %mul3A_1640 = arith.muli %add3A_203, %mul3A_1639 : i32
        %add3A_1641 = arith.constant 400 : i32
        %add3A_1642 = arith.addi %add3A_1641, %mul3A_1640 : i32
        %add3A_1643 = arith.constant 40 : i32
        %add3A_1644 = arith.addi %add3A_1642, %add3A_1643 : i32
        %get3A_1645 = arith.index_cast %add3A_1644 : i32 to index
        %get3A_1646 = arith.constant 0 : index
        %get3A_1647 = tpu.vector_load %arg15[%get3A_1645, %get3A_1646] {strides = array<i32>} : memref<800x64xf32, #tpu.memory_space<vmem>>, vector<16xf32>,
        %mul3A_1648 = arith.mulf %sub3A, %get3A_1647 : vector<16xf32>
        %get3A_1649 = arith.index_cast %add3A_1644 : i32 to index
        %get3A_1650 = arith.constant 16 : index
        %get3A_1651 = tpu.vector_load %arg15[%get3A_1649, %get3A_1650] {strides = array<i32>} : memref<800x64xf32, #tpu.memory_space<vmem>>, vector<16xf32>,
        %mul3A_1652 = arith.mulf %sub3A_214, %get3A_1651 : vector<16xf32>
        %add3A_1653 = arith.addf %mul3A_1648, %mul3A_1652 : vector<16xf32>
        %get3A_1654 = arith.index_cast %add3A_1644 : i32 to index
        %get3A_1655 = arith.constant 32 : index
        %get3A_1656 = tpu.vector_load %arg15[%get3A_1654, %get3A_1655] {strides = array<i32>} : memref<800x64xf32, #tpu.memory_space<vmem>>, vector<16xf32>,
        %mul3A_1657 = arith.mulf %sub3A_218, %get3A_1656 : vector<16xf32>
        %add3A_1658 = arith.addf %add3A_1653, %mul3A_1657 : vector<16xf32>
        %get3A_1659 = arith.index_cast %add3A_1644 : i32 to index
        %get3A_1660 = arith.constant 48 : index
        %get3A_1661 = tpu.vector_load %arg15[%get3A_1659, %get3A_1660] {strides = array<i32>} : memref<800x64xf32, #tpu.memory_space<vmem>>, vector<16xf32>,
        %mul3A_1662 = arith.mulf %sub3A_222, %get3A_1661 : vector<16xf32>
        %add3A_1663 = arith.addf %add3A_1658, %mul3A_1662 : vector<16xf32>
        %reduce_sum3A_1664 = arith.constant true
        %reduce_sum3A_1665 = vector.broadcast %reduce_sum3A_1664 : i1 to vector<16xi1>
        %reduce_sum3A_1666 = tpu.scan <sum>, %add3A_1663 masked %reduce_sum3A_1665 : vector<16xf32>, vector<16xi1> -> vector<16xf32>
        %reduce_sum3A_1667 = vector.extract %reduce_sum3A_1666[15] : f32 from vector<16xf32>
        %eq3A_1668 = arith.constant 8 : i32
        %eq3A_1669 = vector.broadcast %eq3A_1668 : i32 to vector<16xi32>
        %eq3A_1670 = arith.cmpi eq, %iota3A, %eq3A_1669 : vector<16xi32>
        %broadcast_in_dim3A_1671 = vector.broadcast %reduce_sum3A_1667 : f32 to vector<16xf32>
        %select_n3A_1672 = arith.select %eq3A_1670, %broadcast_in_dim3A_1671, %select_n3A_1638 : vector<16xi1>, vector<16xf32>
        %mul3A_1673 = arith.constant 50 : i32
        %mul3A_1674 = arith.muli %add3A_203, %mul3A_1673 : i32
        %add3A_1675 = arith.constant 400 : i32
        %add3A_1676 = arith.addi %add3A_1675, %mul3A_1674 : i32
        %add3A_1677 = arith.constant 41 : i32
        %add3A_1678 = arith.addi %add3A_1676, %add3A_1677 : i32
        %get3A_1679 = arith.index_cast %add3A_1678 : i32 to index
        %get3A_1680 = arith.constant 0 : index
        %get3A_1681 = tpu.vector_load %arg15[%get3A_1679, %get3A_1680] {strides = array<i32>} : memref<800x64xf32, #tpu.memory_space<vmem>>, vector<16xf32>,
        %mul3A_1682 = arith.mulf %sub3A, %get3A_1681 : vector<16xf32>
        %get3A_1683 = arith.index_cast %add3A_1678 : i32 to index
        %get3A_1684 = arith.constant 16 : index
        %get3A_1685 = tpu.vector_load %arg15[%get3A_1683, %get3A_1684] {strides = array<i32>} : memref<800x64xf32, #tpu.memory_space<vmem>>, vector<16xf32>,
        %mul3A_1686 = arith.mulf %sub3A_214, %get3A_1685 : vector<16xf32>
        %add3A_1687 = arith.addf %mul3A_1682, %mul3A_1686 : vector<16xf32>
        %get3A_1688 = arith.index_cast %add3A_1678 : i32 to index
        %get3A_1689 = arith.constant 32 : index
        %get3A_1690 = tpu.vector_load %arg15[%get3A_1688, %get3A_1689] {strides = array<i32>} : memref<800x64xf32, #tpu.memory_space<vmem>>, vector<16xf32>,
        %mul3A_1691 = arith.mulf %sub3A_218, %get3A_1690 : vector<16xf32>
        %add3A_1692 = arith.addf %add3A_1687, %mul3A_1691 : vector<16xf32>
        %get3A_1693 = arith.index_cast %add3A_1678 : i32 to index
        %get3A_1694 = arith.constant 48 : index
        %get3A_1695 = tpu.vector_load %arg15[%get3A_1693, %get3A_1694] {strides = array<i32>} : memref<800x64xf32, #tpu.memory_space<vmem>>, vector<16xf32>,
        %mul3A_1696 = arith.mulf %sub3A_222, %get3A_1695 : vector<16xf32>
        %add3A_1697 = arith.addf %add3A_1692, %mul3A_1696 : vector<16xf32>
        %reduce_sum3A_1698 = arith.constant true
        %reduce_sum3A_1699 = vector.broadcast %reduce_sum3A_1698 : i1 to vector<16xi1>
        %reduce_sum3A_1700 = tpu.scan <sum>, %add3A_1697 masked %reduce_sum3A_1699 : vector<16xf32>, vector<16xi1> -> vector<16xf32>
        %reduce_sum3A_1701 = vector.extract %reduce_sum3A_1700[15] : f32 from vector<16xf32>
        %eq3A_1702 = arith.constant 9 : i32
        %eq3A_1703 = vector.broadcast %eq3A_1702 : i32 to vector<16xi32>
        %eq3A_1704 = arith.cmpi eq, %iota3A, %eq3A_1703 : vector<16xi32>
        %broadcast_in_dim3A_1705 = vector.broadcast %reduce_sum3A_1701 : f32 to vector<16xf32>
        %select_n3A_1706 = arith.select %eq3A_1704, %broadcast_in_dim3A_1705, %select_n3A_1672 : vector<16xi1>, vector<16xf32>
        %mul3A_1707 = arith.constant 50 : i32
        %mul3A_1708 = arith.muli %add3A_203, %mul3A_1707 : i32
        %add3A_1709 = arith.constant 400 : i32
        %add3A_1710 = arith.addi %add3A_1709, %mul3A_1708 : i32
        %add3A_1711 = arith.constant 42 : i32
        %add3A_1712 = arith.addi %add3A_1710, %add3A_1711 : i32
        %get3A_1713 = arith.index_cast %add3A_1712 : i32 to index
        %get3A_1714 = arith.constant 0 : index
        %get3A_1715 = tpu.vector_load %arg15[%get3A_1713, %get3A_1714] {strides = array<i32>} : memref<800x64xf32, #tpu.memory_space<vmem>>, vector<16xf32>,
        %mul3A_1716 = arith.mulf %sub3A, %get3A_1715 : vector<16xf32>
        %get3A_1717 = arith.index_cast %add3A_1712 : i32 to index
        %get3A_1718 = arith.constant 16 : index
        %get3A_1719 = tpu.vector_load %arg15[%get3A_1717, %get3A_1718] {strides = array<i32>} : memref<800x64xf32, #tpu.memory_space<vmem>>, vector<16xf32>,
        %mul3A_1720 = arith.mulf %sub3A_214, %get3A_1719 : vector<16xf32>
        %add3A_1721 = arith.addf %mul3A_1716, %mul3A_1720 : vector<16xf32>
        %get3A_1722 = arith.index_cast %add3A_1712 : i32 to index
        %get3A_1723 = arith.constant 32 : index
        %get3A_1724 = tpu.vector_load %arg15[%get3A_1722, %get3A_1723] {strides = array<i32>} : memref<800x64xf32, #tpu.memory_space<vmem>>, vector<16xf32>,
        %mul3A_1725 = arith.mulf %sub3A_218, %get3A_1724 : vector<16xf32>
        %add3A_1726 = arith.addf %add3A_1721, %mul3A_1725 : vector<16xf32>
        %get3A_1727 = arith.index_cast %add3A_1712 : i32 to index
        %get3A_1728 = arith.constant 48 : index
        %get3A_1729 = tpu.vector_load %arg15[%get3A_1727, %get3A_1728] {strides = array<i32>} : memref<800x64xf32, #tpu.memory_space<vmem>>, vector<16xf32>,
        %mul3A_1730 = arith.mulf %sub3A_222, %get3A_1729 : vector<16xf32>
        %add3A_1731 = arith.addf %add3A_1726, %mul3A_1730 : vector<16xf32>
        %reduce_sum3A_1732 = arith.constant true
        %reduce_sum3A_1733 = vector.broadcast %reduce_sum3A_1732 : i1 to vector<16xi1>
        %reduce_sum3A_1734 = tpu.scan <sum>, %add3A_1731 masked %reduce_sum3A_1733 : vector<16xf32>, vector<16xi1> -> vector<16xf32>
        %reduce_sum3A_1735 = vector.extract %reduce_sum3A_1734[15] : f32 from vector<16xf32>
        %eq3A_1736 = arith.constant 10 : i32
        %eq3A_1737 = vector.broadcast %eq3A_1736 : i32 to vector<16xi32>
        %eq3A_1738 = arith.cmpi eq, %iota3A, %eq3A_1737 : vector<16xi32>
        %broadcast_in_dim3A_1739 = vector.broadcast %reduce_sum3A_1735 : f32 to vector<16xf32>
        %select_n3A_1740 = arith.select %eq3A_1738, %broadcast_in_dim3A_1739, %select_n3A_1706 : vector<16xi1>, vector<16xf32>
        %mul3A_1741 = arith.constant 50 : i32
        %mul3A_1742 = arith.muli %add3A_203, %mul3A_1741 : i32
        %add3A_1743 = arith.constant 400 : i32
        %add3A_1744 = arith.addi %add3A_1743, %mul3A_1742 : i32
        %add3A_1745 = arith.constant 43 : i32
        %add3A_1746 = arith.addi %add3A_1744, %add3A_1745 : i32
        %get3A_1747 = arith.index_cast %add3A_1746 : i32 to index
        %get3A_1748 = arith.constant 0 : index
        %get3A_1749 = tpu.vector_load %arg15[%get3A_1747, %get3A_1748] {strides = array<i32>} : memref<800x64xf32, #tpu.memory_space<vmem>>, vector<16xf32>,
        %mul3A_1750 = arith.mulf %sub3A, %get3A_1749 : vector<16xf32>
        %get3A_1751 = arith.index_cast %add3A_1746 : i32 to index
        %get3A_1752 = arith.constant 16 : index
        %get3A_1753 = tpu.vector_load %arg15[%get3A_1751, %get3A_1752] {strides = array<i32>} : memref<800x64xf32, #tpu.memory_space<vmem>>, vector<16xf32>,
        %mul3A_1754 = arith.mulf %sub3A_214, %get3A_1753 : vector<16xf32>
        %add3A_1755 = arith.addf %mul3A_1750, %mul3A_1754 : vector<16xf32>
        %get3A_1756 = arith.index_cast %add3A_1746 : i32 to index
        %get3A_1757 = arith.constant 32 : index
        %get3A_1758 = tpu.vector_load %arg15[%get3A_1756, %get3A_1757] {strides = array<i32>} : memref<800x64xf32, #tpu.memory_space<vmem>>, vector<16xf32>,
        %mul3A_1759 = arith.mulf %sub3A_218, %get3A_1758 : vector<16xf32>
        %add3A_1760 = arith.addf %add3A_1755, %mul3A_1759 : vector<16xf32>
        %get3A_1761 = arith.index_cast %add3A_1746 : i32 to index
        %get3A_1762 = arith.constant 48 : index
        %get3A_1763 = tpu.vector_load %arg15[%get3A_1761, %get3A_1762] {strides = array<i32>} : memref<800x64xf32, #tpu.memory_space<vmem>>, vector<16xf32>,
        %mul3A_1764 = arith.mulf %sub3A_222, %get3A_1763 : vector<16xf32>
        %add3A_1765 = arith.addf %add3A_1760, %mul3A_1764 : vector<16xf32>
        %reduce_sum3A_1766 = arith.constant true
        %reduce_sum3A_1767 = vector.broadcast %reduce_sum3A_1766 : i1 to vector<16xi1>
        %reduce_sum3A_1768 = tpu.scan <sum>, %add3A_1765 masked %reduce_sum3A_1767 : vector<16xf32>, vector<16xi1> -> vector<16xf32>
        %reduce_sum3A_1769 = vector.extract %reduce_sum3A_1768[15] : f32 from vector<16xf32>
        %eq3A_1770 = arith.constant 11 : i32
        %eq3A_1771 = vector.broadcast %eq3A_1770 : i32 to vector<16xi32>
        %eq3A_1772 = arith.cmpi eq, %iota3A, %eq3A_1771 : vector<16xi32>
        %broadcast_in_dim3A_1773 = vector.broadcast %reduce_sum3A_1769 : f32 to vector<16xf32>
        %select_n3A_1774 = arith.select %eq3A_1772, %broadcast_in_dim3A_1773, %select_n3A_1740 : vector<16xi1>, vector<16xf32>
        %mul3A_1775 = arith.constant 50 : i32
        %mul3A_1776 = arith.muli %add3A_203, %mul3A_1775 : i32
        %add3A_1777 = arith.constant 400 : i32
        %add3A_1778 = arith.addi %add3A_1777, %mul3A_1776 : i32
        %add3A_1779 = arith.constant 44 : i32
        %add3A_1780 = arith.addi %add3A_1778, %add3A_1779 : i32
        %get3A_1781 = arith.index_cast %add3A_1780 : i32 to index
        %get3A_1782 = arith.constant 0 : index
        %get3A_1783 = tpu.vector_load %arg15[%get3A_1781, %get3A_1782] {strides = array<i32>} : memref<800x64xf32, #tpu.memory_space<vmem>>, vector<16xf32>,
        %mul3A_1784 = arith.mulf %sub3A, %get3A_1783 : vector<16xf32>
        %get3A_1785 = arith.index_cast %add3A_1780 : i32 to index
        %get3A_1786 = arith.constant 16 : index
        %get3A_1787 = tpu.vector_load %arg15[%get3A_1785, %get3A_1786] {strides = array<i32>} : memref<800x64xf32, #tpu.memory_space<vmem>>, vector<16xf32>,
        %mul3A_1788 = arith.mulf %sub3A_214, %get3A_1787 : vector<16xf32>
        %add3A_1789 = arith.addf %mul3A_1784, %mul3A_1788 : vector<16xf32>
        %get3A_1790 = arith.index_cast %add3A_1780 : i32 to index
        %get3A_1791 = arith.constant 32 : index
        %get3A_1792 = tpu.vector_load %arg15[%get3A_1790, %get3A_1791] {strides = array<i32>} : memref<800x64xf32, #tpu.memory_space<vmem>>, vector<16xf32>,
        %mul3A_1793 = arith.mulf %sub3A_218, %get3A_1792 : vector<16xf32>
        %add3A_1794 = arith.addf %add3A_1789, %mul3A_1793 : vector<16xf32>
        %get3A_1795 = arith.index_cast %add3A_1780 : i32 to index
        %get3A_1796 = arith.constant 48 : index
        %get3A_1797 = tpu.vector_load %arg15[%get3A_1795, %get3A_1796] {strides = array<i32>} : memref<800x64xf32, #tpu.memory_space<vmem>>, vector<16xf32>,
        %mul3A_1798 = arith.mulf %sub3A_222, %get3A_1797 : vector<16xf32>
        %add3A_1799 = arith.addf %add3A_1794, %mul3A_1798 : vector<16xf32>
        %reduce_sum3A_1800 = arith.constant true
        %reduce_sum3A_1801 = vector.broadcast %reduce_sum3A_1800 : i1 to vector<16xi1>
        %reduce_sum3A_1802 = tpu.scan <sum>, %add3A_1799 masked %reduce_sum3A_1801 : vector<16xf32>, vector<16xi1> -> vector<16xf32>
        %reduce_sum3A_1803 = vector.extract %reduce_sum3A_1802[15] : f32 from vector<16xf32>
        %eq3A_1804 = arith.constant 12 : i32
        %eq3A_1805 = vector.broadcast %eq3A_1804 : i32 to vector<16xi32>
        %eq3A_1806 = arith.cmpi eq, %iota3A, %eq3A_1805 : vector<16xi32>
        %broadcast_in_dim3A_1807 = vector.broadcast %reduce_sum3A_1803 : f32 to vector<16xf32>
        %select_n3A_1808 = arith.select %eq3A_1806, %broadcast_in_dim3A_1807, %select_n3A_1774 : vector<16xi1>, vector<16xf32>
        %mul3A_1809 = arith.constant 50 : i32
        %mul3A_1810 = arith.muli %add3A_203, %mul3A_1809 : i32
        %add3A_1811 = arith.constant 400 : i32
        %add3A_1812 = arith.addi %add3A_1811, %mul3A_1810 : i32
        %add3A_1813 = arith.constant 45 : i32
        %add3A_1814 = arith.addi %add3A_1812, %add3A_1813 : i32
        %get3A_1815 = arith.index_cast %add3A_1814 : i32 to index
        %get3A_1816 = arith.constant 0 : index
        %get3A_1817 = tpu.vector_load %arg15[%get3A_1815, %get3A_1816] {strides = array<i32>} : memref<800x64xf32, #tpu.memory_space<vmem>>, vector<16xf32>,
        %mul3A_1818 = arith.mulf %sub3A, %get3A_1817 : vector<16xf32>
        %get3A_1819 = arith.index_cast %add3A_1814 : i32 to index
        %get3A_1820 = arith.constant 16 : index
        %get3A_1821 = tpu.vector_load %arg15[%get3A_1819, %get3A_1820] {strides = array<i32>} : memref<800x64xf32, #tpu.memory_space<vmem>>, vector<16xf32>,
        %mul3A_1822 = arith.mulf %sub3A_214, %get3A_1821 : vector<16xf32>
        %add3A_1823 = arith.addf %mul3A_1818, %mul3A_1822 : vector<16xf32>
        %get3A_1824 = arith.index_cast %add3A_1814 : i32 to index
        %get3A_1825 = arith.constant 32 : index
        %get3A_1826 = tpu.vector_load %arg15[%get3A_1824, %get3A_1825] {strides = array<i32>} : memref<800x64xf32, #tpu.memory_space<vmem>>, vector<16xf32>,
        %mul3A_1827 = arith.mulf %sub3A_218, %get3A_1826 : vector<16xf32>
        %add3A_1828 = arith.addf %add3A_1823, %mul3A_1827 : vector<16xf32>
        %get3A_1829 = arith.index_cast %add3A_1814 : i32 to index
        %get3A_1830 = arith.constant 48 : index
        %get3A_1831 = tpu.vector_load %arg15[%get3A_1829, %get3A_1830] {strides = array<i32>} : memref<800x64xf32, #tpu.memory_space<vmem>>, vector<16xf32>,
        %mul3A_1832 = arith.mulf %sub3A_222, %get3A_1831 : vector<16xf32>
        %add3A_1833 = arith.addf %add3A_1828, %mul3A_1832 : vector<16xf32>
        %reduce_sum3A_1834 = arith.constant true
        %reduce_sum3A_1835 = vector.broadcast %reduce_sum3A_1834 : i1 to vector<16xi1>
        %reduce_sum3A_1836 = tpu.scan <sum>, %add3A_1833 masked %reduce_sum3A_1835 : vector<16xf32>, vector<16xi1> -> vector<16xf32>
        %reduce_sum3A_1837 = vector.extract %reduce_sum3A_1836[15] : f32 from vector<16xf32>
        %eq3A_1838 = arith.constant 13 : i32
        %eq3A_1839 = vector.broadcast %eq3A_1838 : i32 to vector<16xi32>
        %eq3A_1840 = arith.cmpi eq, %iota3A, %eq3A_1839 : vector<16xi32>
        %broadcast_in_dim3A_1841 = vector.broadcast %reduce_sum3A_1837 : f32 to vector<16xf32>
        %select_n3A_1842 = arith.select %eq3A_1840, %broadcast_in_dim3A_1841, %select_n3A_1808 : vector<16xi1>, vector<16xf32>
        %mul3A_1843 = arith.constant 50 : i32
        %mul3A_1844 = arith.muli %add3A_203, %mul3A_1843 : i32
        %add3A_1845 = arith.constant 400 : i32
        %add3A_1846 = arith.addi %add3A_1845, %mul3A_1844 : i32
        %add3A_1847 = arith.constant 46 : i32
        %add3A_1848 = arith.addi %add3A_1846, %add3A_1847 : i32
        %get3A_1849 = arith.index_cast %add3A_1848 : i32 to index
        %get3A_1850 = arith.constant 0 : index
        %get3A_1851 = tpu.vector_load %arg15[%get3A_1849, %get3A_1850] {strides = array<i32>} : memref<800x64xf32, #tpu.memory_space<vmem>>, vector<16xf32>,
        %mul3A_1852 = arith.mulf %sub3A, %get3A_1851 : vector<16xf32>
        %get3A_1853 = arith.index_cast %add3A_1848 : i32 to index
        %get3A_1854 = arith.constant 16 : index
        %get3A_1855 = tpu.vector_load %arg15[%get3A_1853, %get3A_1854] {strides = array<i32>} : memref<800x64xf32, #tpu.memory_space<vmem>>, vector<16xf32>,
        %mul3A_1856 = arith.mulf %sub3A_214, %get3A_1855 : vector<16xf32>
        %add3A_1857 = arith.addf %mul3A_1852, %mul3A_1856 : vector<16xf32>
        %get3A_1858 = arith.index_cast %add3A_1848 : i32 to index
        %get3A_1859 = arith.constant 32 : index
        %get3A_1860 = tpu.vector_load %arg15[%get3A_1858, %get3A_1859] {strides = array<i32>} : memref<800x64xf32, #tpu.memory_space<vmem>>, vector<16xf32>,
        %mul3A_1861 = arith.mulf %sub3A_218, %get3A_1860 : vector<16xf32>
        %add3A_1862 = arith.addf %add3A_1857, %mul3A_1861 : vector<16xf32>
        %get3A_1863 = arith.index_cast %add3A_1848 : i32 to index
        %get3A_1864 = arith.constant 48 : index
        %get3A_1865 = tpu.vector_load %arg15[%get3A_1863, %get3A_1864] {strides = array<i32>} : memref<800x64xf32, #tpu.memory_space<vmem>>, vector<16xf32>,
        %mul3A_1866 = arith.mulf %sub3A_222, %get3A_1865 : vector<16xf32>
        %add3A_1867 = arith.addf %add3A_1862, %mul3A_1866 : vector<16xf32>
        %reduce_sum3A_1868 = arith.constant true
        %reduce_sum3A_1869 = vector.broadcast %reduce_sum3A_1868 : i1 to vector<16xi1>
        %reduce_sum3A_1870 = tpu.scan <sum>, %add3A_1867 masked %reduce_sum3A_1869 : vector<16xf32>, vector<16xi1> -> vector<16xf32>
        %reduce_sum3A_1871 = vector.extract %reduce_sum3A_1870[15] : f32 from vector<16xf32>
        %eq3A_1872 = arith.constant 14 : i32
        %eq3A_1873 = vector.broadcast %eq3A_1872 : i32 to vector<16xi32>
        %eq3A_1874 = arith.cmpi eq, %iota3A, %eq3A_1873 : vector<16xi32>
        %broadcast_in_dim3A_1875 = vector.broadcast %reduce_sum3A_1871 : f32 to vector<16xf32>
        %select_n3A_1876 = arith.select %eq3A_1874, %broadcast_in_dim3A_1875, %select_n3A_1842 : vector<16xi1>, vector<16xf32>
        %mul3A_1877 = arith.constant 50 : i32
        %mul3A_1878 = arith.muli %add3A_203, %mul3A_1877 : i32
        %add3A_1879 = arith.constant 400 : i32
        %add3A_1880 = arith.addi %add3A_1879, %mul3A_1878 : i32
        %add3A_1881 = arith.constant 47 : i32
        %add3A_1882 = arith.addi %add3A_1880, %add3A_1881 : i32
        %get3A_1883 = arith.index_cast %add3A_1882 : i32 to index
        %get3A_1884 = arith.constant 0 : index
        %get3A_1885 = tpu.vector_load %arg15[%get3A_1883, %get3A_1884] {strides = array<i32>} : memref<800x64xf32, #tpu.memory_space<vmem>>, vector<16xf32>,
        %mul3A_1886 = arith.mulf %sub3A, %get3A_1885 : vector<16xf32>
        %get3A_1887 = arith.index_cast %add3A_1882 : i32 to index
        %get3A_1888 = arith.constant 16 : index
        %get3A_1889 = tpu.vector_load %arg15[%get3A_1887, %get3A_1888] {strides = array<i32>} : memref<800x64xf32, #tpu.memory_space<vmem>>, vector<16xf32>,
        %mul3A_1890 = arith.mulf %sub3A_214, %get3A_1889 : vector<16xf32>
        %add3A_1891 = arith.addf %mul3A_1886, %mul3A_1890 : vector<16xf32>
        %get3A_1892 = arith.index_cast %add3A_1882 : i32 to index
        %get3A_1893 = arith.constant 32 : index
        %get3A_1894 = tpu.vector_load %arg15[%get3A_1892, %get3A_1893] {strides = array<i32>} : memref<800x64xf32, #tpu.memory_space<vmem>>, vector<16xf32>,
        %mul3A_1895 = arith.mulf %sub3A_218, %get3A_1894 : vector<16xf32>
        %add3A_1896 = arith.addf %add3A_1891, %mul3A_1895 : vector<16xf32>
        %get3A_1897 = arith.index_cast %add3A_1882 : i32 to index
        %get3A_1898 = arith.constant 48 : index
        %get3A_1899 = tpu.vector_load %arg15[%get3A_1897, %get3A_1898] {strides = array<i32>} : memref<800x64xf32, #tpu.memory_space<vmem>>, vector<16xf32>,
        %mul3A_1900 = arith.mulf %sub3A_222, %get3A_1899 : vector<16xf32>
        %add3A_1901 = arith.addf %add3A_1896, %mul3A_1900 : vector<16xf32>
        %reduce_sum3A_1902 = arith.constant true
        %reduce_sum3A_1903 = vector.broadcast %reduce_sum3A_1902 : i1 to vector<16xi1>
        %reduce_sum3A_1904 = tpu.scan <sum>, %add3A_1901 masked %reduce_sum3A_1903 : vector<16xf32>, vector<16xi1> -> vector<16xf32>
        %reduce_sum3A_1905 = vector.extract %reduce_sum3A_1904[15] : f32 from vector<16xf32>
        %eq3A_1906 = arith.constant 15 : i32
        %eq3A_1907 = vector.broadcast %eq3A_1906 : i32 to vector<16xi32>
        %eq3A_1908 = arith.cmpi eq, %iota3A, %eq3A_1907 : vector<16xi32>
        %broadcast_in_dim3A_1909 = vector.broadcast %reduce_sum3A_1905 : f32 to vector<16xf32>
        %select_n3A_1910 = arith.select %eq3A_1908, %broadcast_in_dim3A_1909, %select_n3A_1876 : vector<16xi1>, vector<16xf32>
        %add3A_1911 = arith.constant 32 : i32
        %add3A_1912 = vector.broadcast %add3A_1911 : i32 to vector<16xi32>
        %add3A_1913 = arith.addi %iota3A, %add3A_1912 : vector<16xi32>
        %lt3A_1914 = arith.constant 50 : i32
        %lt3A_1915 = vector.broadcast %lt3A_1914 : i32 to vector<16xi32>
        %lt3A_1916 = arith.cmpi slt, %add3A_1913, %lt3A_1915 : vector<16xi32>
        %min3A_1917 = arith.constant 49 : i32
        %min3A_1918 = vector.broadcast %min3A_1917 : i32 to vector<16xi32>
        %min3A_1919 = arith.minsi %add3A_1913, %min3A_1918 : vector<16xi32>
        %add3A_1920 = arith.addi %broadcast_in_dim3A_237, %min3A_1919 : vector<16xi32>
        %gather3A_1921 = tpu.vector_load_idx %arg20[%add3A_1920] : memref<800xf32, #tpu.memory_space<vmem>>[vector<16xi32>], vector<16xf32>,
        %mul3A_1922 = arith.constant 50 : i32
        %mul3A_1923 = vector.broadcast %mul3A_1922 : i32 to vector<16xi32>
        %mul3A_1924 = arith.muli %broadcast_in_dim3A_207, %mul3A_1923 : vector<16xi32>
        %add3A_1925 = arith.addi %mul3A_1924, %add3A_1913 : vector<16xi32>
        %sub3A_1926 = vector.broadcast %reduce_sum3A_232 : f32 to vector<16xf32>
        %sub3A_1927 = arith.subf %select_n3A_1910, %sub3A_1926 : vector<16xf32>
        %add3A_1928 = arith.addf %sub3A_1927, %gather3A : vector<16xf32>
        %add3A_1929 = arith.addf %add3A_1928, %gather3A_1921 : vector<16xf32>
        tpu.vector_store_idx %arg22[%add3A_1925], %add3A_1929 masked %lt3A_1916 : memref<6400xf32, #tpu.memory_space<vmem>>[vector<16xi32>], vector<16xf32>, vector<16xi1>
        %broadcast_in_dim3A_1930 = arith.constant 0.000000e+00 : f32
        %broadcast_in_dim3A_1931 = vector.broadcast %broadcast_in_dim3A_1930 : f32 to vector<16xf32>
        %mul3A_1932 = arith.constant 50 : i32
        %mul3A_1933 = arith.muli %add3A_203, %mul3A_1932 : i32
        %add3A_1934 = arith.constant 400 : i32
        %add3A_1935 = arith.addi %add3A_1934, %mul3A_1933 : i32
        %add3A_1936 = arith.constant 48 : i32
        %add3A_1937 = arith.addi %add3A_1935, %add3A_1936 : i32
        %get3A_1938 = arith.index_cast %add3A_1937 : i32 to index
        %get3A_1939 = arith.constant 0 : index
        %get3A_1940 = tpu.vector_load %arg15[%get3A_1938, %get3A_1939] {strides = array<i32>} : memref<800x64xf32, #tpu.memory_space<vmem>>, vector<16xf32>,
        %mul3A_1941 = arith.mulf %sub3A, %get3A_1940 : vector<16xf32>
        %get3A_1942 = arith.index_cast %add3A_1937 : i32 to index
        %get3A_1943 = arith.constant 16 : index
        %get3A_1944 = tpu.vector_load %arg15[%get3A_1942, %get3A_1943] {strides = array<i32>} : memref<800x64xf32, #tpu.memory_space<vmem>>, vector<16xf32>,
        %mul3A_1945 = arith.mulf %sub3A_214, %get3A_1944 : vector<16xf32>
        %add3A_1946 = arith.addf %mul3A_1941, %mul3A_1945 : vector<16xf32>
        %get3A_1947 = arith.index_cast %add3A_1937 : i32 to index
        %get3A_1948 = arith.constant 32 : index
        %get3A_1949 = tpu.vector_load %arg15[%get3A_1947, %get3A_1948] {strides = array<i32>} : memref<800x64xf32, #tpu.memory_space<vmem>>, vector<16xf32>,
        %mul3A_1950 = arith.mulf %sub3A_218, %get3A_1949 : vector<16xf32>
        %add3A_1951 = arith.addf %add3A_1946, %mul3A_1950 : vector<16xf32>
        %get3A_1952 = arith.index_cast %add3A_1937 : i32 to index
        %get3A_1953 = arith.constant 48 : index
        %get3A_1954 = tpu.vector_load %arg15[%get3A_1952, %get3A_1953] {strides = array<i32>} : memref<800x64xf32, #tpu.memory_space<vmem>>, vector<16xf32>,
        %mul3A_1955 = arith.mulf %sub3A_222, %get3A_1954 : vector<16xf32>
        %add3A_1956 = arith.addf %add3A_1951, %mul3A_1955 : vector<16xf32>
        %reduce_sum3A_1957 = arith.constant true
        %reduce_sum3A_1958 = vector.broadcast %reduce_sum3A_1957 : i1 to vector<16xi1>
        %reduce_sum3A_1959 = tpu.scan <sum>, %add3A_1956 masked %reduce_sum3A_1958 : vector<16xf32>, vector<16xi1> -> vector<16xf32>
        %reduce_sum3A_1960 = vector.extract %reduce_sum3A_1959[15] : f32 from vector<16xf32>
        %eq3A_1961 = arith.constant 0 : i32
        %eq3A_1962 = vector.broadcast %eq3A_1961 : i32 to vector<16xi32>
        %eq3A_1963 = arith.cmpi eq, %iota3A, %eq3A_1962 : vector<16xi32>
        %broadcast_in_dim3A_1964 = vector.broadcast %reduce_sum3A_1960 : f32 to vector<16xf32>
        %select_n3A_1965 = arith.select %eq3A_1963, %broadcast_in_dim3A_1964, %broadcast_in_dim3A_1931 : vector<16xi1>, vector<16xf32>
        %mul3A_1966 = arith.constant 50 : i32
        %mul3A_1967 = arith.muli %add3A_203, %mul3A_1966 : i32
        %add3A_1968 = arith.constant 400 : i32
        %add3A_1969 = arith.addi %add3A_1968, %mul3A_1967 : i32
        %add3A_1970 = arith.constant 49 : i32
        %add3A_1971 = arith.addi %add3A_1969, %add3A_1970 : i32
        %get3A_1972 = arith.index_cast %add3A_1971 : i32 to index
        %get3A_1973 = arith.constant 0 : index
        %get3A_1974 = tpu.vector_load %arg15[%get3A_1972, %get3A_1973] {strides = array<i32>} : memref<800x64xf32, #tpu.memory_space<vmem>>, vector<16xf32>,
        %mul3A_1975 = arith.mulf %sub3A, %get3A_1974 : vector<16xf32>
        %get3A_1976 = arith.index_cast %add3A_1971 : i32 to index
        %get3A_1977 = arith.constant 16 : index
        %get3A_1978 = tpu.vector_load %arg15[%get3A_1976, %get3A_1977] {strides = array<i32>} : memref<800x64xf32, #tpu.memory_space<vmem>>, vector<16xf32>,
        %mul3A_1979 = arith.mulf %sub3A_214, %get3A_1978 : vector<16xf32>
        %add3A_1980 = arith.addf %mul3A_1975, %mul3A_1979 : vector<16xf32>
        %get3A_1981 = arith.index_cast %add3A_1971 : i32 to index
        %get3A_1982 = arith.constant 32 : index
        %get3A_1983 = tpu.vector_load %arg15[%get3A_1981, %get3A_1982] {strides = array<i32>} : memref<800x64xf32, #tpu.memory_space<vmem>>, vector<16xf32>,
        %mul3A_1984 = arith.mulf %sub3A_218, %get3A_1983 : vector<16xf32>
        %add3A_1985 = arith.addf %add3A_1980, %mul3A_1984 : vector<16xf32>
        %get3A_1986 = arith.index_cast %add3A_1971 : i32 to index
        %get3A_1987 = arith.constant 48 : index
        %get3A_1988 = tpu.vector_load %arg15[%get3A_1986, %get3A_1987] {strides = array<i32>} : memref<800x64xf32, #tpu.memory_space<vmem>>, vector<16xf32>,
        %mul3A_1989 = arith.mulf %sub3A_222, %get3A_1988 : vector<16xf32>
        %add3A_1990 = arith.addf %add3A_1985, %mul3A_1989 : vector<16xf32>
        %reduce_sum3A_1991 = arith.constant true
        %reduce_sum3A_1992 = vector.broadcast %reduce_sum3A_1991 : i1 to vector<16xi1>
        %reduce_sum3A_1993 = tpu.scan <sum>, %add3A_1990 masked %reduce_sum3A_1992 : vector<16xf32>, vector<16xi1> -> vector<16xf32>
        %reduce_sum3A_1994 = vector.extract %reduce_sum3A_1993[15] : f32 from vector<16xf32>
        %eq3A_1995 = arith.constant 1 : i32
        %eq3A_1996 = vector.broadcast %eq3A_1995 : i32 to vector<16xi32>
        %eq3A_1997 = arith.cmpi eq, %iota3A, %eq3A_1996 : vector<16xi32>
        %broadcast_in_dim3A_1998 = vector.broadcast %reduce_sum3A_1994 : f32 to vector<16xf32>
        %select_n3A_1999 = arith.select %eq3A_1997, %broadcast_in_dim3A_1998, %select_n3A_1965 : vector<16xi1>, vector<16xf32>
        %add3A_2000 = arith.constant 48 : i32
        %add3A_2001 = vector.broadcast %add3A_2000 : i32 to vector<16xi32>
        %add3A_2002 = arith.addi %iota3A, %add3A_2001 : vector<16xi32>
        %lt3A_2003 = arith.constant 50 : i32
        %lt3A_2004 = vector.broadcast %lt3A_2003 : i32 to vector<16xi32>
        %lt3A_2005 = arith.cmpi slt, %add3A_2002, %lt3A_2004 : vector<16xi32>
        %min3A_2006 = arith.constant 49 : i32
        %min3A_2007 = vector.broadcast %min3A_2006 : i32 to vector<16xi32>
        %min3A_2008 = arith.minsi %add3A_2002, %min3A_2007 : vector<16xi32>
        %add3A_2009 = arith.addi %broadcast_in_dim3A_237, %min3A_2008 : vector<16xi32>
        %gather3A_2010 = tpu.vector_load_idx %arg20[%add3A_2009] : memref<800xf32, #tpu.memory_space<vmem>>[vector<16xi32>], vector<16xf32>,
        %mul3A_2011 = arith.constant 50 : i32
        %mul3A_2012 = vector.broadcast %mul3A_2011 : i32 to vector<16xi32>
        %mul3A_2013 = arith.muli %broadcast_in_dim3A_207, %mul3A_2012 : vector<16xi32>
        %add3A_2014 = arith.addi %mul3A_2013, %add3A_2002 : vector<16xi32>
        %sub3A_2015 = vector.broadcast %reduce_sum3A_232 : f32 to vector<16xf32>
        %sub3A_2016 = arith.subf %select_n3A_1999, %sub3A_2015 : vector<16xf32>
        %add3A_2017 = arith.addf %sub3A_2016, %gather3A : vector<16xf32>
        %add3A_2018 = arith.addf %add3A_2017, %gather3A_2010 : vector<16xf32>
        tpu.vector_store_idx %arg22[%add3A_2014], %add3A_2018 masked %lt3A_2005 : memref<6400xf32, #tpu.memory_space<vmem>>[vector<16xi32>], vector<16xf32>, vector<16xi1>
      }
      %scan3A_198 = arith.constant 8 : i32
    }
    %scan3A_84 = arith.constant 8 : i32
    %mul3A_85 = arith.constant 50 : i32
    %mul3A_86 = arith.muli %mul3A_2, %mul3A_85 : i32
    "tpu.region"() ({
      %run_scoped3A = tpu.sem_alloc : memref<!tpu.dma_semaphore, #tpu.memory_space<semaphore_mem>>
      %dma_start3A_89 = tpu.memref_slice %arg9[%mul3A_86] : memref<204800xf32, #tpu.memory_space<hbm>> -> memref<6400xf32, #tpu.memory_space<hbm>>
      %dma_start3A_90 = tpu.memref_slice %arg9[%mul3A_86] : memref<204800xf32, #tpu.memory_space<hbm>> -> memref<6400xf32, #tpu.memory_space<hbm>>
      tpu.enqueue_dma source(%arg22 : memref<6400xf32, #tpu.memory_space<vmem>>) target(%dma_start3A_90 : memref<6400xf32, #tpu.memory_space<hbm>>) target_semaphore(%run_scoped3A : memref<!tpu.dma_semaphore, #tpu.memory_space<semaphore_mem>>)
      %dma_wait3A_91 = tpu.memref_slice %arg9[%mul3A_86] : memref<204800xf32, #tpu.memory_space<hbm>> -> memref<6400xf32, #tpu.memory_space<hbm>>
      %dma_wait3A_92 = tpu.memref_slice %arg9[%mul3A_86] : memref<204800xf32, #tpu.memory_space<hbm>> -> memref<6400xf32, #tpu.memory_space<hbm>>
      tpu.wait_dma2 semaphore(%run_scoped3A : memref<!tpu.dma_semaphore, #tpu.memory_space<semaphore_mem>>) src(%arg22 : memref<6400xf32, #tpu.memory_space<vmem>>) dst(%dma_wait3A_92 : memref<6400xf32, #tpu.memory_space<hbm>>)
      tpu.yield
    }) : () -> ()
    %mul3A_87 = arith.constant 32 : i32
    %mul3A_88 = arith.muli %add3A, %mul3A_87 : i32
    "tpu.region"() ({
      %run_scoped3A = tpu.sem_alloc : memref<!tpu.dma_semaphore, #tpu.memory_space<semaphore_mem>>
      %dma_start3A_89 = tpu.memref_slice %arg10[%mul3A_88] : memref<1024xf32, #tpu.memory_space<hbm>> -> memref<32xf32, #tpu.memory_space<hbm>>
      %dma_start3A_90 = tpu.memref_slice %arg10[%mul3A_88] : memref<1024xf32, #tpu.memory_space<hbm>> -> memref<32xf32, #tpu.memory_space<hbm>>
      tpu.enqueue_dma source(%arg23 : memref<32xf32, #tpu.memory_space<vmem>>) target(%dma_start3A_90 : memref<32xf32, #tpu.memory_space<hbm>>) target_semaphore(%run_scoped3A : memref<!tpu.dma_semaphore, #tpu.memory_space<semaphore_mem>>)
      %dma_wait3A_91 = tpu.memref_slice %arg10[%mul3A_88] : memref<1024xf32, #tpu.memory_space<hbm>> -> memref<32xf32, #tpu.memory_space<hbm>>
      %dma_wait3A_92 = tpu.memref_slice %arg10[%mul3A_88] : memref<1024xf32, #tpu.memory_space<hbm>> -> memref<32xf32, #tpu.memory_space<hbm>>
      tpu.wait_dma2 semaphore(%run_scoped3A : memref<!tpu.dma_semaphore, #tpu.memory_space<semaphore_mem>>) src(%arg23 : memref<32xf32, #tpu.memory_space<vmem>>) dst(%dma_wait3A_92 : memref<32xf32, #tpu.memory_space<hbm>>)
      tpu.yield
    }) : () -> ()
    return
  }
}

module attributes {stable_mosaic.version = 14 : i64} {
  func.func @_repack_body(%arg0: i32, %arg1: memref<64x2048xf32, #tpu.memory_space<vmem>>, %arg2: memref<2048x128xf32, #tpu.memory_space<vmem>>) attributes {dimension_semantics = [#tpu.dimension_semantics<arbitrary>], iteration_bounds = array<i64: 49>, scalar_prefetch = 0 : i64, scratch_operands = 0 : i64, tpu.core_type = #tpu.core_type<tc>, window_params = [{transform_indices = @transform_0, window_bounds = array<i64: 64, 2048>}, {transform_indices = @transform_1, window_bounds = array<i64: 2048, 128>}]} {
    %get3A = arith.constant 0 : index
    %get3A_0 = arith.constant 0 : index
    %get3A_1 = vector.load %arg1[%get3A, %get3A_0] : memref<64x2048xf32, #tpu.memory_space<vmem>>, vector<64x2048xf32>
    %transpose3A = tpu.transpose %get3A_1, [1, 0] : vector<64x2048xf32> -> vector<2048x64xf32>
    %broadcast_in_dim3A = arith.constant 0.000000e+00 : f32
    %broadcast_in_dim3A_2 = vector.broadcast %broadcast_in_dim3A : f32 to vector<2048x64xf32>
    %concatenate3A = tpu.concatenate %transpose3A, %broadcast_in_dim3A_2 in 1 : vector<2048x64xf32>, vector<2048x64xf32> -> vector<2048x128xf32>
    %swap3A = arith.constant 0 : index
    %swap3A_3 = arith.constant 0 : index
    %swap3A_4 = vector.load %arg2[%swap3A, %swap3A_3] : memref<2048x128xf32, #tpu.memory_space<vmem>>, vector<2048x128xf32>
    tpu.vector_store %arg2[%swap3A, %swap3A_3], %concatenate3A {strides = array<i32>} : memref<2048x128xf32, #tpu.memory_space<vmem>>, vector<2048x128xf32>,
    return
  }
  func.func @transform_0(%arg0: i32) -> (i32, i32) {
    %c0_i32 = arith.constant 0 : i32
    %c0_i32_0 = arith.constant 0 : i32
    return %c0_i32, %arg0 : i32, i32
  }
  func.func @transform_1(%arg0: i32) -> (i32, i32) {
    %c0_i32 = arith.constant 0 : i32
    %c0_i32_0 = arith.constant 0 : i32
    return %arg0, %c0_i32 : i32, i32
  }
}

module attributes {stable_mosaic.version = 14 : i64} {
  func.func @_tc_body(%arg0: memref<100000xf32, #tpu.memory_space<vmem>>, %arg1: memref<8x128xf32, #tpu.memory_space<vmem>>, %arg2: memref<1x1xf32, #tpu.memory_space<vmem>>) attributes {dimension_semantics = [], scalar_prefetch = 0 : i64, scratch_operands = 0 : i64, tpu.core_type = #tpu.core_type<tc>} {
    %get3A = arith.constant 0 : index
    %get3A_0 = vector.load %arg0[%get3A] : memref<100000xf32, #tpu.memory_space<vmem>>, vector<100000xf32>
    %reduce_sum3A = vector.shape_cast %get3A_0 : vector<100000xf32> to vector<1x100000xf32>
    %reduce_sum3A_1 = arith.constant dense<0.000000e+00> : vector<1xf32>
    %reduce_sum3A_2 = vector.multi_reduction <add>, %reduce_sum3A, %reduce_sum3A_1 [1] : vector<1x100000xf32> to vector<1xf32>
    %reduce_sum3A_3 = vector.shape_cast %reduce_sum3A_2 : vector<1xf32> to vector<1x1xf32>
    %reduce_sum3A_4 = vector.extract %reduce_sum3A_3[0, 0] : f32 from vector<1x1xf32>
    %iota3A = tpu.iota {dimensions = array<i32: 1>} : vector<8x128xi32>
    %get3A_5 = arith.constant 0 : index
    %get3A_6 = arith.constant 0 : index
    %get3A_7 = vector.load %arg1[%get3A_5, %get3A_6] : memref<8x128xf32, #tpu.memory_space<vmem>>, vector<8x128xf32>
    %jit3A = arith.constant 32 : i32
    %eq3A = arith.constant 0 : i32
    %eq3A_8 = arith.cmpi eq, %jit3A, %eq3A : i32
    %jit3A_9 = arith.constant 1 : i32
    %select_n3A = arith.select %eq3A_8, %jit3A_9, %jit3A : i32
    %rem3A = vector.broadcast %select_n3A : i32 to vector<8x128xi32>
    %rem3A_10 = arith.remsi %iota3A, %rem3A : vector<8x128xi32>
    %ne3A = arith.constant 0 : i32
    %ne3A_11 = vector.broadcast %ne3A : i32 to vector<8x128xi32>
    %ne3A_12 = arith.cmpi ne, %rem3A_10, %ne3A_11 : vector<8x128xi32>
    %lt3A = arith.constant 0 : i32
    %lt3A_13 = vector.broadcast %lt3A : i32 to vector<8x128xi32>
    %lt3A_14 = arith.cmpi slt, %rem3A_10, %lt3A_13 : vector<8x128xi32>
    %lt3A_15 = arith.constant 0 : i32
    %lt3A_16 = arith.cmpi slt, %select_n3A, %lt3A_15 : i32
    %ne3A_17 = vector.broadcast %lt3A_16 : i1 to vector<8x128xi1>
    %ne3A_18 = vector.broadcast %ne3A_17 : vector<8x128xi1> to vector<8x128xi1>
    %ne3A_19 = arith.xori %lt3A_14, %ne3A_18 : vector<8x128xi1>
    %and3A = arith.andi %ne3A_19, %ne3A_12 : vector<8x128xi1>
    %add3A = vector.broadcast %select_n3A : i32 to vector<8x128xi32>
    %add3A_20 = arith.addi %rem3A_10, %add3A : vector<8x128xi32>
    %select_n3A_21 = arith.select %and3A, %add3A_20, %rem3A_10 : vector<8x128xi1>, vector<8x128xi32>
    %lt3A_22 = arith.constant 16 : i32
    %lt3A_23 = vector.broadcast %lt3A_22 : i32 to vector<8x128xi32>
    %lt3A_24 = arith.cmpi slt, %select_n3A_21, %lt3A_23 : vector<8x128xi32>
    %jit3A_25 = arith.constant 0.000000e+00 : f32
    %broadcast_in_dim3A = vector.broadcast %jit3A_25 : f32 to vector<8x128xf32>
    %select_n3A_26 = arith.select %lt3A_24, %get3A_7, %broadcast_in_dim3A : vector<8x128xi1>, vector<8x128xf32>
    %reduce_sum3A_27 = vector.shape_cast %select_n3A_26 : vector<8x128xf32> to vector<1x8x128xf32>
    %reduce_sum3A_28 = arith.constant dense<0.000000e+00> : vector<1xf32>
    %reduce_sum3A_29 = vector.multi_reduction <add>, %reduce_sum3A_27, %reduce_sum3A_28 [1, 2] : vector<1x8x128xf32> to vector<1xf32>
    %reduce_sum3A_30 = vector.shape_cast %reduce_sum3A_29 : vector<1xf32> to vector<1x1x1xf32>
    %reduce_sum3A_31 = vector.extract %reduce_sum3A_30[0, 0, 0] : f32 from vector<1x1x1xf32>
    %jit3A_32 = arith.constant 32 : i32
    %eq3A_33 = arith.constant 0 : i32
    %eq3A_34 = arith.cmpi eq, %jit3A_32, %eq3A_33 : i32
    %jit3A_35 = arith.constant 1 : i32
    %select_n3A_36 = arith.select %eq3A_34, %jit3A_35, %jit3A_32 : i32
    %rem3A_37 = vector.broadcast %select_n3A_36 : i32 to vector<8x128xi32>
    %rem3A_38 = arith.remsi %iota3A, %rem3A_37 : vector<8x128xi32>
    %ne3A_39 = arith.constant 0 : i32
    %ne3A_40 = vector.broadcast %ne3A_39 : i32 to vector<8x128xi32>
    %ne3A_41 = arith.cmpi ne, %rem3A_38, %ne3A_40 : vector<8x128xi32>
    %lt3A_42 = arith.constant 0 : i32
    %lt3A_43 = vector.broadcast %lt3A_42 : i32 to vector<8x128xi32>
    %lt3A_44 = arith.cmpi slt, %rem3A_38, %lt3A_43 : vector<8x128xi32>
    %lt3A_45 = arith.constant 0 : i32
    %lt3A_46 = arith.cmpi slt, %select_n3A_36, %lt3A_45 : i32
    %ne3A_47 = vector.broadcast %lt3A_46 : i1 to vector<8x128xi1>
    %ne3A_48 = vector.broadcast %ne3A_47 : vector<8x128xi1> to vector<8x128xi1>
    %ne3A_49 = arith.xori %lt3A_44, %ne3A_48 : vector<8x128xi1>
    %and3A_50 = arith.andi %ne3A_49, %ne3A_41 : vector<8x128xi1>
    %add3A_51 = vector.broadcast %select_n3A_36 : i32 to vector<8x128xi32>
    %add3A_52 = arith.addi %rem3A_38, %add3A_51 : vector<8x128xi32>
    %select_n3A_53 = arith.select %and3A_50, %add3A_52, %rem3A_38 : vector<8x128xi1>, vector<8x128xi32>
    %ge3A = arith.constant 16 : i32
    %ge3A_54 = vector.broadcast %ge3A : i32 to vector<8x128xi32>
    %ge3A_55 = arith.cmpi sge, %select_n3A_53, %ge3A_54 : vector<8x128xi32>
    %jit3A_56 = arith.constant 0.000000e+00 : f32
    %broadcast_in_dim3A_57 = vector.broadcast %jit3A_56 : f32 to vector<8x128xf32>
    %select_n3A_58 = arith.select %ge3A_55, %get3A_7, %broadcast_in_dim3A_57 : vector<8x128xi1>, vector<8x128xf32>
    %reduce_sum3A_59 = vector.shape_cast %select_n3A_58 : vector<8x128xf32> to vector<1x8x128xf32>
    %reduce_sum3A_60 = arith.constant dense<0.000000e+00> : vector<1xf32>
    %reduce_sum3A_61 = vector.multi_reduction <add>, %reduce_sum3A_59, %reduce_sum3A_60 [1, 2] : vector<1x8x128xf32> to vector<1xf32>
    %reduce_sum3A_62 = vector.shape_cast %reduce_sum3A_61 : vector<1xf32> to vector<1x1x1xf32>
    %reduce_sum3A_63 = vector.extract %reduce_sum3A_62[0, 0, 0] : f32 from vector<1x1x1xf32>
    %get3A_64 = arith.constant 99999 : index
    %get3A_65 = vector.load %arg0[%get3A_64] : memref<100000xf32, #tpu.memory_space<vmem>>, vector<1xf32>
    %get3A_66 = vector.extract %get3A_65[0] : f32 from vector<1xf32>
    %div3A = arith.constant 4.096000e+03 : f32
    %div3A_67 = arith.divf %reduce_sum3A_31, %div3A : f32
    %div3A_68 = arith.constant 2.048000e+05 : f32
    %div3A_69 = arith.divf %reduce_sum3A_63, %div3A_68 : f32
    %add3A_70 = arith.addf %div3A_67, %div3A_69 : f32
    %add3A_71 = arith.addf %add3A_70, %get3A_66 : f32
    %div3A_72 = arith.constant 1.000000e+05 : f32
    %div3A_73 = arith.divf %reduce_sum3A_4, %div3A_72 : f32
    %add3A_74 = arith.addf %add3A_71, %div3A_73 : f32
    %mul3A = arith.constant 5.000000e-01 : f32
    %mul3A_75 = arith.mulf %mul3A, %add3A_74 : f32
    %broadcast_in_dim3A_76 = vector.broadcast %mul3A_75 : f32 to vector<1x1xf32>
    %swap3A = arith.constant 0 : index
    %swap3A_77 = arith.constant 0 : index
    %swap3A_78 = vector.load %arg2[%swap3A, %swap3A_77] : memref<1x1xf32, #tpu.memory_space<vmem>>, vector<1x1xf32>
    tpu.vector_store %arg2[%swap3A, %swap3A_77], %broadcast_in_dim3A_76 {strides = array<i32>} : memref<1x1xf32, #tpu.memory_space<vmem>>, vector<1x1xf32>,
    return
  }
}

</mosaic_0001>

<sc_bundles>
// kernel: kernel.5.cloned.1.call-start
scs
__scs_entry_jumppad:
0x0: {  	(pc) =	sbr.rel $0x88, $3  }
0x1: {  	(tag) =	ssettag $0x0;
	lr =	simm.s32 $0x1  }
0x2: {  	[smem:$0x3F9C] =	sst lr;
	_ =	strace $0xD0000000  }
0x3: {  	_ = 	snop  }
0x4: {  	_ = 	snop  }
0x5: {  	_ = 	snop  }
0x6: {  	_ = 	snop  }
0x7: {  	_ = 	snop  }
__scs_overlays_trampoline_lowered:
0x8: {  	[smem:$0x3FAB] =	sst s0  }
0x9: {  	[smem:$0x3FAC] =	sst s1  }
0xa: {  	[smem:$0x3FAD] =	sst s2  }
0xb: {  	[smem:$0x3FAE] =	sst s3  }
0xc: {  	[smem:$0x3FAF] =	sst s4  }
0xd: {  	[smem:$0x3FB0] =	sst s5  }
0xe: {  	[smem:$0x3FB1] =	sst s6  }
0xf: {  	[smem:$0x3FB2] =	sst s7  }
0x10: {  	[smem:$0x3FB3] =	sst s8  }
0x11: {  	[smem:$0x3FB4] =	sst s9;
	s0 =	simm.s32 @!p0 $0x0  }
0x12: {  	s1 =	sld [smem:$0x3F9A];
	s0 =	simm.s32 @p0 $0x1  }
0x13: {  	[smem:$0x3FB5] =	sst s0;
	s0 =	simm.s32 @!p1 $0x0  }
0x14: {  	s2 =	sld [smem:$0x3F99];
	s0 =	simm.s32 @p1 $0x1  }
0x15: {  	[smem:$0x3FB6] =	sst s0;
	s0 =	simm.s32 @!p2 $0x0  }
0x16: {  	s3 =	sld [smem:$0x3FDB];
	s0 =	simm.s32 @p2 $0x1  }
0x17: {  	s4 =	simm.s32 $0x1BF5;
	[smem:$0x3FB8] =	sst s0  }
0x18: {  	s0 =	sld [smem:$0x3F9B];
	_ =	swait.ge [sflag:s4], $0x0  }
0x19: {  	s7 =	sld [smem:$0x3F9C]  }
0x1a: {  	s8 =	sadd.s32 $0xFFFFE003, lr  }
0x1b: {  	s9 =	sadd.s32 $0xFFFFFEF7, lr;
	s5 =	simm.s32 $0xFFFFFFFF;
	p2 =	slt.u32 s8, $0xFFFFF086  }
0x1c: {  	p1 =	slt.u32 s9, $0xF7A;
	s5 =	simm.s32 @!p2 $0x0  }
0x1d: {  	s5 =	simm.s32 @p1 $0x1;
	p0 =	seq.s32 s7, s2  }
0x1e: {  	s7 =	smul.u32 @!p0 $0xF7A, s2;
	p2 =	seq.s32 @!p0 s5, $0x0  }
0x1f: {  	s9 =	smul.u32 $0xF7A, s1;
	s8 =	simm.s32 @!p0 $0x1BF5;
	p2 =	por !p2, p0  }
0x20: {  	[sflag:s8] =	ssyncset.s32 @!p0 $0xFFFFF086;
	s6 =	sadd.s32 @!p0 s3, s7;
	s7 =	simm.s32 @!p0 $0x108  }
0x21: {  	s3 =	sadd.s32 s3, s9;
	s6 =	sadd.s32 @!p0 $0x88, s6;
	s7 =	simm.s32 @p2 $0x1082  }
0x22: {  	[simem:s7], [sflag:s8] =	dma.local @!p0 [hbm:s6], $0xF7A  }
0x23: {  	s9 =	sor.u32 $0xD0000000, s2;
	s6 =	simm.s32 $0x108;
	_ =	swait.ge @!p0 [sflag:s8], $0x0  }
0x24: {  	s3 =	sadd.s32 $0x88, s3;
	s6 =	simm.s32 @!p1 $0x1082;
	[sflag:s4] =	ssyncset.s32 $0xFFFFF086  }
0x25: {  	[simem:s6], [sflag:s4] =	dma.local [hbm:s3], $0xF7A  }
0x26: {  	[smem:$0x3F9C] =	sst s1;
	(tag) =	ssettag s2;
	_ =	strace s9  }
0x27: {  	s1 =	sld [smem:$0x3FAC]  }
0x28: {  	s2 =	sld [smem:$0x3FAD]  }
0x29: {  	s4 =	sld [smem:$0x3FAF]  }
0x2a: {  	p0 =	seq.s32 s5, $0x0;
	s5 =	sld [smem:$0x3FB0]  }
0x2b: {  	s6 =	sld [smem:$0x3FB1]  }
0x2c: {  	s7 =	sld [smem:$0x3FB2]  }
0x2d: {  	s3 =	simm.s32 $0x108;
	s8 =	sld [smem:$0x3FB3]  }
0x2e: {  	s3 =	simm.s32 @!p0 $0x1082;
	s9 =	sld [smem:$0x3FB4]  }
0x2f: {  	lr =	sadd.s32 s0, s3;
	s0 =	sld [smem:$0x3FAB]  }
0x30: {  	s3 =	sld [smem:$0x3FAE]  }
0x31: {  	[smem:$0x3FB7] =	sst s10  }
0x32: {  	s10 =	sld [smem:$0x3FB5];
	_ =	sdelay $0x3  }
0x33: {  	p0 =	seq.s32 s10, $0x1;
	s10 =	sld [smem:$0x3FB7];
	_ =	sdelay $0x3  }
0x34: {  	[smem:$0x3FB7] =	sst s10  }
0x35: {  	s10 =	sld [smem:$0x3FB6];
	_ =	sdelay $0x3  }
0x36: {  	p1 =	seq.s32 s10, $0x1;
	s10 =	sld [smem:$0x3FB7];
	_ =	sdelay $0x3  }
0x37: {  	[smem:$0x3FB7] =	sst s10  }
0x38: {  	s10 =	sld [smem:$0x3FB8]  }
0x39: {  	_ = 	snop;
	(pc) =	sbr.ind lr, $3  }
0x3a: {  	_ = 	snop  }
0x3b: {  	_ = 	snop  }
0x3c: {  	p2 =	seq.s32 s10, $0x1;
	s10 =	sld [smem:$0x3FB7]  }
0x3d: {  	_ =	shalt  }
0x3e: {  	_ =	shalt  }
0x3f: {  	_ =	shalt  }
0x40: {  	_ =	shalt  }
0x41: {  	_ =	shalt  }
0x42: {  	_ =	shalt  }
0x43: {  	_ =	shalt  }
0x44: {  	_ =	shalt  }
0x45: {  	_ =	shalt  }
0x46: {  	_ =	shalt  }
0x47: {  	_ =	shalt  }
0x48: {  	_ =	shalt  }
0x49: {  	_ =	shalt  }
0x4a: {  	_ =	shalt  }
0x4b: {  	_ =	shalt  }
0x4c: {  	_ =	shalt  }
0x4d: {  	_ =	shalt  }
0x4e: {  	_ =	shalt  }
0x4f: {  	_ =	shalt  }
0x50: {  	_ =	shalt  }
0x51: {  	_ =	shalt  }
0x52: {  	_ =	shalt  }
0x53: {  	_ =	shalt  }
0x54: {  	_ =	shalt  }
0x55: {  	_ =	shalt  }
0x56: {  	_ =	shalt  }
0x57: {  	_ =	shalt  }
0x58: {  	_ =	shalt  }
0x59: {  	_ =	shalt  }
0x5a: {  	_ =	shalt  }
0x5b: {  	_ =	shalt  }
0x5c: {  	_ =	shalt  }
0x5d: {  	_ =	shalt  }
0x5e: {  	_ =	shalt  }
0x5f: {  	_ =	shalt  }
0x60: {  	_ =	shalt  }
0x61: {  	_ =	shalt  }
0x62: {  	_ =	shalt  }
0x63: {  	_ =	shalt  }
0x64: {  	_ =	shalt  }
0x65: {  	_ =	shalt  }
0x66: {  	_ =	shalt  }
0x67: {  	_ =	shalt  }
0x68: {  	_ =	shalt  }
0x69: {  	_ =	shalt  }
0x6a: {  	_ =	shalt  }
0x6b: {  	_ =	shalt  }
0x6c: {  	_ =	shalt  }
0x6d: {  	_ =	shalt  }
0x6e: {  	_ =	shalt  }
0x6f: {  	_ =	shalt  }
0x70: {  	_ =	shalt  }
0x71: {  	_ =	shalt  }
0x72: {  	_ =	shalt  }
0x73: {  	_ =	shalt  }
0x74: {  	_ =	shalt  }
0x75: {  	_ =	shalt  }
0x76: {  	_ =	shalt  }
0x77: {  	_ =	shalt  }
0x78: {  	_ =	shalt  }
0x79: {  	_ =	shalt  }
0x7a: {  	_ =	shalt  }
0x7b: {  	_ =	shalt  }
0x7c: {  	_ =	shalt  }
0x7d: {  	_ =	shalt  }
0x7e: {  	_ =	shalt  }
0x7f: {  	_ =	shalt  }
0x80: {  	_ =	shalt  }
0x81: {  	_ =	shalt  }
0x82: {  	_ =	shalt  }
0x83: {  	_ =	shalt  }
0x84: {  	_ =	shalt  }
0x85: {  	_ =	shalt  }
0x86: {  	_ =	shalt  }
0x87: {  	_ =	shalt  }
.Lfunc_end0:
.L_simem_size_0:
called_computation_lowered:
.L_overlay_start_0:
0x88: {  	s2 =	sld [smem:$0x3FD9]  }
0x89: {  	s3 =	sld [smem:$0x3FFE];
	_ =	sdelay $0x1  }
0x8a: {  	s1 =	srdreg.scid  }
0x8b: {  	s0 =	sand.u32 $0x1, s1  }
0x8c: {  	s14 =	sshll.u32 s0, $0xA;
	s2 =	sadd.s32 s3, s2  }
0x8d: {  	s2 =	sadd.s32 s2, s14  }
0x8e: {  	[smem:$0x3FC3] =	sst s2  }
0x8f: {  	_ = 	snop  }
0x90: {  	s2 =	sld [smem:$0x3FD0];
	_ =	sdelay $0x1  }
0x91: {  	s15 =	sld [smem:$0x3FC7]  }
0x92: {  	s5 =	simm.s32 $0xA;
	s6 =	simm.s32 $0x10;
	s4 =	sld [smem:$0x3FC6]  }
0x93: {  	[smem:s6], [sflag:s5] =	dma.local [hbm:s2], $0x1  }
0x94: {  	_ =	swait.eq [sflag:s5], $0x1  }
0x95: {  	[sflag:s5] =	ssyncset.done $0x0  }
0x96: {  	[sflag:s5] =	ssyncadd.s32 $0xFFFFFFFF  }
0x97: {  	s16 =	sld [smem:$0x10];
	(tm) =	ssettm $0x1  }
0x98: {  	s17 =	sld [smem:$0x3FFB];
	_ =	sdelay $0x3  }
0x99: {  	_ =	strace s17  }
0x9a: {  	s5 =	sld [smem:$0x3FFC];
	_ =	sdelay $0x3  }
0x9b: {  	_ =	strace s5  }
0x9c: {  	s5 =	sld [smem:$0x3FFD];
	_ =	sdelay $0x3  }
0x9d: {  	_ =	strace s5  }
0x9e: {  	_ =	strace $0x8FFFFFFF  }
0x9f: {  	s18 =	sld [smem:$0x3FDB];
	_ =	sdelay $0x1  }
0xa0: {  	s19 =	simm.s32 $_scs_section_size  }
0xa1: {  	s7 =	simm.s32 $_size__tile_overlayer_lowered;
	s8 =	simm.s32 $_tile_overlayer_lowered  }
0xa2: {  	s22 =	simm.s32 $0x1BFF;
	s21 =	sshll.u32 s8, $0x1;
	s5 =	sadd.s32 s19, s18  }
0xa3: {  	s9 =	simm.s32 $0x0;
	s20 =	sshll.u32 s7, $0x1;
	s7 =	sadd.s32 s21, s5  }
0xa4: {  	[timem:s9], [sflag:s22] =	dma.local [hbm:s7], s20  }
0xa5: {  	_ =	swait.ge [sflag:s22], s20  }
0xa6: {  	s6 =	ssub.s32 $0x0, s20;
	[sflag:s22] =	ssyncset.done $0x0  }
0xa7: {  	[sflag:s22] =	ssyncadd.s32 s6;
	_ =	sdelay $0x1  }
0xa8: {  	s23 =	simm.s32 $0x1B8B  }
0xa9: {  	_ =	swait.ge [sflag:s23], $0x1  }
0xaa: {  	[sflag:s23] =	ssyncset.done $0x0  }
0xab: {  	s25 =	simm.s32 $0x1B8E;
	s24 =	sld [smem:$0x3FFE];
	[sflag:s23] =	ssyncadd.s32 $0xFFFFFFFF  }
0xac: {  	s26 =	simm.s32 $execute0_lowered;
	[smem:$0x3FD2] =	sst s25  }
0xad: {  	s7 =	sshll.u32 s26, $0x1;
	_ =	strace $0x80000046;
	[dreg:$0x1] =	wrdreg $0xFFFFFFFF  }
0xae: {  	s28 =	simm.s32 $_size_execute0_lowered;
	s5 =	sadd.s32 s5, s7;
	[dreg:$0x0] =	wrdreg $0x0  }
0xaf: {  	s7 =	sshll.u32 s28, $0x1;
	[dreg:$0x2] =	wrdreg s5  }
0xb0: {  	[dreg:$0x3] =	wrdreg s7  }
0xb1: {  	[dreg:$0x4] =	wrdreg $0xC0  }
0xb2: {  	_ =	task [dreg:s9], $0x5FFFF  }
0xb3: {  	[dreg:$0x1] =	wrdreg $0xFFFFFFFF  }
0xb4: {  	[dreg:$0x0] =	wrdreg $0x60  }
0xb5: {  	[dreg:$0x2] =	wrdreg s24  }
0xb6: {  	[dreg:$0x3] =	wrdreg s15  }
0xb7: {  	[dreg:$0x4] =	wrdreg s4  }
0xb8: {  	[dreg:$0x5] =	wrdreg s16  }
0xb9: {  	[dreg:$0x6] =	wrdreg $0x9  }
0xba: {  	_ =	task.clear_ibuf [dreg:s9], $0x7FFFF;
	_ =	strace $0x90000046  }
0xbb: {  	s29 =	simm.s32 $0x9;
	_ =	strace $0x80000048  }
0xbc: {  	_ =	swait.ge [sflag:s29], $0x1  }
0xbd: {  	[sflag:s29] =	ssyncadd.s32 $0xFFFFFFFF  }
0xbe: {  	_ =	strace $0x90000048  }
0xbf: {  	_ =	sfence  }
0xc0: {  	s30 =	sld [smem:$0x0];
	_ =	sdelay $0x2  }
0xc1: {  	s31 =	sshll.u32 s1, $0xD;
	s1 =	sshrl.u32 s1, $0x2  }
0xc2: {  	s3 =	sand.u32 $0x4000, s31;
	s1 =	sadd.s32 s1, s30  }
0xc3: {  	s0 =	sor.u32 s3, s0;
	s1 =	sshll.u32 s1, $0x11  }
0xc4: {  	s0 =	sor.u32 s1, s0  }
0xc5: {  	s0 =	sadd.s32 $0x8F2B, s0  }
0xc6: {  	[sflag:s0] =	ssyncadd.remote.s32 $0x1  }
0xc7: {  	_ =	sfence.sel $0xFFFF  }
0xc8: {  	[dreg:$0x0] =	wrdreg $0xFFFFFFFF;
	(pc) =	sbr.abs _section_cstart, $3  }
0xc9: {  	[dreg:$0x1] =	wrdreg $0xFFFFFFFF  }
0xca: {  	_ =	task.clear_ibuf [dreg:s9], $0x2FFFF;
	_ =	strace $0x9FFFFFFF  }
0xcb: {  	(tm) =	ssettm $0x7FFFFFFF  }
tec
execute0_lowered:
.L_overlay_start_1:
0x0: {  	(tag) =	ssettag $0x1  }
0x1: {  	s0 =	rddreg [dreg:$0x0]  }
0x2: {  	s1 =	rddreg [dreg:$0x1]  }
0x3: {  	s2 =	rddreg [dreg:$0x2]  }
0x4: {  	s6 =	rddreg [dreg:$0x3];
	s3 =	simm.s32 $0x0  }
0x5: {  	s4 =	srdreg.scid;
	s5 =	stileid.u32;
	s19 =	simm.s32 $0x80  }
0x6: {  	s21 =	simm.s32 $0x11B40;
	s23 =	simm.s32 $0x1;
	s24 =	simm.s32 $0x190  }
0x7: {  	s26 =	simm.s32 $0x11C40;
	s29 =	simm.s32 $0x9700;
	s30 =	simm.s32 $0x11DD0  }
0x8: {  	s31 =	simm.s32 $0x120F0;
	s18 =	simm.s32 $0x2;
	s22 =	simm.s32 $0x0  }
0x9: {  	[smem:$0x7FF] =	sst s3;
	s7 =	sand.u32 $0x1, s4;
	s8 =	sshll.u32 s5, $0x1  }
0xa: {  	s4 =	sadd.s32 $0x7200, s0;
	s5 =	sadd.s32 $0x18DC00, s0;
	s8 =	sor.u32 s7, s8  }
0xb: {  	v0 =	vimm.f32 $0.0e+00;
	vm0 =	vmmov $0x1;
	vm1 =	vmmov $0x3;
	_ =	strace $0x80000047;
	s7 =	ssub.s32 $0x2, s7;
	s9 =	sshll.u32 s8, $0x4  }
0xc: {  	vm2 =	vmmov $0x7;
	vm3 =	vmmov $0xf;
	vm4 =	vmmov $0x1f;
	s10 =	smul.u32 $0x320, s8;
	s8 =	sshll.u32 s8, $0x2;
	s12 =	sshrl.u32 s7, $0x1  }
0xd: {  	vm5 =	vmmov $0x3f;
	vm6 =	vmmov $0x7f;
	vm7 =	vmmov $0xff;
	s11 =	sadd.s32 s9, s0;
	s14 =	sadd.s32 s8, s0;
	s2 =	sadd.s32 s2, s9  }
0xe: {  	vm8 =	vmmov $0x1ff;
	vm9 =	vmmov $0x3ff;
	vm10 =	vmmov $0x7ff;
	s15 =	ssub.s32 s7, s12;
	s13 =	sadd.s32 s10, s0;
	[dreg:$0x5] =	wrdreg s2  }
0xf: {  	vm11 =	vmmov $0xfff;
	vm12 =	vmmov $0x1fff;
	v1 =	vlaneseq.u32;
	s28 =	sadd.s32 $0xC00, s11;
	s8 =	sadd.s32 s6, s10;
	s10 =	sadd.s32 $0x18DBF0, s0  }
0x10: {  	vm13 =	vmmov $0x3fff;
	vm14 =	vmmov $0x7fff;
	v4 =	vimm.s32 $0x31;
	s12 =	sadd.s32 $0x190E00, s14;
	s14 =	simm.s32 $0x3200;
	s0 =	simm.s32 $0x13B90  }
0x11: {  	vm15 =	vcmask $0x300;
	v2 =	vor.u32 $0x10, v1;
	v3 =	vor.u32 $0x20, v1;
	s2 =	simm.s32 $0x12280;
	[dreg:$0x6] =	wrdreg s28;
	s9 =	sadd.s32 $0xE00, s13  }
0x12: {  	v4 =	vsel vm15, $0x30, v4;
	vm15 =	vcmask $0x308;
	v5 =	vor.u32 $0x30, v1;
	s11 =	sadd.s32 $0x191000, s13;
	s13 =	smax.u32 s15, $0x1;
	s15 =	simm.s32 $0x3  }
.LBB2_1:
0x13: {  	s6 =	rddreg [dreg:$0x5]  }
0x14: {  	[tilespmem:s14], [sflag:$0x3] =	stream.linear.gather [hbm4b:s6+s3], $0x80, $0x38;
	[tilespmem:$0x13BA0] =	vst v63  }
0x15: {  	_ =	swait.ge [sflag:s15], $0x80  }
0x16: {  	[sflag:s15] =	ssyncset.done $0x0  }
0x17: {  	s7 =	simm.s32 $0x3280;
	s25 =	rddreg [dreg:$0x6];
	[sflag:s15] =	ssyncadd.s32 $0xFFFFFF80  }
0x18: {  	[tilespmem:s7], [sflag:$0x3] =	stream.linear.gather [hbm4b:s25+s3], $0x80, $0x38;
	[tilespmem:$0x13BA0] =	vst v63  }
0x19: {  	_ =	swait.ge [sflag:s15], $0x80  }
0x1a: {  	[sflag:s15] =	ssyncset.done $0x0  }
0x1b: {  	[sflag:s15] =	ssyncadd.s32 $0xFFFFFF80  }
0x1c: {  	[tilespmem:s3], [sflag:$0x3] =	stream.linear.gather [hbm4b:s8+s3], $0x1900, $0x38;
	[tilespmem:$0x13BA0] =	vst v63  }
0x1d: {  	_ =	swait.ge [sflag:s15], $0x1900  }
0x1e: {  	[sflag:s15] =	ssyncset.done $0x0  }
0x1f: {  	s28 =	simm.s32 $0x1900;
	[sflag:s15] =	ssyncadd.s32 $0xFFFFE700  }
0x20: {  	[tilespmem:s28], [sflag:$0x3] =	stream.linear.gather [hbm4b:s9+s3], $0x1900, $0x38;
	[tilespmem:$0x13BA0] =	vst v63  }
0x21: {  	_ =	swait.ge [sflag:s15], $0x1900  }
0x22: {  	[sflag:s15] =	ssyncset.done $0x0  }
0x23: {  	s16 =	simm.s32 $0x11B00;
	[sflag:s15] =	ssyncadd.s32 $0xFFFFE700  }
0x24: {  	[tilespmem:s16], [sflag:$0x3] =	stream.linear.gather [hbm4b:s10+s3], $0x40, $0x38;
	[tilespmem:$0x13BA0] =	vst v63  }
0x25: {  	_ =	swait.ge [sflag:s15], $0x40  }
0x26: {  	[sflag:s15] =	ssyncset.done $0x0  }
0x27: {  	s17 =	simm.s32 $0xFB00;
	[sflag:s15] =	ssyncadd.s32 $0xFFFFFFC0  }
0x28: {  	[tilespmem:s17], [sflag:$0x1] =	stream.indirect.gather [hbm4b:s4+s19], $0x40, s7, s19, $0xb8;
	[tilespmem:$0x13BA0] =	vst v63  }
0x29: {  	_ = 	snop  }
0x2a: {  	[tilespmem:s21], [sflag:$0x1] =	stream.indirect.gather [hbm4b:s5+s19], $0x1, s14, s19, $0xb8;
	[tilespmem:$0x13BA0] =	vst v63  }
0x2b: {  	s20 =	simm.s32 $0x11BC0  }
0x2c: {  	[tilespmem:s20], [sflag:$0x1] =	stream.indirect.gather [hbm4b:s1+s19], $0x1, s14, s19, $0xb8;
	[tilespmem:$0x13BA0] =	vst v63  }
0x2d: {  	_ =	swait.ge [sflag:s23], $0x2000  }
0x2e: {  	[sflag:s23] =	ssyncset.done $0x0  }
0x2f: {  	[sflag:s23] =	ssyncadd.s32 $0xFFFFE000  }
0x30: {  	_ =	swait.ge [sflag:s23], $0x80  }
0x31: {  	[sflag:s23] =	ssyncset.done $0x0  }
0x32: {  	[sflag:s23] =	ssyncadd.s32 $0xFFFFFF80  }
0x33: {  	_ =	swait.ge [sflag:s23], $0x80  }
0x34: {  	[sflag:s23] =	ssyncset.done $0x0  }
0x35: {  	[sflag:s23] =	ssyncadd.s32 $0xFFFFFF80  }
0x36: {  	v6 =	vld [tilespmem:$0x11BC0]  }
0x37: {  	v7 =	vld [tilespmem:$0x11BD0];
	_ =	sdelay $0x1  }
0x38: {  	v8 =	vld [tilespmem:$0x11BE0];
	_ =	sdelay $0x1  }
0x39: {  	v9 =	vld [tilespmem:$0x11BF0]  }
0x3a: {  	v6 =	vadd.f32 v7, v6  }
0x3b: {  	v7 =	vld [tilespmem:$0x11C00]  }
0x3c: {  	v6 =	vadd.f32 v8, v6  }
0x3d: {  	v8 =	vld [tilespmem:$0x11C10]  }
0x3e: {  	v6 =	vadd.f32 v9, v6  }
0x3f: {  	v9 =	vld [tilespmem:$0x11C20]  }
0x40: {  	v6 =	vadd.f32 v7, v6  }
0x41: {  	v7 =	vld [tilespmem:$0x11C30]  }
0x42: {  	v6 =	vadd.f32 v8, v6;
	_ =	sdelay $0x1  }
0x43: {  	v8 =	vadd.f32 v9, v6;
	_ =	sdelay $0x1  }
0x44: {  	v6 =	vld [tilespmem:$0x11B00];
	v9 =	vadd.f32 v7, v8  }
0x45: {  	[tilespmem:$0x13B90] =	vst v0;
	v7 =	vld [tilespmem:$0x11B10]  }
0x46: {  	s25 =	simm.s32 $0x3300;
	v8 =	vld [tilespmem:$0x11B20];
	[tilespmem:$0x13B80] =	vst v9  }
0x47: {  	v9 =	vld [tilespmem:$0x11B30];
	[tilespmem:s25], [sflag:$0x1] =	stream.indirect.gather [hbm4b:s4+s24], $0x40, s28, s24, $0xb8  }
0x48: {  	_ = 	snop  }
0x49: {  	[tilespmem:s26], [sflag:$0x1] =	stream.indirect.gather [hbm4b:s5+s24], $0x1, s3, s24, $0xb8;
	[tilespmem:$0x13BA0] =	vst v63  }
0x4a: {  	s28 =	simm.s32 $0x11F60;
	s25 =	simm.s32 $0x0  }
0x4b: {  	[tilespmem:s28], [sflag:$0x1] =	stream.indirect.gather [hbm4b:s1+s24], $0x1, s3, s24, $0xb8;
	[tilespmem:$0x13BA0] =	vst v63  }
.LBB2_2:
0x4c: {  	s28 =	sshllo.u32 s25, $0x1  }
0x4d: {  	s6 =	smul.u32 $0x190, s28;
	_ =	sdelay $0x1  }
0x4e: {  	s16 =	sadd.s32 $0x1900, s6  }
0x4f: {  	[tilespmem:s29], [sflag:$0x2] =	stream.indirect.gather [hbm4b:s4+s24], $0x40, s16, s24, $0xb8;
	[tilespmem:$0x13BA0] =	vst v63  }
0x50: {  	_ = 	snop  }
0x51: {  	[tilespmem:s30], [sflag:$0x2] =	stream.indirect.gather [hbm4b:s5+s24], $0x1, s6, s24, $0xb8;
	[tilespmem:$0x13BA0] =	vst v63  }
0x52: {  	_ = 	snop  }
0x53: {  	[tilespmem:s31], [sflag:$0x2] =	stream.indirect.gather [hbm4b:s1+s24], $0x1, s6, s24, $0xb8;
	[tilespmem:$0x13BA0] =	vst v63  }
0x54: {  	_ =	swait.ge [sflag:s23], $0x6400  }
0x55: {  	[sflag:s23] =	ssyncset.done $0x0  }
0x56: {  	[sflag:s23] =	ssyncadd.s32 $0xFFFF9C00  }
0x57: {  	_ =	swait.ge [sflag:s23], $0x190  }
0x58: {  	[sflag:s23] =	ssyncset.done $0x0  }
0x59: {  	[sflag:s23] =	ssyncadd.s32 $0xFFFFFE70  }
0x5a: {  	_ =	swait.ge [sflag:s23], $0x190  }
0x5b: {  	[sflag:s23] =	ssyncset.done $0x0  }
0x5c: {  	[sflag:s23] =	ssyncadd.s32 $0xFFFFFE70  }
0x5d: {  	v10 =	vld [tilespmem:$0x11F60];
	_ =	sdelay $0x4  }
0x5e: {  	[tilespmem:s0+$0x0] =	vst.add.f32.msk $0xffff, v10  }
0x5f: {  	v10 =	vld [tilespmem:$0x11F70];
	_ =	sdelay $0x4  }
0x60: {  	[tilespmem:s0+$0x0] =	vst.add.f32.msk $0xffff, v10  }
0x61: {  	v10 =	vld [tilespmem:$0x11F80];
	_ =	sdelay $0x4  }
0x62: {  	[tilespmem:s0+$0x0] =	vst.add.f32.msk $0xffff, v10  }
0x63: {  	v10 =	vld [tilespmem:$0x11F90];
	_ =	sdelay $0x4  }
0x64: {  	[tilespmem:s0+$0x0] =	vst.add.f32.msk $0xffff, v10  }
0x65: {  	v10 =	vld [tilespmem:$0x11FA0];
	_ =	sdelay $0x4  }
0x66: {  	[tilespmem:s0+$0x0] =	vst.add.f32.msk $0xffff, v10  }
0x67: {  	v10 =	vld [tilespmem:$0x11FB0];
	_ =	sdelay $0x4  }
0x68: {  	[tilespmem:s0+$0x0] =	vst.add.f32.msk $0xffff, v10  }
0x69: {  	v10 =	vld [tilespmem:$0x11FC0];
	_ =	sdelay $0x4  }
0x6a: {  	[tilespmem:s0+$0x0] =	vst.add.f32.msk $0xffff, v10  }
0x6b: {  	v10 =	vld [tilespmem:$0x11FD0];
	_ =	sdelay $0x4  }
0x6c: {  	[tilespmem:s0+$0x0] =	vst.add.f32.msk $0xffff, v10  }
0x6d: {  	v10 =	vld [tilespmem:$0x11FE0];
	_ =	sdelay $0x4  }
0x6e: {  	[tilespmem:s0+$0x0] =	vst.add.f32.msk $0xffff, v10  }
0x6f: {  	v10 =	vld [tilespmem:$0x11FF0];
	_ =	sdelay $0x4  }
0x70: {  	[tilespmem:s0+$0x0] =	vst.add.f32.msk $0xffff, v10  }
0x71: {  	v10 =	vld [tilespmem:$0x12000];
	_ =	sdelay $0x4  }
0x72: {  	[tilespmem:s0+$0x0] =	vst.add.f32.msk $0xffff, v10  }
0x73: {  	v10 =	vld [tilespmem:$0x12010];
	_ =	sdelay $0x4  }
0x74: {  	[tilespmem:s0+$0x0] =	vst.add.f32.msk $0xffff, v10  }
0x75: {  	v10 =	vld [tilespmem:$0x12020];
	_ =	sdelay $0x4  }
0x76: {  	[tilespmem:s0+$0x0] =	vst.add.f32.msk $0xffff, v10  }
0x77: {  	v10 =	vld [tilespmem:$0x12030];
	_ =	sdelay $0x4  }
0x78: {  	[tilespmem:s0+$0x0] =	vst.add.f32.msk $0xffff, v10  }
0x79: {  	v10 =	vld [tilespmem:$0x12040];
	_ =	sdelay $0x4  }
0x7a: {  	[tilespmem:s0+$0x0] =	vst.add.f32.msk $0xffff, v10  }
0x7b: {  	v10 =	vld [tilespmem:$0x12050];
	_ =	sdelay $0x4  }
0x7c: {  	[tilespmem:s0+$0x0] =	vst.add.f32.msk $0xffff, v10  }
0x7d: {  	v10 =	vld [tilespmem:$0x12060];
	_ =	sdelay $0x4  }
0x7e: {  	[tilespmem:s0+$0x0] =	vst.add.f32.msk $0xffff, v10  }
0x7f: {  	v10 =	vld [tilespmem:$0x12070];
	_ =	sdelay $0x4  }
0x80: {  	[tilespmem:s0+$0x0] =	vst.add.f32.msk $0xffff, v10  }
0x81: {  	v10 =	vld [tilespmem:$0x12080];
	_ =	sdelay $0x4  }
0x82: {  	[tilespmem:s0+$0x0] =	vst.add.f32.msk $0xffff, v10  }
0x83: {  	v10 =	vld [tilespmem:$0x12090];
	_ =	sdelay $0x4  }
0x84: {  	[tilespmem:s0+$0x0] =	vst.add.f32.msk $0xffff, v10  }
0x85: {  	v10 =	vld [tilespmem:$0x120A0];
	_ =	sdelay $0x4  }
0x86: {  	[tilespmem:s0+$0x0] =	vst.add.f32.msk $0xffff, v10  }
0x87: {  	v10 =	vld [tilespmem:$0x120B0];
	_ =	sdelay $0x4  }
0x88: {  	[tilespmem:s0+$0x0] =	vst.add.f32.msk $0xffff, v10  }
0x89: {  	v10 =	vld [tilespmem:$0x120C0];
	_ =	sdelay $0x4  }
0x8a: {  	[tilespmem:s0+$0x0] =	vst.add.f32.msk $0xffff, v10  }
0x8b: {  	v10 =	vld [tilespmem:$0x120D0];
	_ =	sdelay $0x4  }
0x8c: {  	[tilespmem:s0+$0x0] =	vst.add.f32.msk $0xffff, v10  }
0x8d: {  	v10 =	vld [tilespmem:$0x120E0];
	_ =	sdelay $0x4  }
0x8e: {  	s20 =	sshll.u32 s25, $0x4;
	s16 =	simm.s32 $0x0;
	[tilespmem:s0+$0x0] =	vst.add.f32.msk $0xffff, v10  }
.LBB2_3:
0x8f: {  	s6 =	sadd.s32 s20, s16  }
0x90: {  	s17 =	sshll.u32 s6, $0x6  }
0x91: {  	s17 =	sand.u32 $0x3FFFFFC0, s17  }
0x92: {  	v10 =	vld [tilespmem:s17+$0xFB00]  }
0x93: {  	s7 =	smul.u32 $0x3200, s16;
	v12 =	vld [tilespmem:s17+$0xFB10]  }
0x94: {  	v13 =	vld [tilespmem:s17+$0xFB20]  }
0x95: {  	v14 =	vld [tilespmem:s17+$0xFB30];
	s17 =	sshra.s32 s7, $0x2  }
0x96: {  	v15 =	vld [tilespmem:s17+$0x3300]  }
0x97: {  	v16 =	vld [tilespmem:s17+$0x3310]  }
0x98: {  	v17 =	vld [tilespmem:s17+$0x3320]  }
0x99: {  	v18 =	vld [tilespmem:s17+$0x3330]  }
0x9a: {  	v19 =	vld [tilespmem:s17+$0x3340]  }
0x9b: {  	v20 =	vld [tilespmem:s17+$0x3350]  }
0x9c: {  	v21 =	vld [tilespmem:s17+$0x3360]  }
0x9d: {  	v22 =	vld [tilespmem:s17+$0x3370]  }
0x9e: {  	v23 =	vld [tilespmem:s17+$0x3380]  }
0x9f: {  	v24 =	vld [tilespmem:s17+$0x3390]  }
0xa0: {  	v25 =	vld [tilespmem:s17+$0x33A0]  }
0xa1: {  	v26 =	vld [tilespmem:s17+$0x33B0]  }
0xa2: {  	v27 =	vld [tilespmem:s17+$0x33C0]  }
0xa3: {  	v28 =	vld [tilespmem:s17+$0x33D0]  }
0xa4: {  	v29 =	vld [tilespmem:s17+$0x33E0]  }
0xa5: {  	v30 =	vld [tilespmem:s17+$0x33F0]  }
0xa6: {  	v31 =	vld [tilespmem:s17+$0x3400]  }
0xa7: {  	v32 =	vld [tilespmem:s17+$0x3410]  }
0xa8: {  	v33 =	vld [tilespmem:s17+$0x3420]  }
0xa9: {  	v34 =	vld [tilespmem:s17+$0x3430]  }
0xaa: {  	v35 =	vld [tilespmem:s17+$0x3440]  }
0xab: {  	v36 =	vld [tilespmem:s17+$0x3450]  }
0xac: {  	v37 =	vld [tilespmem:s17+$0x3460]  }
0xad: {  	v38 =	vld [tilespmem:s17+$0x3470]  }
0xae: {  	v39 =	vld [tilespmem:s17+$0x3480];
	v11 =	vsub.f32 v10, v6;
	v12 =	vsub.f32 v12, v7  }
0xaf: {  	v40 =	vld [tilespmem:s17+$0x3490];
	v10 =	vsub.f32 v13, v8  }
0xb0: {  	v41 =	vld [tilespmem:s17+$0x34A0];
	v13 =	vsub.f32 v14, v9;
	v42 =	vmul.f32 v11, v6;
	v43 =	vmul.f32 v12, v7  }
0xb1: {  	v44 =	vld [tilespmem:s17+$0x34B0];
	v51 =	vmul.f32 v10, v8;
	v15 =	vmul.f32 v15, v11  }
0xb2: {  	v45 =	vld [tilespmem:s17+$0x34C0];
	v16 =	vmul.f32 v16, v12;
	v52 =	vmul.f32 v13, v9  }
0xb3: {  	v46 =	vld [tilespmem:s17+$0x34E0];
	v53 =	vmul.f32 v17, v10;
	v19 =	vmul.f32 v19, v11  }
0xb4: {  	v47 =	vld [tilespmem:s17+$0x34F0];
	v20 =	vmul.f32 v20, v12;
	v54 =	vmul.f32 v23, v11  }
0xb5: {  	v17 =	vld [tilespmem:s17+$0x3500];
	v55 =	vmul.f32 v24, v12;
	v18 =	vmul.f32 v18, v13  }
0xb6: {  	v24 =	vld [tilespmem:s17+$0x3520];
	v56 =	vmul.f32 v21, v10;
	v22 =	vmul.f32 v22, v13  }
0xb7: {  	v21 =	vld [tilespmem:s17+$0x3530];
	v57 =	vmul.f32 v25, v10;
	v58 =	vmul.f32 v27, v11  }
0xb8: {  	v25 =	vld [tilespmem:s17+$0x3540];
	v59 =	vmul.f32 v28, v12;
	v60 =	vmul.f32 v26, v13  }
0xb9: {  	v28 =	vld [tilespmem:s17+$0x3550];
	v61 =	vmul.f32 v29, v10;
	v62 =	vmul.f32 v31, v11  }
0xba: {  	v23 =	vld [tilespmem:s17+$0x3560];
	v63 =	vmul.f32 v32, v12;
	v48 =	vmul.f32 v35, v11  }
0xbb: {  	v26 =	vld [tilespmem:s17+$0x3570];
	v49 =	vmul.f32 v36, v12;
	v30 =	vmul.f32 v30, v13;
	v50 =	vadd.f32 v43, v42  }
0xbc: {  	v29 =	vld [tilespmem:s17+$0x3580];
	v34 =	vmul.f32 v34, v13;
	v15 =	vadd.f32 v16, v15;
	v19 =	vadd.f32 v20, v19  }
0xbd: {  	v32 =	vld [tilespmem:s17+$0x3590];
	v16 =	vadd.f32 v55, v54;
	v20 =	vadd.f32 v59, v58;
	v55 =	vmul.f32 v38, v13  }
0xbe: {  	v35 =	vld [tilespmem:s17+$0x35B0];
	v58 =	vmul.f32 v45, v11;
	v45 =	vmul.f32 v47, v13;
	v14 =	vadd.f32 v51, v50  }
0xbf: {  	v36 =	vld [tilespmem:s17+$0x35E0];
	v15 =	vadd.f32 v53, v15;
	v50 =	vmul.f32 v33, v10;
	v51 =	vmul.f32 v37, v10  }
0xc0: {  	v43 =	vld [tilespmem:s17+$0x34D0];
	v16 =	vadd.f32 v57, v16;
	v53 =	vmul.f32 v40, v12;
	v57 =	vmul.f32 v41, v10  }
0xc1: {  	v42 =	vld [tilespmem:s17+$0x3510];
	v20 =	vadd.f32 v61, v20;
	v61 =	vmul.f32 v44, v13;
	v17 =	vmul.f32 v17, v11  }
0xc2: {  	v54 =	vld [tilespmem:s17+$0x35C0];
	v19 =	vadd.f32 v56, v19;
	v24 =	vmul.f32 v24, v10;
	v25 =	vmul.f32 v25, v11  }
0xc3: {  	v38 =	vld [tilespmem:s17+$0x3630];
	v28 =	vmul.f32 v28, v12;
	v14 =	vadd.f32 v52, v14;
	v15 =	vadd.f32 v18, v15  }
0xc4: {  	v47 =	vld [tilespmem:s17+$0x3640];
	v21 =	vmul.f32 v21, v13;
	v19 =	vadd.f32 v22, v19;
	v16 =	vadd.f32 v60, v16  }
0xc5: {  	v56 =	vld [tilespmem:s17+$0x35D0];
	v23 =	vmul.f32 v23, v10;
	v18 =	vadd.f32 v63, v62;
	v22 =	vadd.f32 v49, v48  }
0xc6: {  	v33 =	vld [tilespmem:s17+$0x35A0];
	v52 =	vmul.f32 v39, v11;
	v20 =	vadd.f32 v30, v20;
	v62 =	vmul.f32 v46, v10  }
0xc7: {  	v40 =	vld [tilespmem:s17+$0x3600];
	v49 =	vmul.f32 v29, v11;
	v59 =	vmul.f32 v43, v12;
	v25 =	vadd.f32 v28, v25  }
0xc8: {  	v39 =	vld [tilespmem:s17+$0x35F0];
	v60 =	vmul.f32 v42, v12;
	v18 =	vadd.f32 v50, v18;
	v22 =	vadd.f32 v51, v22  }
0xc9: {  	v63 =	vld [tilespmem:s17+$0x3610];
	v27 =	vadd.f32 v53, v52;
	v50 =	vmul.f32 v32, v12;
	v52 =	vmul.f32 v54, v11  }
0xca: {  	v46 =	vld [tilespmem:s17+$0x3620];
	v30 =	vadd.f32 v59, v58;
	v17 =	vadd.f32 v60, v17;
	v53 =	vmul.f32 v56, v12  }
0xcb: {  	v48 =	vld [tilespmem:s17+$0x3650];
	v51 =	vadd.f32 v23, v25;
	v56 =	vmul.f32 v33, v10;
	v58 =	vmul.f32 v35, v13  }
0xcc: {  	v41 =	vld [tilespmem:s17+$0x36C0];
	v59 =	vmul.f32 v36, v10;
	v18 =	vadd.f32 v34, v18;
	v22 =	vadd.f32 v55, v22  }
0xcd: {  	v32 =	vld [tilespmem:s17+$0x3660];
	(xrf2) =	vadd.scan.msk.f32 $0xffff, v14;
	v27 =	vadd.f32 v57, v27;
	v55 =	vmul.f32 v26, v13;
	v30 =	vadd.f32 v62, v30  }
0xce: {  	(xrf2) =	vadd.scan.msk.f32 $0xffff, v15;
	v60 =	vld [tilespmem:s17+$0x3690];
	v17 =	vadd.f32 v24, v17;
	v62 =	vmul.f32 v40, v11;
	v63 =	vmul.f32 v63, v12  }
0xcf: {  	v57 =	vld [tilespmem:s17+$0x3680];
	(xrf2) =	vadd.scan.msk.f32 $0xffff, v19;
	v23 =	vadd.f32 v53, v52;
	v40 =	vmul.f32 v39, v13;
	v43 =	vmul.f32 v46, v10  }
0xd0: {  	v54 =	vld [tilespmem:s17+$0x3670];
	(xrf2) =	vadd.scan.msk.f32 $0xffff, v16;
	v46 =	vmul.f32 v48, v12;
	v27 =	vadd.f32 v61, v27;
	v14 =	vadd.f32 v55, v51  }
0xd1: {  	v36 =	vld [tilespmem:s17+$0x36A0];
	(xrf2) =	vadd.scan.msk.f32 $0xffff, v20;
	v51 =	vmul.f32 v38, v13;
	v30 =	vadd.f32 v45, v30;
	v17 =	vadd.f32 v21, v17  }
0xd2: {  	v44 =	vld [tilespmem:s17+$0x36D0];
	v21 =	vadd.f32 v50, v49;
	v37 =	vadd.f32 v59, v23;
	(xrf2) =	vadd.scan.msk.f32 $0xffff, v18;
	v45 =	vmul.f32 v47, v11  }
0xd3: {  	v42 =	vadd.f32 v63, v62;
	v47 =	vld [tilespmem:s17+$0x36B0];
	v52 =	vmul.f32 v32, v10;
	(xrf2) =	vadd.scan.msk.f32 $0xffff, v22;
	v49 =	vmul.f32 v60, v12  }
0xd4: {  	v50 =	vld [tilespmem:s17+$0x36E0];
	v61 =	vadd.f32 v56, v21;
	v15 =	vadd.f32 v40, v37;
	(xrf2) =	vadd.scan.msk.f32 $0xffff, v27;
	v48 =	vmul.f32 v57, v11  }
0xd5: {  	v53 =	vmul.f32 v54, v13;
	v18 =	vadd.f32 v43, v42;
	v20 =	vadd.f32 v46, v45;
	(xrf2) =	vadd.scan.msk.f32 $0xffff, v30  }
0xd6: {  	v55 =	vld [tilespmem:s17+$0x36F0];
	v54 =	vmul.f32 v36, v10;
	v16 =	vadd.f32 v58, v61;
	(xrf2) =	vadd.scan.msk.f32 $0xffff, v17;
	v19 =	vadd.f32 v49, v48  }
0xd7: {  	v57 =	vmul.f32 v41, v11;
	v21 =	vmul.f32 v44, v12;
	v56 =	vadd.f32 v52, v20;
	v29, _, _ =	vpop (xrf2);
	(xrf2) =	vadd.scan.msk.f32 $0xffff, v14  }
0xd8: {  	v59 =	vadd.f32 v51, v18;
	v61 =	vmul.f32 v47, v13;
	v58, _, _ =	vpop (xrf2);
	(xrf2) =	vadd.scan.msk.f32 $0xffff, v16;
	v60 =	vadd.f32 v54, v19  }
0xd9: {  	v63 =	vadd.f32 v21, v57;
	v24 =	vmul.f32 v50, v10;
	v14 =	vadd.f32 v53, v56;
	v62, _, _ =	vpop (xrf2);
	(xrf2) =	vadd.scan.msk.f32 $0xffff, v15  }
0xda: {  	v25 =	vbroadcast v58, $0xF;
	v26 =	vbroadcast v62, $0xF;
	v27, _, _ =	vpop (xrf2);
	(xrf2) =	vadd.scan.msk.f32 $0xffff, v59;
	v30 =	vadd.f32 v61, v60  }
0xdb: {  	v34 =	vmul.f32 v55, v13;
	v33 =	vadd.f32 v24, v63;
	v31 =	vbroadcast v27, $0xF;
	v32, _, _ =	vpop (xrf2);
	(xrf2) =	vadd.scan.msk.f32 $0xffff, v14  }
0xdc: {  	v35 =	vsel vm0, v25, v26;
	v19 =	vbroadcast v32, $0xF;
	v36, _, _ =	vpop (xrf2);
	(xrf2) =	vadd.scan.msk.f32 $0xffff, v30  }
0xdd: {  	v14 =	vadd.f32 v34, v33;
	v37 =	vsel vm1, v35, v31;
	v38 =	vbroadcast v36, $0xF;
	v39, _, _ =	vpop (xrf2)  }
0xde: {  	v40 =	vsel vm2, v37, v19;
	v41 =	vbroadcast v39, $0xF;
	v42, _, _ =	vpop (xrf2)  }
0xdf: {  	v15 =	vsel vm3, v40, v38;
	v43 =	vbroadcast v42, $0xF;
	v44, _, _ =	vpop (xrf2);
	(xrf2) =	vadd.scan.msk.f32 $0xffff, v14  }
0xe0: {  	v45 =	vsel vm4, v15, v41;
	v46 =	vbroadcast v44, $0xF;
	v47, _, _ =	vpop (xrf2)  }
0xe1: {  	v14 =	vsel vm5, v45, v43;
	v16 =	vbroadcast v47, $0xF;
	v48, _, _ =	vpop (xrf2)  }
0xe2: {  	v14 =	vsel vm6, v14, v46;
	v49 =	vbroadcast v48, $0xF;
	v50, _, _ =	vpop (xrf2)  }
0xe3: {  	s7 =	smul.u32 $0x32, s16;
	v51 =	vmov s6;
	v14 =	vsel vm7, v14, v16;
	v52 =	vbroadcast v50, $0xF;
	v53, _, _ =	vpop (xrf2)  }
0xe4: {  	v14 =	vsel vm8, v14, v49;
	v54 =	vbroadcast v53, $0xF;
	v55, _, _ =	vpop (xrf2)  }
0xe5: {  	v58 =	vadd.s32 s7, v1;
	v14 =	vsel vm9, v14, v52;
	v56 =	vbroadcast v55, $0xF;
	v57, _, _ =	vpop (xrf2)  }
0xe6: {  	v14 =	vsel vm10, v14, v54;
	v59 =	vbroadcast v57, $0xF;
	v60, _, _ =	vpop (xrf2)  }
0xe7: {  	v16 =	vsel vm11, v14, v56;
	v17 =	vbroadcast v60, $0xF  }
0xe8: {  	v14 =	vld.idx.msk [tilespmem:v51+s21+$0x0], $0xffff;
	v15 =	vsel vm12, v16, v59  }
0xe9: {  	v16 =	vsel vm13, v15, v17;
	v61, _, _ =	vpop (xrf2);
	v15 =	vbroadcast v29, $0xF  }
0xea: {  	v19 =	vld.idx.msk [tilespmem:v58+s26+$0x0], $0xffff;
	v17 =	vsel vm14, v16, v61;
	v16 =	vmul.u32 $0x32, v51  }
0xeb: {  	v17 =	vsub.f32 v17, v15  }
0xec: {  	v18 =	vadd.s32 v1, v16  }
0xed: {  	v17 =	vadd.f32 v17, v14;
	_ =	sdelay $0x1  }
0xee: {  	v17 =	vadd.f32 v17, v19;
	_ =	sdelay $0x1  }
0xef: {  	[tilespmem:v18+s2+$0x0] =	vst.idx.msk $0xffff, v17  }
0xf0: {  	v17 =	vld [tilespmem:s17+$0x3700]  }
0xf1: {  	v18 =	vld [tilespmem:s17+$0x3710]  }
0xf2: {  	v62 =	vld [tilespmem:s17+$0x3720]  }
0xf3: {  	v20 =	vld [tilespmem:s17+$0x3730]  }
0xf4: {  	v21 =	vld [tilespmem:s17+$0x3740]  }
0xf5: {  	v63 =	vld [tilespmem:s17+$0x3750]  }
0xf6: {  	v23 =	vld [tilespmem:s17+$0x3760]  }
0xf7: {  	v24 =	vld [tilespmem:s17+$0x3770]  }
0xf8: {  	v52 =	vld [tilespmem:s17+$0x3780]  }
0xf9: {  	v53 =	vld [tilespmem:s17+$0x3790]  }
0xfa: {  	v54 =	vld [tilespmem:s17+$0x37A0]  }
0xfb: {  	v28 =	vld [tilespmem:s17+$0x37B0]  }
0xfc: {  	v55 =	vld [tilespmem:s17+$0x37C0]  }
0xfd: {  	v56 =	vld [tilespmem:s17+$0x37D0]  }
0xfe: {  	v57 =	vld [tilespmem:s17+$0x37E0]  }
0xff: {  	v32 =	vld [tilespmem:s17+$0x37F0]  }
0x100: {  	v58 =	vld [tilespmem:s17+$0x3800]  }
0x101: {  	v59 =	vld [tilespmem:s17+$0x3810]  }
0x102: {  	v35 =	vld [tilespmem:s17+$0x3820]  }
0x103: {  	v36 =	vld [tilespmem:s17+$0x3830]  }
0x104: {  	v60 =	vld [tilespmem:s17+$0x3840]  }
0x105: {  	v61 =	vld [tilespmem:s17+$0x3850]  }
0x106: {  	v39 =	vld [tilespmem:s17+$0x3860]  }
0x107: {  	v40 =	vld [tilespmem:s17+$0x3870]  }
0x108: {  	v41 =	vld [tilespmem:s17+$0x3880]  }
0x109: {  	v42 =	vld [tilespmem:s17+$0x3890]  }
0x10a: {  	v43 =	vld [tilespmem:s17+$0x38A0]  }
0x10b: {  	v44 =	vld [tilespmem:s17+$0x38B0]  }
0x10c: {  	v45 =	vld [tilespmem:s17+$0x38C0];
	v17 =	vmul.f32 v17, v11;
	v18 =	vmul.f32 v18, v12  }
0x10d: {  	v46 =	vld [tilespmem:s17+$0x38D0];
	v62 =	vmul.f32 v62, v10;
	v21 =	vmul.f32 v21, v11  }
0x10e: {  	v47 =	vld [tilespmem:s17+$0x38E0];
	v22 =	vmul.f32 v63, v12;
	v63 =	vmul.f32 v52, v11  }
0x10f: {  	v48 =	vld [tilespmem:s17+$0x38F0];
	v50 =	vmul.f32 v53, v12;
	v20 =	vmul.f32 v20, v13  }
0x110: {  	v19 =	vld [tilespmem:s17+$0x3900];
	v51 =	vmul.f32 v23, v10;
	v24 =	vmul.f32 v24, v13  }
0x111: {  	v26 =	vld [tilespmem:s17+$0x3920];
	v52 =	vmul.f32 v54, v10;
	v53 =	vmul.f32 v55, v11  }
0x112: {  	v27 =	vld [tilespmem:s17+$0x3940];
	v54 =	vmul.f32 v56, v12;
	v55 =	vmul.f32 v28, v13  }
0x113: {  	v30 =	vld [tilespmem:s17+$0x3950];
	v56 =	vmul.f32 v57, v10;
	v57 =	vmul.f32 v58, v11  }
0x114: {  	v25 =	vld [tilespmem:s17+$0x3960];
	v58 =	vmul.f32 v59, v12;
	v59 =	vmul.f32 v60, v11  }
0x115: {  	v49 =	vld [tilespmem:s17+$0x3910];
	v60 =	vmul.f32 v61, v12;
	v32 =	vmul.f32 v32, v13  }
0x116: {  	v31 =	vld [tilespmem:s17+$0x3980];
	v61 =	vmul.f32 v35, v10;
	v36 =	vmul.f32 v36, v13  }
0x117: {  	v34 =	vld [tilespmem:s17+$0x3990];
	v19 =	vmul.f32 v19, v11;
	v26 =	vmul.f32 v26, v10  }
0x118: {  	v37 =	vld [tilespmem:s17+$0x39B0];
	v27 =	vmul.f32 v27, v11;
	v30 =	vmul.f32 v30, v12;
	v17 =	vadd.f32 v18, v17  }
0x119: {  	v23 =	vld [tilespmem:s17+$0x3930];
	v25 =	vmul.f32 v25, v10;
	v21 =	vadd.f32 v22, v21;
	v18 =	vadd.f32 v50, v63  }
0x11a: {  	v28 =	vld [tilespmem:s17+$0x3970];
	v22 =	vadd.f32 v54, v53;
	v63 =	vmul.f32 v41, v11;
	v27 =	vadd.f32 v30, v27  }
0x11b: {  	v35 =	vld [tilespmem:s17+$0x39A0];
	v50 =	vmul.f32 v42, v12;
	v17 =	vadd.f32 v62, v17;
	v21 =	vadd.f32 v51, v21  }
0x11c: {  	v53 =	vld [tilespmem:s17+$0x39D0];
	v54 =	vmul.f32 v43, v10;
	v18 =	vadd.f32 v52, v18;
	v22 =	vadd.f32 v56, v22  }
0x11d: {  	v41 =	vld [tilespmem:s17+$0x39F0];
	v62 =	vmul.f32 v39, v10;
	v52 =	vmul.f32 v40, v13;
	v29 =	vadd.f32 v50, v63  }
0x11e: {  	v43 =	vld [tilespmem:s17+$0x3A40];
	v56 =	vmul.f32 v45, v11;
	v25 =	vadd.f32 v25, v27;
	v17 =	vadd.f32 v20, v17  }
0x11f: {  	v51 =	vld [tilespmem:s17+$0x39C0];
	v63 =	vmul.f32 v48, v13;
	v21 =	vadd.f32 v24, v21;
	v18 =	vadd.f32 v55, v18  }
0x120: {  	v40 =	vld [tilespmem:s17+$0x3A30];
	v23 =	vmul.f32 v23, v13;
	v20 =	vadd.f32 v58, v57;
	v24 =	vadd.f32 v60, v59  }
0x121: {  	v45 =	vld [tilespmem:s17+$0x3A50];
	v22 =	vadd.f32 v32, v22;
	v57 =	vmul.f32 v46, v12;
	v58 =	vmul.f32 v49, v12  }
0x122: {  	v48 =	vld [tilespmem:s17+$0x3A60];
	v29 =	vadd.f32 v54, v29;
	v60 =	vmul.f32 v44, v13;
	v46 =	vmul.f32 v31, v11  }
0x123: {  	v55 =	vld [tilespmem:s17+$0x39E0];
	v54 =	vmul.f32 v37, v13;
	v33 =	vmul.f32 v53, v12;
	v20 =	vadd.f32 v61, v20  }
0x124: {  	v59 =	vld [tilespmem:s17+$0x3A00];
	v24 =	vadd.f32 v62, v24;
	v32 =	vadd.f32 v57, v56;
	v61 =	vmul.f32 v47, v10  }
0x125: {  	v50 =	vld [tilespmem:s17+$0x3A70];
	v19 =	vadd.f32 v58, v19;
	v47 =	vmul.f32 v34, v12;
	v49 =	vmul.f32 v51, v11  }
0x126: {  	v53 =	vld [tilespmem:s17+$0x3A80];
	v29 =	vadd.f32 v60, v29;
	v51 =	vmul.f32 v28, v13;
	v42 =	vmul.f32 v45, v12  }
0x127: {  	v62 =	vld [tilespmem:s17+$0x3A10];
	v48 =	vmul.f32 v48, v10;
	v20 =	vadd.f32 v36, v20;
	v24 =	vadd.f32 v52, v24  }
0x128: {  	(xrf2) =	vadd.scan.msk.f32 $0xffff, v17;
	v56 =	vld [tilespmem:s17+$0x3A90];
	v32 =	vadd.f32 v61, v32;
	v19 =	vadd.f32 v26, v19;
	v52 =	vmul.f32 v35, v10  }
0x129: {  	(xrf2) =	vadd.scan.msk.f32 $0xffff, v21;
	v36 =	vld [tilespmem:s17+$0x3A20];
	v27 =	vadd.f32 v33, v49;
	v55 =	vmul.f32 v55, v10;
	v58 =	vmul.f32 v59, v11  }
0x12a: {  	v60 =	vld [tilespmem:s17+$0x3AA0];
	(xrf2) =	vadd.scan.msk.f32 $0xffff, v18;
	v17 =	vadd.f32 v51, v25;
	v49 =	vmul.f32 v50, v13;
	v19 =	vadd.f32 v23, v19  }
0x12b: {  	v38 =	vld [tilespmem:s17+$0x3AD0];
	(xrf2) =	vadd.scan.msk.f32 $0xffff, v22;
	v23 =	vadd.f32 v47, v46;
	v44 =	vmul.f32 v53, v11;
	v47 =	vmul.f32 v40, v13  }
0x12c: {  	v32 =	vadd.f32 v63, v32;
	v63 =	vld [tilespmem:s17+$0x3AC0];
	(xrf2) =	vadd.scan.msk.f32 $0xffff, v20;
	v59 =	vmul.f32 v62, v12;
	v62 =	vmul.f32 v41, v13  }
0x12d: {  	v61 =	vadd.f32 v55, v27;
	(xrf2) =	vadd.scan.msk.f32 $0xffff, v24;
	v41 =	vmul.f32 v43, v11;
	v43 =	vld [tilespmem:s17+$0x3AB0];
	v45 =	vmul.f32 v56, v12  }
0x12e: {  	v46 =	vld [tilespmem:s17+$0x3AE0];
	v57 =	vadd.f32 v52, v23;
	(xrf2) =	vadd.scan.msk.f32 $0xffff, v29;
	v33 =	vadd.f32 v59, v58;
	v36 =	vmul.f32 v36, v10  }
0x12f: {  	v50 =	vmul.f32 v60, v10;
	(xrf2) =	vadd.scan.msk.f32 $0xffff, v32;
	v24 =	vadd.f32 v42, v41;
	v21 =	vadd.f32 v45, v44  }
0x130: {  	v51 =	vld [tilespmem:s17+$0x3AF0];
	v23 =	vmul.f32 v38, v12;
	v18 =	vadd.f32 v54, v57;
	(xrf2) =	vadd.scan.msk.f32 $0xffff, v19;
	v20 =	vadd.f32 v36, v33  }
0x131: {  	v22 =	vadd.f32 v62, v61;
	(xrf2) =	vadd.scan.msk.f32 $0xffff, v17;
	v52 =	vadd.f32 v48, v24;
	v53 =	vmul.f32 v63, v11  }
0x132: {  	v56 =	vadd.f32 v50, v21;
	v54, _, _ =	vpop (xrf2);
	(xrf2) =	vadd.scan.msk.f32 $0xffff, v18;
	v57 =	vmul.f32 v43, v13;
	v55 =	vadd.f32 v47, v20  }
0x133: {  	v60 =	vmul.f32 v46, v10;
	v58, _, _ =	vpop (xrf2);
	(xrf2) =	vadd.scan.msk.f32 $0xffff, v22;
	v17 =	vadd.f32 v49, v52;
	v59 =	vadd.f32 v23, v53  }
0x134: {  	v61 =	vbroadcast v54, $0xF;
	v62 =	vbroadcast v58, $0xF;
	v63, _, _ =	vpop (xrf2);
	v28 =	vadd.f32 v57, v56;
	(xrf2) =	vadd.scan.msk.f32 $0xffff, v55  }
0x135: {  	v33 =	vmul.f32 v51, v13;
	v29 =	vbroadcast v63, $0xF;
	v30, _, _ =	vpop (xrf2);
	v32 =	vadd.f32 v60, v59;
	(xrf2) =	vadd.scan.msk.f32 $0xffff, v17  }
0x136: {  	v34 =	vsel vm0, v61, v62;
	v21 =	vbroadcast v30, $0xF;
	v35, _, _ =	vpop (xrf2);
	(xrf2) =	vadd.scan.msk.f32 $0xffff, v28  }
0x137: {  	v36 =	vsel vm1, v34, v29;
	v37 =	vbroadcast v35, $0xF;
	v38, _, _ =	vpop (xrf2);
	v17 =	vadd.f32 v33, v32  }
0x138: {  	v18 =	vsel vm2, v36, v21;
	v39 =	vbroadcast v38, $0xF;
	v40, _, _ =	vpop (xrf2)  }
0x139: {  	v18 =	vsel vm3, v18, v37;
	v41 =	vbroadcast v40, $0xF;
	v42, _, _ =	vpop (xrf2);
	(xrf2) =	vadd.scan.msk.f32 $0xffff, v17  }
0x13a: {  	v43 =	vsel vm4, v18, v39;
	v44 =	vbroadcast v42, $0xF;
	v45, _, _ =	vpop (xrf2)  }
0x13b: {  	v17 =	vsel vm5, v43, v41;
	v19 =	vbroadcast v45, $0xF;
	v46, _, _ =	vpop (xrf2)  }
0x13c: {  	v17 =	vsel vm6, v17, v44;
	v47 =	vbroadcast v46, $0xF;
	v48, _, _ =	vpop (xrf2)  }
0x13d: {  	v17 =	vsel vm7, v17, v19;
	v49 =	vbroadcast v48, $0xF;
	v50, _, _ =	vpop (xrf2)  }
0x13e: {  	v17 =	vsel vm8, v17, v47;
	v51 =	vbroadcast v50, $0xF;
	v52, _, _ =	vpop (xrf2)  }
0x13f: {  	v55 =	vadd.s32 s7, v2;
	v17 =	vsel vm9, v17, v49;
	v53 =	vbroadcast v52, $0xF;
	v54, _, _ =	vpop (xrf2)  }
0x140: {  	v17 =	vsel vm10, v17, v51;
	v56 =	vbroadcast v54, $0xF;
	v57, _, _ =	vpop (xrf2)  }
0x141: {  	v17 =	vsel vm11, v17, v53;
	v58 =	vbroadcast v57, $0xF  }
0x142: {  	v17 =	vsel vm12, v17, v56  }
0x143: {  	v59, _, _ =	vpop (xrf2);
	v17 =	vsel vm13, v17, v58  }
0x144: {  	v60 =	vld.idx.msk [tilespmem:v55+s26+$0x0], $0xffff;
	v17 =	vsel vm14, v17, v59  }
0x145: {  	v17 =	vsub.f32 v17, v15  }
0x146: {  	v61 =	vadd.s32 v2, v16  }
0x147: {  	v17 =	vadd.f32 v17, v14;
	_ =	sdelay $0x1  }
0x148: {  	v17 =	vadd.f32 v17, v60;
	_ =	sdelay $0x1  }
0x149: {  	[tilespmem:v61+s2+$0x0] =	vst.idx.msk $0xffff, v17  }
0x14a: {  	v17 =	vld [tilespmem:s17+$0x3B00]  }
0x14b: {  	v62 =	vld [tilespmem:s17+$0x3B10]  }
0x14c: {  	v19 =	vld [tilespmem:s17+$0x3B20]  }
0x14d: {  	v20 =	vld [tilespmem:s17+$0x3B30]  }
0x14e: {  	v21 =	vld [tilespmem:s17+$0x3B40]  }
0x14f: {  	v63 =	vld [tilespmem:s17+$0x3B50]  }
0x150: {  	v23 =	vld [tilespmem:s17+$0x3B60]  }
0x151: {  	v24 =	vld [tilespmem:s17+$0x3B70]  }
0x152: {  	v52 =	vld [tilespmem:s17+$0x3B80]  }
0x153: {  	v53 =	vld [tilespmem:s17+$0x3B90]  }
0x154: {  	v54 =	vld [tilespmem:s17+$0x3BA0]  }
0x155: {  	v28 =	vld [tilespmem:s17+$0x3BB0]  }
0x156: {  	v55 =	vld [tilespmem:s17+$0x3BC0]  }
0x157: {  	v56 =	vld [tilespmem:s17+$0x3BD0]  }
0x158: {  	v57 =	vld [tilespmem:s17+$0x3BE0]  }
0x159: {  	v32 =	vld [tilespmem:s17+$0x3BF0]  }
0x15a: {  	v58 =	vld [tilespmem:s17+$0x3C00]  }
0x15b: {  	v59 =	vld [tilespmem:s17+$0x3C10]  }
0x15c: {  	v35 =	vld [tilespmem:s17+$0x3C20]  }
0x15d: {  	v36 =	vld [tilespmem:s17+$0x3C30]  }
0x15e: {  	v60 =	vld [tilespmem:s17+$0x3C40]  }
0x15f: {  	v61 =	vld [tilespmem:s17+$0x3C50]  }
0x160: {  	v39 =	vld [tilespmem:s17+$0x3C60]  }
0x161: {  	v40 =	vld [tilespmem:s17+$0x3C70]  }
0x162: {  	v41 =	vld [tilespmem:s17+$0x3C80]  }
0x163: {  	v42 =	vld [tilespmem:s17+$0x3C90]  }
0x164: {  	v43 =	vld [tilespmem:s17+$0x3CA0]  }
0x165: {  	v44 =	vld [tilespmem:s17+$0x3CB0]  }
0x166: {  	v45 =	vld [tilespmem:s17+$0x3CC0];
	v17 =	vmul.f32 v17, v11;
	v18 =	vmul.f32 v62, v12  }
0x167: {  	v46 =	vld [tilespmem:s17+$0x3CD0];
	v62 =	vmul.f32 v19, v10;
	v21 =	vmul.f32 v21, v11  }
0x168: {  	v47 =	vld [tilespmem:s17+$0x3CE0];
	v22 =	vmul.f32 v63, v12;
	v63 =	vmul.f32 v52, v11  }
0x169: {  	v48 =	vld [tilespmem:s17+$0x3CF0];
	v50 =	vmul.f32 v53, v12;
	v20 =	vmul.f32 v20, v13  }
0x16a: {  	v49 =	vld [tilespmem:s17+$0x3D10];
	v51 =	vmul.f32 v23, v10;
	v24 =	vmul.f32 v24, v13  }
0x16b: {  	v26 =	vld [tilespmem:s17+$0x3D20];
	v52 =	vmul.f32 v54, v10;
	v53 =	vmul.f32 v55, v11  }
0x16c: {  	v27 =	vld [tilespmem:s17+$0x3D40];
	v54 =	vmul.f32 v56, v12;
	v55 =	vmul.f32 v28, v13  }
0x16d: {  	v30 =	vld [tilespmem:s17+$0x3D50];
	v56 =	vmul.f32 v57, v10;
	v57 =	vmul.f32 v58, v11  }
0x16e: {  	v25 =	vld [tilespmem:s17+$0x3D60];
	v58 =	vmul.f32 v59, v12;
	v59 =	vmul.f32 v60, v11  }
0x16f: {  	v31 =	vld [tilespmem:s17+$0x3D80];
	v60 =	vmul.f32 v61, v12;
	v32 =	vmul.f32 v32, v13  }
0x170: {  	v34 =	vld [tilespmem:s17+$0x3D90];
	v61 =	vmul.f32 v35, v10;
	v36 =	vmul.f32 v36, v13  }
0x171: {  	v37 =	vld [tilespmem:s17+$0x3DB0];
	v26 =	vmul.f32 v26, v10;
	v27 =	vmul.f32 v27, v11  }
0x172: {  	v19 =	vld [tilespmem:s17+$0x3D00];
	v30 =	vmul.f32 v30, v12;
	v17 =	vadd.f32 v18, v17;
	v21 =	vadd.f32 v22, v21  }
0x173: {  	v23 =	vld [tilespmem:s17+$0x3D30];
	v25 =	vmul.f32 v25, v10;
	v18 =	vadd.f32 v50, v63;
	v22 =	vadd.f32 v54, v53  }
0x174: {  	v28 =	vld [tilespmem:s17+$0x3D70];
	v63 =	vmul.f32 v41, v11;
	v50 =	vmul.f32 v42, v12;
	v27 =	vadd.f32 v30, v27  }
0x175: {  	v35 =	vld [tilespmem:s17+$0x3DA0];
	v54 =	vmul.f32 v43, v10;
	v17 =	vadd.f32 v62, v17;
	v21 =	vadd.f32 v51, v21  }
0x176: {  	v53 =	vld [tilespmem:s17+$0x3DD0];
	v18 =	vadd.f32 v52, v18;
	v22 =	vadd.f32 v56, v22;
	v62 =	vmul.f32 v39, v10  }
0x177: {  	v41 =	vld [tilespmem:s17+$0x3DF0];
	v52 =	vmul.f32 v40, v13;
	v29 =	vadd.f32 v50, v63;
	v56 =	vmul.f32 v45, v11  }
0x178: {  	v43 =	vld [tilespmem:s17+$0x3E40];
	v63 =	vmul.f32 v48, v13;
	v25 =	vadd.f32 v25, v27;
	v17 =	vadd.f32 v20, v17  }
0x179: {  	v51 =	vld [tilespmem:s17+$0x3DC0];
	v19 =	vmul.f32 v19, v11;
	v21 =	vadd.f32 v24, v21;
	v18 =	vadd.f32 v55, v18  }
0x17a: {  	v40 =	vld [tilespmem:s17+$0x3E30];
	v23 =	vmul.f32 v23, v13;
	v20 =	vadd.f32 v58, v57;
	v24 =	vadd.f32 v60, v59  }
0x17b: {  	v45 =	vld [tilespmem:s17+$0x3E50];
	v22 =	vadd.f32 v32, v22;
	v57 =	vmul.f32 v46, v12;
	v58 =	vmul.f32 v49, v12  }
0x17c: {  	v48 =	vld [tilespmem:s17+$0x3E60];
	v29 =	vadd.f32 v54, v29;
	v60 =	vmul.f32 v44, v13;
	v46 =	vmul.f32 v31, v11  }
0x17d: {  	v55 =	vld [tilespmem:s17+$0x3DE0];
	v54 =	vmul.f32 v37, v13;
	v33 =	vmul.f32 v53, v12;
	v20 =	vadd.f32 v61, v20  }
0x17e: {  	v59 =	vld [tilespmem:s17+$0x3E00];
	v24 =	vadd.f32 v62, v24;
	v32 =	vadd.f32 v57, v56;
	v61 =	vmul.f32 v47, v10  }
0x17f: {  	v50 =	vld [tilespmem:s17+$0x3E70];
	v19 =	vadd.f32 v58, v19;
	v47 =	vmul.f32 v34, v12;
	v49 =	vmul.f32 v51, v11  }
0x180: {  	v53 =	vld [tilespmem:s17+$0x3E80];
	v29 =	vadd.f32 v60, v29;
	v51 =	vmul.f32 v28, v13;
	v42 =	vmul.f32 v45, v12  }
0x181: {  	v62 =	vld [tilespmem:s17+$0x3E10];
	v48 =	vmul.f32 v48, v10;
	v20 =	vadd.f32 v36, v20;
	v24 =	vadd.f32 v52, v24  }
0x182: {  	(xrf2) =	vadd.scan.msk.f32 $0xffff, v17;
	v56 =	vld [tilespmem:s17+$0x3E90];
	v32 =	vadd.f32 v61, v32;
	v19 =	vadd.f32 v26, v19;
	v52 =	vmul.f32 v35, v10  }
0x183: {  	(xrf2) =	vadd.scan.msk.f32 $0xffff, v21;
	v36 =	vld [tilespmem:s17+$0x3E20];
	v27 =	vadd.f32 v33, v49;
	v55 =	vmul.f32 v55, v10;
	v58 =	vmul.f32 v59, v11  }
0x184: {  	v60 =	vld [tilespmem:s17+$0x3EA0];
	(xrf2) =	vadd.scan.msk.f32 $0xffff, v18;
	v17 =	vadd.f32 v51, v25;
	v49 =	vmul.f32 v50, v13;
	v19 =	vadd.f32 v23, v19  }
0x185: {  	v38 =	vld [tilespmem:s17+$0x3ED0];
	(xrf2) =	vadd.scan.msk.f32 $0xffff, v22;
	v23 =	vadd.f32 v47, v46;
	v44 =	vmul.f32 v53, v11;
	v47 =	vmul.f32 v40, v13  }
0x186: {  	v32 =	vadd.f32 v63, v32;
	v63 =	vld [tilespmem:s17+$0x3EC0];
	(xrf2) =	vadd.scan.msk.f32 $0xffff, v20;
	v59 =	vmul.f32 v62, v12;
	v62 =	vmul.f32 v41, v13  }
0x187: {  	v61 =	vadd.f32 v55, v27;
	(xrf2) =	vadd.scan.msk.f32 $0xffff, v24;
	v41 =	vmul.f32 v43, v11;
	v43 =	vld [tilespmem:s17+$0x3EB0];
	v45 =	vmul.f32 v56, v12  }
0x188: {  	v46 =	vld [tilespmem:s17+$0x3EE0];
	v57 =	vadd.f32 v52, v23;
	(xrf2) =	vadd.scan.msk.f32 $0xffff, v29;
	v33 =	vadd.f32 v59, v58;
	v36 =	vmul.f32 v36, v10  }
0x189: {  	v50 =	vmul.f32 v60, v10;
	(xrf2) =	vadd.scan.msk.f32 $0xffff, v32;
	v24 =	vadd.f32 v42, v41;
	v21 =	vadd.f32 v45, v44  }
0x18a: {  	v51 =	vld [tilespmem:s17+$0x3EF0];
	v23 =	vmul.f32 v38, v12;
	v18 =	vadd.f32 v54, v57;
	(xrf2) =	vadd.scan.msk.f32 $0xffff, v19;
	v20 =	vadd.f32 v36, v33  }
0x18b: {  	v22 =	vadd.f32 v62, v61;
	(xrf2) =	vadd.scan.msk.f32 $0xffff, v17;
	v52 =	vadd.f32 v48, v24;
	v53 =	vmul.f32 v63, v11  }
0x18c: {  	v56 =	vadd.f32 v50, v21;
	v54, _, _ =	vpop (xrf2);
	(xrf2) =	vadd.scan.msk.f32 $0xffff, v18;
	v57 =	vmul.f32 v43, v13;
	v55 =	vadd.f32 v47, v20  }
0x18d: {  	v60 =	vmul.f32 v46, v10;
	v58, _, _ =	vpop (xrf2);
	(xrf2) =	vadd.scan.msk.f32 $0xffff, v22;
	v17 =	vadd.f32 v49, v52;
	v59 =	vadd.f32 v23, v53  }
0x18e: {  	v62 =	vbroadcast v54, $0xF;
	v61, _, _ =	vpop (xrf2);
	v63 =	vbroadcast v58, $0xF;
	v20 =	vadd.f32 v57, v56;
	(xrf2) =	vadd.scan.msk.f32 $0xffff, v55  }
0x18f: {  	v27 =	vmul.f32 v51, v13;
	v25, _, _ =	vpop (xrf2);
	v26 =	vbroadcast v61, $0xF;
	v19 =	vadd.f32 v60, v59;
	(xrf2) =	vadd.scan.msk.f32 $0xffff, v17  }
0x190: {  	v18 =	vsel vm0, v62, v63;
	v21 =	vbroadcast v25, $0xF;
	v28, _, _ =	vpop (xrf2);
	(xrf2) =	vadd.scan.msk.f32 $0xffff, v20  }
0x191: {  	v29, _, _ =	vpop (xrf2);
	v17 =	vsel vm1, v18, v26;
	v30 =	vbroadcast v28, $0xF;
	v19 =	vadd.f32 v27, v19  }
0x192: {  	v31, _, _ =	vpop (xrf2);
	v17 =	vsel vm2, v17, v21;
	v20 =	vbroadcast v29, $0xF  }
0x193: {  	v17 =	vsel vm3, v17, v30;
	v32 =	vbroadcast v31, $0xF;
	v33, _, _ =	vpop (xrf2);
	(xrf2) =	vadd.scan.msk.f32 $0xffff, v19  }
0x194: {  	v34, _, _ =	vpop (xrf2);
	v17 =	vsel vm4, v17, v20;
	v35 =	vbroadcast v33, $0xF  }
0x195: {  	v36, _, _ =	vpop (xrf2);
	v17 =	vsel vm5, v17, v32;
	v37 =	vbroadcast v34, $0xF  }
0x196: {  	v38, _, _ =	vpop (xrf2);
	v17 =	vsel vm6, v17, v35;
	v39 =	vbroadcast v36, $0xF  }
0x197: {  	v40, _, _ =	vpop (xrf2);
	v17 =	vsel vm7, v17, v37;
	v41 =	vbroadcast v38, $0xF  }
0x198: {  	v17 =	vsel vm8, v17, v39;
	v43 =	vbroadcast v40, $0xF;
	v42, _, _ =	vpop (xrf2)  }
0x199: {  	v46 =	vadd.s32 s7, v3;
	v17 =	vsel vm9, v17, v41;
	v44, _, _ =	vpop (xrf2);
	v45 =	vbroadcast v42, $0xF  }
0x19a: {  	v17 =	vsel vm10, v17, v43;
	v47 =	vbroadcast v44, $0xF;
	v48, _, _ =	vpop (xrf2)  }
0x19b: {  	v17 =	vsel vm11, v17, v45;
	v49 =	vbroadcast v48, $0xF  }
0x19c: {  	v17 =	vsel vm12, v17, v47  }
0x19d: {  	v50, _, _ =	vpop (xrf2);
	v17 =	vsel vm13, v17, v49  }
0x19e: {  	v51 =	vld.idx.msk [tilespmem:v46+s26+$0x0], $0xffff;
	v17 =	vsel vm14, v17, v50  }
0x19f: {  	v17 =	vsub.f32 v17, v15  }
0x1a0: {  	v52 =	vadd.s32 v3, v16  }
0x1a1: {  	v17 =	vadd.f32 v17, v14;
	_ =	sdelay $0x1  }
0x1a2: {  	v17 =	vadd.f32 v17, v51;
	_ =	sdelay $0x1  }
0x1a3: {  	[tilespmem:v52+s2+$0x0] =	vst.idx.msk $0xffff, v17  }
0x1a4: {  	v17 =	vld [tilespmem:s17+$0x3F00]  }
0x1a5: {  	v53 =	vld [tilespmem:s17+$0x3F10]  }
0x1a6: {  	v19 =	vld [tilespmem:s17+$0x3F40]  }
0x1a7: {  	v54 =	vld [tilespmem:s17+$0x3F50]  }
0x1a8: {  	v55 =	vld [tilespmem:s17+$0x3F20]  }
0x1a9: {  	v56 =	vld [tilespmem:s17+$0x3F60]  }
0x1aa: {  	v57 =	vld [tilespmem:s17+$0x3F30]  }
0x1ab: {  	v58 =	vld [tilespmem:s17+$0x3F70];
	v17 =	vmul.f32 v17, v11;
	v18 =	vmul.f32 v53, v12  }
0x1ac: {  	v11 =	vmul.f32 v19, v11;
	v12 =	vmul.f32 v54, v12  }
0x1ad: {  	v59 =	vmul.f32 v55, v10;
	v17 =	vadd.f32 v18, v17  }
0x1ae: {  	v10 =	vmul.f32 v56, v10;
	v11 =	vadd.f32 v12, v11  }
0x1af: {  	v61 =	vmul.f32 v57, v13;
	v60 =	vadd.f32 v59, v17  }
0x1b0: {  	v10 =	vadd.f32 v10, v11;
	v11 =	vmul.f32 v58, v13  }
0x1b1: {  	v12 =	vadd.f32 v61, v60  }
0x1b2: {  	v10 =	vadd.f32 v11, v10  }
0x1b3: {  	(xrf2) =	vadd.scan.msk.f32 $0xffff, v12  }
0x1b4: {  	(xrf2) =	vadd.scan.msk.f32 $0xffff, v10;
	_ =	sdelay $0x7  }
0x1b5: {  	v10 =	vadd.s32 s7, v4  }
0x1b6: {  	v11, _, _ =	vpop (xrf2)  }
0x1b7: {  	v11 =	vbroadcast v11, $0xF;
	v62, _, _ =	vpop (xrf2)  }
0x1b8: {  	v12 =	vbroadcast v62, $0xF  }
0x1b9: {  	v11 =	vnsel vm0, $0x0, v11  }
0x1ba: {  	v10 =	vld.idx.msk [tilespmem:v10+s26+$0x0], $0xffff;
	v11 =	vsel vm15, v11, v12  }
0x1bb: {  	v11 =	vsub.f32 v11, v15  }
0x1bc: {  	p0 =	sne.s32 s16, $0x7;
	v63 =	vadd.s32 v5, v16  }
.Ltmp0:
0x1bd: {  	v11 =	vadd.f32 v11, v14;
	(pc) =	sbr.rel @p0 .LBB2_3-.Ltmp0, $3  }
0x1be: {  	_ = 	snop  }
0x1bf: {  	v10 =	vadd.f32 v11, v10;
	_ =	sdelay $0x1  }
0x1c0: {  	s16 =	sadd.s32 $0x1, s16;
	[tilespmem:v63+s2+$0x0] =	vst.idx.msk $0x3, v10  }
0x1c1: {  	p0 =	seq.s32 s25, $0x7  }
0x1c2: {  	s6 =	smul.u32 @!p0 $0x320, s25;
	_ =	sdelay $0x1  }
0x1c3: {  	s16 =	simm.s32 @!p0 $0x190;
	s17 =	simm.s32 @!p0 $0x3300;
	s7 =	sadd.s32 @!p0 $0x1C20, s6  }
0x1c4: {  	[tilespmem:s17], [sflag:$0x1] =	stream.indirect.gather @!p0 [hbm4b:s4+s16], $0x40, s7, s16, $0xb8;
	[tilespmem:$0x13BA0] =	vst v63  }
0x1c5: {  	s6 =	sadd.s32 @!p0 $0x320, s6;
	s7 =	simm.s32 @!p0 $0x11C40  }
0x1c6: {  	[tilespmem:s7], [sflag:$0x1] =	stream.indirect.gather @!p0 [hbm4b:s5+s16], $0x1, s6, s16, $0xb8;
	[tilespmem:$0x13BA0] =	vst v63  }
0x1c7: {  	s7 =	simm.s32 @!p0 $0x11F60  }
0x1c8: {  	[tilespmem:s7], [sflag:$0x1] =	stream.indirect.gather @!p0 [hbm4b:s1+s16], $0x1, s6, s16, $0xb8;
	[tilespmem:$0x13BA0] =	vst v63  }
0x1c9: {  	_ =	swait.ge [sflag:s18], $0x6400  }
0x1ca: {  	[sflag:s18] =	ssyncset.done $0x0  }
0x1cb: {  	[sflag:s18] =	ssyncadd.s32 $0xFFFF9C00  }
0x1cc: {  	_ =	swait.ge [sflag:s18], $0x190  }
0x1cd: {  	[sflag:s18] =	ssyncset.done $0x0  }
0x1ce: {  	[sflag:s18] =	ssyncadd.s32 $0xFFFFFE70  }
0x1cf: {  	_ =	swait.ge [sflag:s18], $0x190  }
0x1d0: {  	[sflag:s18] =	ssyncset.done $0x0  }
0x1d1: {  	[sflag:s18] =	ssyncadd.s32 $0xFFFFFE70  }
0x1d2: {  	v10 =	vld [tilespmem:$0x120F0];
	_ =	sdelay $0x4  }
0x1d3: {  	[tilespmem:s0+$0x0] =	vst.add.f32.msk $0xffff, v10  }
0x1d4: {  	v10 =	vld [tilespmem:$0x12100];
	_ =	sdelay $0x4  }
0x1d5: {  	[tilespmem:s0+$0x0] =	vst.add.f32.msk $0xffff, v10  }
0x1d6: {  	v10 =	vld [tilespmem:$0x12110];
	_ =	sdelay $0x4  }
0x1d7: {  	[tilespmem:s0+$0x0] =	vst.add.f32.msk $0xffff, v10  }
0x1d8: {  	v10 =	vld [tilespmem:$0x12120];
	_ =	sdelay $0x4  }
0x1d9: {  	[tilespmem:s0+$0x0] =	vst.add.f32.msk $0xffff, v10  }
0x1da: {  	v10 =	vld [tilespmem:$0x12130];
	_ =	sdelay $0x4  }
0x1db: {  	[tilespmem:s0+$0x0] =	vst.add.f32.msk $0xffff, v10  }
0x1dc: {  	v10 =	vld [tilespmem:$0x12140];
	_ =	sdelay $0x4  }
0x1dd: {  	[tilespmem:s0+$0x0] =	vst.add.f32.msk $0xffff, v10  }
0x1de: {  	v10 =	vld [tilespmem:$0x12150];
	_ =	sdelay $0x4  }
0x1df: {  	[tilespmem:s0+$0x0] =	vst.add.f32.msk $0xffff, v10  }
0x1e0: {  	v10 =	vld [tilespmem:$0x12160];
	_ =	sdelay $0x4  }
0x1e1: {  	[tilespmem:s0+$0x0] =	vst.add.f32.msk $0xffff, v10  }
0x1e2: {  	v10 =	vld [tilespmem:$0x12170];
	_ =	sdelay $0x4  }
0x1e3: {  	[tilespmem:s0+$0x0] =	vst.add.f32.msk $0xffff, v10  }
0x1e4: {  	v10 =	vld [tilespmem:$0x12180];
	_ =	sdelay $0x4  }
0x1e5: {  	[tilespmem:s0+$0x0] =	vst.add.f32.msk $0xffff, v10  }
0x1e6: {  	v10 =	vld [tilespmem:$0x12190];
	_ =	sdelay $0x4  }
0x1e7: {  	[tilespmem:s0+$0x0] =	vst.add.f32.msk $0xffff, v10  }
0x1e8: {  	v10 =	vld [tilespmem:$0x121A0];
	_ =	sdelay $0x4  }
0x1e9: {  	[tilespmem:s0+$0x0] =	vst.add.f32.msk $0xffff, v10  }
0x1ea: {  	v10 =	vld [tilespmem:$0x121B0];
	_ =	sdelay $0x4  }
0x1eb: {  	[tilespmem:s0+$0x0] =	vst.add.f32.msk $0xffff, v10  }
0x1ec: {  	v10 =	vld [tilespmem:$0x121C0];
	_ =	sdelay $0x4  }
0x1ed: {  	[tilespmem:s0+$0x0] =	vst.add.f32.msk $0xffff, v10  }
0x1ee: {  	v10 =	vld [tilespmem:$0x121D0];
	_ =	sdelay $0x4  }
0x1ef: {  	[tilespmem:s0+$0x0] =	vst.add.f32.msk $0xffff, v10  }
0x1f0: {  	v10 =	vld [tilespmem:$0x121E0];
	_ =	sdelay $0x4  }
0x1f1: {  	[tilespmem:s0+$0x0] =	vst.add.f32.msk $0xffff, v10  }
0x1f2: {  	v10 =	vld [tilespmem:$0x121F0];
	_ =	sdelay $0x4  }
0x1f3: {  	[tilespmem:s0+$0x0] =	vst.add.f32.msk $0xffff, v10  }
0x1f4: {  	v10 =	vld [tilespmem:$0x12200];
	_ =	sdelay $0x4  }
0x1f5: {  	[tilespmem:s0+$0x0] =	vst.add.f32.msk $0xffff, v10  }
0x1f6: {  	v10 =	vld [tilespmem:$0x12210];
	_ =	sdelay $0x4  }
0x1f7: {  	[tilespmem:s0+$0x0] =	vst.add.f32.msk $0xffff, v10  }
0x1f8: {  	v10 =	vld [tilespmem:$0x12220];
	_ =	sdelay $0x4  }
0x1f9: {  	[tilespmem:s0+$0x0] =	vst.add.f32.msk $0xffff, v10  }
0x1fa: {  	v10 =	vld [tilespmem:$0x12230];
	_ =	sdelay $0x4  }
0x1fb: {  	[tilespmem:s0+$0x0] =	vst.add.f32.msk $0xffff, v10  }
0x1fc: {  	v10 =	vld [tilespmem:$0x12240];
	_ =	sdelay $0x4  }
0x1fd: {  	[tilespmem:s0+$0x0] =	vst.add.f32.msk $0xffff, v10  }
0x1fe: {  	v10 =	vld [tilespmem:$0x12250];
	_ =	sdelay $0x4  }
0x1ff: {  	[tilespmem:s0+$0x0] =	vst.add.f32.msk $0xffff, v10  }
0x200: {  	v10 =	vld [tilespmem:$0x12260];
	_ =	sdelay $0x4  }
0x201: {  	[tilespmem:s0+$0x0] =	vst.add.f32.msk $0xffff, v10  }
0x202: {  	v10 =	vld [tilespmem:$0x12270];
	_ =	sdelay $0x4  }
0x203: {  	s28 =	sshll.u32 s28, $0x3;
	s20 =	simm.s32 $0x0;
	[tilespmem:s0+$0x0] =	vst.add.f32.msk $0xffff, v10  }
.LBB2_5:
0x204: {  	s6 =	sadd.s32 s28, s20  }
0x205: {  	s7 =	sshll.u32 s6, $0x6  }
0x206: {  	s16 =	smul.u32 $0x32, s20;
	s7 =	sand.u32 $0x3FFFFFC0, s7  }
0x207: {  	v10 =	vld [tilespmem:s7+$0xFB00]  }
0x208: {  	s16 =	sadd.s32 $0x190, s16;
	v12 =	vld [tilespmem:s7+$0xFB10]  }
0x209: {  	v13 =	vld [tilespmem:s7+$0xFB20];
	s17 =	sshll.u32 s16, $0x6  }
0x20a: {  	v14 =	vld [tilespmem:s7+$0xFB30];
	s7 =	sand.u32 $0x3FFFFF80, s17  }
0x20b: {  	v15 =	vld [tilespmem:s7+$0x3300]  }
0x20c: {  	s17 =	smul.u32 $0x3200, s20;
	v16 =	vld [tilespmem:s7+$0x3310]  }
0x20d: {  	v17 =	vld [tilespmem:s7+$0x3320]  }
0x20e: {  	v18 =	vld [tilespmem:s7+$0x3330];
	s17 =	sshra.s32 s17, $0x2  }
0x20f: {  	v19 =	vld [tilespmem:s17+$0x9740]  }
0x210: {  	v20 =	vld [tilespmem:s17+$0x9750]  }
0x211: {  	v21 =	vld [tilespmem:s17+$0x9760]  }
0x212: {  	v22 =	vld [tilespmem:s17+$0x9770]  }
0x213: {  	v23 =	vld [tilespmem:s17+$0x9780]  }
0x214: {  	v24 =	vld [tilespmem:s17+$0x9790]  }
0x215: {  	v25 =	vld [tilespmem:s17+$0x97A0]  }
0x216: {  	v26 =	vld [tilespmem:s17+$0x97B0]  }
0x217: {  	v27 =	vld [tilespmem:s17+$0x97C0]  }
0x218: {  	v28 =	vld [tilespmem:s17+$0x97D0]  }
0x219: {  	v29 =	vld [tilespmem:s17+$0x97E0]  }
0x21a: {  	v30 =	vld [tilespmem:s17+$0x97F0]  }
0x21b: {  	v31 =	vld [tilespmem:s17+$0x9800]  }
0x21c: {  	v32 =	vld [tilespmem:s17+$0x9810]  }
0x21d: {  	v33 =	vld [tilespmem:s17+$0x9820]  }
0x21e: {  	v34 =	vld [tilespmem:s17+$0x9830]  }
0x21f: {  	v35 =	vld [tilespmem:s17+$0x9840]  }
0x220: {  	v36 =	vld [tilespmem:s17+$0x9850]  }
0x221: {  	v37 =	vld [tilespmem:s17+$0x9860]  }
0x222: {  	v38 =	vld [tilespmem:s17+$0x9870]  }
0x223: {  	v39 =	vld [tilespmem:s17+$0x9880];
	v11 =	vsub.f32 v10, v6;
	v12 =	vsub.f32 v12, v7  }
0x224: {  	v40 =	vld [tilespmem:s17+$0x9890];
	v10 =	vsub.f32 v13, v8  }
0x225: {  	v41 =	vld [tilespmem:s17+$0x98A0];
	v13 =	vsub.f32 v14, v9;
	v42 =	vmul.f32 v11, v6;
	v43 =	vmul.f32 v12, v7  }
0x226: {  	v44 =	vld [tilespmem:s17+$0x98B0];
	v51 =	vmul.f32 v10, v8;
	v15 =	vmul.f32 v15, v11  }
0x227: {  	v45 =	vld [tilespmem:s17+$0x98C0];
	v16 =	vmul.f32 v16, v12;
	v52 =	vmul.f32 v13, v9  }
0x228: {  	v46 =	vld [tilespmem:s17+$0x98E0];
	v53 =	vmul.f32 v17, v10;
	v18 =	vmul.f32 v18, v13  }
0x229: {  	v47 =	vld [tilespmem:s17+$0x98F0];
	v19 =	vmul.f32 v19, v11;
	v20 =	vmul.f32 v20, v12  }
0x22a: {  	v17 =	vld [tilespmem:s17+$0x9900];
	v54 =	vmul.f32 v23, v11;
	v55 =	vmul.f32 v24, v12  }
0x22b: {  	v50 =	vadd.f32 v43, v42;
	v43 =	vld [tilespmem:s17+$0x98D0];
	v56 =	vmul.f32 v21, v10;
	v22 =	vmul.f32 v22, v13  }
0x22c: {  	v42 =	vld [tilespmem:s17+$0x9910];
	v57 =	vmul.f32 v25, v10;
	v58 =	vmul.f32 v27, v11  }
0x22d: {  	v24 =	vld [tilespmem:s17+$0x9920];
	v59 =	vmul.f32 v28, v12;
	v60 =	vmul.f32 v26, v13  }
0x22e: {  	v21 =	vld [tilespmem:s17+$0x9930];
	v61 =	vmul.f32 v29, v10;
	v62 =	vmul.f32 v31, v11  }
0x22f: {  	v15 =	vadd.f32 v16, v15;
	v25 =	vld [tilespmem:s17+$0x9940];
	v63 =	vmul.f32 v32, v12;
	v48 =	vmul.f32 v35, v11  }
0x230: {  	v28 =	vld [tilespmem:s17+$0x9950];
	v49 =	vmul.f32 v36, v12;
	v30 =	vmul.f32 v30, v13  }
0x231: {  	v23 =	vld [tilespmem:s17+$0x9960];
	v34 =	vmul.f32 v34, v13;
	v14 =	vadd.f32 v51, v50;
	v15 =	vadd.f32 v53, v15  }
0x232: {  	v26 =	vld [tilespmem:s17+$0x9970];
	v19 =	vadd.f32 v20, v19;
	v50 =	vmul.f32 v33, v10;
	v51 =	vmul.f32 v37, v10  }
0x233: {  	v29 =	vld [tilespmem:s17+$0x9980];
	v16 =	vadd.f32 v55, v54;
	v53 =	vmul.f32 v40, v12;
	v55 =	vmul.f32 v38, v13  }
0x234: {  	v32 =	vld [tilespmem:s17+$0x9990];
	v20 =	vadd.f32 v59, v58;
	v58 =	vmul.f32 v45, v11;
	v45 =	vmul.f32 v47, v13  }
0x235: {  	v35 =	vld [tilespmem:s17+$0x99B0];
	v17 =	vmul.f32 v17, v11;
	v14 =	vadd.f32 v52, v14;
	v19 =	vadd.f32 v56, v19  }
0x236: {  	v36 =	vld [tilespmem:s17+$0x99E0];
	v15 =	vadd.f32 v18, v15;
	v16 =	vadd.f32 v57, v16;
	v52 =	vmul.f32 v39, v11  }
0x237: {  	v33 =	vld [tilespmem:s17+$0x99A0];
	v20 =	vadd.f32 v61, v20;
	v57 =	vmul.f32 v41, v10;
	v61 =	vmul.f32 v44, v13  }
0x238: {  	v54 =	vld [tilespmem:s17+$0x99C0];
	v18 =	vadd.f32 v63, v62;
	v62 =	vmul.f32 v46, v10;
	v59 =	vmul.f32 v43, v12  }
0x239: {  	v40 =	vld [tilespmem:s17+$0x9A00];
	v24 =	vmul.f32 v24, v10;
	v25 =	vmul.f32 v25, v11  }
0x23a: {  	v38 =	vld [tilespmem:s17+$0x9A30];
	v28 =	vmul.f32 v28, v12;
	v21 =	vmul.f32 v21, v13;
	v19 =	vadd.f32 v22, v19  }
0x23b: {  	v47 =	vld [tilespmem:s17+$0x9A40];
	v23 =	vmul.f32 v23, v10;
	v16 =	vadd.f32 v60, v16;
	v22 =	vadd.f32 v49, v48  }
0x23c: {  	v56 =	vld [tilespmem:s17+$0x99D0];
	v18 =	vadd.f32 v50, v18;
	v20 =	vadd.f32 v30, v20;
	v60 =	vmul.f32 v42, v12  }
0x23d: {  	v63 =	vld [tilespmem:s17+$0x9A10];
	v27 =	vadd.f32 v53, v52;
	v49 =	vmul.f32 v29, v11;
	v50 =	vmul.f32 v32, v12  }
0x23e: {  	v39 =	vld [tilespmem:s17+$0x99F0];
	v30 =	vadd.f32 v59, v58;
	v25 =	vadd.f32 v28, v25;
	v52 =	vmul.f32 v54, v11  }
0x23f: {  	v46 =	vld [tilespmem:s17+$0x9A20];
	v58 =	vmul.f32 v35, v13;
	v22 =	vadd.f32 v51, v22;
	v18 =	vadd.f32 v34, v18  }
0x240: {  	v48 =	vld [tilespmem:s17+$0x9A50];
	v59 =	vmul.f32 v36, v10;
	v27 =	vadd.f32 v57, v27;
	v17 =	vadd.f32 v60, v17  }
0x241: {  	v32 =	vld [tilespmem:s17+$0x9A60];
	v30 =	vadd.f32 v62, v30;
	v53 =	vmul.f32 v56, v12;
	v56 =	vmul.f32 v33, v10  }
0x242: {  	(xrf2) =	vadd.scan.msk.f32 $0xffff, v14;
	v54 =	vld [tilespmem:s17+$0x9A70];
	v51 =	vadd.f32 v23, v25;
	v62 =	vmul.f32 v40, v11;
	v63 =	vmul.f32 v63, v12  }
0x243: {  	(xrf2) =	vadd.scan.msk.f32 $0xffff, v15;
	v57 =	vld [tilespmem:s17+$0x9A80];
	v40 =	vmul.f32 v39, v13;
	v22 =	vadd.f32 v55, v22;
	v27 =	vadd.f32 v61, v27  }
0x244: {  	(xrf2) =	vadd.scan.msk.f32 $0xffff, v19;
	v60 =	vld [tilespmem:s17+$0x9A90];
	v43 =	vmul.f32 v46, v10;
	v17 =	vadd.f32 v24, v17;
	v30 =	vadd.f32 v45, v30  }
0x245: {  	v36 =	vld [tilespmem:s17+$0x9AA0];
	(xrf2) =	vadd.scan.msk.f32 $0xffff, v16;
	v55 =	vmul.f32 v26, v13;
	v23 =	vadd.f32 v53, v52;
	v42 =	vadd.f32 v63, v62  }
0x246: {  	v41 =	vld [tilespmem:s17+$0x9AC0];
	(xrf2) =	vadd.scan.msk.f32 $0xffff, v20;
	v45 =	vmul.f32 v47, v11;
	v46 =	vmul.f32 v48, v12;
	v17 =	vadd.f32 v21, v17  }
0x247: {  	v44 =	vld [tilespmem:s17+$0x9AD0];
	(xrf2) =	vadd.scan.msk.f32 $0xffff, v18;
	v52 =	vmul.f32 v32, v10;
	v21 =	vadd.f32 v50, v49;
	v14 =	vadd.f32 v55, v51  }
0x248: {  	v47 =	vld [tilespmem:s17+$0x9AB0];
	(xrf2) =	vadd.scan.msk.f32 $0xffff, v22;
	v51 =	vmul.f32 v38, v13;
	v53 =	vmul.f32 v54, v13;
	v37 =	vadd.f32 v59, v23  }
0x249: {  	v50 =	vld [tilespmem:s17+$0x9AE0];
	(xrf2) =	vadd.scan.msk.f32 $0xffff, v27;
	v48 =	vmul.f32 v57, v11;
	v49 =	vmul.f32 v60, v12;
	v61 =	vadd.f32 v56, v21  }
0x24a: {  	v54 =	vmul.f32 v36, v10;
	v18 =	vadd.f32 v43, v42;
	v20 =	vadd.f32 v46, v45;
	(xrf2) =	vadd.scan.msk.f32 $0xffff, v30  }
0x24b: {  	v55 =	vld [tilespmem:s17+$0x9AF0];
	v57 =	vmul.f32 v41, v11;
	(xrf2) =	vadd.scan.msk.f32 $0xffff, v17;
	v19 =	vadd.f32 v49, v48;
	v16 =	vadd.f32 v58, v61  }
0x24c: {  	v21 =	vmul.f32 v44, v12;
	v15 =	vadd.f32 v40, v37;
	v56 =	vadd.f32 v52, v20;
	v29, _, _ =	vpop (xrf2);
	(xrf2) =	vadd.scan.msk.f32 $0xffff, v14  }
0x24d: {  	v59 =	vadd.f32 v51, v18;
	v61 =	vmul.f32 v47, v13;
	v58, _, _ =	vpop (xrf2);
	v60 =	vadd.f32 v54, v19;
	(xrf2) =	vadd.scan.msk.f32 $0xffff, v16  }
0x24e: {  	v63 =	vadd.f32 v21, v57;
	v14 =	vadd.f32 v53, v56;
	v24 =	vmul.f32 v50, v10;
	v62, _, _ =	vpop (xrf2);
	(xrf2) =	vadd.scan.msk.f32 $0xffff, v15  }
0x24f: {  	v25 =	vbroadcast v58, $0xF;
	v26 =	vbroadcast v62, $0xF;
	v27, _, _ =	vpop (xrf2);
	v30 =	vadd.f32 v61, v60;
	(xrf2) =	vadd.scan.msk.f32 $0xffff, v59  }
0x250: {  	v34 =	vmul.f32 v55, v13;
	v33 =	vadd.f32 v24, v63;
	v31 =	vbroadcast v27, $0xF;
	v32, _, _ =	vpop (xrf2);
	(xrf2) =	vadd.scan.msk.f32 $0xffff, v14  }
0x251: {  	v35 =	vsel vm0, v25, v26;
	v19 =	vbroadcast v32, $0xF;
	v36, _, _ =	vpop (xrf2);
	(xrf2) =	vadd.scan.msk.f32 $0xffff, v30  }
0x252: {  	v14 =	vadd.f32 v34, v33;
	v37 =	vsel vm1, v35, v31;
	v38 =	vbroadcast v36, $0xF;
	v39, _, _ =	vpop (xrf2)  }
0x253: {  	v40 =	vsel vm2, v37, v19;
	v41 =	vbroadcast v39, $0xF;
	v42, _, _ =	vpop (xrf2)  }
0x254: {  	v15 =	vsel vm3, v40, v38;
	v43 =	vbroadcast v42, $0xF;
	v44, _, _ =	vpop (xrf2);
	(xrf2) =	vadd.scan.msk.f32 $0xffff, v14  }
0x255: {  	v45 =	vsel vm4, v15, v41;
	v46 =	vbroadcast v44, $0xF;
	v47, _, _ =	vpop (xrf2)  }
0x256: {  	v14 =	vsel vm5, v45, v43;
	v16 =	vbroadcast v47, $0xF;
	v48, _, _ =	vpop (xrf2)  }
0x257: {  	v14 =	vsel vm6, v14, v46;
	v49 =	vbroadcast v48, $0xF;
	v50, _, _ =	vpop (xrf2)  }
0x258: {  	v51 =	vmov s6;
	v14 =	vsel vm7, v14, v16;
	v52 =	vbroadcast v50, $0xF;
	v53, _, _ =	vpop (xrf2)  }
0x259: {  	v14 =	vsel vm8, v14, v49;
	v54 =	vbroadcast v53, $0xF;
	v55, _, _ =	vpop (xrf2)  }
0x25a: {  	v58 =	vadd.s32 s16, v1;
	v14 =	vsel vm9, v14, v52;
	v56 =	vbroadcast v55, $0xF;
	v57, _, _ =	vpop (xrf2)  }
0x25b: {  	v14 =	vsel vm10, v14, v54;
	v59 =	vbroadcast v57, $0xF;
	v60, _, _ =	vpop (xrf2)  }
0x25c: {  	v16 =	vsel vm11, v14, v56;
	v17 =	vbroadcast v60, $0xF  }
0x25d: {  	v14 =	vld.idx.msk [tilespmem:v51+s21+$0x0], $0xffff;
	v15 =	vsel vm12, v16, v59  }
0x25e: {  	v61, _, _ =	vpop (xrf2);
	v16 =	vsel vm13, v15, v17;
	v15 =	vbroadcast v29, $0xF  }
0x25f: {  	v19 =	vld.idx.msk [tilespmem:v58+s26+$0x0], $0xffff;
	v17 =	vsel vm14, v16, v61;
	v16 =	vmul.u32 $0x32, v51  }
0x260: {  	v17 =	vsub.f32 v17, v15  }
0x261: {  	v18 =	vadd.s32 v1, v16  }
0x262: {  	v17 =	vadd.f32 v17, v14;
	_ =	sdelay $0x1  }
0x263: {  	v17 =	vadd.f32 v17, v19;
	_ =	sdelay $0x1  }
0x264: {  	[tilespmem:v18+s2+$0x0] =	vst.idx.msk $0xffff, v17  }
0x265: {  	v17 =	vld [tilespmem:s17+$0x9B00]  }
0x266: {  	v18 =	vld [tilespmem:s17+$0x9B10]  }
0x267: {  	v62 =	vld [tilespmem:s17+$0x9B20]  }
0x268: {  	v20 =	vld [tilespmem:s17+$0x9B30]  }
0x269: {  	v21 =	vld [tilespmem:s17+$0x9B40]  }
0x26a: {  	v63 =	vld [tilespmem:s17+$0x9B50]  }
0x26b: {  	v23 =	vld [tilespmem:s17+$0x9B60]  }
0x26c: {  	v24 =	vld [tilespmem:s17+$0x9B70]  }
0x26d: {  	v52 =	vld [tilespmem:s17+$0x9B80]  }
0x26e: {  	v53 =	vld [tilespmem:s17+$0x9B90]  }
0x26f: {  	v54 =	vld [tilespmem:s17+$0x9BA0]  }
0x270: {  	v28 =	vld [tilespmem:s17+$0x9BB0]  }
0x271: {  	v55 =	vld [tilespmem:s17+$0x9BC0]  }
0x272: {  	v56 =	vld [tilespmem:s17+$0x9BD0]  }
0x273: {  	v57 =	vld [tilespmem:s17+$0x9BE0]  }
0x274: {  	v32 =	vld [tilespmem:s17+$0x9BF0]  }
0x275: {  	v58 =	vld [tilespmem:s17+$0x9C00]  }
0x276: {  	v59 =	vld [tilespmem:s17+$0x9C10]  }
0x277: {  	v35 =	vld [tilespmem:s17+$0x9C20]  }
0x278: {  	v36 =	vld [tilespmem:s17+$0x9C30]  }
0x279: {  	v60 =	vld [tilespmem:s17+$0x9C40]  }
0x27a: {  	v61 =	vld [tilespmem:s17+$0x9C50]  }
0x27b: {  	v39 =	vld [tilespmem:s17+$0x9C60]  }
0x27c: {  	v40 =	vld [tilespmem:s17+$0x9C70]  }
0x27d: {  	v41 =	vld [tilespmem:s17+$0x9C80]  }
0x27e: {  	v42 =	vld [tilespmem:s17+$0x9C90]  }
0x27f: {  	v43 =	vld [tilespmem:s17+$0x9CA0]  }
0x280: {  	v44 =	vld [tilespmem:s17+$0x9CB0]  }
0x281: {  	v45 =	vld [tilespmem:s17+$0x9CC0];
	v17 =	vmul.f32 v17, v11;
	v18 =	vmul.f32 v18, v12  }
0x282: {  	v46 =	vld [tilespmem:s17+$0x9CD0];
	v62 =	vmul.f32 v62, v10;
	v21 =	vmul.f32 v21, v11  }
0x283: {  	v47 =	vld [tilespmem:s17+$0x9CE0];
	v22 =	vmul.f32 v63, v12;
	v63 =	vmul.f32 v52, v11  }
0x284: {  	v48 =	vld [tilespmem:s17+$0x9CF0];
	v50 =	vmul.f32 v53, v12;
	v20 =	vmul.f32 v20, v13  }
0x285: {  	v19 =	vld [tilespmem:s17+$0x9D00];
	v51 =	vmul.f32 v23, v10;
	v24 =	vmul.f32 v24, v13  }
0x286: {  	v26 =	vld [tilespmem:s17+$0x9D20];
	v52 =	vmul.f32 v54, v10;
	v53 =	vmul.f32 v55, v11  }
0x287: {  	v27 =	vld [tilespmem:s17+$0x9D40];
	v54 =	vmul.f32 v56, v12;
	v55 =	vmul.f32 v28, v13  }
0x288: {  	v30 =	vld [tilespmem:s17+$0x9D50];
	v56 =	vmul.f32 v57, v10;
	v57 =	vmul.f32 v58, v11  }
0x289: {  	v25 =	vld [tilespmem:s17+$0x9D60];
	v58 =	vmul.f32 v59, v12;
	v59 =	vmul.f32 v60, v11  }
0x28a: {  	v49 =	vld [tilespmem:s17+$0x9D10];
	v60 =	vmul.f32 v61, v12;
	v32 =	vmul.f32 v32, v13  }
0x28b: {  	v31 =	vld [tilespmem:s17+$0x9D80];
	v61 =	vmul.f32 v35, v10;
	v36 =	vmul.f32 v36, v13  }
0x28c: {  	v34 =	vld [tilespmem:s17+$0x9D90];
	v19 =	vmul.f32 v19, v11;
	v26 =	vmul.f32 v26, v10  }
0x28d: {  	v37 =	vld [tilespmem:s17+$0x9DB0];
	v27 =	vmul.f32 v27, v11;
	v30 =	vmul.f32 v30, v12;
	v17 =	vadd.f32 v18, v17  }
0x28e: {  	v23 =	vld [tilespmem:s17+$0x9D30];
	v25 =	vmul.f32 v25, v10;
	v21 =	vadd.f32 v22, v21;
	v18 =	vadd.f32 v50, v63  }
0x28f: {  	v28 =	vld [tilespmem:s17+$0x9D70];
	v22 =	vadd.f32 v54, v53;
	v63 =	vmul.f32 v41, v11;
	v27 =	vadd.f32 v30, v27  }
0x290: {  	v35 =	vld [tilespmem:s17+$0x9DA0];
	v50 =	vmul.f32 v42, v12;
	v17 =	vadd.f32 v62, v17;
	v21 =	vadd.f32 v51, v21  }
0x291: {  	v53 =	vld [tilespmem:s17+$0x9DD0];
	v54 =	vmul.f32 v43, v10;
	v18 =	vadd.f32 v52, v18;
	v22 =	vadd.f32 v56, v22  }
0x292: {  	v41 =	vld [tilespmem:s17+$0x9DF0];
	v62 =	vmul.f32 v39, v10;
	v52 =	vmul.f32 v40, v13;
	v29 =	vadd.f32 v50, v63  }
0x293: {  	v43 =	vld [tilespmem:s17+$0x9E40];
	v56 =	vmul.f32 v45, v11;
	v25 =	vadd.f32 v25, v27;
	v17 =	vadd.f32 v20, v17  }
0x294: {  	v51 =	vld [tilespmem:s17+$0x9DC0];
	v63 =	vmul.f32 v48, v13;
	v21 =	vadd.f32 v24, v21;
	v18 =	vadd.f32 v55, v18  }
0x295: {  	v40 =	vld [tilespmem:s17+$0x9E30];
	v23 =	vmul.f32 v23, v13;
	v20 =	vadd.f32 v58, v57;
	v24 =	vadd.f32 v60, v59  }
0x296: {  	v45 =	vld [tilespmem:s17+$0x9E50];
	v22 =	vadd.f32 v32, v22;
	v57 =	vmul.f32 v46, v12;
	v58 =	vmul.f32 v49, v12  }
0x297: {  	v48 =	vld [tilespmem:s17+$0x9E60];
	v29 =	vadd.f32 v54, v29;
	v60 =	vmul.f32 v44, v13;
	v46 =	vmul.f32 v31, v11  }
0x298: {  	v55 =	vld [tilespmem:s17+$0x9DE0];
	v54 =	vmul.f32 v37, v13;
	v33 =	vmul.f32 v53, v12;
	v20 =	vadd.f32 v61, v20  }
0x299: {  	v59 =	vld [tilespmem:s17+$0x9E00];
	v24 =	vadd.f32 v62, v24;
	v32 =	vadd.f32 v57, v56;
	v61 =	vmul.f32 v47, v10  }
0x29a: {  	v50 =	vld [tilespmem:s17+$0x9E70];
	v19 =	vadd.f32 v58, v19;
	v47 =	vmul.f32 v34, v12;
	v49 =	vmul.f32 v51, v11  }
0x29b: {  	v53 =	vld [tilespmem:s17+$0x9E80];
	v29 =	vadd.f32 v60, v29;
	v51 =	vmul.f32 v28, v13;
	v42 =	vmul.f32 v45, v12  }
0x29c: {  	v62 =	vld [tilespmem:s17+$0x9E10];
	v48 =	vmul.f32 v48, v10;
	v20 =	vadd.f32 v36, v20;
	v24 =	vadd.f32 v52, v24  }
0x29d: {  	(xrf2) =	vadd.scan.msk.f32 $0xffff, v17;
	v56 =	vld [tilespmem:s17+$0x9E90];
	v32 =	vadd.f32 v61, v32;
	v19 =	vadd.f32 v26, v19;
	v52 =	vmul.f32 v35, v10  }
0x29e: {  	(xrf2) =	vadd.scan.msk.f32 $0xffff, v21;
	v36 =	vld [tilespmem:s17+$0x9E20];
	v27 =	vadd.f32 v33, v49;
	v55 =	vmul.f32 v55, v10;
	v58 =	vmul.f32 v59, v11  }
0x29f: {  	v60 =	vld [tilespmem:s17+$0x9EA0];
	(xrf2) =	vadd.scan.msk.f32 $0xffff, v18;
	v17 =	vadd.f32 v51, v25;
	v49 =	vmul.f32 v50, v13;
	v19 =	vadd.f32 v23, v19  }
0x2a0: {  	v38 =	vld [tilespmem:s17+$0x9ED0];
	(xrf2) =	vadd.scan.msk.f32 $0xffff, v22;
	v23 =	vadd.f32 v47, v46;
	v44 =	vmul.f32 v53, v11;
	v47 =	vmul.f32 v40, v13  }
0x2a1: {  	v32 =	vadd.f32 v63, v32;
	v63 =	vld [tilespmem:s17+$0x9EC0];
	(xrf2) =	vadd.scan.msk.f32 $0xffff, v20;
	v59 =	vmul.f32 v62, v12;
	v62 =	vmul.f32 v41, v13  }
0x2a2: {  	v61 =	vadd.f32 v55, v27;
	(xrf2) =	vadd.scan.msk.f32 $0xffff, v24;
	v41 =	vmul.f32 v43, v11;
	v43 =	vld [tilespmem:s17+$0x9EB0];
	v45 =	vmul.f32 v56, v12  }
0x2a3: {  	v46 =	vld [tilespmem:s17+$0x9EE0];
	v57 =	vadd.f32 v52, v23;
	(xrf2) =	vadd.scan.msk.f32 $0xffff, v29;
	v33 =	vadd.f32 v59, v58;
	v36 =	vmul.f32 v36, v10  }
0x2a4: {  	v50 =	vmul.f32 v60, v10;
	(xrf2) =	vadd.scan.msk.f32 $0xffff, v32;
	v24 =	vadd.f32 v42, v41;
	v21 =	vadd.f32 v45, v44  }
0x2a5: {  	v51 =	vld [tilespmem:s17+$0x9EF0];
	v23 =	vmul.f32 v38, v12;
	v18 =	vadd.f32 v54, v57;
	(xrf2) =	vadd.scan.msk.f32 $0xffff, v19;
	v20 =	vadd.f32 v36, v33  }
0x2a6: {  	v22 =	vadd.f32 v62, v61;
	(xrf2) =	vadd.scan.msk.f32 $0xffff, v17;
	v52 =	vadd.f32 v48, v24;
	v53 =	vmul.f32 v63, v11  }
0x2a7: {  	v56 =	vadd.f32 v50, v21;
	v54, _, _ =	vpop (xrf2);
	(xrf2) =	vadd.scan.msk.f32 $0xffff, v18;
	v57 =	vmul.f32 v43, v13;
	v55 =	vadd.f32 v47, v20  }
0x2a8: {  	v60 =	vmul.f32 v46, v10;
	v58, _, _ =	vpop (xrf2);
	(xrf2) =	vadd.scan.msk.f32 $0xffff, v22;
	v17 =	vadd.f32 v49, v52;
	v59 =	vadd.f32 v23, v53  }
0x2a9: {  	v61 =	vbroadcast v54, $0xF;
	v62 =	vbroadcast v58, $0xF;
	v63, _, _ =	vpop (xrf2);
	v28 =	vadd.f32 v57, v56;
	(xrf2) =	vadd.scan.msk.f32 $0xffff, v55  }
0x2aa: {  	v33 =	vmul.f32 v51, v13;
	v29 =	vbroadcast v63, $0xF;
	v30, _, _ =	vpop (xrf2);
	v32 =	vadd.f32 v60, v59;
	(xrf2) =	vadd.scan.msk.f32 $0xffff, v17  }
0x2ab: {  	v34 =	vsel vm0, v61, v62;
	v21 =	vbroadcast v30, $0xF;
	v35, _, _ =	vpop (xrf2);
	(xrf2) =	vadd.scan.msk.f32 $0xffff, v28  }
0x2ac: {  	v36 =	vsel vm1, v34, v29;
	v37 =	vbroadcast v35, $0xF;
	v38, _, _ =	vpop (xrf2);
	v17 =	vadd.f32 v33, v32  }
0x2ad: {  	v18 =	vsel vm2, v36, v21;
	v39 =	vbroadcast v38, $0xF;
	v40, _, _ =	vpop (xrf2)  }
0x2ae: {  	v18 =	vsel vm3, v18, v37;
	v41 =	vbroadcast v40, $0xF;
	v42, _, _ =	vpop (xrf2);
	(xrf2) =	vadd.scan.msk.f32 $0xffff, v17  }
0x2af: {  	v43 =	vsel vm4, v18, v39;
	v44 =	vbroadcast v42, $0xF;
	v45, _, _ =	vpop (xrf2)  }
0x2b0: {  	v17 =	vsel vm5, v43, v41;
	v19 =	vbroadcast v45, $0xF;
	v46, _, _ =	vpop (xrf2)  }
0x2b1: {  	v17 =	vsel vm6, v17, v44;
	v47 =	vbroadcast v46, $0xF;
	v48, _, _ =	vpop (xrf2)  }
0x2b2: {  	v17 =	vsel vm7, v17, v19;
	v49 =	vbroadcast v48, $0xF;
	v50, _, _ =	vpop (xrf2)  }
0x2b3: {  	v17 =	vsel vm8, v17, v47;
	v51 =	vbroadcast v50, $0xF;
	v52, _, _ =	vpop (xrf2)  }
0x2b4: {  	v55 =	vadd.s32 s16, v2;
	v17 =	vsel vm9, v17, v49;
	v53 =	vbroadcast v52, $0xF;
	v54, _, _ =	vpop (xrf2)  }
0x2b5: {  	v17 =	vsel vm10, v17, v51;
	v56 =	vbroadcast v54, $0xF;
	v57, _, _ =	vpop (xrf2)  }
0x2b6: {  	v17 =	vsel vm11, v17, v53;
	v58 =	vbroadcast v57, $0xF  }
0x2b7: {  	v17 =	vsel vm12, v17, v56  }
0x2b8: {  	v59, _, _ =	vpop (xrf2);
	v17 =	vsel vm13, v17, v58  }
0x2b9: {  	v60 =	vld.idx.msk [tilespmem:v55+s26+$0x0], $0xffff;
	v17 =	vsel vm14, v17, v59  }
0x2ba: {  	v17 =	vsub.f32 v17, v15  }
0x2bb: {  	v61 =	vadd.s32 v2, v16  }
0x2bc: {  	v17 =	vadd.f32 v17, v14;
	_ =	sdelay $0x1  }
0x2bd: {  	v17 =	vadd.f32 v17, v60;
	_ =	sdelay $0x1  }
0x2be: {  	[tilespmem:v61+s2+$0x0] =	vst.idx.msk $0xffff, v17  }
0x2bf: {  	v17 =	vld [tilespmem:s17+$0x9F00]  }
0x2c0: {  	v62 =	vld [tilespmem:s17+$0x9F10]  }
0x2c1: {  	v19 =	vld [tilespmem:s17+$0x9F20]  }
0x2c2: {  	v20 =	vld [tilespmem:s17+$0x9F30]  }
0x2c3: {  	v21 =	vld [tilespmem:s17+$0x9F40]  }
0x2c4: {  	v63 =	vld [tilespmem:s17+$0x9F50]  }
0x2c5: {  	v23 =	vld [tilespmem:s17+$0x9F60]  }
0x2c6: {  	v24 =	vld [tilespmem:s17+$0x9F70]  }
0x2c7: {  	v52 =	vld [tilespmem:s17+$0x9F80]  }
0x2c8: {  	v53 =	vld [tilespmem:s17+$0x9F90]  }
0x2c9: {  	v54 =	vld [tilespmem:s17+$0x9FA0]  }
0x2ca: {  	v28 =	vld [tilespmem:s17+$0x9FB0]  }
0x2cb: {  	v55 =	vld [tilespmem:s17+$0x9FC0]  }
0x2cc: {  	v56 =	vld [tilespmem:s17+$0x9FD0]  }
0x2cd: {  	v57 =	vld [tilespmem:s17+$0x9FE0]  }
0x2ce: {  	v32 =	vld [tilespmem:s17+$0x9FF0]  }
0x2cf: {  	v58 =	vld [tilespmem:s17+$0xA000]  }
0x2d0: {  	v59 =	vld [tilespmem:s17+$0xA010]  }
0x2d1: {  	v35 =	vld [tilespmem:s17+$0xA020]  }
0x2d2: {  	v36 =	vld [tilespmem:s17+$0xA030]  }
0x2d3: {  	v60 =	vld [tilespmem:s17+$0xA040]  }
0x2d4: {  	v61 =	vld [tilespmem:s17+$0xA050]  }
0x2d5: {  	v39 =	vld [tilespmem:s17+$0xA060]  }
0x2d6: {  	v40 =	vld [tilespmem:s17+$0xA070]  }
0x2d7: {  	v41 =	vld [tilespmem:s17+$0xA080]  }
0x2d8: {  	v42 =	vld [tilespmem:s17+$0xA090]  }
0x2d9: {  	v43 =	vld [tilespmem:s17+$0xA0A0]  }
0x2da: {  	v44 =	vld [tilespmem:s17+$0xA0B0]  }
0x2db: {  	v45 =	vld [tilespmem:s17+$0xA0C0];
	v17 =	vmul.f32 v17, v11;
	v18 =	vmul.f32 v62, v12  }
0x2dc: {  	v46 =	vld [tilespmem:s17+$0xA0D0];
	v62 =	vmul.f32 v19, v10;
	v21 =	vmul.f32 v21, v11  }
0x2dd: {  	v47 =	vld [tilespmem:s17+$0xA0E0];
	v22 =	vmul.f32 v63, v12;
	v63 =	vmul.f32 v52, v11  }
0x2de: {  	v48 =	vld [tilespmem:s17+$0xA0F0];
	v50 =	vmul.f32 v53, v12;
	v20 =	vmul.f32 v20, v13  }
0x2df: {  	v49 =	vld [tilespmem:s17+$0xA110];
	v51 =	vmul.f32 v23, v10;
	v24 =	vmul.f32 v24, v13  }
0x2e0: {  	v26 =	vld [tilespmem:s17+$0xA120];
	v52 =	vmul.f32 v54, v10;
	v53 =	vmul.f32 v55, v11  }
0x2e1: {  	v27 =	vld [tilespmem:s17+$0xA140];
	v54 =	vmul.f32 v56, v12;
	v55 =	vmul.f32 v28, v13  }
0x2e2: {  	v30 =	vld [tilespmem:s17+$0xA150];
	v56 =	vmul.f32 v57, v10;
	v57 =	vmul.f32 v58, v11  }
0x2e3: {  	v25 =	vld [tilespmem:s17+$0xA160];
	v58 =	vmul.f32 v59, v12;
	v59 =	vmul.f32 v60, v11  }
0x2e4: {  	v31 =	vld [tilespmem:s17+$0xA180];
	v60 =	vmul.f32 v61, v12;
	v32 =	vmul.f32 v32, v13  }
0x2e5: {  	v34 =	vld [tilespmem:s17+$0xA190];
	v61 =	vmul.f32 v35, v10;
	v36 =	vmul.f32 v36, v13  }
0x2e6: {  	v37 =	vld [tilespmem:s17+$0xA1B0];
	v26 =	vmul.f32 v26, v10;
	v27 =	vmul.f32 v27, v11  }
0x2e7: {  	v19 =	vld [tilespmem:s17+$0xA100];
	v30 =	vmul.f32 v30, v12;
	v17 =	vadd.f32 v18, v17;
	v21 =	vadd.f32 v22, v21  }
0x2e8: {  	v23 =	vld [tilespmem:s17+$0xA130];
	v25 =	vmul.f32 v25, v10;
	v18 =	vadd.f32 v50, v63;
	v22 =	vadd.f32 v54, v53  }
0x2e9: {  	v28 =	vld [tilespmem:s17+$0xA170];
	v63 =	vmul.f32 v41, v11;
	v50 =	vmul.f32 v42, v12;
	v27 =	vadd.f32 v30, v27  }
0x2ea: {  	v35 =	vld [tilespmem:s17+$0xA1A0];
	v54 =	vmul.f32 v43, v10;
	v17 =	vadd.f32 v62, v17;
	v21 =	vadd.f32 v51, v21  }
0x2eb: {  	v53 =	vld [tilespmem:s17+$0xA1D0];
	v18 =	vadd.f32 v52, v18;
	v22 =	vadd.f32 v56, v22;
	v62 =	vmul.f32 v39, v10  }
0x2ec: {  	v41 =	vld [tilespmem:s17+$0xA1F0];
	v52 =	vmul.f32 v40, v13;
	v29 =	vadd.f32 v50, v63;
	v56 =	vmul.f32 v45, v11  }
0x2ed: {  	v43 =	vld [tilespmem:s17+$0xA240];
	v63 =	vmul.f32 v48, v13;
	v25 =	vadd.f32 v25, v27;
	v17 =	vadd.f32 v20, v17  }
0x2ee: {  	v51 =	vld [tilespmem:s17+$0xA1C0];
	v19 =	vmul.f32 v19, v11;
	v21 =	vadd.f32 v24, v21;
	v18 =	vadd.f32 v55, v18  }
0x2ef: {  	v40 =	vld [tilespmem:s17+$0xA230];
	v23 =	vmul.f32 v23, v13;
	v20 =	vadd.f32 v58, v57;
	v24 =	vadd.f32 v60, v59  }
0x2f0: {  	v45 =	vld [tilespmem:s17+$0xA250];
	v22 =	vadd.f32 v32, v22;
	v57 =	vmul.f32 v46, v12;
	v58 =	vmul.f32 v49, v12  }
0x2f1: {  	v48 =	vld [tilespmem:s17+$0xA260];
	v29 =	vadd.f32 v54, v29;
	v60 =	vmul.f32 v44, v13;
	v46 =	vmul.f32 v31, v11  }
0x2f2: {  	v55 =	vld [tilespmem:s17+$0xA1E0];
	v54 =	vmul.f32 v37, v13;
	v33 =	vmul.f32 v53, v12;
	v20 =	vadd.f32 v61, v20  }
0x2f3: {  	v59 =	vld [tilespmem:s17+$0xA200];
	v24 =	vadd.f32 v62, v24;
	v32 =	vadd.f32 v57, v56;
	v61 =	vmul.f32 v47, v10  }
0x2f4: {  	v50 =	vld [tilespmem:s17+$0xA270];
	v19 =	vadd.f32 v58, v19;
	v47 =	vmul.f32 v34, v12;
	v49 =	vmul.f32 v51, v11  }
0x2f5: {  	v53 =	vld [tilespmem:s17+$0xA280];
	v29 =	vadd.f32 v60, v29;
	v51 =	vmul.f32 v28, v13;
	v42 =	vmul.f32 v45, v12  }
0x2f6: {  	v62 =	vld [tilespmem:s17+$0xA210];
	v48 =	vmul.f32 v48, v10;
	v20 =	vadd.f32 v36, v20;
	v24 =	vadd.f32 v52, v24  }
0x2f7: {  	(xrf2) =	vadd.scan.msk.f32 $0xffff, v17;
	v56 =	vld [tilespmem:s17+$0xA290];
	v32 =	vadd.f32 v61, v32;
	v19 =	vadd.f32 v26, v19;
	v52 =	vmul.f32 v35, v10  }
0x2f8: {  	(xrf2) =	vadd.scan.msk.f32 $0xffff, v21;
	v36 =	vld [tilespmem:s17+$0xA220];
	v27 =	vadd.f32 v33, v49;
	v55 =	vmul.f32 v55, v10;
	v58 =	vmul.f32 v59, v11  }
0x2f9: {  	v60 =	vld [tilespmem:s17+$0xA2A0];
	(xrf2) =	vadd.scan.msk.f32 $0xffff, v18;
	v17 =	vadd.f32 v51, v25;
	v49 =	vmul.f32 v50, v13;
	v19 =	vadd.f32 v23, v19  }
0x2fa: {  	v38 =	vld [tilespmem:s17+$0xA2D0];
	(xrf2) =	vadd.scan.msk.f32 $0xffff, v22;
	v23 =	vadd.f32 v47, v46;
	v44 =	vmul.f32 v53, v11;
	v47 =	vmul.f32 v40, v13  }
0x2fb: {  	v32 =	vadd.f32 v63, v32;
	v63 =	vld [tilespmem:s17+$0xA2C0];
	(xrf2) =	vadd.scan.msk.f32 $0xffff, v20;
	v59 =	vmul.f32 v62, v12;
	v62 =	vmul.f32 v41, v13  }
0x2fc: {  	v61 =	vadd.f32 v55, v27;
	(xrf2) =	vadd.scan.msk.f32 $0xffff, v24;
	v41 =	vmul.f32 v43, v11;
	v43 =	vld [tilespmem:s17+$0xA2B0];
	v45 =	vmul.f32 v56, v12  }
0x2fd: {  	v46 =	vld [tilespmem:s17+$0xA2E0];
	v57 =	vadd.f32 v52, v23;
	(xrf2) =	vadd.scan.msk.f32 $0xffff, v29;
	v33 =	vadd.f32 v59, v58;
	v36 =	vmul.f32 v36, v10  }
0x2fe: {  	v50 =	vmul.f32 v60, v10;
	(xrf2) =	vadd.scan.msk.f32 $0xffff, v32;
	v24 =	vadd.f32 v42, v41;
	v21 =	vadd.f32 v45, v44  }
0x2ff: {  	v51 =	vld [tilespmem:s17+$0xA2F0];
	v23 =	vmul.f32 v38, v12;
	v18 =	vadd.f32 v54, v57;
	(xrf2) =	vadd.scan.msk.f32 $0xffff, v19;
	v20 =	vadd.f32 v36, v33  }
0x300: {  	v22 =	vadd.f32 v62, v61;
	(xrf2) =	vadd.scan.msk.f32 $0xffff, v17;
	v52 =	vadd.f32 v48, v24;
	v53 =	vmul.f32 v63, v11  }
0x301: {  	v56 =	vadd.f32 v50, v21;
	v54, _, _ =	vpop (xrf2);
	(xrf2) =	vadd.scan.msk.f32 $0xffff, v18;
	v57 =	vmul.f32 v43, v13;
	v55 =	vadd.f32 v47, v20  }
0x302: {  	v60 =	vmul.f32 v46, v10;
	v58, _, _ =	vpop (xrf2);
	(xrf2) =	vadd.scan.msk.f32 $0xffff, v22;
	v17 =	vadd.f32 v49, v52;
	v59 =	vadd.f32 v23, v53  }
0x303: {  	v62 =	vbroadcast v54, $0xF;
	v61, _, _ =	vpop (xrf2);
	v63 =	vbroadcast v58, $0xF;
	v20 =	vadd.f32 v57, v56;
	(xrf2) =	vadd.scan.msk.f32 $0xffff, v55  }
0x304: {  	v27 =	vmul.f32 v51, v13;
	v25, _, _ =	vpop (xrf2);
	v26 =	vbroadcast v61, $0xF;
	v19 =	vadd.f32 v60, v59;
	(xrf2) =	vadd.scan.msk.f32 $0xffff, v17  }
0x305: {  	v18 =	vsel vm0, v62, v63;
	v21 =	vbroadcast v25, $0xF;
	v28, _, _ =	vpop (xrf2);
	(xrf2) =	vadd.scan.msk.f32 $0xffff, v20  }
0x306: {  	v29, _, _ =	vpop (xrf2);
	v17 =	vsel vm1, v18, v26;
	v30 =	vbroadcast v28, $0xF;
	v19 =	vadd.f32 v27, v19  }
0x307: {  	v31, _, _ =	vpop (xrf2);
	v17 =	vsel vm2, v17, v21;
	v20 =	vbroadcast v29, $0xF  }
0x308: {  	v17 =	vsel vm3, v17, v30;
	v32 =	vbroadcast v31, $0xF;
	v33, _, _ =	vpop (xrf2);
	(xrf2) =	vadd.scan.msk.f32 $0xffff, v19  }
0x309: {  	v34, _, _ =	vpop (xrf2);
	v17 =	vsel vm4, v17, v20;
	v35 =	vbroadcast v33, $0xF  }
0x30a: {  	v36, _, _ =	vpop (xrf2);
	v17 =	vsel vm5, v17, v32;
	v37 =	vbroadcast v34, $0xF  }
0x30b: {  	v38, _, _ =	vpop (xrf2);
	v17 =	vsel vm6, v17, v35;
	v39 =	vbroadcast v36, $0xF  }
0x30c: {  	v40, _, _ =	vpop (xrf2);
	v17 =	vsel vm7, v17, v37;
	v41 =	vbroadcast v38, $0xF  }
0x30d: {  	v17 =	vsel vm8, v17, v39;
	v43 =	vbroadcast v40, $0xF;
	v42, _, _ =	vpop (xrf2)  }
0x30e: {  	v46 =	vadd.s32 s16, v3;
	v17 =	vsel vm9, v17, v41;
	v44, _, _ =	vpop (xrf2);
	v45 =	vbroadcast v42, $0xF  }
0x30f: {  	v17 =	vsel vm10, v17, v43;
	v47 =	vbroadcast v44, $0xF;
	v48, _, _ =	vpop (xrf2)  }
0x310: {  	v17 =	vsel vm11, v17, v45;
	v49 =	vbroadcast v48, $0xF  }
0x311: {  	v17 =	vsel vm12, v17, v47  }
0x312: {  	v50, _, _ =	vpop (xrf2);
	v17 =	vsel vm13, v17, v49  }
0x313: {  	v51 =	vld.idx.msk [tilespmem:v46+s26+$0x0], $0xffff;
	v17 =	vsel vm14, v17, v50  }
0x314: {  	v17 =	vsub.f32 v17, v15  }
0x315: {  	v52 =	vadd.s32 v3, v16  }
0x316: {  	v17 =	vadd.f32 v17, v14;
	_ =	sdelay $0x1  }
0x317: {  	v17 =	vadd.f32 v17, v51;
	_ =	sdelay $0x1  }
0x318: {  	[tilespmem:v52+s2+$0x0] =	vst.idx.msk $0xffff, v17  }
0x319: {  	v17 =	vld [tilespmem:s17+$0xA300]  }
0x31a: {  	v53 =	vld [tilespmem:s17+$0xA310]  }
0x31b: {  	v19 =	vld [tilespmem:s17+$0xA340]  }
0x31c: {  	v54 =	vld [tilespmem:s17+$0xA350]  }
0x31d: {  	v55 =	vld [tilespmem:s17+$0xA320]  }
0x31e: {  	v56 =	vld [tilespmem:s17+$0xA360]  }
0x31f: {  	v57 =	vld [tilespmem:s17+$0xA330]  }
0x320: {  	v58 =	vld [tilespmem:s17+$0xA370];
	v17 =	vmul.f32 v17, v11;
	v18 =	vmul.f32 v53, v12  }
0x321: {  	v11 =	vmul.f32 v19, v11;
	v12 =	vmul.f32 v54, v12  }
0x322: {  	v59 =	vmul.f32 v55, v10;
	v17 =	vadd.f32 v18, v17  }
0x323: {  	v10 =	vmul.f32 v56, v10;
	v11 =	vadd.f32 v12, v11  }
0x324: {  	v61 =	vmul.f32 v57, v13;
	v60 =	vadd.f32 v59, v17  }
0x325: {  	v10 =	vadd.f32 v10, v11;
	v11 =	vmul.f32 v58, v13  }
0x326: {  	v12 =	vadd.f32 v61, v60  }
0x327: {  	v10 =	vadd.f32 v11, v10  }
0x328: {  	(xrf2) =	vadd.scan.msk.f32 $0xffff, v12  }
0x329: {  	(xrf2) =	vadd.scan.msk.f32 $0xffff, v10;
	_ =	sdelay $0x7  }
0x32a: {  	v10 =	vadd.s32 s16, v4  }
0x32b: {  	v11, _, _ =	vpop (xrf2)  }
0x32c: {  	v11 =	vbroadcast v11, $0xF;
	v62, _, _ =	vpop (xrf2)  }
0x32d: {  	v12 =	vbroadcast v62, $0xF  }
0x32e: {  	v11 =	vnsel vm0, $0x0, v11  }
0x32f: {  	v10 =	vld.idx.msk [tilespmem:v10+s26+$0x0], $0xffff;
	v11 =	vsel vm15, v11, v12  }
0x330: {  	v11 =	vsub.f32 v11, v15  }
0x331: {  	p0 =	sne.s32 s20, $0x7;
	v63 =	vadd.s32 v5, v16  }
.Ltmp1:
0x332: {  	v11 =	vadd.f32 v11, v14;
	(pc) =	sbr.rel @p0 .LBB2_5-.Ltmp1, $3  }
0x333: {  	_ = 	snop  }
0x334: {  	v10 =	vadd.f32 v11, v10;
	_ =	sdelay $0x1  }
0x335: {  	s20 =	sadd.s32 $0x1, s20;
	[tilespmem:v63+s2+$0x0] =	vst.idx.msk $0x3, v10  }
0x336: {  	s25 =	sadd.s32 $0x1, s25  }
0x337: {  	p0 =	sne.s32 s25, $0x8  }
.Ltmp2:
0x338: {  	_ = 	snop;
	(pc) =	sbr.rel @p0 .LBB2_2-.Ltmp2, $1  }
0x339: {  	_ =	sdelay $0x3  }
0x33a: {  	[hbm4b:s11+s3] =	stream.linear.scatter [tilespmem:s2], [sflag:$0x3], $0x1900, $0x38;
	[tilespmem:$0x13BA0] =	vst v63  }
0x33b: {  	s22 =	sadd.s32 $0x1, s22;
	_ =	swait.ge [sflag:s15], $0x1900  }
0x33c: {  	p0 =	sne.s32 s22, s13;
	[sflag:s15] =	ssyncset.done $0x0  }
.Ltmp3:
0x33d: {  	s6 =	simm.s32 $0x13B80;
	[sflag:s15] =	ssyncadd.s32 $0xFFFFE700;
	(pc) =	sbr.rel @p0 .LBB2_1-.Ltmp3, $4  }
0x33e: {  	[hbm4b:s12+s3] =	stream.linear.scatter [tilespmem:s6], [sflag:$0x3], $0x20, $0x38;
	[tilespmem:$0x13BA0] =	vst v63  }
0x33f: {  	_ =	swait.ge [sflag:s15], $0x20  }
0x340: {  	[sflag:s15] =	ssyncset.done $0x0  }
0x341: {  	[sflag:s15] =	ssyncadd.s32 $0xFFFFFFE0  }
0x342: {  	_ =	sfence.sel $0x180000  }
0x343: {  	[bflag:$0x0] =	sbarrier.arrive $0xFFFF  }
0x344: {  	_ =	strace $0x90000047  }
0x345: {  	s0 =	stileid.u32;
	[bflag:$0x2] =	sbarrier.arrive $0xFFFF  }
0x346: {  	p0 =	sne.s32 s0, $0x0;
	s0 =	rddreg [dreg:$0x4]  }
0x347: {  	s0 =	sadd.s32 @!p0 $0x100000, s0  }
0x348: {  	[sflag:s0] =	ssyncadd.tile.s32 @!p0 $0x1;
	_ =	shalt  }
.Lfunc_end2:
_tile_overlayer_lowered:
.L_overlay_start_2:
0x349: {  	(tag) =	ssettag $0x2  }
0x34a: {  	s0 =	rddreg [dreg:$0x0];
	s2 =	stileid.u32  }
0x34b: {  	s1 =	rddreg [dreg:$0x1];
	p0 =	sne.s32 s2, $0x0  }
0x34c: {  	s3 =	rddreg [dreg:$0x2];
	[bflag:$0x3] =	sbarrier.arrive $0xFFFF;
	s2 =	simm.s32 @!p0 $0x1C03  }
0x34d: {  	[timem:s3], [sflag:s2] =	dma.local @!p0 [hbm:s0], s1  }
0x34e: {  	s0 =	simm.s32 @!p0 $0x3  }
0x34f: {  	_ =	swait.ge @!p0 [sflag:s0], s1  }
0x350: {  	s1 =	ssub.s32 @!p0 $0x0, s1;
	[sflag:s0] =	ssyncset.done @!p0 $0x0  }
0x351: {  	[sflag:s0] =	ssyncadd.s32 @!p0 s1  }
0x352: {  	[bflag:$0x3] =	sbarrier.arrive $0xFFFF  }
0x353: {  	_ =	shalt  }

</sc_bundles>
